<compile_context>
chip_gen: v7x
topology: tpu7x:2x2x1
jax: 0.10.2.dev20260603
libtpu: 0.0.44.dev20260713+nightly
codegen_flags: <defaults>
</compile_context>

<pallas_src>
import functools

import jax
import jax.numpy as jnp
from jax import lax
from jax.experimental import pallas as pl
from jax.experimental.pallas import tpu as pltpu
from jax.experimental.pallas import tpu_sc as plsc

MBITS = 8
SHIFT = 23 - MBITS
NBINS = 49152
NB2 = 2 * NBINS
PER_TILE = 65536
CH = 8192
NCHK = PER_TILE // CH
NIMG = 8
ROWS = NBINS // 128
RB = 96
NCH = ROWS // RB

_mesh = plsc.VectorSubcoreMesh(core_axis_name="c", subcore_axis_name="s")


def _idx_body(lg_ref, lb_ref, idx_ref, s_ref):
    j = pl.program_id(0)
    lg = lg_ref[0]
    lb = lb_ref[0]
    lbf = lb.astype(jnp.float32)
    e = 1.0 - lg * (2.0 * lbf - 1.0)
    keyi = lax.bitcast_convert_type(e, jnp.int32)
    bkt = jnp.where(e > 0.0, jnp.minimum(keyi >> SHIFT, NBINS - 1), 0)
    idx_ref[0] = bkt + lb * NBINS
    s_ref[j, 0] = jnp.sum(lbf)


_tc_idx = pl.pallas_call(
    _idx_body,
    grid=(NIMG,),
    in_specs=[
        pl.BlockSpec((1, 512, 512), lambda j: (j, 0, 0)),
        pl.BlockSpec((1, 512, 512), lambda j: (j, 0, 0)),
    ],
    out_specs=[
        pl.BlockSpec((1, 512, 512), lambda j: (j, 0, 0)),
        pl.BlockSpec((NIMG, 1), lambda j: (0, 0), memory_space=pltpu.SMEM),
    ],
    out_shape=[
        jax.ShapeDtypeStruct((NIMG, 512, 512), jnp.int32),
        jax.ShapeDtypeStruct((NIMG, 1), jnp.float32),
    ],
)


@functools.partial(
    pl.kernel,
    out_type=jax.ShapeDtypeStruct((32, NB2), jnp.float32),
    scratch_types=[
        pltpu.VMEM((2, CH), jnp.int32),
        pltpu.VMEM((NB2,), jnp.float32),
        pltpu.SemaphoreType.DMA,
    ],
    mesh=_mesh,
    compiler_params=pltpu.CompilerParams(needs_layout_passes=False),
)
def _sc_hist(idx_hbm, part_hbm, idx_v, hist_v, sem_st):
    c = lax.axis_index("c")
    s = lax.axis_index("s")
    img = c * 4 + s // 4
    qtr = s - (s // 4) * 4

    def stage(k):
        return pltpu.async_copy(idx_hbm.at[img, qtr, k], idx_v.at[k % 2],
                                sem_st)

    std = {0: stage(0), 1: stage(1)}

    zerov = jnp.zeros((16,), jnp.float32)

    def fill_zeros(k, carry):
        for u in range(4):
            hist_v[pl.ds(k * 64 + u * 16, 16)] = zerov
        return carry

    lax.fori_loop(0, NB2 // 64, fill_zeros, 0)

    onesv = jnp.full((16,), 1.0, jnp.float32)
    for k in range(NCHK):
        std[k].wait()
        b = k % 2

        def scat(t, carry):
            for u in range(4):
                iv = idx_v[b, pl.ds(t * 64 + u * 16, 16)]
                plsc.addupdate_scatter(hist_v, [iv], onesv)
            return carry

        lax.fori_loop(0, CH // 64, scat, 0)
        if k + 2 < NCHK:
            std[k + 2] = stage(k + 2)

    pltpu.sync_copy(hist_v, part_hbm.at[c * 16 + s])


def _suffix_parts(M):
    lc = M
    sh = 1
    while sh < 128:
        lc = lc + jnp.concatenate(
            [jnp.zeros((RB, sh), jnp.float32), lc[:, :128 - sh]], axis=1)
        sh *= 2
    rowtot = jnp.sum(M, axis=1, keepdims=True)
    rc = rowtot
    sh = 1
    while sh < RB:
        rc = rc + jnp.concatenate(
            [jnp.zeros((sh, 1), jnp.float32), rc[:RB - sh, :]], axis=0)
        sh *= 2
    tot = jnp.sum(M)
    suf = (tot - rc) + (rowtot - lc)
    return suf, tot


def _tc_body(part_ref, s_ref, out_ref, carZ, carO, tot, mx, b0, b1,
             sem0, sem1):
    j = pl.program_id(0)
    cidx = (NCH - 1) - j

    @pl.when(j == 0)
    def _init():
        for i in range(NIMG):
            carZ[i] = 0.0
            carO[i] = 0.0
            tot[i] = 0.0
            mx[i] = 0.0

    gbase = cidx * RB * 128
    cp0 = pltpu.async_copy(part_ref.at[:, pl.ds(gbase, RB * 128)], b0, sem0)
    cp1 = pltpu.async_copy(part_ref.at[:, pl.ds(NBINS + gbase, RB * 128)],
                           b1, sem1)
    cp0.wait()
    cp1.wait()
    g = (gbase
         + lax.broadcasted_iota(jnp.int32, (RB, 128), 0) * 128
         + lax.broadcasted_iota(jnp.int32, (RB, 128), 1))
    rmid = lax.bitcast_convert_type((g << SHIFT) + (1 << (SHIFT - 1)),
                                    jnp.float32)
    for img in range(NIMG):
        M0 = (b0[4 * img] + b0[4 * img + 1]
              + b0[4 * img + 2] + b0[4 * img + 3]).reshape(RB, 128)
        M1 = (b1[4 * img] + b1[4 * img + 1]
              + b1[4 * img + 2] + b1[4 * img + 3]).reshape(RB, 128)
        S = s_ref[img, 0]
        suf0, t0 = _suffix_parts(M0)
        suf1, t1 = _suffix_parts(M1)
        Z = carZ[img] + suf0
        O = carO[img] + suf1
        u0 = S + Z
        contrib = rmid * (M1 * (u0 + M0) + M0 * (S - O - M1)) / (u0 * (u0 + M0))
        tot[img] = tot[img] + jnp.sum(contrib)
        nz = (M0 + M1) > 0.0
        mx[img] = jnp.maximum(mx[img], jnp.max(jnp.where(nz, rmid, 0.0)))
        carZ[img] = carZ[img] + t0
        carO[img] = carO[img] + t1

    @pl.when(j == NCH - 1)
    def _final():
        acc = 0.0
        for img in range(NIMG):
            acc = acc + jnp.where(s_ref[img, 0] > 0.0, tot[img], mx[img])
        out_ref[0, 0] = acc / NIMG


_tc_reduce = pl.pallas_call(
    _tc_body,
    grid=(NCH,),
    in_specs=[
        pl.BlockSpec(memory_space=pl.ANY),
        pl.BlockSpec((NIMG, 1), lambda j: (0, 0), memory_space=pltpu.SMEM),
    ],
    out_specs=pl.BlockSpec((1, 1), lambda j: (0, 0),
                           memory_space=pltpu.SMEM),
    out_shape=jax.ShapeDtypeStruct((1, 1), jnp.float32),
    scratch_shapes=[pltpu.SMEM((NIMG,), jnp.float32)] * 4
    + [pltpu.VMEM((32, RB * 128), jnp.float32)] * 2
    + [pltpu.SemaphoreType.DMA] * 2,
)


def kernel(logits, labels):
    labels_r = labels.astype(jnp.int32)
    idx, svec = _tc_idx(logits, labels_r)
    part = _sc_hist(idx.reshape(NIMG, 4, NCHK, CH))
    out = _tc_reduce(part, svec)
    return out.reshape(())

# --- scband reference (transcript-rebuilt; emitter-appended) ---
"""Pipeline reference for scband-lovasz-hinge-loss-62715112456562 (READ-ONLY COPY).

The authoritative reference and input builder live on the scoring server;
editing this copy changes nothing except your own understanding.
"""

import jax, jax.numpy as jnp
import numpy as np


def lovasz_grad(gt_sorted):
    gtf = gt_sorted.astype(jnp.float32)
    gts = jnp.sum(gtf)
    intersection = gts - jnp.cumsum(gtf)
    union = gts + jnp.cumsum(1.0 - gtf)
    jaccard = 1.0 - intersection / union
    jaccard = jnp.concatenate([jaccard[:1], jaccard[1:] - jaccard[:-1]])
    return jaccard


def lovasz_hinge_flat(logits, labels):
    # logits: [P] float, labels: [P] int (0/1)
    signs = 2.0 * labels.astype(jnp.float32) - 1.0
    errors = 1.0 - logits * signs
    perm = jnp.argsort(-errors)  # descending sort order
    errors_sorted = errors[perm]
    gt_sorted = labels[perm]
    grad = lovasz_grad(gt_sorted)
    loss = jnp.dot(jax.nn.relu(errors_sorted), grad)
    return loss


def setup_inputs(seed: int = 0) -> dict:
    key = jax.random.key(seed)
    k1, k2 = jax.random.split(key)
    logits = jax.random.normal(k1, (8, 512, 512), dtype=jnp.float32)
    labels = jax.random.randint(k2, (8, 512, 512), 0, 2)
    return {"logits": logits, "labels": labels}


def reference(logits, labels):
    # per_image=True, ignore=None
    B = logits.shape[0]
    lf = logits.reshape(B, -1)
    lb = labels.reshape(B, -1)
    per_image_losses = jax.vmap(lovasz_hinge_flat)(lf, lb)
    loss = jnp.sum(per_image_losses) / B
    return loss

if __name__ == "__main__":
    import jax
    _d = setup_inputs()
    print(jax.jit(kernel)(*tuple(_d.values())))

</pallas_src>

<mosaic_0001>
#map = affine_map<(d0, d1) -> (0, 0, 0, 0)>
#map1 = affine_map<(d0, d1) -> (0, 0)>
module attributes {stable_mosaic.version = 14 : i64} {
  func.func @_sc_hist(%arg0: i32, %arg1: i32, %arg2: memref<8x4x8x8192xi32, #tpu.memory_space<hbm>>, %arg3: memref<32x98304xf32, #tpu.memory_space<hbm>>, %arg4: memref<2x8192xi32, #tpu.memory_space<vmem>>, %arg5: memref<98304xf32, #tpu.memory_space<vmem>>, %arg6: memref<!tpu.dma_semaphore, #tpu.memory_space<semaphore_mem>>) attributes {dimension_semantics = [#tpu.dimension_semantics<core_parallel>, #tpu.dimension_semantics<subcore_parallel>], iteration_bounds = array<i64: 2, 16>, scalar_prefetch = 0 : i64, scratch_operands = 3 : i64, tpu.core_type = #tpu.core_type<sc_vector_subcore>, window_params = [{transform_indices = #map}, {transform_indices = #map1}]} {
    %mul3A = arith.constant 4 : i32
    %mul3A_0 = arith.muli %arg0, %mul3A : i32
    %jit3A = arith.constant 4 : i32
    %div3A = arith.divsi %arg1, %jit3A : i32
    %sign3A = arith.constant 0 : i32
    %sign3A_1 = arith.cmpi sgt, %arg1, %sign3A : i32
    %sign3A_2 = arith.extui %sign3A_1 : i1 to i32
    %sign3A_3 = arith.constant 0 : i32
    %sign3A_4 = arith.cmpi slt, %arg1, %sign3A_3 : i32
    %sign3A_5 = arith.extui %sign3A_4 : i1 to i32
    %sign3A_6 = arith.subi %sign3A_2, %sign3A_5 : i32
    %sign3A_7 = arith.constant 0 : i32
    %sign3A_8 = arith.cmpi sgt, %jit3A, %sign3A_7 : i32
    %sign3A_9 = arith.extui %sign3A_8 : i1 to i32
    %sign3A_10 = arith.constant 0 : i32
    %sign3A_11 = arith.cmpi slt, %jit3A, %sign3A_10 : i32
    %sign3A_12 = arith.extui %sign3A_11 : i1 to i32
    %sign3A_13 = arith.subi %sign3A_9, %sign3A_12 : i32
    %ne3A = arith.cmpi ne, %sign3A_6, %sign3A_13 : i32
    %rem3A = arith.remsi %arg1, %jit3A : i32
    %ne3A_14 = arith.constant 0 : i32
    %ne3A_15 = arith.cmpi ne, %rem3A, %ne3A_14 : i32
    %and3A = arith.andi %ne3A, %ne3A_15 : i1
    %sub3A = arith.constant 1 : i32
    %sub3A_16 = arith.subi %div3A, %sub3A : i32
    %select_n3A = arith.select %and3A, %sub3A_16, %div3A : i32
    %add3A = arith.addi %mul3A_0, %select_n3A : i32
    %jit3A_17 = arith.constant 4 : i32
    %div3A_18 = arith.divsi %arg1, %jit3A_17 : i32
    %sign3A_19 = arith.constant 0 : i32
    %sign3A_20 = arith.cmpi sgt, %arg1, %sign3A_19 : i32
    %sign3A_21 = arith.extui %sign3A_20 : i1 to i32
    %sign3A_22 = arith.constant 0 : i32
    %sign3A_23 = arith.cmpi slt, %arg1, %sign3A_22 : i32
    %sign3A_24 = arith.extui %sign3A_23 : i1 to i32
    %sign3A_25 = arith.subi %sign3A_21, %sign3A_24 : i32
    %sign3A_26 = arith.constant 0 : i32
    %sign3A_27 = arith.cmpi sgt, %jit3A_17, %sign3A_26 : i32
    %sign3A_28 = arith.extui %sign3A_27 : i1 to i32
    %sign3A_29 = arith.constant 0 : i32
    %sign3A_30 = arith.cmpi slt, %jit3A_17, %sign3A_29 : i32
    %sign3A_31 = arith.extui %sign3A_30 : i1 to i32
    %sign3A_32 = arith.subi %sign3A_28, %sign3A_31 : i32
    %ne3A_33 = arith.cmpi ne, %sign3A_25, %sign3A_32 : i32
    %rem3A_34 = arith.remsi %arg1, %jit3A_17 : i32
    %ne3A_35 = arith.constant 0 : i32
    %ne3A_36 = arith.cmpi ne, %rem3A_34, %ne3A_35 : i32
    %and3A_37 = arith.andi %ne3A_33, %ne3A_36 : i1
    %sub3A_38 = arith.constant 1 : i32
    %sub3A_39 = arith.subi %div3A_18, %sub3A_38 : i32
    %select_n3A_40 = arith.select %and3A_37, %sub3A_39, %div3A_18 : i32
    %mul3A_41 = arith.constant 4 : i32
    %mul3A_42 = arith.muli %select_n3A_40, %mul3A_41 : i32
    %sub3A_43 = arith.subi %arg1, %mul3A_42 : i32
    %dma_start3A = arith.constant 0 : i32
    %dma_start3A_44 = arith.constant 0 : i32
    %dma_start3A_45 = arith.constant 0 : i32
    %dma_start3A_46 = tpu.memref_slice %arg4[%dma_start3A_44, %dma_start3A_45] : memref<2x8192xi32, #tpu.memory_space<vmem>> -> memref<1x8192xi32, #tpu.memory_space<vmem>>
    %dma_start3A_47 = tpu.memref_squeeze %dma_start3A_46 : memref<1x8192xi32, #tpu.memory_space<vmem>> -> memref<8192xi32, #tpu.memory_space<vmem>>
    %dma_start3A_48 = arith.constant 0 : i32
    %dma_start3A_49 = tpu.memref_slice %arg2[%add3A, %sub3A_43, %dma_start3A, %dma_start3A_48] : memref<8x4x8x8192xi32, #tpu.memory_space<hbm>> -> memref<1x1x1x8192xi32, #tpu.memory_space<hbm>>
    %dma_start3A_50 = tpu.memref_squeeze %dma_start3A_49 : memref<1x1x1x8192xi32, #tpu.memory_space<hbm>> -> memref<8192xi32, #tpu.memory_space<hbm>>
    %dma_start3A_51 = arith.constant 0 : i32
    %dma_start3A_52 = tpu.memref_slice %arg4[%dma_start3A_44, %dma_start3A_51] : memref<2x8192xi32, #tpu.memory_space<vmem>> -> memref<1x8192xi32, #tpu.memory_space<vmem>>
    %dma_start3A_53 = tpu.memref_squeeze %dma_start3A_52 : memref<1x8192xi32, #tpu.memory_space<vmem>> -> memref<8192xi32, #tpu.memory_space<vmem>>
    %dma_start3A_54 = arith.constant 0 : i32
    %dma_start3A_55 = tpu.memref_slice %arg2[%add3A, %sub3A_43, %dma_start3A, %dma_start3A_54] : memref<8x4x8x8192xi32, #tpu.memory_space<hbm>> -> memref<1x1x1x8192xi32, #tpu.memory_space<hbm>>
    %dma_start3A_56 = tpu.memref_squeeze %dma_start3A_55 : memref<1x1x1x8192xi32, #tpu.memory_space<hbm>> -> memref<8192xi32, #tpu.memory_space<hbm>>
    tpu.enqueue_dma source(%dma_start3A_56 : memref<8192xi32, #tpu.memory_space<hbm>>) target(%dma_start3A_53 : memref<8192xi32, #tpu.memory_space<vmem>>) target_semaphore(%arg6 : memref<!tpu.dma_semaphore, #tpu.memory_space<semaphore_mem>>)
    %dma_start3A_57 = arith.constant 1 : i32
    %dma_start3A_58 = arith.constant 1 : i32
    %dma_start3A_59 = arith.constant 0 : i32
    %dma_start3A_60 = tpu.memref_slice %arg4[%dma_start3A_58, %dma_start3A_59] : memref<2x8192xi32, #tpu.memory_space<vmem>> -> memref<1x8192xi32, #tpu.memory_space<vmem>>
    %dma_start3A_61 = tpu.memref_squeeze %dma_start3A_60 : memref<1x8192xi32, #tpu.memory_space<vmem>> -> memref<8192xi32, #tpu.memory_space<vmem>>
    %dma_start3A_62 = arith.constant 0 : i32
    %dma_start3A_63 = tpu.memref_slice %arg2[%add3A, %sub3A_43, %dma_start3A_57, %dma_start3A_62] : memref<8x4x8x8192xi32, #tpu.memory_space<hbm>> -> memref<1x1x1x8192xi32, #tpu.memory_space<hbm>>
    %dma_start3A_64 = tpu.memref_squeeze %dma_start3A_63 : memref<1x1x1x8192xi32, #tpu.memory_space<hbm>> -> memref<8192xi32, #tpu.memory_space<hbm>>
    %dma_start3A_65 = arith.constant 0 : i32
    %dma_start3A_66 = tpu.memref_slice %arg4[%dma_start3A_58, %dma_start3A_65] : memref<2x8192xi32, #tpu.memory_space<vmem>> -> memref<1x8192xi32, #tpu.memory_space<vmem>>
    %dma_start3A_67 = tpu.memref_squeeze %dma_start3A_66 : memref<1x8192xi32, #tpu.memory_space<vmem>> -> memref<8192xi32, #tpu.memory_space<vmem>>
    %dma_start3A_68 = arith.constant 0 : i32
    %dma_start3A_69 = tpu.memref_slice %arg2[%add3A, %sub3A_43, %dma_start3A_57, %dma_start3A_68] : memref<8x4x8x8192xi32, #tpu.memory_space<hbm>> -> memref<1x1x1x8192xi32, #tpu.memory_space<hbm>>
    %dma_start3A_70 = tpu.memref_squeeze %dma_start3A_69 : memref<1x1x1x8192xi32, #tpu.memory_space<hbm>> -> memref<8192xi32, #tpu.memory_space<hbm>>
    tpu.enqueue_dma source(%dma_start3A_70 : memref<8192xi32, #tpu.memory_space<hbm>>) target(%dma_start3A_67 : memref<8192xi32, #tpu.memory_space<vmem>>) target_semaphore(%arg6 : memref<!tpu.dma_semaphore, #tpu.memory_space<semaphore_mem>>)
    %broadcast_in_dim3A = arith.constant 0.000000e+00 : f32
    %broadcast_in_dim3A_71 = vector.broadcast %broadcast_in_dim3A : f32 to vector<16xf32>
    %scan3A = arith.constant 0 : i32
    %scan3A_72 = arith.constant 0 : i32
    %scan3A_73 = arith.constant 1536 : i32
    %scan3A_74 = arith.addi %scan3A_72, %scan3A_73 : i32
    %scan3A_75 = arith.constant 1 : i32
    scf.for %scan3A_325 = %scan3A_72 to %scan3A_74 step %scan3A_75  : i32 {
      %mul3A_326 = arith.constant 64 : i32
      %mul3A_327 = arith.muli %scan3A_325, %mul3A_326 : i32
      %add3A_328 = arith.constant 0 : i32
      %add3A_329 = arith.addi %mul3A_327, %add3A_328 : i32
      %swap3A = arith.index_cast %add3A_329 : i32 to index
      %swap3A_330 = tpu.vector_load %arg5[%swap3A] {strides = array<i32>} : memref<98304xf32, #tpu.memory_space<vmem>>, vector<16xf32>,
      tpu.vector_store %arg5[%swap3A], %broadcast_in_dim3A_71 {strides = array<i32>} : memref<98304xf32, #tpu.memory_space<vmem>>, vector<16xf32>,
      %mul3A_331 = arith.constant 64 : i32
      %mul3A_332 = arith.muli %scan3A_325, %mul3A_331 : i32
      %add3A_333 = arith.constant 16 : i32
      %add3A_334 = arith.addi %mul3A_332, %add3A_333 : i32
      %swap3A_335 = arith.index_cast %add3A_334 : i32 to index
      %swap3A_336 = tpu.vector_load %arg5[%swap3A_335] {strides = array<i32>} : memref<98304xf32, #tpu.memory_space<vmem>>, vector<16xf32>,
      tpu.vector_store %arg5[%swap3A_335], %broadcast_in_dim3A_71 {strides = array<i32>} : memref<98304xf32, #tpu.memory_space<vmem>>, vector<16xf32>,
      %mul3A_337 = arith.constant 64 : i32
      %mul3A_338 = arith.muli %scan3A_325, %mul3A_337 : i32
      %add3A_339 = arith.constant 32 : i32
      %add3A_340 = arith.addi %mul3A_338, %add3A_339 : i32
      %swap3A_341 = arith.index_cast %add3A_340 : i32 to index
      %swap3A_342 = tpu.vector_load %arg5[%swap3A_341] {strides = array<i32>} : memref<98304xf32, #tpu.memory_space<vmem>>, vector<16xf32>,
      tpu.vector_store %arg5[%swap3A_341], %broadcast_in_dim3A_71 {strides = array<i32>} : memref<98304xf32, #tpu.memory_space<vmem>>, vector<16xf32>,
      %mul3A_343 = arith.constant 64 : i32
      %mul3A_344 = arith.muli %scan3A_325, %mul3A_343 : i32
      %add3A_345 = arith.constant 48 : i32
      %add3A_346 = arith.addi %mul3A_344, %add3A_345 : i32
      %swap3A_347 = arith.index_cast %add3A_346 : i32 to index
      %swap3A_348 = tpu.vector_load %arg5[%swap3A_347] {strides = array<i32>} : memref<98304xf32, #tpu.memory_space<vmem>>, vector<16xf32>,
      tpu.vector_store %arg5[%swap3A_347], %broadcast_in_dim3A_71 {strides = array<i32>} : memref<98304xf32, #tpu.memory_space<vmem>>, vector<16xf32>,
    }
    %scan3A_76 = arith.constant 1536 : i32
    %broadcast_in_dim3A_77 = arith.constant 1.000000e+00 : f32
    %broadcast_in_dim3A_78 = vector.broadcast %broadcast_in_dim3A_77 : f32 to vector<16xf32>
    %dma_wait3A = arith.constant 0 : i32
    %dma_wait3A_79 = arith.constant 0 : i32
    %dma_wait3A_80 = arith.constant 0 : i32
    %dma_wait3A_81 = tpu.memref_slice %arg4[%dma_wait3A_79, %dma_wait3A_80] : memref<2x8192xi32, #tpu.memory_space<vmem>> -> memref<1x8192xi32, #tpu.memory_space<vmem>>
    %dma_wait3A_82 = tpu.memref_squeeze %dma_wait3A_81 : memref<1x8192xi32, #tpu.memory_space<vmem>> -> memref<8192xi32, #tpu.memory_space<vmem>>
    %dma_wait3A_83 = arith.constant 0 : i32
    %dma_wait3A_84 = tpu.memref_slice %arg2[%add3A, %sub3A_43, %dma_wait3A, %dma_wait3A_83] : memref<8x4x8x8192xi32, #tpu.memory_space<hbm>> -> memref<1x1x1x8192xi32, #tpu.memory_space<hbm>>
    %dma_wait3A_85 = tpu.memref_squeeze %dma_wait3A_84 : memref<1x1x1x8192xi32, #tpu.memory_space<hbm>> -> memref<8192xi32, #tpu.memory_space<hbm>>
    %dma_wait3A_86 = arith.constant 0 : i32
    %dma_wait3A_87 = tpu.memref_slice %arg4[%dma_wait3A_79, %dma_wait3A_86] : memref<2x8192xi32, #tpu.memory_space<vmem>> -> memref<1x8192xi32, #tpu.memory_space<vmem>>
    %dma_wait3A_88 = tpu.memref_squeeze %dma_wait3A_87 : memref<1x8192xi32, #tpu.memory_space<vmem>> -> memref<8192xi32, #tpu.memory_space<vmem>>
    %dma_wait3A_89 = arith.constant 0 : i32
    %dma_wait3A_90 = tpu.memref_slice %arg2[%add3A, %sub3A_43, %dma_wait3A, %dma_wait3A_89] : memref<8x4x8x8192xi32, #tpu.memory_space<hbm>> -> memref<1x1x1x8192xi32, #tpu.memory_space<hbm>>
    %dma_wait3A_91 = tpu.memref_squeeze %dma_wait3A_90 : memref<1x1x1x8192xi32, #tpu.memory_space<hbm>> -> memref<8192xi32, #tpu.memory_space<hbm>>
    tpu.wait_dma2 semaphore(%arg6 : memref<!tpu.dma_semaphore, #tpu.memory_space<semaphore_mem>>) src(%dma_wait3A_91 : memref<8192xi32, #tpu.memory_space<hbm>>) dst(%dma_wait3A_88 : memref<8192xi32, #tpu.memory_space<vmem>>)
    %scan3A_92 = arith.constant 0 : i32
    %scan3A_93 = arith.constant 0 : i32
    %scan3A_94 = arith.constant 128 : i32
    %scan3A_95 = arith.addi %scan3A_93, %scan3A_94 : i32
    %scan3A_96 = arith.constant 1 : i32
    scf.for %scan3A_325 = %scan3A_93 to %scan3A_95 step %scan3A_96  : i32 {
      %mul3A_326 = arith.constant 64 : i32
      %mul3A_327 = arith.muli %scan3A_325, %mul3A_326 : i32
      %add3A_328 = arith.constant 0 : i32
      %add3A_329 = arith.addi %mul3A_327, %add3A_328 : i32
      %get3A = arith.constant 0 : i32
      %get3A_330 = arith.index_cast %get3A : i32 to index
      %get3A_331 = arith.index_cast %add3A_329 : i32 to index
      %get3A_332 = tpu.vector_load %arg4[%get3A_330, %get3A_331] {strides = array<i32>} : memref<2x8192xi32, #tpu.memory_space<vmem>>, vector<16xi32>,
      tpu.vector_store_idx %arg5[%get3A_332], %broadcast_in_dim3A_78 {add = true} : memref<98304xf32, #tpu.memory_space<vmem>>[vector<16xi32>], vector<16xf32>,
      %mul3A_333 = arith.constant 64 : i32
      %mul3A_334 = arith.muli %scan3A_325, %mul3A_333 : i32
      %add3A_335 = arith.constant 16 : i32
      %add3A_336 = arith.addi %mul3A_334, %add3A_335 : i32
      %get3A_337 = arith.constant 0 : i32
      %get3A_338 = arith.index_cast %get3A_337 : i32 to index
      %get3A_339 = arith.index_cast %add3A_336 : i32 to index
      %get3A_340 = tpu.vector_load %arg4[%get3A_338, %get3A_339] {strides = array<i32>} : memref<2x8192xi32, #tpu.memory_space<vmem>>, vector<16xi32>,
      tpu.vector_store_idx %arg5[%get3A_340], %broadcast_in_dim3A_78 {add = true} : memref<98304xf32, #tpu.memory_space<vmem>>[vector<16xi32>], vector<16xf32>,
      %mul3A_341 = arith.constant 64 : i32
      %mul3A_342 = arith.muli %scan3A_325, %mul3A_341 : i32
      %add3A_343 = arith.constant 32 : i32
      %add3A_344 = arith.addi %mul3A_342, %add3A_343 : i32
      %get3A_345 = arith.constant 0 : i32
      %get3A_346 = arith.index_cast %get3A_345 : i32 to index
      %get3A_347 = arith.index_cast %add3A_344 : i32 to index
      %get3A_348 = tpu.vector_load %arg4[%get3A_346, %get3A_347] {strides = array<i32>} : memref<2x8192xi32, #tpu.memory_space<vmem>>, vector<16xi32>,
      tpu.vector_store_idx %arg5[%get3A_348], %broadcast_in_dim3A_78 {add = true} : memref<98304xf32, #tpu.memory_space<vmem>>[vector<16xi32>], vector<16xf32>,
      %mul3A_349 = arith.constant 64 : i32
      %mul3A_350 = arith.muli %scan3A_325, %mul3A_349 : i32
      %add3A_351 = arith.constant 48 : i32
      %add3A_352 = arith.addi %mul3A_350, %add3A_351 : i32
      %get3A_353 = arith.constant 0 : i32
      %get3A_354 = arith.index_cast %get3A_353 : i32 to index
      %get3A_355 = arith.index_cast %add3A_352 : i32 to index
      %get3A_356 = tpu.vector_load %arg4[%get3A_354, %get3A_355] {strides = array<i32>} : memref<2x8192xi32, #tpu.memory_space<vmem>>, vector<16xi32>,
      tpu.vector_store_idx %arg5[%get3A_356], %broadcast_in_dim3A_78 {add = true} : memref<98304xf32, #tpu.memory_space<vmem>>[vector<16xi32>], vector<16xf32>,
    }
    %scan3A_97 = arith.constant 128 : i32
    %dma_start3A_98 = arith.constant 2 : i32
    %dma_start3A_99 = arith.constant 0 : i32
    %dma_start3A_100 = arith.constant 0 : i32
    %dma_start3A_101 = tpu.memref_slice %arg4[%dma_start3A_99, %dma_start3A_100] : memref<2x8192xi32, #tpu.memory_space<vmem>> -> memref<1x8192xi32, #tpu.memory_space<vmem>>
    %dma_start3A_102 = tpu.memref_squeeze %dma_start3A_101 : memref<1x8192xi32, #tpu.memory_space<vmem>> -> memref<8192xi32, #tpu.memory_space<vmem>>
    %dma_start3A_103 = arith.constant 0 : i32
    %dma_start3A_104 = tpu.memref_slice %arg2[%add3A, %sub3A_43, %dma_start3A_98, %dma_start3A_103] : memref<8x4x8x8192xi32, #tpu.memory_space<hbm>> -> memref<1x1x1x8192xi32, #tpu.memory_space<hbm>>
    %dma_start3A_105 = tpu.memref_squeeze %dma_start3A_104 : memref<1x1x1x8192xi32, #tpu.memory_space<hbm>> -> memref<8192xi32, #tpu.memory_space<hbm>>
    %dma_start3A_106 = arith.constant 0 : i32
    %dma_start3A_107 = tpu.memref_slice %arg4[%dma_start3A_99, %dma_start3A_106] : memref<2x8192xi32, #tpu.memory_space<vmem>> -> memref<1x8192xi32, #tpu.memory_space<vmem>>
    %dma_start3A_108 = tpu.memref_squeeze %dma_start3A_107 : memref<1x8192xi32, #tpu.memory_space<vmem>> -> memref<8192xi32, #tpu.memory_space<vmem>>
    %dma_start3A_109 = arith.constant 0 : i32
    %dma_start3A_110 = tpu.memref_slice %arg2[%add3A, %sub3A_43, %dma_start3A_98, %dma_start3A_109] : memref<8x4x8x8192xi32, #tpu.memory_space<hbm>> -> memref<1x1x1x8192xi32, #tpu.memory_space<hbm>>
    %dma_start3A_111 = tpu.memref_squeeze %dma_start3A_110 : memref<1x1x1x8192xi32, #tpu.memory_space<hbm>> -> memref<8192xi32, #tpu.memory_space<hbm>>
    tpu.enqueue_dma source(%dma_start3A_111 : memref<8192xi32, #tpu.memory_space<hbm>>) target(%dma_start3A_108 : memref<8192xi32, #tpu.memory_space<vmem>>) target_semaphore(%arg6 : memref<!tpu.dma_semaphore, #tpu.memory_space<semaphore_mem>>)
    %dma_wait3A_112 = arith.constant 1 : i32
    %dma_wait3A_113 = arith.constant 1 : i32
    %dma_wait3A_114 = arith.constant 0 : i32
    %dma_wait3A_115 = tpu.memref_slice %arg4[%dma_wait3A_113, %dma_wait3A_114] : memref<2x8192xi32, #tpu.memory_space<vmem>> -> memref<1x8192xi32, #tpu.memory_space<vmem>>
    %dma_wait3A_116 = tpu.memref_squeeze %dma_wait3A_115 : memref<1x8192xi32, #tpu.memory_space<vmem>> -> memref<8192xi32, #tpu.memory_space<vmem>>
    %dma_wait3A_117 = arith.constant 0 : i32
    %dma_wait3A_118 = tpu.memref_slice %arg2[%add3A, %sub3A_43, %dma_wait3A_112, %dma_wait3A_117] : memref<8x4x8x8192xi32, #tpu.memory_space<hbm>> -> memref<1x1x1x8192xi32, #tpu.memory_space<hbm>>
    %dma_wait3A_119 = tpu.memref_squeeze %dma_wait3A_118 : memref<1x1x1x8192xi32, #tpu.memory_space<hbm>> -> memref<8192xi32, #tpu.memory_space<hbm>>
    %dma_wait3A_120 = arith.constant 0 : i32
    %dma_wait3A_121 = tpu.memref_slice %arg4[%dma_wait3A_113, %dma_wait3A_120] : memref<2x8192xi32, #tpu.memory_space<vmem>> -> memref<1x8192xi32, #tpu.memory_space<vmem>>
    %dma_wait3A_122 = tpu.memref_squeeze %dma_wait3A_121 : memref<1x8192xi32, #tpu.memory_space<vmem>> -> memref<8192xi32, #tpu.memory_space<vmem>>
    %dma_wait3A_123 = arith.constant 0 : i32
    %dma_wait3A_124 = tpu.memref_slice %arg2[%add3A, %sub3A_43, %dma_wait3A_112, %dma_wait3A_123] : memref<8x4x8x8192xi32, #tpu.memory_space<hbm>> -> memref<1x1x1x8192xi32, #tpu.memory_space<hbm>>
    %dma_wait3A_125 = tpu.memref_squeeze %dma_wait3A_124 : memref<1x1x1x8192xi32, #tpu.memory_space<hbm>> -> memref<8192xi32, #tpu.memory_space<hbm>>
    tpu.wait_dma2 semaphore(%arg6 : memref<!tpu.dma_semaphore, #tpu.memory_space<semaphore_mem>>) src(%dma_wait3A_125 : memref<8192xi32, #tpu.memory_space<hbm>>) dst(%dma_wait3A_122 : memref<8192xi32, #tpu.memory_space<vmem>>)
    %scan3A_126 = arith.constant 0 : i32
    %scan3A_127 = arith.constant 0 : i32
    %scan3A_128 = arith.constant 128 : i32
    %scan3A_129 = arith.addi %scan3A_127, %scan3A_128 : i32
    %scan3A_130 = arith.constant 1 : i32
    scf.for %scan3A_325 = %scan3A_127 to %scan3A_129 step %scan3A_130  : i32 {
      %mul3A_326 = arith.constant 64 : i32
      %mul3A_327 = arith.muli %scan3A_325, %mul3A_326 : i32
      %add3A_328 = arith.constant 0 : i32
      %add3A_329 = arith.addi %mul3A_327, %add3A_328 : i32
      %get3A = arith.constant 1 : i32
      %get3A_330 = arith.index_cast %get3A : i32 to index
      %get3A_331 = arith.index_cast %add3A_329 : i32 to index
      %get3A_332 = tpu.vector_load %arg4[%get3A_330, %get3A_331] {strides = array<i32>} : memref<2x8192xi32, #tpu.memory_space<vmem>>, vector<16xi32>,
      tpu.vector_store_idx %arg5[%get3A_332], %broadcast_in_dim3A_78 {add = true} : memref<98304xf32, #tpu.memory_space<vmem>>[vector<16xi32>], vector<16xf32>,
      %mul3A_333 = arith.constant 64 : i32
      %mul3A_334 = arith.muli %scan3A_325, %mul3A_333 : i32
      %add3A_335 = arith.constant 16 : i32
      %add3A_336 = arith.addi %mul3A_334, %add3A_335 : i32
      %get3A_337 = arith.constant 1 : i32
      %get3A_338 = arith.index_cast %get3A_337 : i32 to index
      %get3A_339 = arith.index_cast %add3A_336 : i32 to index
      %get3A_340 = tpu.vector_load %arg4[%get3A_338, %get3A_339] {strides = array<i32>} : memref<2x8192xi32, #tpu.memory_space<vmem>>, vector<16xi32>,
      tpu.vector_store_idx %arg5[%get3A_340], %broadcast_in_dim3A_78 {add = true} : memref<98304xf32, #tpu.memory_space<vmem>>[vector<16xi32>], vector<16xf32>,
      %mul3A_341 = arith.constant 64 : i32
      %mul3A_342 = arith.muli %scan3A_325, %mul3A_341 : i32
      %add3A_343 = arith.constant 32 : i32
      %add3A_344 = arith.addi %mul3A_342, %add3A_343 : i32
      %get3A_345 = arith.constant 1 : i32
      %get3A_346 = arith.index_cast %get3A_345 : i32 to index
      %get3A_347 = arith.index_cast %add3A_344 : i32 to index
      %get3A_348 = tpu.vector_load %arg4[%get3A_346, %get3A_347] {strides = array<i32>} : memref<2x8192xi32, #tpu.memory_space<vmem>>, vector<16xi32>,
      tpu.vector_store_idx %arg5[%get3A_348], %broadcast_in_dim3A_78 {add = true} : memref<98304xf32, #tpu.memory_space<vmem>>[vector<16xi32>], vector<16xf32>,
      %mul3A_349 = arith.constant 64 : i32
      %mul3A_350 = arith.muli %scan3A_325, %mul3A_349 : i32
      %add3A_351 = arith.constant 48 : i32
      %add3A_352 = arith.addi %mul3A_350, %add3A_351 : i32
      %get3A_353 = arith.constant 1 : i32
      %get3A_354 = arith.index_cast %get3A_353 : i32 to index
      %get3A_355 = arith.index_cast %add3A_352 : i32 to index
      %get3A_356 = tpu.vector_load %arg4[%get3A_354, %get3A_355] {strides = array<i32>} : memref<2x8192xi32, #tpu.memory_space<vmem>>, vector<16xi32>,
      tpu.vector_store_idx %arg5[%get3A_356], %broadcast_in_dim3A_78 {add = true} : memref<98304xf32, #tpu.memory_space<vmem>>[vector<16xi32>], vector<16xf32>,
    }
    %scan3A_131 = arith.constant 128 : i32
    %dma_start3A_132 = arith.constant 3 : i32
    %dma_start3A_133 = arith.constant 1 : i32
    %dma_start3A_134 = arith.constant 0 : i32
    %dma_start3A_135 = tpu.memref_slice %arg4[%dma_start3A_133, %dma_start3A_134] : memref<2x8192xi32, #tpu.memory_space<vmem>> -> memref<1x8192xi32, #tpu.memory_space<vmem>>
    %dma_start3A_136 = tpu.memref_squeeze %dma_start3A_135 : memref<1x8192xi32, #tpu.memory_space<vmem>> -> memref<8192xi32, #tpu.memory_space<vmem>>
    %dma_start3A_137 = arith.constant 0 : i32
    %dma_start3A_138 = tpu.memref_slice %arg2[%add3A, %sub3A_43, %dma_start3A_132, %dma_start3A_137] : memref<8x4x8x8192xi32, #tpu.memory_space<hbm>> -> memref<1x1x1x8192xi32, #tpu.memory_space<hbm>>
    %dma_start3A_139 = tpu.memref_squeeze %dma_start3A_138 : memref<1x1x1x8192xi32, #tpu.memory_space<hbm>> -> memref<8192xi32, #tpu.memory_space<hbm>>
    %dma_start3A_140 = arith.constant 0 : i32
    %dma_start3A_141 = tpu.memref_slice %arg4[%dma_start3A_133, %dma_start3A_140] : memref<2x8192xi32, #tpu.memory_space<vmem>> -> memref<1x8192xi32, #tpu.memory_space<vmem>>
    %dma_start3A_142 = tpu.memref_squeeze %dma_start3A_141 : memref<1x8192xi32, #tpu.memory_space<vmem>> -> memref<8192xi32, #tpu.memory_space<vmem>>
    %dma_start3A_143 = arith.constant 0 : i32
    %dma_start3A_144 = tpu.memref_slice %arg2[%add3A, %sub3A_43, %dma_start3A_132, %dma_start3A_143] : memref<8x4x8x8192xi32, #tpu.memory_space<hbm>> -> memref<1x1x1x8192xi32, #tpu.memory_space<hbm>>
    %dma_start3A_145 = tpu.memref_squeeze %dma_start3A_144 : memref<1x1x1x8192xi32, #tpu.memory_space<hbm>> -> memref<8192xi32, #tpu.memory_space<hbm>>
    tpu.enqueue_dma source(%dma_start3A_145 : memref<8192xi32, #tpu.memory_space<hbm>>) target(%dma_start3A_142 : memref<8192xi32, #tpu.memory_space<vmem>>) target_semaphore(%arg6 : memref<!tpu.dma_semaphore, #tpu.memory_space<semaphore_mem>>)
    %dma_wait3A_146 = arith.constant 2 : i32
    %dma_wait3A_147 = arith.constant 0 : i32
    %dma_wait3A_148 = arith.constant 0 : i32
    %dma_wait3A_149 = tpu.memref_slice %arg4[%dma_wait3A_147, %dma_wait3A_148] : memref<2x8192xi32, #tpu.memory_space<vmem>> -> memref<1x8192xi32, #tpu.memory_space<vmem>>
    %dma_wait3A_150 = tpu.memref_squeeze %dma_wait3A_149 : memref<1x8192xi32, #tpu.memory_space<vmem>> -> memref<8192xi32, #tpu.memory_space<vmem>>
    %dma_wait3A_151 = arith.constant 0 : i32
    %dma_wait3A_152 = tpu.memref_slice %arg2[%add3A, %sub3A_43, %dma_wait3A_146, %dma_wait3A_151] : memref<8x4x8x8192xi32, #tpu.memory_space<hbm>> -> memref<1x1x1x8192xi32, #tpu.memory_space<hbm>>
    %dma_wait3A_153 = tpu.memref_squeeze %dma_wait3A_152 : memref<1x1x1x8192xi32, #tpu.memory_space<hbm>> -> memref<8192xi32, #tpu.memory_space<hbm>>
    %dma_wait3A_154 = arith.constant 0 : i32
    %dma_wait3A_155 = tpu.memref_slice %arg4[%dma_wait3A_147, %dma_wait3A_154] : memref<2x8192xi32, #tpu.memory_space<vmem>> -> memref<1x8192xi32, #tpu.memory_space<vmem>>
    %dma_wait3A_156 = tpu.memref_squeeze %dma_wait3A_155 : memref<1x8192xi32, #tpu.memory_space<vmem>> -> memref<8192xi32, #tpu.memory_space<vmem>>
    %dma_wait3A_157 = arith.constant 0 : i32
    %dma_wait3A_158 = tpu.memref_slice %arg2[%add3A, %sub3A_43, %dma_wait3A_146, %dma_wait3A_157] : memref<8x4x8x8192xi32, #tpu.memory_space<hbm>> -> memref<1x1x1x8192xi32, #tpu.memory_space<hbm>>
    %dma_wait3A_159 = tpu.memref_squeeze %dma_wait3A_158 : memref<1x1x1x8192xi32, #tpu.memory_space<hbm>> -> memref<8192xi32, #tpu.memory_space<hbm>>
    tpu.wait_dma2 semaphore(%arg6 : memref<!tpu.dma_semaphore, #tpu.memory_space<semaphore_mem>>) src(%dma_wait3A_159 : memref<8192xi32, #tpu.memory_space<hbm>>) dst(%dma_wait3A_156 : memref<8192xi32, #tpu.memory_space<vmem>>)
    %scan3A_160 = arith.constant 0 : i32
    %scan3A_161 = arith.constant 0 : i32
    %scan3A_162 = arith.constant 128 : i32
    %scan3A_163 = arith.addi %scan3A_161, %scan3A_162 : i32
    %scan3A_164 = arith.constant 1 : i32
    scf.for %scan3A_325 = %scan3A_161 to %scan3A_163 step %scan3A_164  : i32 {
      %mul3A_326 = arith.constant 64 : i32
      %mul3A_327 = arith.muli %scan3A_325, %mul3A_326 : i32
      %add3A_328 = arith.constant 0 : i32
      %add3A_329 = arith.addi %mul3A_327, %add3A_328 : i32
      %get3A = arith.constant 0 : i32
      %get3A_330 = arith.index_cast %get3A : i32 to index
      %get3A_331 = arith.index_cast %add3A_329 : i32 to index
      %get3A_332 = tpu.vector_load %arg4[%get3A_330, %get3A_331] {strides = array<i32>} : memref<2x8192xi32, #tpu.memory_space<vmem>>, vector<16xi32>,
      tpu.vector_store_idx %arg5[%get3A_332], %broadcast_in_dim3A_78 {add = true} : memref<98304xf32, #tpu.memory_space<vmem>>[vector<16xi32>], vector<16xf32>,
      %mul3A_333 = arith.constant 64 : i32
      %mul3A_334 = arith.muli %scan3A_325, %mul3A_333 : i32
      %add3A_335 = arith.constant 16 : i32
      %add3A_336 = arith.addi %mul3A_334, %add3A_335 : i32
      %get3A_337 = arith.constant 0 : i32
      %get3A_338 = arith.index_cast %get3A_337 : i32 to index
      %get3A_339 = arith.index_cast %add3A_336 : i32 to index
      %get3A_340 = tpu.vector_load %arg4[%get3A_338, %get3A_339] {strides = array<i32>} : memref<2x8192xi32, #tpu.memory_space<vmem>>, vector<16xi32>,
      tpu.vector_store_idx %arg5[%get3A_340], %broadcast_in_dim3A_78 {add = true} : memref<98304xf32, #tpu.memory_space<vmem>>[vector<16xi32>], vector<16xf32>,
      %mul3A_341 = arith.constant 64 : i32
      %mul3A_342 = arith.muli %scan3A_325, %mul3A_341 : i32
      %add3A_343 = arith.constant 32 : i32
      %add3A_344 = arith.addi %mul3A_342, %add3A_343 : i32
      %get3A_345 = arith.constant 0 : i32
      %get3A_346 = arith.index_cast %get3A_345 : i32 to index
      %get3A_347 = arith.index_cast %add3A_344 : i32 to index
      %get3A_348 = tpu.vector_load %arg4[%get3A_346, %get3A_347] {strides = array<i32>} : memref<2x8192xi32, #tpu.memory_space<vmem>>, vector<16xi32>,
      tpu.vector_store_idx %arg5[%get3A_348], %broadcast_in_dim3A_78 {add = true} : memref<98304xf32, #tpu.memory_space<vmem>>[vector<16xi32>], vector<16xf32>,
      %mul3A_349 = arith.constant 64 : i32
      %mul3A_350 = arith.muli %scan3A_325, %mul3A_349 : i32
      %add3A_351 = arith.constant 48 : i32
      %add3A_352 = arith.addi %mul3A_350, %add3A_351 : i32
      %get3A_353 = arith.constant 0 : i32
      %get3A_354 = arith.index_cast %get3A_353 : i32 to index
      %get3A_355 = arith.index_cast %add3A_352 : i32 to index
      %get3A_356 = tpu.vector_load %arg4[%get3A_354, %get3A_355] {strides = array<i32>} : memref<2x8192xi32, #tpu.memory_space<vmem>>, vector<16xi32>,
      tpu.vector_store_idx %arg5[%get3A_356], %broadcast_in_dim3A_78 {add = true} : memref<98304xf32, #tpu.memory_space<vmem>>[vector<16xi32>], vector<16xf32>,
    }
    %scan3A_165 = arith.constant 128 : i32
    %dma_start3A_166 = arith.constant 4 : i32
    %dma_start3A_167 = arith.constant 0 : i32
    %dma_start3A_168 = arith.constant 0 : i32
    %dma_start3A_169 = tpu.memref_slice %arg4[%dma_start3A_167, %dma_start3A_168] : memref<2x8192xi32, #tpu.memory_space<vmem>> -> memref<1x8192xi32, #tpu.memory_space<vmem>>
    %dma_start3A_170 = tpu.memref_squeeze %dma_start3A_169 : memref<1x8192xi32, #tpu.memory_space<vmem>> -> memref<8192xi32, #tpu.memory_space<vmem>>
    %dma_start3A_171 = arith.constant 0 : i32
    %dma_start3A_172 = tpu.memref_slice %arg2[%add3A, %sub3A_43, %dma_start3A_166, %dma_start3A_171] : memref<8x4x8x8192xi32, #tpu.memory_space<hbm>> -> memref<1x1x1x8192xi32, #tpu.memory_space<hbm>>
    %dma_start3A_173 = tpu.memref_squeeze %dma_start3A_172 : memref<1x1x1x8192xi32, #tpu.memory_space<hbm>> -> memref<8192xi32, #tpu.memory_space<hbm>>
    %dma_start3A_174 = arith.constant 0 : i32
    %dma_start3A_175 = tpu.memref_slice %arg4[%dma_start3A_167, %dma_start3A_174] : memref<2x8192xi32, #tpu.memory_space<vmem>> -> memref<1x8192xi32, #tpu.memory_space<vmem>>
    %dma_start3A_176 = tpu.memref_squeeze %dma_start3A_175 : memref<1x8192xi32, #tpu.memory_space<vmem>> -> memref<8192xi32, #tpu.memory_space<vmem>>
    %dma_start3A_177 = arith.constant 0 : i32
    %dma_start3A_178 = tpu.memref_slice %arg2[%add3A, %sub3A_43, %dma_start3A_166, %dma_start3A_177] : memref<8x4x8x8192xi32, #tpu.memory_space<hbm>> -> memref<1x1x1x8192xi32, #tpu.memory_space<hbm>>
    %dma_start3A_179 = tpu.memref_squeeze %dma_start3A_178 : memref<1x1x1x8192xi32, #tpu.memory_space<hbm>> -> memref<8192xi32, #tpu.memory_space<hbm>>
    tpu.enqueue_dma source(%dma_start3A_179 : memref<8192xi32, #tpu.memory_space<hbm>>) target(%dma_start3A_176 : memref<8192xi32, #tpu.memory_space<vmem>>) target_semaphore(%arg6 : memref<!tpu.dma_semaphore, #tpu.memory_space<semaphore_mem>>)
    %dma_wait3A_180 = arith.constant 3 : i32
    %dma_wait3A_181 = arith.constant 1 : i32
    %dma_wait3A_182 = arith.constant 0 : i32
    %dma_wait3A_183 = tpu.memref_slice %arg4[%dma_wait3A_181, %dma_wait3A_182] : memref<2x8192xi32, #tpu.memory_space<vmem>> -> memref<1x8192xi32, #tpu.memory_space<vmem>>
    %dma_wait3A_184 = tpu.memref_squeeze %dma_wait3A_183 : memref<1x8192xi32, #tpu.memory_space<vmem>> -> memref<8192xi32, #tpu.memory_space<vmem>>
    %dma_wait3A_185 = arith.constant 0 : i32
    %dma_wait3A_186 = tpu.memref_slice %arg2[%add3A, %sub3A_43, %dma_wait3A_180, %dma_wait3A_185] : memref<8x4x8x8192xi32, #tpu.memory_space<hbm>> -> memref<1x1x1x8192xi32, #tpu.memory_space<hbm>>
    %dma_wait3A_187 = tpu.memref_squeeze %dma_wait3A_186 : memref<1x1x1x8192xi32, #tpu.memory_space<hbm>> -> memref<8192xi32, #tpu.memory_space<hbm>>
    %dma_wait3A_188 = arith.constant 0 : i32
    %dma_wait3A_189 = tpu.memref_slice %arg4[%dma_wait3A_181, %dma_wait3A_188] : memref<2x8192xi32, #tpu.memory_space<vmem>> -> memref<1x8192xi32, #tpu.memory_space<vmem>>
    %dma_wait3A_190 = tpu.memref_squeeze %dma_wait3A_189 : memref<1x8192xi32, #tpu.memory_space<vmem>> -> memref<8192xi32, #tpu.memory_space<vmem>>
    %dma_wait3A_191 = arith.constant 0 : i32
    %dma_wait3A_192 = tpu.memref_slice %arg2[%add3A, %sub3A_43, %dma_wait3A_180, %dma_wait3A_191] : memref<8x4x8x8192xi32, #tpu.memory_space<hbm>> -> memref<1x1x1x8192xi32, #tpu.memory_space<hbm>>
    %dma_wait3A_193 = tpu.memref_squeeze %dma_wait3A_192 : memref<1x1x1x8192xi32, #tpu.memory_space<hbm>> -> memref<8192xi32, #tpu.memory_space<hbm>>
    tpu.wait_dma2 semaphore(%arg6 : memref<!tpu.dma_semaphore, #tpu.memory_space<semaphore_mem>>) src(%dma_wait3A_193 : memref<8192xi32, #tpu.memory_space<hbm>>) dst(%dma_wait3A_190 : memref<8192xi32, #tpu.memory_space<vmem>>)
    %scan3A_194 = arith.constant 0 : i32
    %scan3A_195 = arith.constant 0 : i32
    %scan3A_196 = arith.constant 128 : i32
    %scan3A_197 = arith.addi %scan3A_195, %scan3A_196 : i32
    %scan3A_198 = arith.constant 1 : i32
    scf.for %scan3A_325 = %scan3A_195 to %scan3A_197 step %scan3A_198  : i32 {
      %mul3A_326 = arith.constant 64 : i32
      %mul3A_327 = arith.muli %scan3A_325, %mul3A_326 : i32
      %add3A_328 = arith.constant 0 : i32
      %add3A_329 = arith.addi %mul3A_327, %add3A_328 : i32
      %get3A = arith.constant 1 : i32
      %get3A_330 = arith.index_cast %get3A : i32 to index
      %get3A_331 = arith.index_cast %add3A_329 : i32 to index
      %get3A_332 = tpu.vector_load %arg4[%get3A_330, %get3A_331] {strides = array<i32>} : memref<2x8192xi32, #tpu.memory_space<vmem>>, vector<16xi32>,
      tpu.vector_store_idx %arg5[%get3A_332], %broadcast_in_dim3A_78 {add = true} : memref<98304xf32, #tpu.memory_space<vmem>>[vector<16xi32>], vector<16xf32>,
      %mul3A_333 = arith.constant 64 : i32
      %mul3A_334 = arith.muli %scan3A_325, %mul3A_333 : i32
      %add3A_335 = arith.constant 16 : i32
      %add3A_336 = arith.addi %mul3A_334, %add3A_335 : i32
      %get3A_337 = arith.constant 1 : i32
      %get3A_338 = arith.index_cast %get3A_337 : i32 to index
      %get3A_339 = arith.index_cast %add3A_336 : i32 to index
      %get3A_340 = tpu.vector_load %arg4[%get3A_338, %get3A_339] {strides = array<i32>} : memref<2x8192xi32, #tpu.memory_space<vmem>>, vector<16xi32>,
      tpu.vector_store_idx %arg5[%get3A_340], %broadcast_in_dim3A_78 {add = true} : memref<98304xf32, #tpu.memory_space<vmem>>[vector<16xi32>], vector<16xf32>,
      %mul3A_341 = arith.constant 64 : i32
      %mul3A_342 = arith.muli %scan3A_325, %mul3A_341 : i32
      %add3A_343 = arith.constant 32 : i32
      %add3A_344 = arith.addi %mul3A_342, %add3A_343 : i32
      %get3A_345 = arith.constant 1 : i32
      %get3A_346 = arith.index_cast %get3A_345 : i32 to index
      %get3A_347 = arith.index_cast %add3A_344 : i32 to index
      %get3A_348 = tpu.vector_load %arg4[%get3A_346, %get3A_347] {strides = array<i32>} : memref<2x8192xi32, #tpu.memory_space<vmem>>, vector<16xi32>,
      tpu.vector_store_idx %arg5[%get3A_348], %broadcast_in_dim3A_78 {add = true} : memref<98304xf32, #tpu.memory_space<vmem>>[vector<16xi32>], vector<16xf32>,
      %mul3A_349 = arith.constant 64 : i32
      %mul3A_350 = arith.muli %scan3A_325, %mul3A_349 : i32
      %add3A_351 = arith.constant 48 : i32
      %add3A_352 = arith.addi %mul3A_350, %add3A_351 : i32
      %get3A_353 = arith.constant 1 : i32
      %get3A_354 = arith.index_cast %get3A_353 : i32 to index
      %get3A_355 = arith.index_cast %add3A_352 : i32 to index
      %get3A_356 = tpu.vector_load %arg4[%get3A_354, %get3A_355] {strides = array<i32>} : memref<2x8192xi32, #tpu.memory_space<vmem>>, vector<16xi32>,
      tpu.vector_store_idx %arg5[%get3A_356], %broadcast_in_dim3A_78 {add = true} : memref<98304xf32, #tpu.memory_space<vmem>>[vector<16xi32>], vector<16xf32>,
    }
    %scan3A_199 = arith.constant 128 : i32
    %dma_start3A_200 = arith.constant 5 : i32
    %dma_start3A_201 = arith.constant 1 : i32
    %dma_start3A_202 = arith.constant 0 : i32
    %dma_start3A_203 = tpu.memref_slice %arg4[%dma_start3A_201, %dma_start3A_202] : memref<2x8192xi32, #tpu.memory_space<vmem>> -> memref<1x8192xi32, #tpu.memory_space<vmem>>
    %dma_start3A_204 = tpu.memref_squeeze %dma_start3A_203 : memref<1x8192xi32, #tpu.memory_space<vmem>> -> memref<8192xi32, #tpu.memory_space<vmem>>
    %dma_start3A_205 = arith.constant 0 : i32
    %dma_start3A_206 = tpu.memref_slice %arg2[%add3A, %sub3A_43, %dma_start3A_200, %dma_start3A_205] : memref<8x4x8x8192xi32, #tpu.memory_space<hbm>> -> memref<1x1x1x8192xi32, #tpu.memory_space<hbm>>
    %dma_start3A_207 = tpu.memref_squeeze %dma_start3A_206 : memref<1x1x1x8192xi32, #tpu.memory_space<hbm>> -> memref<8192xi32, #tpu.memory_space<hbm>>
    %dma_start3A_208 = arith.constant 0 : i32
    %dma_start3A_209 = tpu.memref_slice %arg4[%dma_start3A_201, %dma_start3A_208] : memref<2x8192xi32, #tpu.memory_space<vmem>> -> memref<1x8192xi32, #tpu.memory_space<vmem>>
    %dma_start3A_210 = tpu.memref_squeeze %dma_start3A_209 : memref<1x8192xi32, #tpu.memory_space<vmem>> -> memref<8192xi32, #tpu.memory_space<vmem>>
    %dma_start3A_211 = arith.constant 0 : i32
    %dma_start3A_212 = tpu.memref_slice %arg2[%add3A, %sub3A_43, %dma_start3A_200, %dma_start3A_211] : memref<8x4x8x8192xi32, #tpu.memory_space<hbm>> -> memref<1x1x1x8192xi32, #tpu.memory_space<hbm>>
    %dma_start3A_213 = tpu.memref_squeeze %dma_start3A_212 : memref<1x1x1x8192xi32, #tpu.memory_space<hbm>> -> memref<8192xi32, #tpu.memory_space<hbm>>
    tpu.enqueue_dma source(%dma_start3A_213 : memref<8192xi32, #tpu.memory_space<hbm>>) target(%dma_start3A_210 : memref<8192xi32, #tpu.memory_space<vmem>>) target_semaphore(%arg6 : memref<!tpu.dma_semaphore, #tpu.memory_space<semaphore_mem>>)
    %dma_wait3A_214 = arith.constant 4 : i32
    %dma_wait3A_215 = arith.constant 0 : i32
    %dma_wait3A_216 = arith.constant 0 : i32
    %dma_wait3A_217 = tpu.memref_slice %arg4[%dma_wait3A_215, %dma_wait3A_216] : memref<2x8192xi32, #tpu.memory_space<vmem>> -> memref<1x8192xi32, #tpu.memory_space<vmem>>
    %dma_wait3A_218 = tpu.memref_squeeze %dma_wait3A_217 : memref<1x8192xi32, #tpu.memory_space<vmem>> -> memref<8192xi32, #tpu.memory_space<vmem>>
    %dma_wait3A_219 = arith.constant 0 : i32
    %dma_wait3A_220 = tpu.memref_slice %arg2[%add3A, %sub3A_43, %dma_wait3A_214, %dma_wait3A_219] : memref<8x4x8x8192xi32, #tpu.memory_space<hbm>> -> memref<1x1x1x8192xi32, #tpu.memory_space<hbm>>
    %dma_wait3A_221 = tpu.memref_squeeze %dma_wait3A_220 : memref<1x1x1x8192xi32, #tpu.memory_space<hbm>> -> memref<8192xi32, #tpu.memory_space<hbm>>
    %dma_wait3A_222 = arith.constant 0 : i32
    %dma_wait3A_223 = tpu.memref_slice %arg4[%dma_wait3A_215, %dma_wait3A_222] : memref<2x8192xi32, #tpu.memory_space<vmem>> -> memref<1x8192xi32, #tpu.memory_space<vmem>>
    %dma_wait3A_224 = tpu.memref_squeeze %dma_wait3A_223 : memref<1x8192xi32, #tpu.memory_space<vmem>> -> memref<8192xi32, #tpu.memory_space<vmem>>
    %dma_wait3A_225 = arith.constant 0 : i32
    %dma_wait3A_226 = tpu.memref_slice %arg2[%add3A, %sub3A_43, %dma_wait3A_214, %dma_wait3A_225] : memref<8x4x8x8192xi32, #tpu.memory_space<hbm>> -> memref<1x1x1x8192xi32, #tpu.memory_space<hbm>>
    %dma_wait3A_227 = tpu.memref_squeeze %dma_wait3A_226 : memref<1x1x1x8192xi32, #tpu.memory_space<hbm>> -> memref<8192xi32, #tpu.memory_space<hbm>>
    tpu.wait_dma2 semaphore(%arg6 : memref<!tpu.dma_semaphore, #tpu.memory_space<semaphore_mem>>) src(%dma_wait3A_227 : memref<8192xi32, #tpu.memory_space<hbm>>) dst(%dma_wait3A_224 : memref<8192xi32, #tpu.memory_space<vmem>>)
    %scan3A_228 = arith.constant 0 : i32
    %scan3A_229 = arith.constant 0 : i32
    %scan3A_230 = arith.constant 128 : i32
    %scan3A_231 = arith.addi %scan3A_229, %scan3A_230 : i32
    %scan3A_232 = arith.constant 1 : i32
    scf.for %scan3A_325 = %scan3A_229 to %scan3A_231 step %scan3A_232  : i32 {
      %mul3A_326 = arith.constant 64 : i32
      %mul3A_327 = arith.muli %scan3A_325, %mul3A_326 : i32
      %add3A_328 = arith.constant 0 : i32
      %add3A_329 = arith.addi %mul3A_327, %add3A_328 : i32
      %get3A = arith.constant 0 : i32
      %get3A_330 = arith.index_cast %get3A : i32 to index
      %get3A_331 = arith.index_cast %add3A_329 : i32 to index
      %get3A_332 = tpu.vector_load %arg4[%get3A_330, %get3A_331] {strides = array<i32>} : memref<2x8192xi32, #tpu.memory_space<vmem>>, vector<16xi32>,
      tpu.vector_store_idx %arg5[%get3A_332], %broadcast_in_dim3A_78 {add = true} : memref<98304xf32, #tpu.memory_space<vmem>>[vector<16xi32>], vector<16xf32>,
      %mul3A_333 = arith.constant 64 : i32
      %mul3A_334 = arith.muli %scan3A_325, %mul3A_333 : i32
      %add3A_335 = arith.constant 16 : i32
      %add3A_336 = arith.addi %mul3A_334, %add3A_335 : i32
      %get3A_337 = arith.constant 0 : i32
      %get3A_338 = arith.index_cast %get3A_337 : i32 to index
      %get3A_339 = arith.index_cast %add3A_336 : i32 to index
      %get3A_340 = tpu.vector_load %arg4[%get3A_338, %get3A_339] {strides = array<i32>} : memref<2x8192xi32, #tpu.memory_space<vmem>>, vector<16xi32>,
      tpu.vector_store_idx %arg5[%get3A_340], %broadcast_in_dim3A_78 {add = true} : memref<98304xf32, #tpu.memory_space<vmem>>[vector<16xi32>], vector<16xf32>,
      %mul3A_341 = arith.constant 64 : i32
      %mul3A_342 = arith.muli %scan3A_325, %mul3A_341 : i32
      %add3A_343 = arith.constant 32 : i32
      %add3A_344 = arith.addi %mul3A_342, %add3A_343 : i32
      %get3A_345 = arith.constant 0 : i32
      %get3A_346 = arith.index_cast %get3A_345 : i32 to index
      %get3A_347 = arith.index_cast %add3A_344 : i32 to index
      %get3A_348 = tpu.vector_load %arg4[%get3A_346, %get3A_347] {strides = array<i32>} : memref<2x8192xi32, #tpu.memory_space<vmem>>, vector<16xi32>,
      tpu.vector_store_idx %arg5[%get3A_348], %broadcast_in_dim3A_78 {add = true} : memref<98304xf32, #tpu.memory_space<vmem>>[vector<16xi32>], vector<16xf32>,
      %mul3A_349 = arith.constant 64 : i32
      %mul3A_350 = arith.muli %scan3A_325, %mul3A_349 : i32
      %add3A_351 = arith.constant 48 : i32
      %add3A_352 = arith.addi %mul3A_350, %add3A_351 : i32
      %get3A_353 = arith.constant 0 : i32
      %get3A_354 = arith.index_cast %get3A_353 : i32 to index
      %get3A_355 = arith.index_cast %add3A_352 : i32 to index
      %get3A_356 = tpu.vector_load %arg4[%get3A_354, %get3A_355] {strides = array<i32>} : memref<2x8192xi32, #tpu.memory_space<vmem>>, vector<16xi32>,
      tpu.vector_store_idx %arg5[%get3A_356], %broadcast_in_dim3A_78 {add = true} : memref<98304xf32, #tpu.memory_space<vmem>>[vector<16xi32>], vector<16xf32>,
    }
    %scan3A_233 = arith.constant 128 : i32
    %dma_start3A_234 = arith.constant 6 : i32
    %dma_start3A_235 = arith.constant 0 : i32
    %dma_start3A_236 = arith.constant 0 : i32
    %dma_start3A_237 = tpu.memref_slice %arg4[%dma_start3A_235, %dma_start3A_236] : memref<2x8192xi32, #tpu.memory_space<vmem>> -> memref<1x8192xi32, #tpu.memory_space<vmem>>
    %dma_start3A_238 = tpu.memref_squeeze %dma_start3A_237 : memref<1x8192xi32, #tpu.memory_space<vmem>> -> memref<8192xi32, #tpu.memory_space<vmem>>
    %dma_start3A_239 = arith.constant 0 : i32
    %dma_start3A_240 = tpu.memref_slice %arg2[%add3A, %sub3A_43, %dma_start3A_234, %dma_start3A_239] : memref<8x4x8x8192xi32, #tpu.memory_space<hbm>> -> memref<1x1x1x8192xi32, #tpu.memory_space<hbm>>
    %dma_start3A_241 = tpu.memref_squeeze %dma_start3A_240 : memref<1x1x1x8192xi32, #tpu.memory_space<hbm>> -> memref<8192xi32, #tpu.memory_space<hbm>>
    %dma_start3A_242 = arith.constant 0 : i32
    %dma_start3A_243 = tpu.memref_slice %arg4[%dma_start3A_235, %dma_start3A_242] : memref<2x8192xi32, #tpu.memory_space<vmem>> -> memref<1x8192xi32, #tpu.memory_space<vmem>>
    %dma_start3A_244 = tpu.memref_squeeze %dma_start3A_243 : memref<1x8192xi32, #tpu.memory_space<vmem>> -> memref<8192xi32, #tpu.memory_space<vmem>>
    %dma_start3A_245 = arith.constant 0 : i32
    %dma_start3A_246 = tpu.memref_slice %arg2[%add3A, %sub3A_43, %dma_start3A_234, %dma_start3A_245] : memref<8x4x8x8192xi32, #tpu.memory_space<hbm>> -> memref<1x1x1x8192xi32, #tpu.memory_space<hbm>>
    %dma_start3A_247 = tpu.memref_squeeze %dma_start3A_246 : memref<1x1x1x8192xi32, #tpu.memory_space<hbm>> -> memref<8192xi32, #tpu.memory_space<hbm>>
    tpu.enqueue_dma source(%dma_start3A_247 : memref<8192xi32, #tpu.memory_space<hbm>>) target(%dma_start3A_244 : memref<8192xi32, #tpu.memory_space<vmem>>) target_semaphore(%arg6 : memref<!tpu.dma_semaphore, #tpu.memory_space<semaphore_mem>>)
    %dma_wait3A_248 = arith.constant 5 : i32
    %dma_wait3A_249 = arith.constant 1 : i32
    %dma_wait3A_250 = arith.constant 0 : i32
    %dma_wait3A_251 = tpu.memref_slice %arg4[%dma_wait3A_249, %dma_wait3A_250] : memref<2x8192xi32, #tpu.memory_space<vmem>> -> memref<1x8192xi32, #tpu.memory_space<vmem>>
    %dma_wait3A_252 = tpu.memref_squeeze %dma_wait3A_251 : memref<1x8192xi32, #tpu.memory_space<vmem>> -> memref<8192xi32, #tpu.memory_space<vmem>>
    %dma_wait3A_253 = arith.constant 0 : i32
    %dma_wait3A_254 = tpu.memref_slice %arg2[%add3A, %sub3A_43, %dma_wait3A_248, %dma_wait3A_253] : memref<8x4x8x8192xi32, #tpu.memory_space<hbm>> -> memref<1x1x1x8192xi32, #tpu.memory_space<hbm>>
    %dma_wait3A_255 = tpu.memref_squeeze %dma_wait3A_254 : memref<1x1x1x8192xi32, #tpu.memory_space<hbm>> -> memref<8192xi32, #tpu.memory_space<hbm>>
    %dma_wait3A_256 = arith.constant 0 : i32
    %dma_wait3A_257 = tpu.memref_slice %arg4[%dma_wait3A_249, %dma_wait3A_256] : memref<2x8192xi32, #tpu.memory_space<vmem>> -> memref<1x8192xi32, #tpu.memory_space<vmem>>
    %dma_wait3A_258 = tpu.memref_squeeze %dma_wait3A_257 : memref<1x8192xi32, #tpu.memory_space<vmem>> -> memref<8192xi32, #tpu.memory_space<vmem>>
    %dma_wait3A_259 = arith.constant 0 : i32
    %dma_wait3A_260 = tpu.memref_slice %arg2[%add3A, %sub3A_43, %dma_wait3A_248, %dma_wait3A_259] : memref<8x4x8x8192xi32, #tpu.memory_space<hbm>> -> memref<1x1x1x8192xi32, #tpu.memory_space<hbm>>
    %dma_wait3A_261 = tpu.memref_squeeze %dma_wait3A_260 : memref<1x1x1x8192xi32, #tpu.memory_space<hbm>> -> memref<8192xi32, #tpu.memory_space<hbm>>
    tpu.wait_dma2 semaphore(%arg6 : memref<!tpu.dma_semaphore, #tpu.memory_space<semaphore_mem>>) src(%dma_wait3A_261 : memref<8192xi32, #tpu.memory_space<hbm>>) dst(%dma_wait3A_258 : memref<8192xi32, #tpu.memory_space<vmem>>)
    %scan3A_262 = arith.constant 0 : i32
    %scan3A_263 = arith.constant 0 : i32
    %scan3A_264 = arith.constant 128 : i32
    %scan3A_265 = arith.addi %scan3A_263, %scan3A_264 : i32
    %scan3A_266 = arith.constant 1 : i32
    scf.for %scan3A_325 = %scan3A_263 to %scan3A_265 step %scan3A_266  : i32 {
      %mul3A_326 = arith.constant 64 : i32
      %mul3A_327 = arith.muli %scan3A_325, %mul3A_326 : i32
      %add3A_328 = arith.constant 0 : i32
      %add3A_329 = arith.addi %mul3A_327, %add3A_328 : i32
      %get3A = arith.constant 1 : i32
      %get3A_330 = arith.index_cast %get3A : i32 to index
      %get3A_331 = arith.index_cast %add3A_329 : i32 to index
      %get3A_332 = tpu.vector_load %arg4[%get3A_330, %get3A_331] {strides = array<i32>} : memref<2x8192xi32, #tpu.memory_space<vmem>>, vector<16xi32>,
      tpu.vector_store_idx %arg5[%get3A_332], %broadcast_in_dim3A_78 {add = true} : memref<98304xf32, #tpu.memory_space<vmem>>[vector<16xi32>], vector<16xf32>,
      %mul3A_333 = arith.constant 64 : i32
      %mul3A_334 = arith.muli %scan3A_325, %mul3A_333 : i32
      %add3A_335 = arith.constant 16 : i32
      %add3A_336 = arith.addi %mul3A_334, %add3A_335 : i32
      %get3A_337 = arith.constant 1 : i32
      %get3A_338 = arith.index_cast %get3A_337 : i32 to index
      %get3A_339 = arith.index_cast %add3A_336 : i32 to index
      %get3A_340 = tpu.vector_load %arg4[%get3A_338, %get3A_339] {strides = array<i32>} : memref<2x8192xi32, #tpu.memory_space<vmem>>, vector<16xi32>,
      tpu.vector_store_idx %arg5[%get3A_340], %broadcast_in_dim3A_78 {add = true} : memref<98304xf32, #tpu.memory_space<vmem>>[vector<16xi32>], vector<16xf32>,
      %mul3A_341 = arith.constant 64 : i32
      %mul3A_342 = arith.muli %scan3A_325, %mul3A_341 : i32
      %add3A_343 = arith.constant 32 : i32
      %add3A_344 = arith.addi %mul3A_342, %add3A_343 : i32
      %get3A_345 = arith.constant 1 : i32
      %get3A_346 = arith.index_cast %get3A_345 : i32 to index
      %get3A_347 = arith.index_cast %add3A_344 : i32 to index
      %get3A_348 = tpu.vector_load %arg4[%get3A_346, %get3A_347] {strides = array<i32>} : memref<2x8192xi32, #tpu.memory_space<vmem>>, vector<16xi32>,
      tpu.vector_store_idx %arg5[%get3A_348], %broadcast_in_dim3A_78 {add = true} : memref<98304xf32, #tpu.memory_space<vmem>>[vector<16xi32>], vector<16xf32>,
      %mul3A_349 = arith.constant 64 : i32
      %mul3A_350 = arith.muli %scan3A_325, %mul3A_349 : i32
      %add3A_351 = arith.constant 48 : i32
      %add3A_352 = arith.addi %mul3A_350, %add3A_351 : i32
      %get3A_353 = arith.constant 1 : i32
      %get3A_354 = arith.index_cast %get3A_353 : i32 to index
      %get3A_355 = arith.index_cast %add3A_352 : i32 to index
      %get3A_356 = tpu.vector_load %arg4[%get3A_354, %get3A_355] {strides = array<i32>} : memref<2x8192xi32, #tpu.memory_space<vmem>>, vector<16xi32>,
      tpu.vector_store_idx %arg5[%get3A_356], %broadcast_in_dim3A_78 {add = true} : memref<98304xf32, #tpu.memory_space<vmem>>[vector<16xi32>], vector<16xf32>,
    }
    %scan3A_267 = arith.constant 128 : i32
    %dma_start3A_268 = arith.constant 7 : i32
    %dma_start3A_269 = arith.constant 1 : i32
    %dma_start3A_270 = arith.constant 0 : i32
    %dma_start3A_271 = tpu.memref_slice %arg4[%dma_start3A_269, %dma_start3A_270] : memref<2x8192xi32, #tpu.memory_space<vmem>> -> memref<1x8192xi32, #tpu.memory_space<vmem>>
    %dma_start3A_272 = tpu.memref_squeeze %dma_start3A_271 : memref<1x8192xi32, #tpu.memory_space<vmem>> -> memref<8192xi32, #tpu.memory_space<vmem>>
    %dma_start3A_273 = arith.constant 0 : i32
    %dma_start3A_274 = tpu.memref_slice %arg2[%add3A, %sub3A_43, %dma_start3A_268, %dma_start3A_273] : memref<8x4x8x8192xi32, #tpu.memory_space<hbm>> -> memref<1x1x1x8192xi32, #tpu.memory_space<hbm>>
    %dma_start3A_275 = tpu.memref_squeeze %dma_start3A_274 : memref<1x1x1x8192xi32, #tpu.memory_space<hbm>> -> memref<8192xi32, #tpu.memory_space<hbm>>
    %dma_start3A_276 = arith.constant 0 : i32
    %dma_start3A_277 = tpu.memref_slice %arg4[%dma_start3A_269, %dma_start3A_276] : memref<2x8192xi32, #tpu.memory_space<vmem>> -> memref<1x8192xi32, #tpu.memory_space<vmem>>
    %dma_start3A_278 = tpu.memref_squeeze %dma_start3A_277 : memref<1x8192xi32, #tpu.memory_space<vmem>> -> memref<8192xi32, #tpu.memory_space<vmem>>
    %dma_start3A_279 = arith.constant 0 : i32
    %dma_start3A_280 = tpu.memref_slice %arg2[%add3A, %sub3A_43, %dma_start3A_268, %dma_start3A_279] : memref<8x4x8x8192xi32, #tpu.memory_space<hbm>> -> memref<1x1x1x8192xi32, #tpu.memory_space<hbm>>
    %dma_start3A_281 = tpu.memref_squeeze %dma_start3A_280 : memref<1x1x1x8192xi32, #tpu.memory_space<hbm>> -> memref<8192xi32, #tpu.memory_space<hbm>>
    tpu.enqueue_dma source(%dma_start3A_281 : memref<8192xi32, #tpu.memory_space<hbm>>) target(%dma_start3A_278 : memref<8192xi32, #tpu.memory_space<vmem>>) target_semaphore(%arg6 : memref<!tpu.dma_semaphore, #tpu.memory_space<semaphore_mem>>)
    %dma_wait3A_282 = arith.constant 6 : i32
    %dma_wait3A_283 = arith.constant 0 : i32
    %dma_wait3A_284 = arith.constant 0 : i32
    %dma_wait3A_285 = tpu.memref_slice %arg4[%dma_wait3A_283, %dma_wait3A_284] : memref<2x8192xi32, #tpu.memory_space<vmem>> -> memref<1x8192xi32, #tpu.memory_space<vmem>>
    %dma_wait3A_286 = tpu.memref_squeeze %dma_wait3A_285 : memref<1x8192xi32, #tpu.memory_space<vmem>> -> memref<8192xi32, #tpu.memory_space<vmem>>
    %dma_wait3A_287 = arith.constant 0 : i32
    %dma_wait3A_288 = tpu.memref_slice %arg2[%add3A, %sub3A_43, %dma_wait3A_282, %dma_wait3A_287] : memref<8x4x8x8192xi32, #tpu.memory_space<hbm>> -> memref<1x1x1x8192xi32, #tpu.memory_space<hbm>>
    %dma_wait3A_289 = tpu.memref_squeeze %dma_wait3A_288 : memref<1x1x1x8192xi32, #tpu.memory_space<hbm>> -> memref<8192xi32, #tpu.memory_space<hbm>>
    %dma_wait3A_290 = arith.constant 0 : i32
    %dma_wait3A_291 = tpu.memref_slice %arg4[%dma_wait3A_283, %dma_wait3A_290] : memref<2x8192xi32, #tpu.memory_space<vmem>> -> memref<1x8192xi32, #tpu.memory_space<vmem>>
    %dma_wait3A_292 = tpu.memref_squeeze %dma_wait3A_291 : memref<1x8192xi32, #tpu.memory_space<vmem>> -> memref<8192xi32, #tpu.memory_space<vmem>>
    %dma_wait3A_293 = arith.constant 0 : i32
    %dma_wait3A_294 = tpu.memref_slice %arg2[%add3A, %sub3A_43, %dma_wait3A_282, %dma_wait3A_293] : memref<8x4x8x8192xi32, #tpu.memory_space<hbm>> -> memref<1x1x1x8192xi32, #tpu.memory_space<hbm>>
    %dma_wait3A_295 = tpu.memref_squeeze %dma_wait3A_294 : memref<1x1x1x8192xi32, #tpu.memory_space<hbm>> -> memref<8192xi32, #tpu.memory_space<hbm>>
    tpu.wait_dma2 semaphore(%arg6 : memref<!tpu.dma_semaphore, #tpu.memory_space<semaphore_mem>>) src(%dma_wait3A_295 : memref<8192xi32, #tpu.memory_space<hbm>>) dst(%dma_wait3A_292 : memref<8192xi32, #tpu.memory_space<vmem>>)
    %scan3A_296 = arith.constant 0 : i32
    %scan3A_297 = arith.constant 0 : i32
    %scan3A_298 = arith.constant 128 : i32
    %scan3A_299 = arith.addi %scan3A_297, %scan3A_298 : i32
    %scan3A_300 = arith.constant 1 : i32
    scf.for %scan3A_325 = %scan3A_297 to %scan3A_299 step %scan3A_300  : i32 {
      %mul3A_326 = arith.constant 64 : i32
      %mul3A_327 = arith.muli %scan3A_325, %mul3A_326 : i32
      %add3A_328 = arith.constant 0 : i32
      %add3A_329 = arith.addi %mul3A_327, %add3A_328 : i32
      %get3A = arith.constant 0 : i32
      %get3A_330 = arith.index_cast %get3A : i32 to index
      %get3A_331 = arith.index_cast %add3A_329 : i32 to index
      %get3A_332 = tpu.vector_load %arg4[%get3A_330, %get3A_331] {strides = array<i32>} : memref<2x8192xi32, #tpu.memory_space<vmem>>, vector<16xi32>,
      tpu.vector_store_idx %arg5[%get3A_332], %broadcast_in_dim3A_78 {add = true} : memref<98304xf32, #tpu.memory_space<vmem>>[vector<16xi32>], vector<16xf32>,
      %mul3A_333 = arith.constant 64 : i32
      %mul3A_334 = arith.muli %scan3A_325, %mul3A_333 : i32
      %add3A_335 = arith.constant 16 : i32
      %add3A_336 = arith.addi %mul3A_334, %add3A_335 : i32
      %get3A_337 = arith.constant 0 : i32
      %get3A_338 = arith.index_cast %get3A_337 : i32 to index
      %get3A_339 = arith.index_cast %add3A_336 : i32 to index
      %get3A_340 = tpu.vector_load %arg4[%get3A_338, %get3A_339] {strides = array<i32>} : memref<2x8192xi32, #tpu.memory_space<vmem>>, vector<16xi32>,
      tpu.vector_store_idx %arg5[%get3A_340], %broadcast_in_dim3A_78 {add = true} : memref<98304xf32, #tpu.memory_space<vmem>>[vector<16xi32>], vector<16xf32>,
      %mul3A_341 = arith.constant 64 : i32
      %mul3A_342 = arith.muli %scan3A_325, %mul3A_341 : i32
      %add3A_343 = arith.constant 32 : i32
      %add3A_344 = arith.addi %mul3A_342, %add3A_343 : i32
      %get3A_345 = arith.constant 0 : i32
      %get3A_346 = arith.index_cast %get3A_345 : i32 to index
      %get3A_347 = arith.index_cast %add3A_344 : i32 to index
      %get3A_348 = tpu.vector_load %arg4[%get3A_346, %get3A_347] {strides = array<i32>} : memref<2x8192xi32, #tpu.memory_space<vmem>>, vector<16xi32>,
      tpu.vector_store_idx %arg5[%get3A_348], %broadcast_in_dim3A_78 {add = true} : memref<98304xf32, #tpu.memory_space<vmem>>[vector<16xi32>], vector<16xf32>,
      %mul3A_349 = arith.constant 64 : i32
      %mul3A_350 = arith.muli %scan3A_325, %mul3A_349 : i32
      %add3A_351 = arith.constant 48 : i32
      %add3A_352 = arith.addi %mul3A_350, %add3A_351 : i32
      %get3A_353 = arith.constant 0 : i32
      %get3A_354 = arith.index_cast %get3A_353 : i32 to index
      %get3A_355 = arith.index_cast %add3A_352 : i32 to index
      %get3A_356 = tpu.vector_load %arg4[%get3A_354, %get3A_355] {strides = array<i32>} : memref<2x8192xi32, #tpu.memory_space<vmem>>, vector<16xi32>,
      tpu.vector_store_idx %arg5[%get3A_356], %broadcast_in_dim3A_78 {add = true} : memref<98304xf32, #tpu.memory_space<vmem>>[vector<16xi32>], vector<16xf32>,
    }
    %scan3A_301 = arith.constant 128 : i32
    %dma_wait3A_302 = arith.constant 7 : i32
    %dma_wait3A_303 = arith.constant 1 : i32
    %dma_wait3A_304 = arith.constant 0 : i32
    %dma_wait3A_305 = tpu.memref_slice %arg4[%dma_wait3A_303, %dma_wait3A_304] : memref<2x8192xi32, #tpu.memory_space<vmem>> -> memref<1x8192xi32, #tpu.memory_space<vmem>>
    %dma_wait3A_306 = tpu.memref_squeeze %dma_wait3A_305 : memref<1x8192xi32, #tpu.memory_space<vmem>> -> memref<8192xi32, #tpu.memory_space<vmem>>
    %dma_wait3A_307 = arith.constant 0 : i32
    %dma_wait3A_308 = tpu.memref_slice %arg2[%add3A, %sub3A_43, %dma_wait3A_302, %dma_wait3A_307] : memref<8x4x8x8192xi32, #tpu.memory_space<hbm>> -> memref<1x1x1x8192xi32, #tpu.memory_space<hbm>>
    %dma_wait3A_309 = tpu.memref_squeeze %dma_wait3A_308 : memref<1x1x1x8192xi32, #tpu.memory_space<hbm>> -> memref<8192xi32, #tpu.memory_space<hbm>>
    %dma_wait3A_310 = arith.constant 0 : i32
    %dma_wait3A_311 = tpu.memref_slice %arg4[%dma_wait3A_303, %dma_wait3A_310] : memref<2x8192xi32, #tpu.memory_space<vmem>> -> memref<1x8192xi32, #tpu.memory_space<vmem>>
    %dma_wait3A_312 = tpu.memref_squeeze %dma_wait3A_311 : memref<1x8192xi32, #tpu.memory_space<vmem>> -> memref<8192xi32, #tpu.memory_space<vmem>>
    %dma_wait3A_313 = arith.constant 0 : i32
    %dma_wait3A_314 = tpu.memref_slice %arg2[%add3A, %sub3A_43, %dma_wait3A_302, %dma_wait3A_313] : memref<8x4x8x8192xi32, #tpu.memory_space<hbm>> -> memref<1x1x1x8192xi32, #tpu.memory_space<hbm>>
    %dma_wait3A_315 = tpu.memref_squeeze %dma_wait3A_314 : memref<1x1x1x8192xi32, #tpu.memory_space<hbm>> -> memref<8192xi32, #tpu.memory_space<hbm>>
    tpu.wait_dma2 semaphore(%arg6 : memref<!tpu.dma_semaphore, #tpu.memory_space<semaphore_mem>>) src(%dma_wait3A_315 : memref<8192xi32, #tpu.memory_space<hbm>>) dst(%dma_wait3A_312 : memref<8192xi32, #tpu.memory_space<vmem>>)
    %scan3A_316 = arith.constant 0 : i32
    %scan3A_317 = arith.constant 0 : i32
    %scan3A_318 = arith.constant 128 : i32
    %scan3A_319 = arith.addi %scan3A_317, %scan3A_318 : i32
    %scan3A_320 = arith.constant 1 : i32
    scf.for %scan3A_325 = %scan3A_317 to %scan3A_319 step %scan3A_320  : i32 {
      %mul3A_326 = arith.constant 64 : i32
      %mul3A_327 = arith.muli %scan3A_325, %mul3A_326 : i32
      %add3A_328 = arith.constant 0 : i32
      %add3A_329 = arith.addi %mul3A_327, %add3A_328 : i32
      %get3A = arith.constant 1 : i32
      %get3A_330 = arith.index_cast %get3A : i32 to index
      %get3A_331 = arith.index_cast %add3A_329 : i32 to index
      %get3A_332 = tpu.vector_load %arg4[%get3A_330, %get3A_331] {strides = array<i32>} : memref<2x8192xi32, #tpu.memory_space<vmem>>, vector<16xi32>,
      tpu.vector_store_idx %arg5[%get3A_332], %broadcast_in_dim3A_78 {add = true} : memref<98304xf32, #tpu.memory_space<vmem>>[vector<16xi32>], vector<16xf32>,
      %mul3A_333 = arith.constant 64 : i32
      %mul3A_334 = arith.muli %scan3A_325, %mul3A_333 : i32
      %add3A_335 = arith.constant 16 : i32
      %add3A_336 = arith.addi %mul3A_334, %add3A_335 : i32
      %get3A_337 = arith.constant 1 : i32
      %get3A_338 = arith.index_cast %get3A_337 : i32 to index
      %get3A_339 = arith.index_cast %add3A_336 : i32 to index
      %get3A_340 = tpu.vector_load %arg4[%get3A_338, %get3A_339] {strides = array<i32>} : memref<2x8192xi32, #tpu.memory_space<vmem>>, vector<16xi32>,
      tpu.vector_store_idx %arg5[%get3A_340], %broadcast_in_dim3A_78 {add = true} : memref<98304xf32, #tpu.memory_space<vmem>>[vector<16xi32>], vector<16xf32>,
      %mul3A_341 = arith.constant 64 : i32
      %mul3A_342 = arith.muli %scan3A_325, %mul3A_341 : i32
      %add3A_343 = arith.constant 32 : i32
      %add3A_344 = arith.addi %mul3A_342, %add3A_343 : i32
      %get3A_345 = arith.constant 1 : i32
      %get3A_346 = arith.index_cast %get3A_345 : i32 to index
      %get3A_347 = arith.index_cast %add3A_344 : i32 to index
      %get3A_348 = tpu.vector_load %arg4[%get3A_346, %get3A_347] {strides = array<i32>} : memref<2x8192xi32, #tpu.memory_space<vmem>>, vector<16xi32>,
      tpu.vector_store_idx %arg5[%get3A_348], %broadcast_in_dim3A_78 {add = true} : memref<98304xf32, #tpu.memory_space<vmem>>[vector<16xi32>], vector<16xf32>,
      %mul3A_349 = arith.constant 64 : i32
      %mul3A_350 = arith.muli %scan3A_325, %mul3A_349 : i32
      %add3A_351 = arith.constant 48 : i32
      %add3A_352 = arith.addi %mul3A_350, %add3A_351 : i32
      %get3A_353 = arith.constant 1 : i32
      %get3A_354 = arith.index_cast %get3A_353 : i32 to index
      %get3A_355 = arith.index_cast %add3A_352 : i32 to index
      %get3A_356 = tpu.vector_load %arg4[%get3A_354, %get3A_355] {strides = array<i32>} : memref<2x8192xi32, #tpu.memory_space<vmem>>, vector<16xi32>,
      tpu.vector_store_idx %arg5[%get3A_356], %broadcast_in_dim3A_78 {add = true} : memref<98304xf32, #tpu.memory_space<vmem>>[vector<16xi32>], vector<16xf32>,
    }
    %scan3A_321 = arith.constant 128 : i32
    %mul3A_322 = arith.constant 16 : i32
    %mul3A_323 = arith.muli %arg0, %mul3A_322 : i32
    %add3A_324 = arith.addi %mul3A_323, %arg1 : i32
    "tpu.region"() ({
      %run_scoped3A = tpu.sem_alloc : memref<!tpu.dma_semaphore, #tpu.memory_space<semaphore_mem>>
      %dma_start3A_325 = arith.constant 0 : i32
      %dma_start3A_326 = tpu.memref_slice %arg3[%add3A_324, %dma_start3A_325] : memref<32x98304xf32, #tpu.memory_space<hbm>> -> memref<1x98304xf32, #tpu.memory_space<hbm>>
      %dma_start3A_327 = tpu.memref_squeeze %dma_start3A_326 : memref<1x98304xf32, #tpu.memory_space<hbm>> -> memref<98304xf32, #tpu.memory_space<hbm>>
      %dma_start3A_328 = arith.constant 0 : i32
      %dma_start3A_329 = tpu.memref_slice %arg3[%add3A_324, %dma_start3A_328] : memref<32x98304xf32, #tpu.memory_space<hbm>> -> memref<1x98304xf32, #tpu.memory_space<hbm>>
      %dma_start3A_330 = tpu.memref_squeeze %dma_start3A_329 : memref<1x98304xf32, #tpu.memory_space<hbm>> -> memref<98304xf32, #tpu.memory_space<hbm>>
      tpu.enqueue_dma source(%arg5 : memref<98304xf32, #tpu.memory_space<vmem>>) target(%dma_start3A_330 : memref<98304xf32, #tpu.memory_space<hbm>>) target_semaphore(%run_scoped3A : memref<!tpu.dma_semaphore, #tpu.memory_space<semaphore_mem>>)
      %dma_wait3A_331 = arith.constant 0 : i32
      %dma_wait3A_332 = tpu.memref_slice %arg3[%add3A_324, %dma_wait3A_331] : memref<32x98304xf32, #tpu.memory_space<hbm>> -> memref<1x98304xf32, #tpu.memory_space<hbm>>
      %dma_wait3A_333 = tpu.memref_squeeze %dma_wait3A_332 : memref<1x98304xf32, #tpu.memory_space<hbm>> -> memref<98304xf32, #tpu.memory_space<hbm>>
      %dma_wait3A_334 = arith.constant 0 : i32
      %dma_wait3A_335 = tpu.memref_slice %arg3[%add3A_324, %dma_wait3A_334] : memref<32x98304xf32, #tpu.memory_space<hbm>> -> memref<1x98304xf32, #tpu.memory_space<hbm>>
      %dma_wait3A_336 = tpu.memref_squeeze %dma_wait3A_335 : memref<1x98304xf32, #tpu.memory_space<hbm>> -> memref<98304xf32, #tpu.memory_space<hbm>>
      tpu.wait_dma2 semaphore(%run_scoped3A : memref<!tpu.dma_semaphore, #tpu.memory_space<semaphore_mem>>) src(%arg5 : memref<98304xf32, #tpu.memory_space<vmem>>) dst(%dma_wait3A_336 : memref<98304xf32, #tpu.memory_space<hbm>>)
      tpu.yield
    }) : () -> ()
    return
  }
}

module attributes {stable_mosaic.version = 14 : i64} {
  func.func @_idx_body(%arg0: i32, %arg1: memref<1x512x512xf32, #tpu.memory_space<vmem>>, %arg2: memref<1x512x512xi32, #tpu.memory_space<vmem>>, %arg3: memref<1x512x512xi32, #tpu.memory_space<vmem>>, %arg4: memref<8x1xf32, #tpu.memory_space<smem>>) attributes {dimension_semantics = [#tpu.dimension_semantics<arbitrary>], iteration_bounds = array<i64: 8>, scalar_prefetch = 0 : i64, scratch_operands = 0 : i64, tpu.core_type = #tpu.core_type<tc>, window_params = [{transform_indices = @transform_0, window_bounds = array<i64: 1, 512, 512>}, {transform_indices = @transform_1, window_bounds = array<i64: 1, 512, 512>}, {transform_indices = @transform_2, window_bounds = array<i64: 1, 512, 512>}, {transform_indices = @transform_3, window_bounds = array<i64: 8, 1>}]} {
    %get3A = arith.constant 0 : index
    %get3A_0 = arith.constant 0 : index
    %get3A_1 = arith.constant 0 : index
    %get3A_2 = vector.load %arg1[%get3A, %get3A_0, %get3A_1] : memref<1x512x512xf32, #tpu.memory_space<vmem>>, vector<1x512x512xf32>
    %get3A_3 = vector.shape_cast %get3A_2 : vector<1x512x512xf32> to vector<512x512xf32>
    %get3A_4 = arith.constant 0 : index
    %get3A_5 = arith.constant 0 : index
    %get3A_6 = arith.constant 0 : index
    %get3A_7 = vector.load %arg2[%get3A_4, %get3A_5, %get3A_6] : memref<1x512x512xi32, #tpu.memory_space<vmem>>, vector<1x512x512xi32>
    %get3A_8 = vector.shape_cast %get3A_7 : vector<1x512x512xi32> to vector<512x512xi32>
    %convert_element_type3A = arith.sitofp %get3A_8 : vector<512x512xi32> to vector<512x512xf32>
    %mul3A = arith.constant 2.000000e+00 : f32
    %mul3A_9 = vector.broadcast %mul3A : f32 to vector<512x512xf32>
    %mul3A_10 = arith.mulf %mul3A_9, %convert_element_type3A : vector<512x512xf32>
    %sub3A = arith.constant 1.000000e+00 : f32
    %sub3A_11 = vector.broadcast %sub3A : f32 to vector<512x512xf32>
    %sub3A_12 = arith.subf %mul3A_10, %sub3A_11 : vector<512x512xf32>
    %mul3A_13 = arith.mulf %get3A_3, %sub3A_12 : vector<512x512xf32>
    %sub3A_14 = arith.constant 1.000000e+00 : f32
    %sub3A_15 = vector.broadcast %sub3A_14 : f32 to vector<512x512xf32>
    %sub3A_16 = arith.subf %sub3A_15, %mul3A_13 : vector<512x512xf32>
    %bitcast_convert_type3A = tpu.bitcast %sub3A_16 : vector<512x512xf32> -> vector<512x512xi32>
    %gt3A = arith.constant 0.000000e+00 : f32
    %gt3A_17 = vector.broadcast %gt3A : f32 to vector<512x512xf32>
    %gt3A_18 = arith.cmpf ogt, %sub3A_16, %gt3A_17 : vector<512x512xf32>
    %shift_right_arithmetic3A = arith.constant 15 : i32
    %shift_right_arithmetic3A_19 = vector.broadcast %shift_right_arithmetic3A : i32 to vector<512x512xi32>
    %shift_right_arithmetic3A_20 = arith.shrsi %bitcast_convert_type3A, %shift_right_arithmetic3A_19 : vector<512x512xi32>
    %min3A = arith.constant 49151 : i32
    %min3A_21 = vector.broadcast %min3A : i32 to vector<512x512xi32>
    %min3A_22 = arith.minsi %shift_right_arithmetic3A_20, %min3A_21 : vector<512x512xi32>
    %jit3A = arith.constant 0 : i32
    %broadcast_in_dim3A = vector.broadcast %jit3A : i32 to vector<512x512xi32>
    %select_n3A = arith.select %gt3A_18, %min3A_22, %broadcast_in_dim3A : vector<512x512xi1>, vector<512x512xi32>
    %mul3A_23 = arith.constant 49152 : i32
    %mul3A_24 = vector.broadcast %mul3A_23 : i32 to vector<512x512xi32>
    %mul3A_25 = arith.muli %get3A_8, %mul3A_24 : vector<512x512xi32>
    %add3A = arith.addi %select_n3A, %mul3A_25 : vector<512x512xi32>
    %swap3A = arith.constant 0 : index
    %swap3A_26 = arith.constant 0 : index
    %swap3A_27 = arith.constant 0 : index
    %swap3A_28 = vector.load %arg3[%swap3A, %swap3A_26, %swap3A_27] : memref<1x512x512xi32, #tpu.memory_space<vmem>>, vector<1x512x512xi32>
    %swap3A_29 = vector.shape_cast %swap3A_28 : vector<1x512x512xi32> to vector<512x512xi32>
    %swap3A_30 = vector.shape_cast %add3A : vector<512x512xi32> to vector<1x512x512xi32>
    tpu.vector_store %arg3[%swap3A, %swap3A_26, %swap3A_27], %swap3A_30 {strides = array<i32>} : memref<1x512x512xi32, #tpu.memory_space<vmem>>, vector<1x512x512xi32>,
    %reduce_sum3A = vector.shape_cast %convert_element_type3A : vector<512x512xf32> to vector<1x512x512xf32>
    %reduce_sum3A_31 = arith.constant dense<0.000000e+00> : vector<1xf32>
    %reduce_sum3A_32 = vector.multi_reduction <add>, %reduce_sum3A, %reduce_sum3A_31 [1, 2] : vector<1x512x512xf32> to vector<1xf32>
    %reduce_sum3A_33 = vector.shape_cast %reduce_sum3A_32 : vector<1xf32> to vector<1x1x1xf32>
    %reduce_sum3A_34 = vector.extract %reduce_sum3A_33[0, 0, 0] : f32 from vector<1x1x1xf32>
    %swap3A_35 = arith.index_cast %arg0 : i32 to index
    %swap3A_36 = arith.constant 0 : index
    %swap3A_37 = memref.load %arg4[%swap3A_35, %swap3A_36] : memref<8x1xf32, #tpu.memory_space<smem>>
    memref.store %reduce_sum3A_34, %arg4[%swap3A_35, %swap3A_36] : memref<8x1xf32, #tpu.memory_space<smem>>
    return
  }
  func.func @transform_0(%arg0: i32) -> (i32, i32, i32) {
    %c0_i32 = arith.constant 0 : i32
    %c0_i32_0 = arith.constant 0 : i32
    %c0_i32_1 = arith.constant 0 : i32
    return %arg0, %c0_i32, %c0_i32_0 : i32, i32, i32
  }
  func.func @transform_1(%arg0: i32) -> (i32, i32, i32) {
    %c0_i32 = arith.constant 0 : i32
    %c0_i32_0 = arith.constant 0 : i32
    %c0_i32_1 = arith.constant 0 : i32
    return %arg0, %c0_i32, %c0_i32_0 : i32, i32, i32
  }
  func.func @transform_2(%arg0: i32) -> (i32, i32, i32) {
    %c0_i32 = arith.constant 0 : i32
    %c0_i32_0 = arith.constant 0 : i32
    %c0_i32_1 = arith.constant 0 : i32
    return %arg0, %c0_i32, %c0_i32_0 : i32, i32, i32
  }
  func.func @transform_3(%arg0: i32) -> (i32, i32) {
    %c0_i32 = arith.constant 0 : i32
    %c0_i32_0 = arith.constant 0 : i32
    %c0_i32_1 = arith.constant 0 : i32
    return %c0_i32, %c0_i32_0 : i32, i32
  }
}

module attributes {stable_mosaic.version = 14 : i64} {
  func.func @_tc_body(%arg0: i32, %arg1: memref<32x98304xf32, #tpu.memory_space<any>>, %arg2: memref<8x1xf32, #tpu.memory_space<smem>>, %arg3: memref<1x1xf32, #tpu.memory_space<smem>>, %arg4: memref<8xf32, #tpu.memory_space<smem>>, %arg5: memref<8xf32, #tpu.memory_space<smem>>, %arg6: memref<8xf32, #tpu.memory_space<smem>>, %arg7: memref<8xf32, #tpu.memory_space<smem>>, %arg8: memref<32x12288xf32, #tpu.memory_space<vmem>>, %arg9: memref<32x12288xf32, #tpu.memory_space<vmem>>, %arg10: memref<!tpu.dma_semaphore, #tpu.memory_space<semaphore_mem>>, %arg11: memref<!tpu.dma_semaphore, #tpu.memory_space<semaphore_mem>>) attributes {dimension_semantics = [#tpu.dimension_semantics<arbitrary>], iteration_bounds = array<i64: 4>, scalar_prefetch = 0 : i64, scratch_operands = 8 : i64, tpu.core_type = #tpu.core_type<tc>, window_params = [{}, {transform_indices = @transform_1, window_bounds = array<i64: 8, 1>}, {transform_indices = @transform_2, window_bounds = array<i64: 1, 1>}]} {
    %sub3A = arith.constant 3 : i32
    %sub3A_0 = arith.subi %sub3A, %arg0 : i32
    %eq3A = arith.constant 0 : i32
    %eq3A_1 = arith.cmpi eq, %arg0, %eq3A : i32
    %convert_element_type3A = arith.extui %eq3A_1 : i1 to i32
    %cond3A = arith.constant 0 : i32
    %cond3A_2 = arith.cmpi ne, %convert_element_type3A, %cond3A : i32
    scf.if %cond3A_2 {
      %swap3A_2169 = arith.constant 0.000000e+00 : f32
      %swap3A_2170 = arith.constant 0 : index
      %swap3A_2171 = memref.load %arg4[%swap3A_2170] : memref<8xf32, #tpu.memory_space<smem>>
      memref.store %swap3A_2169, %arg4[%swap3A_2170] : memref<8xf32, #tpu.memory_space<smem>>
      %swap3A_2172 = arith.constant 0.000000e+00 : f32
      %swap3A_2173 = arith.constant 0 : index
      %swap3A_2174 = memref.load %arg5[%swap3A_2173] : memref<8xf32, #tpu.memory_space<smem>>
      memref.store %swap3A_2172, %arg5[%swap3A_2173] : memref<8xf32, #tpu.memory_space<smem>>
      %swap3A_2175 = arith.constant 0.000000e+00 : f32
      %swap3A_2176 = arith.constant 0 : index
      %swap3A_2177 = memref.load %arg6[%swap3A_2176] : memref<8xf32, #tpu.memory_space<smem>>
      memref.store %swap3A_2175, %arg6[%swap3A_2176] : memref<8xf32, #tpu.memory_space<smem>>
      %swap3A_2178 = arith.constant 0.000000e+00 : f32
      %swap3A_2179 = arith.constant 0 : index
      %swap3A_2180 = memref.load %arg7[%swap3A_2179] : memref<8xf32, #tpu.memory_space<smem>>
      memref.store %swap3A_2178, %arg7[%swap3A_2179] : memref<8xf32, #tpu.memory_space<smem>>
      %swap3A_2181 = arith.constant 0.000000e+00 : f32
      %swap3A_2182 = arith.constant 1 : index
      %swap3A_2183 = memref.load %arg4[%swap3A_2182] : memref<8xf32, #tpu.memory_space<smem>>
      memref.store %swap3A_2181, %arg4[%swap3A_2182] : memref<8xf32, #tpu.memory_space<smem>>
      %swap3A_2184 = arith.constant 0.000000e+00 : f32
      %swap3A_2185 = arith.constant 1 : index
      %swap3A_2186 = memref.load %arg5[%swap3A_2185] : memref<8xf32, #tpu.memory_space<smem>>
      memref.store %swap3A_2184, %arg5[%swap3A_2185] : memref<8xf32, #tpu.memory_space<smem>>
      %swap3A_2187 = arith.constant 0.000000e+00 : f32
      %swap3A_2188 = arith.constant 1 : index
      %swap3A_2189 = memref.load %arg6[%swap3A_2188] : memref<8xf32, #tpu.memory_space<smem>>
      memref.store %swap3A_2187, %arg6[%swap3A_2188] : memref<8xf32, #tpu.memory_space<smem>>
      %swap3A_2190 = arith.constant 0.000000e+00 : f32
      %swap3A_2191 = arith.constant 1 : index
      %swap3A_2192 = memref.load %arg7[%swap3A_2191] : memref<8xf32, #tpu.memory_space<smem>>
      memref.store %swap3A_2190, %arg7[%swap3A_2191] : memref<8xf32, #tpu.memory_space<smem>>
      %swap3A_2193 = arith.constant 0.000000e+00 : f32
      %swap3A_2194 = arith.constant 2 : index
      %swap3A_2195 = memref.load %arg4[%swap3A_2194] : memref<8xf32, #tpu.memory_space<smem>>
      memref.store %swap3A_2193, %arg4[%swap3A_2194] : memref<8xf32, #tpu.memory_space<smem>>
      %swap3A_2196 = arith.constant 0.000000e+00 : f32
      %swap3A_2197 = arith.constant 2 : index
      %swap3A_2198 = memref.load %arg5[%swap3A_2197] : memref<8xf32, #tpu.memory_space<smem>>
      memref.store %swap3A_2196, %arg5[%swap3A_2197] : memref<8xf32, #tpu.memory_space<smem>>
      %swap3A_2199 = arith.constant 0.000000e+00 : f32
      %swap3A_2200 = arith.constant 2 : index
      %swap3A_2201 = memref.load %arg6[%swap3A_2200] : memref<8xf32, #tpu.memory_space<smem>>
      memref.store %swap3A_2199, %arg6[%swap3A_2200] : memref<8xf32, #tpu.memory_space<smem>>
      %swap3A_2202 = arith.constant 0.000000e+00 : f32
      %swap3A_2203 = arith.constant 2 : index
      %swap3A_2204 = memref.load %arg7[%swap3A_2203] : memref<8xf32, #tpu.memory_space<smem>>
      memref.store %swap3A_2202, %arg7[%swap3A_2203] : memref<8xf32, #tpu.memory_space<smem>>
      %swap3A_2205 = arith.constant 0.000000e+00 : f32
      %swap3A_2206 = arith.constant 3 : index
      %swap3A_2207 = memref.load %arg4[%swap3A_2206] : memref<8xf32, #tpu.memory_space<smem>>
      memref.store %swap3A_2205, %arg4[%swap3A_2206] : memref<8xf32, #tpu.memory_space<smem>>
      %swap3A_2208 = arith.constant 0.000000e+00 : f32
      %swap3A_2209 = arith.constant 3 : index
      %swap3A_2210 = memref.load %arg5[%swap3A_2209] : memref<8xf32, #tpu.memory_space<smem>>
      memref.store %swap3A_2208, %arg5[%swap3A_2209] : memref<8xf32, #tpu.memory_space<smem>>
      %swap3A_2211 = arith.constant 0.000000e+00 : f32
      %swap3A_2212 = arith.constant 3 : index
      %swap3A_2213 = memref.load %arg6[%swap3A_2212] : memref<8xf32, #tpu.memory_space<smem>>
      memref.store %swap3A_2211, %arg6[%swap3A_2212] : memref<8xf32, #tpu.memory_space<smem>>
      %swap3A_2214 = arith.constant 0.000000e+00 : f32
      %swap3A_2215 = arith.constant 3 : index
      %swap3A_2216 = memref.load %arg7[%swap3A_2215] : memref<8xf32, #tpu.memory_space<smem>>
      memref.store %swap3A_2214, %arg7[%swap3A_2215] : memref<8xf32, #tpu.memory_space<smem>>
      %swap3A_2217 = arith.constant 0.000000e+00 : f32
      %swap3A_2218 = arith.constant 4 : index
      %swap3A_2219 = memref.load %arg4[%swap3A_2218] : memref<8xf32, #tpu.memory_space<smem>>
      memref.store %swap3A_2217, %arg4[%swap3A_2218] : memref<8xf32, #tpu.memory_space<smem>>
      %swap3A_2220 = arith.constant 0.000000e+00 : f32
      %swap3A_2221 = arith.constant 4 : index
      %swap3A_2222 = memref.load %arg5[%swap3A_2221] : memref<8xf32, #tpu.memory_space<smem>>
      memref.store %swap3A_2220, %arg5[%swap3A_2221] : memref<8xf32, #tpu.memory_space<smem>>
      %swap3A_2223 = arith.constant 0.000000e+00 : f32
      %swap3A_2224 = arith.constant 4 : index
      %swap3A_2225 = memref.load %arg6[%swap3A_2224] : memref<8xf32, #tpu.memory_space<smem>>
      memref.store %swap3A_2223, %arg6[%swap3A_2224] : memref<8xf32, #tpu.memory_space<smem>>
      %swap3A_2226 = arith.constant 0.000000e+00 : f32
      %swap3A_2227 = arith.constant 4 : index
      %swap3A_2228 = memref.load %arg7[%swap3A_2227] : memref<8xf32, #tpu.memory_space<smem>>
      memref.store %swap3A_2226, %arg7[%swap3A_2227] : memref<8xf32, #tpu.memory_space<smem>>
      %swap3A_2229 = arith.constant 0.000000e+00 : f32
      %swap3A_2230 = arith.constant 5 : index
      %swap3A_2231 = memref.load %arg4[%swap3A_2230] : memref<8xf32, #tpu.memory_space<smem>>
      memref.store %swap3A_2229, %arg4[%swap3A_2230] : memref<8xf32, #tpu.memory_space<smem>>
      %swap3A_2232 = arith.constant 0.000000e+00 : f32
      %swap3A_2233 = arith.constant 5 : index
      %swap3A_2234 = memref.load %arg5[%swap3A_2233] : memref<8xf32, #tpu.memory_space<smem>>
      memref.store %swap3A_2232, %arg5[%swap3A_2233] : memref<8xf32, #tpu.memory_space<smem>>
      %swap3A_2235 = arith.constant 0.000000e+00 : f32
      %swap3A_2236 = arith.constant 5 : index
      %swap3A_2237 = memref.load %arg6[%swap3A_2236] : memref<8xf32, #tpu.memory_space<smem>>
      memref.store %swap3A_2235, %arg6[%swap3A_2236] : memref<8xf32, #tpu.memory_space<smem>>
      %swap3A_2238 = arith.constant 0.000000e+00 : f32
      %swap3A_2239 = arith.constant 5 : index
      %swap3A_2240 = memref.load %arg7[%swap3A_2239] : memref<8xf32, #tpu.memory_space<smem>>
      memref.store %swap3A_2238, %arg7[%swap3A_2239] : memref<8xf32, #tpu.memory_space<smem>>
      %swap3A_2241 = arith.constant 0.000000e+00 : f32
      %swap3A_2242 = arith.constant 6 : index
      %swap3A_2243 = memref.load %arg4[%swap3A_2242] : memref<8xf32, #tpu.memory_space<smem>>
      memref.store %swap3A_2241, %arg4[%swap3A_2242] : memref<8xf32, #tpu.memory_space<smem>>
      %swap3A_2244 = arith.constant 0.000000e+00 : f32
      %swap3A_2245 = arith.constant 6 : index
      %swap3A_2246 = memref.load %arg5[%swap3A_2245] : memref<8xf32, #tpu.memory_space<smem>>
      memref.store %swap3A_2244, %arg5[%swap3A_2245] : memref<8xf32, #tpu.memory_space<smem>>
      %swap3A_2247 = arith.constant 0.000000e+00 : f32
      %swap3A_2248 = arith.constant 6 : index
      %swap3A_2249 = memref.load %arg6[%swap3A_2248] : memref<8xf32, #tpu.memory_space<smem>>
      memref.store %swap3A_2247, %arg6[%swap3A_2248] : memref<8xf32, #tpu.memory_space<smem>>
      %swap3A_2250 = arith.constant 0.000000e+00 : f32
      %swap3A_2251 = arith.constant 6 : index
      %swap3A_2252 = memref.load %arg7[%swap3A_2251] : memref<8xf32, #tpu.memory_space<smem>>
      memref.store %swap3A_2250, %arg7[%swap3A_2251] : memref<8xf32, #tpu.memory_space<smem>>
      %swap3A_2253 = arith.constant 0.000000e+00 : f32
      %swap3A_2254 = arith.constant 7 : index
      %swap3A_2255 = memref.load %arg4[%swap3A_2254] : memref<8xf32, #tpu.memory_space<smem>>
      memref.store %swap3A_2253, %arg4[%swap3A_2254] : memref<8xf32, #tpu.memory_space<smem>>
      %swap3A_2256 = arith.constant 0.000000e+00 : f32
      %swap3A_2257 = arith.constant 7 : index
      %swap3A_2258 = memref.load %arg5[%swap3A_2257] : memref<8xf32, #tpu.memory_space<smem>>
      memref.store %swap3A_2256, %arg5[%swap3A_2257] : memref<8xf32, #tpu.memory_space<smem>>
      %swap3A_2259 = arith.constant 0.000000e+00 : f32
      %swap3A_2260 = arith.constant 7 : index
      %swap3A_2261 = memref.load %arg6[%swap3A_2260] : memref<8xf32, #tpu.memory_space<smem>>
      memref.store %swap3A_2259, %arg6[%swap3A_2260] : memref<8xf32, #tpu.memory_space<smem>>
      %swap3A_2262 = arith.constant 0.000000e+00 : f32
      %swap3A_2263 = arith.constant 7 : index
      %swap3A_2264 = memref.load %arg7[%swap3A_2263] : memref<8xf32, #tpu.memory_space<smem>>
      memref.store %swap3A_2262, %arg7[%swap3A_2263] : memref<8xf32, #tpu.memory_space<smem>>
    } else {
    }
    %mul3A = arith.constant 96 : i32
    %mul3A_3 = arith.muli %sub3A_0, %mul3A : i32
    %mul3A_4 = arith.constant 128 : i32
    %mul3A_5 = arith.muli %mul3A_3, %mul3A_4 : i32
    %dma_start3A = arith.constant 0 : i32
    %dma_start3A_6 = tpu.memref_slice %arg1[%dma_start3A, %mul3A_5] : memref<32x98304xf32, #tpu.memory_space<any>> -> memref<32x12288xf32, #tpu.memory_space<any>>
    tpu.enqueue_dma source(%dma_start3A_6 : memref<32x12288xf32, #tpu.memory_space<any>>) target(%arg8 : memref<32x12288xf32, #tpu.memory_space<vmem>>) target_semaphore(%arg10 : memref<!tpu.dma_semaphore, #tpu.memory_space<semaphore_mem>>)
    %add3A = arith.constant 49152 : i32
    %add3A_7 = arith.addi %add3A, %mul3A_5 : i32
    %dma_start3A_8 = arith.constant 0 : i32
    %dma_start3A_9 = tpu.memref_slice %arg1[%dma_start3A_8, %add3A_7] : memref<32x98304xf32, #tpu.memory_space<any>> -> memref<32x12288xf32, #tpu.memory_space<any>>
    tpu.enqueue_dma source(%dma_start3A_9 : memref<32x12288xf32, #tpu.memory_space<any>>) target(%arg9 : memref<32x12288xf32, #tpu.memory_space<vmem>>) target_semaphore(%arg11 : memref<!tpu.dma_semaphore, #tpu.memory_space<semaphore_mem>>)
    %dma_wait3A = arith.constant 0 : i32
    %dma_wait3A_10 = tpu.memref_slice %arg1[%dma_wait3A, %mul3A_5] : memref<32x98304xf32, #tpu.memory_space<any>> -> memref<32x12288xf32, #tpu.memory_space<any>>
    tpu.wait_dma2 semaphore(%arg10 : memref<!tpu.dma_semaphore, #tpu.memory_space<semaphore_mem>>) src(%dma_wait3A_10 : memref<32x12288xf32, #tpu.memory_space<any>>) dst(%arg8 : memref<32x12288xf32, #tpu.memory_space<vmem>>)
    %dma_wait3A_11 = arith.constant 0 : i32
    %dma_wait3A_12 = tpu.memref_slice %arg1[%dma_wait3A_11, %add3A_7] : memref<32x98304xf32, #tpu.memory_space<any>> -> memref<32x12288xf32, #tpu.memory_space<any>>
    tpu.wait_dma2 semaphore(%arg11 : memref<!tpu.dma_semaphore, #tpu.memory_space<semaphore_mem>>) src(%dma_wait3A_12 : memref<32x12288xf32, #tpu.memory_space<any>>) dst(%arg9 : memref<32x12288xf32, #tpu.memory_space<vmem>>)
    %iota3A = tpu.iota {dimensions = array<i32: 0>} : vector<96x128xi32>
    %mul3A_13 = arith.constant 128 : i32
    %mul3A_14 = vector.broadcast %mul3A_13 : i32 to vector<96x128xi32>
    %mul3A_15 = arith.muli %iota3A, %mul3A_14 : vector<96x128xi32>
    %add3A_16 = vector.broadcast %mul3A_5 : i32 to vector<96x128xi32>
    %add3A_17 = arith.addi %add3A_16, %mul3A_15 : vector<96x128xi32>
    %iota3A_18 = tpu.iota {dimensions = array<i32: 1>} : vector<96x128xi32>
    %add3A_19 = arith.addi %add3A_17, %iota3A_18 : vector<96x128xi32>
    %shift_left3A = arith.constant 15 : i32
    %shift_left3A_20 = vector.broadcast %shift_left3A : i32 to vector<96x128xi32>
    %shift_left3A_21 = arith.shli %add3A_19, %shift_left3A_20 : vector<96x128xi32>
    %add3A_22 = arith.constant 16384 : i32
    %add3A_23 = vector.broadcast %add3A_22 : i32 to vector<96x128xi32>
    %add3A_24 = arith.addi %shift_left3A_21, %add3A_23 : vector<96x128xi32>
    %bitcast_convert_type3A = tpu.bitcast %add3A_24 : vector<96x128xi32> -> vector<96x128xf32>
    %get3A = arith.constant 0 : index
    %get3A_25 = arith.constant 0 : index
    %get3A_26 = vector.load %arg8[%get3A, %get3A_25] : memref<32x12288xf32, #tpu.memory_space<vmem>>, vector<1x12288xf32>
    %get3A_27 = vector.shape_cast %get3A_26 : vector<1x12288xf32> to vector<12288xf32>
    %get3A_28 = arith.constant 1 : index
    %get3A_29 = arith.constant 0 : index
    %get3A_30 = vector.load %arg8[%get3A_28, %get3A_29] : memref<32x12288xf32, #tpu.memory_space<vmem>>, vector<1x12288xf32>
    %get3A_31 = vector.shape_cast %get3A_30 : vector<1x12288xf32> to vector<12288xf32>
    %add3A_32 = arith.addf %get3A_27, %get3A_31 : vector<12288xf32>
    %get3A_33 = arith.constant 2 : index
    %get3A_34 = arith.constant 0 : index
    %get3A_35 = vector.load %arg8[%get3A_33, %get3A_34] : memref<32x12288xf32, #tpu.memory_space<vmem>>, vector<1x12288xf32>
    %get3A_36 = vector.shape_cast %get3A_35 : vector<1x12288xf32> to vector<12288xf32>
    %add3A_37 = arith.addf %add3A_32, %get3A_36 : vector<12288xf32>
    %get3A_38 = arith.constant 3 : index
    %get3A_39 = arith.constant 0 : index
    %get3A_40 = vector.load %arg8[%get3A_38, %get3A_39] : memref<32x12288xf32, #tpu.memory_space<vmem>>, vector<1x12288xf32>
    %get3A_41 = vector.shape_cast %get3A_40 : vector<1x12288xf32> to vector<12288xf32>
    %add3A_42 = arith.addf %add3A_37, %get3A_41 : vector<12288xf32>
    %reshape3A = vector.shape_cast %add3A_42 : vector<12288xf32> to vector<96x128xf32>
    %get3A_43 = arith.constant 0 : index
    %get3A_44 = arith.constant 0 : index
    %get3A_45 = vector.load %arg9[%get3A_43, %get3A_44] : memref<32x12288xf32, #tpu.memory_space<vmem>>, vector<1x12288xf32>
    %get3A_46 = vector.shape_cast %get3A_45 : vector<1x12288xf32> to vector<12288xf32>
    %get3A_47 = arith.constant 1 : index
    %get3A_48 = arith.constant 0 : index
    %get3A_49 = vector.load %arg9[%get3A_47, %get3A_48] : memref<32x12288xf32, #tpu.memory_space<vmem>>, vector<1x12288xf32>
    %get3A_50 = vector.shape_cast %get3A_49 : vector<1x12288xf32> to vector<12288xf32>
    %add3A_51 = arith.addf %get3A_46, %get3A_50 : vector<12288xf32>
    %get3A_52 = arith.constant 2 : index
    %get3A_53 = arith.constant 0 : index
    %get3A_54 = vector.load %arg9[%get3A_52, %get3A_53] : memref<32x12288xf32, #tpu.memory_space<vmem>>, vector<1x12288xf32>
    %get3A_55 = vector.shape_cast %get3A_54 : vector<1x12288xf32> to vector<12288xf32>
    %add3A_56 = arith.addf %add3A_51, %get3A_55 : vector<12288xf32>
    %get3A_57 = arith.constant 3 : index
    %get3A_58 = arith.constant 0 : index
    %get3A_59 = vector.load %arg9[%get3A_57, %get3A_58] : memref<32x12288xf32, #tpu.memory_space<vmem>>, vector<1x12288xf32>
    %get3A_60 = vector.shape_cast %get3A_59 : vector<1x12288xf32> to vector<12288xf32>
    %add3A_61 = arith.addf %add3A_56, %get3A_60 : vector<12288xf32>
    %reshape3A_62 = vector.shape_cast %add3A_61 : vector<12288xf32> to vector<96x128xf32>
    %get3A_63 = arith.constant 0 : index
    %get3A_64 = arith.constant 0 : index
    %get3A_65 = memref.load %arg2[%get3A_63, %get3A_64] : memref<8x1xf32, #tpu.memory_space<smem>>
    %broadcast_in_dim3A = arith.constant 0.000000e+00 : f32
    %broadcast_in_dim3A_66 = vector.broadcast %broadcast_in_dim3A : f32 to vector<96x1xf32>
    %slice3A = vector.extract_strided_slice %reshape3A {offsets = [0, 0], sizes = [96, 127], strides = [1, 1]} : vector<96x128xf32> to vector<96x127xf32>
    %concatenate3A = tpu.concatenate %broadcast_in_dim3A_66, %slice3A in 1 : vector<96x1xf32>, vector<96x127xf32> -> vector<96x128xf32>
    %add3A_67 = arith.addf %reshape3A, %concatenate3A : vector<96x128xf32>
    %broadcast_in_dim3A_68 = arith.constant 0.000000e+00 : f32
    %broadcast_in_dim3A_69 = vector.broadcast %broadcast_in_dim3A_68 : f32 to vector<96x2xf32>
    %slice3A_70 = vector.extract_strided_slice %add3A_67 {offsets = [0, 0], sizes = [96, 126], strides = [1, 1]} : vector<96x128xf32> to vector<96x126xf32>
    %concatenate3A_71 = tpu.concatenate %broadcast_in_dim3A_69, %slice3A_70 in 1 : vector<96x2xf32>, vector<96x126xf32> -> vector<96x128xf32>
    %add3A_72 = arith.addf %add3A_67, %concatenate3A_71 : vector<96x128xf32>
    %broadcast_in_dim3A_73 = arith.constant 0.000000e+00 : f32
    %broadcast_in_dim3A_74 = vector.broadcast %broadcast_in_dim3A_73 : f32 to vector<96x4xf32>
    %slice3A_75 = vector.extract_strided_slice %add3A_72 {offsets = [0, 0], sizes = [96, 124], strides = [1, 1]} : vector<96x128xf32> to vector<96x124xf32>
    %concatenate3A_76 = tpu.concatenate %broadcast_in_dim3A_74, %slice3A_75 in 1 : vector<96x4xf32>, vector<96x124xf32> -> vector<96x128xf32>
    %add3A_77 = arith.addf %add3A_72, %concatenate3A_76 : vector<96x128xf32>
    %broadcast_in_dim3A_78 = arith.constant 0.000000e+00 : f32
    %broadcast_in_dim3A_79 = vector.broadcast %broadcast_in_dim3A_78 : f32 to vector<96x8xf32>
    %slice3A_80 = vector.extract_strided_slice %add3A_77 {offsets = [0, 0], sizes = [96, 120], strides = [1, 1]} : vector<96x128xf32> to vector<96x120xf32>
    %concatenate3A_81 = tpu.concatenate %broadcast_in_dim3A_79, %slice3A_80 in 1 : vector<96x8xf32>, vector<96x120xf32> -> vector<96x128xf32>
    %add3A_82 = arith.addf %add3A_77, %concatenate3A_81 : vector<96x128xf32>
    %broadcast_in_dim3A_83 = arith.constant 0.000000e+00 : f32
    %broadcast_in_dim3A_84 = vector.broadcast %broadcast_in_dim3A_83 : f32 to vector<96x16xf32>
    %slice3A_85 = vector.extract_strided_slice %add3A_82 {offsets = [0, 0], sizes = [96, 112], strides = [1, 1]} : vector<96x128xf32> to vector<96x112xf32>
    %concatenate3A_86 = tpu.concatenate %broadcast_in_dim3A_84, %slice3A_85 in 1 : vector<96x16xf32>, vector<96x112xf32> -> vector<96x128xf32>
    %add3A_87 = arith.addf %add3A_82, %concatenate3A_86 : vector<96x128xf32>
    %broadcast_in_dim3A_88 = arith.constant 0.000000e+00 : f32
    %broadcast_in_dim3A_89 = vector.broadcast %broadcast_in_dim3A_88 : f32 to vector<96x32xf32>
    %slice3A_90 = vector.extract_strided_slice %add3A_87 {offsets = [0, 0], sizes = [96, 96], strides = [1, 1]} : vector<96x128xf32> to vector<96x96xf32>
    %concatenate3A_91 = tpu.concatenate %broadcast_in_dim3A_89, %slice3A_90 in 1 : vector<96x32xf32>, vector<96x96xf32> -> vector<96x128xf32>
    %add3A_92 = arith.addf %add3A_87, %concatenate3A_91 : vector<96x128xf32>
    %broadcast_in_dim3A_93 = arith.constant 0.000000e+00 : f32
    %broadcast_in_dim3A_94 = vector.broadcast %broadcast_in_dim3A_93 : f32 to vector<96x64xf32>
    %slice3A_95 = vector.extract_strided_slice %add3A_92 {offsets = [0, 0], sizes = [96, 64], strides = [1, 1]} : vector<96x128xf32> to vector<96x64xf32>
    %concatenate3A_96 = tpu.concatenate %broadcast_in_dim3A_94, %slice3A_95 in 1 : vector<96x64xf32>, vector<96x64xf32> -> vector<96x128xf32>
    %add3A_97 = arith.addf %add3A_92, %concatenate3A_96 : vector<96x128xf32>
    %reduce_sum3A = arith.constant dense<0.000000e+00> : vector<96xf32>
    %reduce_sum3A_98 = vector.multi_reduction <add>, %reshape3A, %reduce_sum3A [1] : vector<96x128xf32> to vector<96xf32>
    %broadcast_in_dim3A_99 = vector.shape_cast %reduce_sum3A_98 : vector<96xf32> to vector<96x1xf32>
    %broadcast_in_dim3A_100 = arith.constant 0.000000e+00 : f32
    %broadcast_in_dim3A_101 = vector.broadcast %broadcast_in_dim3A_100 : f32 to vector<1x1xf32>
    %slice3A_102 = vector.extract_strided_slice %broadcast_in_dim3A_99 {offsets = [0, 0], sizes = [95, 1], strides = [1, 1]} : vector<96x1xf32> to vector<95x1xf32>
    %concatenate3A_103 = tpu.concatenate %broadcast_in_dim3A_101, %slice3A_102 in 0 : vector<1x1xf32>, vector<95x1xf32> -> vector<96x1xf32>
    %add3A_104 = arith.addf %broadcast_in_dim3A_99, %concatenate3A_103 : vector<96x1xf32>
    %broadcast_in_dim3A_105 = arith.constant 0.000000e+00 : f32
    %broadcast_in_dim3A_106 = vector.broadcast %broadcast_in_dim3A_105 : f32 to vector<2x1xf32>
    %slice3A_107 = vector.extract_strided_slice %add3A_104 {offsets = [0, 0], sizes = [94, 1], strides = [1, 1]} : vector<96x1xf32> to vector<94x1xf32>
    %concatenate3A_108 = tpu.concatenate %broadcast_in_dim3A_106, %slice3A_107 in 0 : vector<2x1xf32>, vector<94x1xf32> -> vector<96x1xf32>
    %add3A_109 = arith.addf %add3A_104, %concatenate3A_108 : vector<96x1xf32>
    %broadcast_in_dim3A_110 = arith.constant 0.000000e+00 : f32
    %broadcast_in_dim3A_111 = vector.broadcast %broadcast_in_dim3A_110 : f32 to vector<4x1xf32>
    %slice3A_112 = vector.extract_strided_slice %add3A_109 {offsets = [0, 0], sizes = [92, 1], strides = [1, 1]} : vector<96x1xf32> to vector<92x1xf32>
    %concatenate3A_113 = tpu.concatenate %broadcast_in_dim3A_111, %slice3A_112 in 0 : vector<4x1xf32>, vector<92x1xf32> -> vector<96x1xf32>
    %add3A_114 = arith.addf %add3A_109, %concatenate3A_113 : vector<96x1xf32>
    %broadcast_in_dim3A_115 = arith.constant 0.000000e+00 : f32
    %broadcast_in_dim3A_116 = vector.broadcast %broadcast_in_dim3A_115 : f32 to vector<8x1xf32>
    %slice3A_117 = vector.extract_strided_slice %add3A_114 {offsets = [0, 0], sizes = [88, 1], strides = [1, 1]} : vector<96x1xf32> to vector<88x1xf32>
    %concatenate3A_118 = tpu.concatenate %broadcast_in_dim3A_116, %slice3A_117 in 0 : vector<8x1xf32>, vector<88x1xf32> -> vector<96x1xf32>
    %add3A_119 = arith.addf %add3A_114, %concatenate3A_118 : vector<96x1xf32>
    %broadcast_in_dim3A_120 = arith.constant 0.000000e+00 : f32
    %broadcast_in_dim3A_121 = vector.broadcast %broadcast_in_dim3A_120 : f32 to vector<16x1xf32>
    %slice3A_122 = vector.extract_strided_slice %add3A_119 {offsets = [0, 0], sizes = [80, 1], strides = [1, 1]} : vector<96x1xf32> to vector<80x1xf32>
    %concatenate3A_123 = tpu.concatenate %broadcast_in_dim3A_121, %slice3A_122 in 0 : vector<16x1xf32>, vector<80x1xf32> -> vector<96x1xf32>
    %add3A_124 = arith.addf %add3A_119, %concatenate3A_123 : vector<96x1xf32>
    %broadcast_in_dim3A_125 = arith.constant 0.000000e+00 : f32
    %broadcast_in_dim3A_126 = vector.broadcast %broadcast_in_dim3A_125 : f32 to vector<32x1xf32>
    %slice3A_127 = vector.extract_strided_slice %add3A_124 {offsets = [0, 0], sizes = [64, 1], strides = [1, 1]} : vector<96x1xf32> to vector<64x1xf32>
    %concatenate3A_128 = tpu.concatenate %broadcast_in_dim3A_126, %slice3A_127 in 0 : vector<32x1xf32>, vector<64x1xf32> -> vector<96x1xf32>
    %add3A_129 = arith.addf %add3A_124, %concatenate3A_128 : vector<96x1xf32>
    %broadcast_in_dim3A_130 = arith.constant 0.000000e+00 : f32
    %broadcast_in_dim3A_131 = vector.broadcast %broadcast_in_dim3A_130 : f32 to vector<64x1xf32>
    %slice3A_132 = vector.extract_strided_slice %add3A_129 {offsets = [0, 0], sizes = [32, 1], strides = [1, 1]} : vector<96x1xf32> to vector<32x1xf32>
    %concatenate3A_133 = tpu.concatenate %broadcast_in_dim3A_131, %slice3A_132 in 0 : vector<64x1xf32>, vector<32x1xf32> -> vector<96x1xf32>
    %add3A_134 = arith.addf %add3A_129, %concatenate3A_133 : vector<96x1xf32>
    %reduce_sum3A_135 = vector.shape_cast %reshape3A : vector<96x128xf32> to vector<1x96x128xf32>
    %reduce_sum3A_136 = arith.constant dense<0.000000e+00> : vector<1xf32>
    %reduce_sum3A_137 = vector.multi_reduction <add>, %reduce_sum3A_135, %reduce_sum3A_136 [1, 2] : vector<1x96x128xf32> to vector<1xf32>
    %reduce_sum3A_138 = vector.shape_cast %reduce_sum3A_137 : vector<1xf32> to vector<1x1x1xf32>
    %reduce_sum3A_139 = vector.extract %reduce_sum3A_138[0, 0, 0] : f32 from vector<1x1x1xf32>
    %sub3A_140 = vector.broadcast %reduce_sum3A_139 : f32 to vector<96x1xf32>
    %sub3A_141 = arith.subf %sub3A_140, %add3A_134 : vector<96x1xf32>
    %sub3A_142 = vector.broadcast %broadcast_in_dim3A_99 : vector<96x1xf32> to vector<96x128xf32>
    %sub3A_143 = arith.subf %sub3A_142, %add3A_97 : vector<96x128xf32>
    %add3A_144 = vector.broadcast %sub3A_141 : vector<96x1xf32> to vector<96x128xf32>
    %add3A_145 = arith.addf %add3A_144, %sub3A_143 : vector<96x128xf32>
    %broadcast_in_dim3A_146 = arith.constant 0.000000e+00 : f32
    %broadcast_in_dim3A_147 = vector.broadcast %broadcast_in_dim3A_146 : f32 to vector<96x1xf32>
    %slice3A_148 = vector.extract_strided_slice %reshape3A_62 {offsets = [0, 0], sizes = [96, 127], strides = [1, 1]} : vector<96x128xf32> to vector<96x127xf32>
    %concatenate3A_149 = tpu.concatenate %broadcast_in_dim3A_147, %slice3A_148 in 1 : vector<96x1xf32>, vector<96x127xf32> -> vector<96x128xf32>
    %add3A_150 = arith.addf %reshape3A_62, %concatenate3A_149 : vector<96x128xf32>
    %broadcast_in_dim3A_151 = arith.constant 0.000000e+00 : f32
    %broadcast_in_dim3A_152 = vector.broadcast %broadcast_in_dim3A_151 : f32 to vector<96x2xf32>
    %slice3A_153 = vector.extract_strided_slice %add3A_150 {offsets = [0, 0], sizes = [96, 126], strides = [1, 1]} : vector<96x128xf32> to vector<96x126xf32>
    %concatenate3A_154 = tpu.concatenate %broadcast_in_dim3A_152, %slice3A_153 in 1 : vector<96x2xf32>, vector<96x126xf32> -> vector<96x128xf32>
    %add3A_155 = arith.addf %add3A_150, %concatenate3A_154 : vector<96x128xf32>
    %broadcast_in_dim3A_156 = arith.constant 0.000000e+00 : f32
    %broadcast_in_dim3A_157 = vector.broadcast %broadcast_in_dim3A_156 : f32 to vector<96x4xf32>
    %slice3A_158 = vector.extract_strided_slice %add3A_155 {offsets = [0, 0], sizes = [96, 124], strides = [1, 1]} : vector<96x128xf32> to vector<96x124xf32>
    %concatenate3A_159 = tpu.concatenate %broadcast_in_dim3A_157, %slice3A_158 in 1 : vector<96x4xf32>, vector<96x124xf32> -> vector<96x128xf32>
    %add3A_160 = arith.addf %add3A_155, %concatenate3A_159 : vector<96x128xf32>
    %broadcast_in_dim3A_161 = arith.constant 0.000000e+00 : f32
    %broadcast_in_dim3A_162 = vector.broadcast %broadcast_in_dim3A_161 : f32 to vector<96x8xf32>
    %slice3A_163 = vector.extract_strided_slice %add3A_160 {offsets = [0, 0], sizes = [96, 120], strides = [1, 1]} : vector<96x128xf32> to vector<96x120xf32>
    %concatenate3A_164 = tpu.concatenate %broadcast_in_dim3A_162, %slice3A_163 in 1 : vector<96x8xf32>, vector<96x120xf32> -> vector<96x128xf32>
    %add3A_165 = arith.addf %add3A_160, %concatenate3A_164 : vector<96x128xf32>
    %broadcast_in_dim3A_166 = arith.constant 0.000000e+00 : f32
    %broadcast_in_dim3A_167 = vector.broadcast %broadcast_in_dim3A_166 : f32 to vector<96x16xf32>
    %slice3A_168 = vector.extract_strided_slice %add3A_165 {offsets = [0, 0], sizes = [96, 112], strides = [1, 1]} : vector<96x128xf32> to vector<96x112xf32>
    %concatenate3A_169 = tpu.concatenate %broadcast_in_dim3A_167, %slice3A_168 in 1 : vector<96x16xf32>, vector<96x112xf32> -> vector<96x128xf32>
    %add3A_170 = arith.addf %add3A_165, %concatenate3A_169 : vector<96x128xf32>
    %broadcast_in_dim3A_171 = arith.constant 0.000000e+00 : f32
    %broadcast_in_dim3A_172 = vector.broadcast %broadcast_in_dim3A_171 : f32 to vector<96x32xf32>
    %slice3A_173 = vector.extract_strided_slice %add3A_170 {offsets = [0, 0], sizes = [96, 96], strides = [1, 1]} : vector<96x128xf32> to vector<96x96xf32>
    %concatenate3A_174 = tpu.concatenate %broadcast_in_dim3A_172, %slice3A_173 in 1 : vector<96x32xf32>, vector<96x96xf32> -> vector<96x128xf32>
    %add3A_175 = arith.addf %add3A_170, %concatenate3A_174 : vector<96x128xf32>
    %broadcast_in_dim3A_176 = arith.constant 0.000000e+00 : f32
    %broadcast_in_dim3A_177 = vector.broadcast %broadcast_in_dim3A_176 : f32 to vector<96x64xf32>
    %slice3A_178 = vector.extract_strided_slice %add3A_175 {offsets = [0, 0], sizes = [96, 64], strides = [1, 1]} : vector<96x128xf32> to vector<96x64xf32>
    %concatenate3A_179 = tpu.concatenate %broadcast_in_dim3A_177, %slice3A_178 in 1 : vector<96x64xf32>, vector<96x64xf32> -> vector<96x128xf32>
    %add3A_180 = arith.addf %add3A_175, %concatenate3A_179 : vector<96x128xf32>
    %reduce_sum3A_181 = arith.constant dense<0.000000e+00> : vector<96xf32>
    %reduce_sum3A_182 = vector.multi_reduction <add>, %reshape3A_62, %reduce_sum3A_181 [1] : vector<96x128xf32> to vector<96xf32>
    %broadcast_in_dim3A_183 = vector.shape_cast %reduce_sum3A_182 : vector<96xf32> to vector<96x1xf32>
    %broadcast_in_dim3A_184 = arith.constant 0.000000e+00 : f32
    %broadcast_in_dim3A_185 = vector.broadcast %broadcast_in_dim3A_184 : f32 to vector<1x1xf32>
    %slice3A_186 = vector.extract_strided_slice %broadcast_in_dim3A_183 {offsets = [0, 0], sizes = [95, 1], strides = [1, 1]} : vector<96x1xf32> to vector<95x1xf32>
    %concatenate3A_187 = tpu.concatenate %broadcast_in_dim3A_185, %slice3A_186 in 0 : vector<1x1xf32>, vector<95x1xf32> -> vector<96x1xf32>
    %add3A_188 = arith.addf %broadcast_in_dim3A_183, %concatenate3A_187 : vector<96x1xf32>
    %broadcast_in_dim3A_189 = arith.constant 0.000000e+00 : f32
    %broadcast_in_dim3A_190 = vector.broadcast %broadcast_in_dim3A_189 : f32 to vector<2x1xf32>
    %slice3A_191 = vector.extract_strided_slice %add3A_188 {offsets = [0, 0], sizes = [94, 1], strides = [1, 1]} : vector<96x1xf32> to vector<94x1xf32>
    %concatenate3A_192 = tpu.concatenate %broadcast_in_dim3A_190, %slice3A_191 in 0 : vector<2x1xf32>, vector<94x1xf32> -> vector<96x1xf32>
    %add3A_193 = arith.addf %add3A_188, %concatenate3A_192 : vector<96x1xf32>
    %broadcast_in_dim3A_194 = arith.constant 0.000000e+00 : f32
    %broadcast_in_dim3A_195 = vector.broadcast %broadcast_in_dim3A_194 : f32 to vector<4x1xf32>
    %slice3A_196 = vector.extract_strided_slice %add3A_193 {offsets = [0, 0], sizes = [92, 1], strides = [1, 1]} : vector<96x1xf32> to vector<92x1xf32>
    %concatenate3A_197 = tpu.concatenate %broadcast_in_dim3A_195, %slice3A_196 in 0 : vector<4x1xf32>, vector<92x1xf32> -> vector<96x1xf32>
    %add3A_198 = arith.addf %add3A_193, %concatenate3A_197 : vector<96x1xf32>
    %broadcast_in_dim3A_199 = arith.constant 0.000000e+00 : f32
    %broadcast_in_dim3A_200 = vector.broadcast %broadcast_in_dim3A_199 : f32 to vector<8x1xf32>
    %slice3A_201 = vector.extract_strided_slice %add3A_198 {offsets = [0, 0], sizes = [88, 1], strides = [1, 1]} : vector<96x1xf32> to vector<88x1xf32>
    %concatenate3A_202 = tpu.concatenate %broadcast_in_dim3A_200, %slice3A_201 in 0 : vector<8x1xf32>, vector<88x1xf32> -> vector<96x1xf32>
    %add3A_203 = arith.addf %add3A_198, %concatenate3A_202 : vector<96x1xf32>
    %broadcast_in_dim3A_204 = arith.constant 0.000000e+00 : f32
    %broadcast_in_dim3A_205 = vector.broadcast %broadcast_in_dim3A_204 : f32 to vector<16x1xf32>
    %slice3A_206 = vector.extract_strided_slice %add3A_203 {offsets = [0, 0], sizes = [80, 1], strides = [1, 1]} : vector<96x1xf32> to vector<80x1xf32>
    %concatenate3A_207 = tpu.concatenate %broadcast_in_dim3A_205, %slice3A_206 in 0 : vector<16x1xf32>, vector<80x1xf32> -> vector<96x1xf32>
    %add3A_208 = arith.addf %add3A_203, %concatenate3A_207 : vector<96x1xf32>
    %broadcast_in_dim3A_209 = arith.constant 0.000000e+00 : f32
    %broadcast_in_dim3A_210 = vector.broadcast %broadcast_in_dim3A_209 : f32 to vector<32x1xf32>
    %slice3A_211 = vector.extract_strided_slice %add3A_208 {offsets = [0, 0], sizes = [64, 1], strides = [1, 1]} : vector<96x1xf32> to vector<64x1xf32>
    %concatenate3A_212 = tpu.concatenate %broadcast_in_dim3A_210, %slice3A_211 in 0 : vector<32x1xf32>, vector<64x1xf32> -> vector<96x1xf32>
    %add3A_213 = arith.addf %add3A_208, %concatenate3A_212 : vector<96x1xf32>
    %broadcast_in_dim3A_214 = arith.constant 0.000000e+00 : f32
    %broadcast_in_dim3A_215 = vector.broadcast %broadcast_in_dim3A_214 : f32 to vector<64x1xf32>
    %slice3A_216 = vector.extract_strided_slice %add3A_213 {offsets = [0, 0], sizes = [32, 1], strides = [1, 1]} : vector<96x1xf32> to vector<32x1xf32>
    %concatenate3A_217 = tpu.concatenate %broadcast_in_dim3A_215, %slice3A_216 in 0 : vector<64x1xf32>, vector<32x1xf32> -> vector<96x1xf32>
    %add3A_218 = arith.addf %add3A_213, %concatenate3A_217 : vector<96x1xf32>
    %reduce_sum3A_219 = vector.shape_cast %reshape3A_62 : vector<96x128xf32> to vector<1x96x128xf32>
    %reduce_sum3A_220 = arith.constant dense<0.000000e+00> : vector<1xf32>
    %reduce_sum3A_221 = vector.multi_reduction <add>, %reduce_sum3A_219, %reduce_sum3A_220 [1, 2] : vector<1x96x128xf32> to vector<1xf32>
    %reduce_sum3A_222 = vector.shape_cast %reduce_sum3A_221 : vector<1xf32> to vector<1x1x1xf32>
    %reduce_sum3A_223 = vector.extract %reduce_sum3A_222[0, 0, 0] : f32 from vector<1x1x1xf32>
    %sub3A_224 = vector.broadcast %reduce_sum3A_223 : f32 to vector<96x1xf32>
    %sub3A_225 = arith.subf %sub3A_224, %add3A_218 : vector<96x1xf32>
    %sub3A_226 = vector.broadcast %broadcast_in_dim3A_183 : vector<96x1xf32> to vector<96x128xf32>
    %sub3A_227 = arith.subf %sub3A_226, %add3A_180 : vector<96x128xf32>
    %add3A_228 = vector.broadcast %sub3A_225 : vector<96x1xf32> to vector<96x128xf32>
    %add3A_229 = arith.addf %add3A_228, %sub3A_227 : vector<96x128xf32>
    %get3A_230 = arith.constant 0 : index
    %get3A_231 = memref.load %arg4[%get3A_230] : memref<8xf32, #tpu.memory_space<smem>>
    %add3A_232 = vector.broadcast %get3A_231 : f32 to vector<96x128xf32>
    %add3A_233 = arith.addf %add3A_232, %add3A_145 : vector<96x128xf32>
    %get3A_234 = arith.constant 0 : index
    %get3A_235 = memref.load %arg5[%get3A_234] : memref<8xf32, #tpu.memory_space<smem>>
    %add3A_236 = vector.broadcast %get3A_235 : f32 to vector<96x128xf32>
    %add3A_237 = arith.addf %add3A_236, %add3A_229 : vector<96x128xf32>
    %add3A_238 = vector.broadcast %get3A_65 : f32 to vector<96x128xf32>
    %add3A_239 = arith.addf %add3A_238, %add3A_233 : vector<96x128xf32>
    %add3A_240 = arith.addf %add3A_239, %reshape3A : vector<96x128xf32>
    %mul3A_241 = arith.mulf %reshape3A_62, %add3A_240 : vector<96x128xf32>
    %sub3A_242 = vector.broadcast %get3A_65 : f32 to vector<96x128xf32>
    %sub3A_243 = arith.subf %sub3A_242, %add3A_237 : vector<96x128xf32>
    %sub3A_244 = arith.subf %sub3A_243, %reshape3A_62 : vector<96x128xf32>
    %mul3A_245 = arith.mulf %reshape3A, %sub3A_244 : vector<96x128xf32>
    %add3A_246 = arith.addf %mul3A_241, %mul3A_245 : vector<96x128xf32>
    %mul3A_247 = arith.mulf %bitcast_convert_type3A, %add3A_246 : vector<96x128xf32>
    %add3A_248 = arith.addf %add3A_239, %reshape3A : vector<96x128xf32>
    %mul3A_249 = arith.mulf %add3A_239, %add3A_248 : vector<96x128xf32>
    %div3A = arith.divf %mul3A_247, %mul3A_249 : vector<96x128xf32>
    %get3A_250 = arith.constant 0 : index
    %get3A_251 = memref.load %arg6[%get3A_250] : memref<8xf32, #tpu.memory_space<smem>>
    %reduce_sum3A_252 = vector.shape_cast %div3A : vector<96x128xf32> to vector<1x96x128xf32>
    %reduce_sum3A_253 = arith.constant dense<0.000000e+00> : vector<1xf32>
    %reduce_sum3A_254 = vector.multi_reduction <add>, %reduce_sum3A_252, %reduce_sum3A_253 [1, 2] : vector<1x96x128xf32> to vector<1xf32>
    %reduce_sum3A_255 = vector.shape_cast %reduce_sum3A_254 : vector<1xf32> to vector<1x1x1xf32>
    %reduce_sum3A_256 = vector.extract %reduce_sum3A_255[0, 0, 0] : f32 from vector<1x1x1xf32>
    %add3A_257 = arith.addf %get3A_251, %reduce_sum3A_256 : f32
    %swap3A = arith.constant 0 : index
    %swap3A_258 = memref.load %arg6[%swap3A] : memref<8xf32, #tpu.memory_space<smem>>
    memref.store %add3A_257, %arg6[%swap3A] : memref<8xf32, #tpu.memory_space<smem>>
    %add3A_259 = arith.addf %reshape3A, %reshape3A_62 : vector<96x128xf32>
    %gt3A = arith.constant 0.000000e+00 : f32
    %gt3A_260 = vector.broadcast %gt3A : f32 to vector<96x128xf32>
    %gt3A_261 = arith.cmpf ogt, %add3A_259, %gt3A_260 : vector<96x128xf32>
    %get3A_262 = arith.constant 0 : index
    %get3A_263 = memref.load %arg7[%get3A_262] : memref<8xf32, #tpu.memory_space<smem>>
    %jit3A = arith.constant 0.000000e+00 : f32
    %broadcast_in_dim3A_264 = vector.broadcast %jit3A : f32 to vector<96x128xf32>
    %select_n3A = arith.select %gt3A_261, %bitcast_convert_type3A, %broadcast_in_dim3A_264 : vector<96x128xi1>, vector<96x128xf32>
    %reduce_max3A = vector.shape_cast %select_n3A : vector<96x128xf32> to vector<1x96x128xf32>
    %reduce_max3A_265 = arith.constant dense<0xFF800000> : vector<1xf32>
    %reduce_max3A_266 = vector.multi_reduction <maximumf>, %reduce_max3A, %reduce_max3A_265 [1, 2] : vector<1x96x128xf32> to vector<1xf32>
    %reduce_max3A_267 = vector.shape_cast %reduce_max3A_266 : vector<1xf32> to vector<1x1x1xf32>
    %reduce_max3A_268 = vector.extract %reduce_max3A_267[0, 0, 0] : f32 from vector<1x1x1xf32>
    %max3A = arith.maximumf %get3A_263, %reduce_max3A_268 : f32
    %swap3A_269 = arith.constant 0 : index
    %swap3A_270 = memref.load %arg7[%swap3A_269] : memref<8xf32, #tpu.memory_space<smem>>
    memref.store %max3A, %arg7[%swap3A_269] : memref<8xf32, #tpu.memory_space<smem>>
    %get3A_271 = arith.constant 0 : index
    %get3A_272 = memref.load %arg4[%get3A_271] : memref<8xf32, #tpu.memory_space<smem>>
    %add3A_273 = arith.addf %get3A_272, %reduce_sum3A_139 : f32
    %swap3A_274 = arith.constant 0 : index
    %swap3A_275 = memref.load %arg4[%swap3A_274] : memref<8xf32, #tpu.memory_space<smem>>
    memref.store %add3A_273, %arg4[%swap3A_274] : memref<8xf32, #tpu.memory_space<smem>>
    %get3A_276 = arith.constant 0 : index
    %get3A_277 = memref.load %arg5[%get3A_276] : memref<8xf32, #tpu.memory_space<smem>>
    %add3A_278 = arith.addf %get3A_277, %reduce_sum3A_223 : f32
    %swap3A_279 = arith.constant 0 : index
    %swap3A_280 = memref.load %arg5[%swap3A_279] : memref<8xf32, #tpu.memory_space<smem>>
    memref.store %add3A_278, %arg5[%swap3A_279] : memref<8xf32, #tpu.memory_space<smem>>
    %get3A_281 = arith.constant 4 : index
    %get3A_282 = arith.constant 0 : index
    %get3A_283 = vector.load %arg8[%get3A_281, %get3A_282] : memref<32x12288xf32, #tpu.memory_space<vmem>>, vector<1x12288xf32>
    %get3A_284 = vector.shape_cast %get3A_283 : vector<1x12288xf32> to vector<12288xf32>
    %get3A_285 = arith.constant 5 : index
    %get3A_286 = arith.constant 0 : index
    %get3A_287 = vector.load %arg8[%get3A_285, %get3A_286] : memref<32x12288xf32, #tpu.memory_space<vmem>>, vector<1x12288xf32>
    %get3A_288 = vector.shape_cast %get3A_287 : vector<1x12288xf32> to vector<12288xf32>
    %add3A_289 = arith.addf %get3A_284, %get3A_288 : vector<12288xf32>
    %get3A_290 = arith.constant 6 : index
    %get3A_291 = arith.constant 0 : index
    %get3A_292 = vector.load %arg8[%get3A_290, %get3A_291] : memref<32x12288xf32, #tpu.memory_space<vmem>>, vector<1x12288xf32>
    %get3A_293 = vector.shape_cast %get3A_292 : vector<1x12288xf32> to vector<12288xf32>
    %add3A_294 = arith.addf %add3A_289, %get3A_293 : vector<12288xf32>
    %get3A_295 = arith.constant 7 : index
    %get3A_296 = arith.constant 0 : index
    %get3A_297 = vector.load %arg8[%get3A_295, %get3A_296] : memref<32x12288xf32, #tpu.memory_space<vmem>>, vector<1x12288xf32>
    %get3A_298 = vector.shape_cast %get3A_297 : vector<1x12288xf32> to vector<12288xf32>
    %add3A_299 = arith.addf %add3A_294, %get3A_298 : vector<12288xf32>
    %reshape3A_300 = vector.shape_cast %add3A_299 : vector<12288xf32> to vector<96x128xf32>
    %get3A_301 = arith.constant 4 : index
    %get3A_302 = arith.constant 0 : index
    %get3A_303 = vector.load %arg9[%get3A_301, %get3A_302] : memref<32x12288xf32, #tpu.memory_space<vmem>>, vector<1x12288xf32>
    %get3A_304 = vector.shape_cast %get3A_303 : vector<1x12288xf32> to vector<12288xf32>
    %get3A_305 = arith.constant 5 : index
    %get3A_306 = arith.constant 0 : index
    %get3A_307 = vector.load %arg9[%get3A_305, %get3A_306] : memref<32x12288xf32, #tpu.memory_space<vmem>>, vector<1x12288xf32>
    %get3A_308 = vector.shape_cast %get3A_307 : vector<1x12288xf32> to vector<12288xf32>
    %add3A_309 = arith.addf %get3A_304, %get3A_308 : vector<12288xf32>
    %get3A_310 = arith.constant 6 : index
    %get3A_311 = arith.constant 0 : index
    %get3A_312 = vector.load %arg9[%get3A_310, %get3A_311] : memref<32x12288xf32, #tpu.memory_space<vmem>>, vector<1x12288xf32>
    %get3A_313 = vector.shape_cast %get3A_312 : vector<1x12288xf32> to vector<12288xf32>
    %add3A_314 = arith.addf %add3A_309, %get3A_313 : vector<12288xf32>
    %get3A_315 = arith.constant 7 : index
    %get3A_316 = arith.constant 0 : index
    %get3A_317 = vector.load %arg9[%get3A_315, %get3A_316] : memref<32x12288xf32, #tpu.memory_space<vmem>>, vector<1x12288xf32>
    %get3A_318 = vector.shape_cast %get3A_317 : vector<1x12288xf32> to vector<12288xf32>
    %add3A_319 = arith.addf %add3A_314, %get3A_318 : vector<12288xf32>
    %reshape3A_320 = vector.shape_cast %add3A_319 : vector<12288xf32> to vector<96x128xf32>
    %get3A_321 = arith.constant 1 : index
    %get3A_322 = arith.constant 0 : index
    %get3A_323 = memref.load %arg2[%get3A_321, %get3A_322] : memref<8x1xf32, #tpu.memory_space<smem>>
    %broadcast_in_dim3A_324 = arith.constant 0.000000e+00 : f32
    %broadcast_in_dim3A_325 = vector.broadcast %broadcast_in_dim3A_324 : f32 to vector<96x1xf32>
    %slice3A_326 = vector.extract_strided_slice %reshape3A_300 {offsets = [0, 0], sizes = [96, 127], strides = [1, 1]} : vector<96x128xf32> to vector<96x127xf32>
    %concatenate3A_327 = tpu.concatenate %broadcast_in_dim3A_325, %slice3A_326 in 1 : vector<96x1xf32>, vector<96x127xf32> -> vector<96x128xf32>
    %add3A_328 = arith.addf %reshape3A_300, %concatenate3A_327 : vector<96x128xf32>
    %broadcast_in_dim3A_329 = arith.constant 0.000000e+00 : f32
    %broadcast_in_dim3A_330 = vector.broadcast %broadcast_in_dim3A_329 : f32 to vector<96x2xf32>
    %slice3A_331 = vector.extract_strided_slice %add3A_328 {offsets = [0, 0], sizes = [96, 126], strides = [1, 1]} : vector<96x128xf32> to vector<96x126xf32>
    %concatenate3A_332 = tpu.concatenate %broadcast_in_dim3A_330, %slice3A_331 in 1 : vector<96x2xf32>, vector<96x126xf32> -> vector<96x128xf32>
    %add3A_333 = arith.addf %add3A_328, %concatenate3A_332 : vector<96x128xf32>
    %broadcast_in_dim3A_334 = arith.constant 0.000000e+00 : f32
    %broadcast_in_dim3A_335 = vector.broadcast %broadcast_in_dim3A_334 : f32 to vector<96x4xf32>
    %slice3A_336 = vector.extract_strided_slice %add3A_333 {offsets = [0, 0], sizes = [96, 124], strides = [1, 1]} : vector<96x128xf32> to vector<96x124xf32>
    %concatenate3A_337 = tpu.concatenate %broadcast_in_dim3A_335, %slice3A_336 in 1 : vector<96x4xf32>, vector<96x124xf32> -> vector<96x128xf32>
    %add3A_338 = arith.addf %add3A_333, %concatenate3A_337 : vector<96x128xf32>
    %broadcast_in_dim3A_339 = arith.constant 0.000000e+00 : f32
    %broadcast_in_dim3A_340 = vector.broadcast %broadcast_in_dim3A_339 : f32 to vector<96x8xf32>
    %slice3A_341 = vector.extract_strided_slice %add3A_338 {offsets = [0, 0], sizes = [96, 120], strides = [1, 1]} : vector<96x128xf32> to vector<96x120xf32>
    %concatenate3A_342 = tpu.concatenate %broadcast_in_dim3A_340, %slice3A_341 in 1 : vector<96x8xf32>, vector<96x120xf32> -> vector<96x128xf32>
    %add3A_343 = arith.addf %add3A_338, %concatenate3A_342 : vector<96x128xf32>
    %broadcast_in_dim3A_344 = arith.constant 0.000000e+00 : f32
    %broadcast_in_dim3A_345 = vector.broadcast %broadcast_in_dim3A_344 : f32 to vector<96x16xf32>
    %slice3A_346 = vector.extract_strided_slice %add3A_343 {offsets = [0, 0], sizes = [96, 112], strides = [1, 1]} : vector<96x128xf32> to vector<96x112xf32>
    %concatenate3A_347 = tpu.concatenate %broadcast_in_dim3A_345, %slice3A_346 in 1 : vector<96x16xf32>, vector<96x112xf32> -> vector<96x128xf32>
    %add3A_348 = arith.addf %add3A_343, %concatenate3A_347 : vector<96x128xf32>
    %broadcast_in_dim3A_349 = arith.constant 0.000000e+00 : f32
    %broadcast_in_dim3A_350 = vector.broadcast %broadcast_in_dim3A_349 : f32 to vector<96x32xf32>
    %slice3A_351 = vector.extract_strided_slice %add3A_348 {offsets = [0, 0], sizes = [96, 96], strides = [1, 1]} : vector<96x128xf32> to vector<96x96xf32>
    %concatenate3A_352 = tpu.concatenate %broadcast_in_dim3A_350, %slice3A_351 in 1 : vector<96x32xf32>, vector<96x96xf32> -> vector<96x128xf32>
    %add3A_353 = arith.addf %add3A_348, %concatenate3A_352 : vector<96x128xf32>
    %broadcast_in_dim3A_354 = arith.constant 0.000000e+00 : f32
    %broadcast_in_dim3A_355 = vector.broadcast %broadcast_in_dim3A_354 : f32 to vector<96x64xf32>
    %slice3A_356 = vector.extract_strided_slice %add3A_353 {offsets = [0, 0], sizes = [96, 64], strides = [1, 1]} : vector<96x128xf32> to vector<96x64xf32>
    %concatenate3A_357 = tpu.concatenate %broadcast_in_dim3A_355, %slice3A_356 in 1 : vector<96x64xf32>, vector<96x64xf32> -> vector<96x128xf32>
    %add3A_358 = arith.addf %add3A_353, %concatenate3A_357 : vector<96x128xf32>
    %reduce_sum3A_359 = arith.constant dense<0.000000e+00> : vector<96xf32>
    %reduce_sum3A_360 = vector.multi_reduction <add>, %reshape3A_300, %reduce_sum3A_359 [1] : vector<96x128xf32> to vector<96xf32>
    %broadcast_in_dim3A_361 = vector.shape_cast %reduce_sum3A_360 : vector<96xf32> to vector<96x1xf32>
    %broadcast_in_dim3A_362 = arith.constant 0.000000e+00 : f32
    %broadcast_in_dim3A_363 = vector.broadcast %broadcast_in_dim3A_362 : f32 to vector<1x1xf32>
    %slice3A_364 = vector.extract_strided_slice %broadcast_in_dim3A_361 {offsets = [0, 0], sizes = [95, 1], strides = [1, 1]} : vector<96x1xf32> to vector<95x1xf32>
    %concatenate3A_365 = tpu.concatenate %broadcast_in_dim3A_363, %slice3A_364 in 0 : vector<1x1xf32>, vector<95x1xf32> -> vector<96x1xf32>
    %add3A_366 = arith.addf %broadcast_in_dim3A_361, %concatenate3A_365 : vector<96x1xf32>
    %broadcast_in_dim3A_367 = arith.constant 0.000000e+00 : f32
    %broadcast_in_dim3A_368 = vector.broadcast %broadcast_in_dim3A_367 : f32 to vector<2x1xf32>
    %slice3A_369 = vector.extract_strided_slice %add3A_366 {offsets = [0, 0], sizes = [94, 1], strides = [1, 1]} : vector<96x1xf32> to vector<94x1xf32>
    %concatenate3A_370 = tpu.concatenate %broadcast_in_dim3A_368, %slice3A_369 in 0 : vector<2x1xf32>, vector<94x1xf32> -> vector<96x1xf32>
    %add3A_371 = arith.addf %add3A_366, %concatenate3A_370 : vector<96x1xf32>
    %broadcast_in_dim3A_372 = arith.constant 0.000000e+00 : f32
    %broadcast_in_dim3A_373 = vector.broadcast %broadcast_in_dim3A_372 : f32 to vector<4x1xf32>
    %slice3A_374 = vector.extract_strided_slice %add3A_371 {offsets = [0, 0], sizes = [92, 1], strides = [1, 1]} : vector<96x1xf32> to vector<92x1xf32>
    %concatenate3A_375 = tpu.concatenate %broadcast_in_dim3A_373, %slice3A_374 in 0 : vector<4x1xf32>, vector<92x1xf32> -> vector<96x1xf32>
    %add3A_376 = arith.addf %add3A_371, %concatenate3A_375 : vector<96x1xf32>
    %broadcast_in_dim3A_377 = arith.constant 0.000000e+00 : f32
    %broadcast_in_dim3A_378 = vector.broadcast %broadcast_in_dim3A_377 : f32 to vector<8x1xf32>
    %slice3A_379 = vector.extract_strided_slice %add3A_376 {offsets = [0, 0], sizes = [88, 1], strides = [1, 1]} : vector<96x1xf32> to vector<88x1xf32>
    %concatenate3A_380 = tpu.concatenate %broadcast_in_dim3A_378, %slice3A_379 in 0 : vector<8x1xf32>, vector<88x1xf32> -> vector<96x1xf32>
    %add3A_381 = arith.addf %add3A_376, %concatenate3A_380 : vector<96x1xf32>
    %broadcast_in_dim3A_382 = arith.constant 0.000000e+00 : f32
    %broadcast_in_dim3A_383 = vector.broadcast %broadcast_in_dim3A_382 : f32 to vector<16x1xf32>
    %slice3A_384 = vector.extract_strided_slice %add3A_381 {offsets = [0, 0], sizes = [80, 1], strides = [1, 1]} : vector<96x1xf32> to vector<80x1xf32>
    %concatenate3A_385 = tpu.concatenate %broadcast_in_dim3A_383, %slice3A_384 in 0 : vector<16x1xf32>, vector<80x1xf32> -> vector<96x1xf32>
    %add3A_386 = arith.addf %add3A_381, %concatenate3A_385 : vector<96x1xf32>
    %broadcast_in_dim3A_387 = arith.constant 0.000000e+00 : f32
    %broadcast_in_dim3A_388 = vector.broadcast %broadcast_in_dim3A_387 : f32 to vector<32x1xf32>
    %slice3A_389 = vector.extract_strided_slice %add3A_386 {offsets = [0, 0], sizes = [64, 1], strides = [1, 1]} : vector<96x1xf32> to vector<64x1xf32>
    %concatenate3A_390 = tpu.concatenate %broadcast_in_dim3A_388, %slice3A_389 in 0 : vector<32x1xf32>, vector<64x1xf32> -> vector<96x1xf32>
    %add3A_391 = arith.addf %add3A_386, %concatenate3A_390 : vector<96x1xf32>
    %broadcast_in_dim3A_392 = arith.constant 0.000000e+00 : f32
    %broadcast_in_dim3A_393 = vector.broadcast %broadcast_in_dim3A_392 : f32 to vector<64x1xf32>
    %slice3A_394 = vector.extract_strided_slice %add3A_391 {offsets = [0, 0], sizes = [32, 1], strides = [1, 1]} : vector<96x1xf32> to vector<32x1xf32>
    %concatenate3A_395 = tpu.concatenate %broadcast_in_dim3A_393, %slice3A_394 in 0 : vector<64x1xf32>, vector<32x1xf32> -> vector<96x1xf32>
    %add3A_396 = arith.addf %add3A_391, %concatenate3A_395 : vector<96x1xf32>
    %reduce_sum3A_397 = vector.shape_cast %reshape3A_300 : vector<96x128xf32> to vector<1x96x128xf32>
    %reduce_sum3A_398 = arith.constant dense<0.000000e+00> : vector<1xf32>
    %reduce_sum3A_399 = vector.multi_reduction <add>, %reduce_sum3A_397, %reduce_sum3A_398 [1, 2] : vector<1x96x128xf32> to vector<1xf32>
    %reduce_sum3A_400 = vector.shape_cast %reduce_sum3A_399 : vector<1xf32> to vector<1x1x1xf32>
    %reduce_sum3A_401 = vector.extract %reduce_sum3A_400[0, 0, 0] : f32 from vector<1x1x1xf32>
    %sub3A_402 = vector.broadcast %reduce_sum3A_401 : f32 to vector<96x1xf32>
    %sub3A_403 = arith.subf %sub3A_402, %add3A_396 : vector<96x1xf32>
    %sub3A_404 = vector.broadcast %broadcast_in_dim3A_361 : vector<96x1xf32> to vector<96x128xf32>
    %sub3A_405 = arith.subf %sub3A_404, %add3A_358 : vector<96x128xf32>
    %add3A_406 = vector.broadcast %sub3A_403 : vector<96x1xf32> to vector<96x128xf32>
    %add3A_407 = arith.addf %add3A_406, %sub3A_405 : vector<96x128xf32>
    %broadcast_in_dim3A_408 = arith.constant 0.000000e+00 : f32
    %broadcast_in_dim3A_409 = vector.broadcast %broadcast_in_dim3A_408 : f32 to vector<96x1xf32>
    %slice3A_410 = vector.extract_strided_slice %reshape3A_320 {offsets = [0, 0], sizes = [96, 127], strides = [1, 1]} : vector<96x128xf32> to vector<96x127xf32>
    %concatenate3A_411 = tpu.concatenate %broadcast_in_dim3A_409, %slice3A_410 in 1 : vector<96x1xf32>, vector<96x127xf32> -> vector<96x128xf32>
    %add3A_412 = arith.addf %reshape3A_320, %concatenate3A_411 : vector<96x128xf32>
    %broadcast_in_dim3A_413 = arith.constant 0.000000e+00 : f32
    %broadcast_in_dim3A_414 = vector.broadcast %broadcast_in_dim3A_413 : f32 to vector<96x2xf32>
    %slice3A_415 = vector.extract_strided_slice %add3A_412 {offsets = [0, 0], sizes = [96, 126], strides = [1, 1]} : vector<96x128xf32> to vector<96x126xf32>
    %concatenate3A_416 = tpu.concatenate %broadcast_in_dim3A_414, %slice3A_415 in 1 : vector<96x2xf32>, vector<96x126xf32> -> vector<96x128xf32>
    %add3A_417 = arith.addf %add3A_412, %concatenate3A_416 : vector<96x128xf32>
    %broadcast_in_dim3A_418 = arith.constant 0.000000e+00 : f32
    %broadcast_in_dim3A_419 = vector.broadcast %broadcast_in_dim3A_418 : f32 to vector<96x4xf32>
    %slice3A_420 = vector.extract_strided_slice %add3A_417 {offsets = [0, 0], sizes = [96, 124], strides = [1, 1]} : vector<96x128xf32> to vector<96x124xf32>
    %concatenate3A_421 = tpu.concatenate %broadcast_in_dim3A_419, %slice3A_420 in 1 : vector<96x4xf32>, vector<96x124xf32> -> vector<96x128xf32>
    %add3A_422 = arith.addf %add3A_417, %concatenate3A_421 : vector<96x128xf32>
    %broadcast_in_dim3A_423 = arith.constant 0.000000e+00 : f32
    %broadcast_in_dim3A_424 = vector.broadcast %broadcast_in_dim3A_423 : f32 to vector<96x8xf32>
    %slice3A_425 = vector.extract_strided_slice %add3A_422 {offsets = [0, 0], sizes = [96, 120], strides = [1, 1]} : vector<96x128xf32> to vector<96x120xf32>
    %concatenate3A_426 = tpu.concatenate %broadcast_in_dim3A_424, %slice3A_425 in 1 : vector<96x8xf32>, vector<96x120xf32> -> vector<96x128xf32>
    %add3A_427 = arith.addf %add3A_422, %concatenate3A_426 : vector<96x128xf32>
    %broadcast_in_dim3A_428 = arith.constant 0.000000e+00 : f32
    %broadcast_in_dim3A_429 = vector.broadcast %broadcast_in_dim3A_428 : f32 to vector<96x16xf32>
    %slice3A_430 = vector.extract_strided_slice %add3A_427 {offsets = [0, 0], sizes = [96, 112], strides = [1, 1]} : vector<96x128xf32> to vector<96x112xf32>
    %concatenate3A_431 = tpu.concatenate %broadcast_in_dim3A_429, %slice3A_430 in 1 : vector<96x16xf32>, vector<96x112xf32> -> vector<96x128xf32>
    %add3A_432 = arith.addf %add3A_427, %concatenate3A_431 : vector<96x128xf32>
    %broadcast_in_dim3A_433 = arith.constant 0.000000e+00 : f32
    %broadcast_in_dim3A_434 = vector.broadcast %broadcast_in_dim3A_433 : f32 to vector<96x32xf32>
    %slice3A_435 = vector.extract_strided_slice %add3A_432 {offsets = [0, 0], sizes = [96, 96], strides = [1, 1]} : vector<96x128xf32> to vector<96x96xf32>
    %concatenate3A_436 = tpu.concatenate %broadcast_in_dim3A_434, %slice3A_435 in 1 : vector<96x32xf32>, vector<96x96xf32> -> vector<96x128xf32>
    %add3A_437 = arith.addf %add3A_432, %concatenate3A_436 : vector<96x128xf32>
    %broadcast_in_dim3A_438 = arith.constant 0.000000e+00 : f32
    %broadcast_in_dim3A_439 = vector.broadcast %broadcast_in_dim3A_438 : f32 to vector<96x64xf32>
    %slice3A_440 = vector.extract_strided_slice %add3A_437 {offsets = [0, 0], sizes = [96, 64], strides = [1, 1]} : vector<96x128xf32> to vector<96x64xf32>
    %concatenate3A_441 = tpu.concatenate %broadcast_in_dim3A_439, %slice3A_440 in 1 : vector<96x64xf32>, vector<96x64xf32> -> vector<96x128xf32>
    %add3A_442 = arith.addf %add3A_437, %concatenate3A_441 : vector<96x128xf32>
    %reduce_sum3A_443 = arith.constant dense<0.000000e+00> : vector<96xf32>
    %reduce_sum3A_444 = vector.multi_reduction <add>, %reshape3A_320, %reduce_sum3A_443 [1] : vector<96x128xf32> to vector<96xf32>
    %broadcast_in_dim3A_445 = vector.shape_cast %reduce_sum3A_444 : vector<96xf32> to vector<96x1xf32>
    %broadcast_in_dim3A_446 = arith.constant 0.000000e+00 : f32
    %broadcast_in_dim3A_447 = vector.broadcast %broadcast_in_dim3A_446 : f32 to vector<1x1xf32>
    %slice3A_448 = vector.extract_strided_slice %broadcast_in_dim3A_445 {offsets = [0, 0], sizes = [95, 1], strides = [1, 1]} : vector<96x1xf32> to vector<95x1xf32>
    %concatenate3A_449 = tpu.concatenate %broadcast_in_dim3A_447, %slice3A_448 in 0 : vector<1x1xf32>, vector<95x1xf32> -> vector<96x1xf32>
    %add3A_450 = arith.addf %broadcast_in_dim3A_445, %concatenate3A_449 : vector<96x1xf32>
    %broadcast_in_dim3A_451 = arith.constant 0.000000e+00 : f32
    %broadcast_in_dim3A_452 = vector.broadcast %broadcast_in_dim3A_451 : f32 to vector<2x1xf32>
    %slice3A_453 = vector.extract_strided_slice %add3A_450 {offsets = [0, 0], sizes = [94, 1], strides = [1, 1]} : vector<96x1xf32> to vector<94x1xf32>
    %concatenate3A_454 = tpu.concatenate %broadcast_in_dim3A_452, %slice3A_453 in 0 : vector<2x1xf32>, vector<94x1xf32> -> vector<96x1xf32>
    %add3A_455 = arith.addf %add3A_450, %concatenate3A_454 : vector<96x1xf32>
    %broadcast_in_dim3A_456 = arith.constant 0.000000e+00 : f32
    %broadcast_in_dim3A_457 = vector.broadcast %broadcast_in_dim3A_456 : f32 to vector<4x1xf32>
    %slice3A_458 = vector.extract_strided_slice %add3A_455 {offsets = [0, 0], sizes = [92, 1], strides = [1, 1]} : vector<96x1xf32> to vector<92x1xf32>
    %concatenate3A_459 = tpu.concatenate %broadcast_in_dim3A_457, %slice3A_458 in 0 : vector<4x1xf32>, vector<92x1xf32> -> vector<96x1xf32>
    %add3A_460 = arith.addf %add3A_455, %concatenate3A_459 : vector<96x1xf32>
    %broadcast_in_dim3A_461 = arith.constant 0.000000e+00 : f32
    %broadcast_in_dim3A_462 = vector.broadcast %broadcast_in_dim3A_461 : f32 to vector<8x1xf32>
    %slice3A_463 = vector.extract_strided_slice %add3A_460 {offsets = [0, 0], sizes = [88, 1], strides = [1, 1]} : vector<96x1xf32> to vector<88x1xf32>
    %concatenate3A_464 = tpu.concatenate %broadcast_in_dim3A_462, %slice3A_463 in 0 : vector<8x1xf32>, vector<88x1xf32> -> vector<96x1xf32>
    %add3A_465 = arith.addf %add3A_460, %concatenate3A_464 : vector<96x1xf32>
    %broadcast_in_dim3A_466 = arith.constant 0.000000e+00 : f32
    %broadcast_in_dim3A_467 = vector.broadcast %broadcast_in_dim3A_466 : f32 to vector<16x1xf32>
    %slice3A_468 = vector.extract_strided_slice %add3A_465 {offsets = [0, 0], sizes = [80, 1], strides = [1, 1]} : vector<96x1xf32> to vector<80x1xf32>
    %concatenate3A_469 = tpu.concatenate %broadcast_in_dim3A_467, %slice3A_468 in 0 : vector<16x1xf32>, vector<80x1xf32> -> vector<96x1xf32>
    %add3A_470 = arith.addf %add3A_465, %concatenate3A_469 : vector<96x1xf32>
    %broadcast_in_dim3A_471 = arith.constant 0.000000e+00 : f32
    %broadcast_in_dim3A_472 = vector.broadcast %broadcast_in_dim3A_471 : f32 to vector<32x1xf32>
    %slice3A_473 = vector.extract_strided_slice %add3A_470 {offsets = [0, 0], sizes = [64, 1], strides = [1, 1]} : vector<96x1xf32> to vector<64x1xf32>
    %concatenate3A_474 = tpu.concatenate %broadcast_in_dim3A_472, %slice3A_473 in 0 : vector<32x1xf32>, vector<64x1xf32> -> vector<96x1xf32>
    %add3A_475 = arith.addf %add3A_470, %concatenate3A_474 : vector<96x1xf32>
    %broadcast_in_dim3A_476 = arith.constant 0.000000e+00 : f32
    %broadcast_in_dim3A_477 = vector.broadcast %broadcast_in_dim3A_476 : f32 to vector<64x1xf32>
    %slice3A_478 = vector.extract_strided_slice %add3A_475 {offsets = [0, 0], sizes = [32, 1], strides = [1, 1]} : vector<96x1xf32> to vector<32x1xf32>
    %concatenate3A_479 = tpu.concatenate %broadcast_in_dim3A_477, %slice3A_478 in 0 : vector<64x1xf32>, vector<32x1xf32> -> vector<96x1xf32>
    %add3A_480 = arith.addf %add3A_475, %concatenate3A_479 : vector<96x1xf32>
    %reduce_sum3A_481 = vector.shape_cast %reshape3A_320 : vector<96x128xf32> to vector<1x96x128xf32>
    %reduce_sum3A_482 = arith.constant dense<0.000000e+00> : vector<1xf32>
    %reduce_sum3A_483 = vector.multi_reduction <add>, %reduce_sum3A_481, %reduce_sum3A_482 [1, 2] : vector<1x96x128xf32> to vector<1xf32>
    %reduce_sum3A_484 = vector.shape_cast %reduce_sum3A_483 : vector<1xf32> to vector<1x1x1xf32>
    %reduce_sum3A_485 = vector.extract %reduce_sum3A_484[0, 0, 0] : f32 from vector<1x1x1xf32>
    %sub3A_486 = vector.broadcast %reduce_sum3A_485 : f32 to vector<96x1xf32>
    %sub3A_487 = arith.subf %sub3A_486, %add3A_480 : vector<96x1xf32>
    %sub3A_488 = vector.broadcast %broadcast_in_dim3A_445 : vector<96x1xf32> to vector<96x128xf32>
    %sub3A_489 = arith.subf %sub3A_488, %add3A_442 : vector<96x128xf32>
    %add3A_490 = vector.broadcast %sub3A_487 : vector<96x1xf32> to vector<96x128xf32>
    %add3A_491 = arith.addf %add3A_490, %sub3A_489 : vector<96x128xf32>
    %get3A_492 = arith.constant 1 : index
    %get3A_493 = memref.load %arg4[%get3A_492] : memref<8xf32, #tpu.memory_space<smem>>
    %add3A_494 = vector.broadcast %get3A_493 : f32 to vector<96x128xf32>
    %add3A_495 = arith.addf %add3A_494, %add3A_407 : vector<96x128xf32>
    %get3A_496 = arith.constant 1 : index
    %get3A_497 = memref.load %arg5[%get3A_496] : memref<8xf32, #tpu.memory_space<smem>>
    %add3A_498 = vector.broadcast %get3A_497 : f32 to vector<96x128xf32>
    %add3A_499 = arith.addf %add3A_498, %add3A_491 : vector<96x128xf32>
    %add3A_500 = vector.broadcast %get3A_323 : f32 to vector<96x128xf32>
    %add3A_501 = arith.addf %add3A_500, %add3A_495 : vector<96x128xf32>
    %add3A_502 = arith.addf %add3A_501, %reshape3A_300 : vector<96x128xf32>
    %mul3A_503 = arith.mulf %reshape3A_320, %add3A_502 : vector<96x128xf32>
    %sub3A_504 = vector.broadcast %get3A_323 : f32 to vector<96x128xf32>
    %sub3A_505 = arith.subf %sub3A_504, %add3A_499 : vector<96x128xf32>
    %sub3A_506 = arith.subf %sub3A_505, %reshape3A_320 : vector<96x128xf32>
    %mul3A_507 = arith.mulf %reshape3A_300, %sub3A_506 : vector<96x128xf32>
    %add3A_508 = arith.addf %mul3A_503, %mul3A_507 : vector<96x128xf32>
    %mul3A_509 = arith.mulf %bitcast_convert_type3A, %add3A_508 : vector<96x128xf32>
    %add3A_510 = arith.addf %add3A_501, %reshape3A_300 : vector<96x128xf32>
    %mul3A_511 = arith.mulf %add3A_501, %add3A_510 : vector<96x128xf32>
    %div3A_512 = arith.divf %mul3A_509, %mul3A_511 : vector<96x128xf32>
    %get3A_513 = arith.constant 1 : index
    %get3A_514 = memref.load %arg6[%get3A_513] : memref<8xf32, #tpu.memory_space<smem>>
    %reduce_sum3A_515 = vector.shape_cast %div3A_512 : vector<96x128xf32> to vector<1x96x128xf32>
    %reduce_sum3A_516 = arith.constant dense<0.000000e+00> : vector<1xf32>
    %reduce_sum3A_517 = vector.multi_reduction <add>, %reduce_sum3A_515, %reduce_sum3A_516 [1, 2] : vector<1x96x128xf32> to vector<1xf32>
    %reduce_sum3A_518 = vector.shape_cast %reduce_sum3A_517 : vector<1xf32> to vector<1x1x1xf32>
    %reduce_sum3A_519 = vector.extract %reduce_sum3A_518[0, 0, 0] : f32 from vector<1x1x1xf32>
    %add3A_520 = arith.addf %get3A_514, %reduce_sum3A_519 : f32
    %swap3A_521 = arith.constant 1 : index
    %swap3A_522 = memref.load %arg6[%swap3A_521] : memref<8xf32, #tpu.memory_space<smem>>
    memref.store %add3A_520, %arg6[%swap3A_521] : memref<8xf32, #tpu.memory_space<smem>>
    %add3A_523 = arith.addf %reshape3A_300, %reshape3A_320 : vector<96x128xf32>
    %gt3A_524 = arith.constant 0.000000e+00 : f32
    %gt3A_525 = vector.broadcast %gt3A_524 : f32 to vector<96x128xf32>
    %gt3A_526 = arith.cmpf ogt, %add3A_523, %gt3A_525 : vector<96x128xf32>
    %get3A_527 = arith.constant 1 : index
    %get3A_528 = memref.load %arg7[%get3A_527] : memref<8xf32, #tpu.memory_space<smem>>
    %jit3A_529 = arith.constant 0.000000e+00 : f32
    %broadcast_in_dim3A_530 = vector.broadcast %jit3A_529 : f32 to vector<96x128xf32>
    %select_n3A_531 = arith.select %gt3A_526, %bitcast_convert_type3A, %broadcast_in_dim3A_530 : vector<96x128xi1>, vector<96x128xf32>
    %reduce_max3A_532 = vector.shape_cast %select_n3A_531 : vector<96x128xf32> to vector<1x96x128xf32>
    %reduce_max3A_533 = arith.constant dense<0xFF800000> : vector<1xf32>
    %reduce_max3A_534 = vector.multi_reduction <maximumf>, %reduce_max3A_532, %reduce_max3A_533 [1, 2] : vector<1x96x128xf32> to vector<1xf32>
    %reduce_max3A_535 = vector.shape_cast %reduce_max3A_534 : vector<1xf32> to vector<1x1x1xf32>
    %reduce_max3A_536 = vector.extract %reduce_max3A_535[0, 0, 0] : f32 from vector<1x1x1xf32>
    %max3A_537 = arith.maximumf %get3A_528, %reduce_max3A_536 : f32
    %swap3A_538 = arith.constant 1 : index
    %swap3A_539 = memref.load %arg7[%swap3A_538] : memref<8xf32, #tpu.memory_space<smem>>
    memref.store %max3A_537, %arg7[%swap3A_538] : memref<8xf32, #tpu.memory_space<smem>>
    %get3A_540 = arith.constant 1 : index
    %get3A_541 = memref.load %arg4[%get3A_540] : memref<8xf32, #tpu.memory_space<smem>>
    %add3A_542 = arith.addf %get3A_541, %reduce_sum3A_401 : f32
    %swap3A_543 = arith.constant 1 : index
    %swap3A_544 = memref.load %arg4[%swap3A_543] : memref<8xf32, #tpu.memory_space<smem>>
    memref.store %add3A_542, %arg4[%swap3A_543] : memref<8xf32, #tpu.memory_space<smem>>
    %get3A_545 = arith.constant 1 : index
    %get3A_546 = memref.load %arg5[%get3A_545] : memref<8xf32, #tpu.memory_space<smem>>
    %add3A_547 = arith.addf %get3A_546, %reduce_sum3A_485 : f32
    %swap3A_548 = arith.constant 1 : index
    %swap3A_549 = memref.load %arg5[%swap3A_548] : memref<8xf32, #tpu.memory_space<smem>>
    memref.store %add3A_547, %arg5[%swap3A_548] : memref<8xf32, #tpu.memory_space<smem>>
    %get3A_550 = arith.constant 8 : index
    %get3A_551 = arith.constant 0 : index
    %get3A_552 = vector.load %arg8[%get3A_550, %get3A_551] : memref<32x12288xf32, #tpu.memory_space<vmem>>, vector<1x12288xf32>
    %get3A_553 = vector.shape_cast %get3A_552 : vector<1x12288xf32> to vector<12288xf32>
    %get3A_554 = arith.constant 9 : index
    %get3A_555 = arith.constant 0 : index
    %get3A_556 = vector.load %arg8[%get3A_554, %get3A_555] : memref<32x12288xf32, #tpu.memory_space<vmem>>, vector<1x12288xf32>
    %get3A_557 = vector.shape_cast %get3A_556 : vector<1x12288xf32> to vector<12288xf32>
    %add3A_558 = arith.addf %get3A_553, %get3A_557 : vector<12288xf32>
    %get3A_559 = arith.constant 10 : index
    %get3A_560 = arith.constant 0 : index
    %get3A_561 = vector.load %arg8[%get3A_559, %get3A_560] : memref<32x12288xf32, #tpu.memory_space<vmem>>, vector<1x12288xf32>
    %get3A_562 = vector.shape_cast %get3A_561 : vector<1x12288xf32> to vector<12288xf32>
    %add3A_563 = arith.addf %add3A_558, %get3A_562 : vector<12288xf32>
    %get3A_564 = arith.constant 11 : index
    %get3A_565 = arith.constant 0 : index
    %get3A_566 = vector.load %arg8[%get3A_564, %get3A_565] : memref<32x12288xf32, #tpu.memory_space<vmem>>, vector<1x12288xf32>
    %get3A_567 = vector.shape_cast %get3A_566 : vector<1x12288xf32> to vector<12288xf32>
    %add3A_568 = arith.addf %add3A_563, %get3A_567 : vector<12288xf32>
    %reshape3A_569 = vector.shape_cast %add3A_568 : vector<12288xf32> to vector<96x128xf32>
    %get3A_570 = arith.constant 8 : index
    %get3A_571 = arith.constant 0 : index
    %get3A_572 = vector.load %arg9[%get3A_570, %get3A_571] : memref<32x12288xf32, #tpu.memory_space<vmem>>, vector<1x12288xf32>
    %get3A_573 = vector.shape_cast %get3A_572 : vector<1x12288xf32> to vector<12288xf32>
    %get3A_574 = arith.constant 9 : index
    %get3A_575 = arith.constant 0 : index
    %get3A_576 = vector.load %arg9[%get3A_574, %get3A_575] : memref<32x12288xf32, #tpu.memory_space<vmem>>, vector<1x12288xf32>
    %get3A_577 = vector.shape_cast %get3A_576 : vector<1x12288xf32> to vector<12288xf32>
    %add3A_578 = arith.addf %get3A_573, %get3A_577 : vector<12288xf32>
    %get3A_579 = arith.constant 10 : index
    %get3A_580 = arith.constant 0 : index
    %get3A_581 = vector.load %arg9[%get3A_579, %get3A_580] : memref<32x12288xf32, #tpu.memory_space<vmem>>, vector<1x12288xf32>
    %get3A_582 = vector.shape_cast %get3A_581 : vector<1x12288xf32> to vector<12288xf32>
    %add3A_583 = arith.addf %add3A_578, %get3A_582 : vector<12288xf32>
    %get3A_584 = arith.constant 11 : index
    %get3A_585 = arith.constant 0 : index
    %get3A_586 = vector.load %arg9[%get3A_584, %get3A_585] : memref<32x12288xf32, #tpu.memory_space<vmem>>, vector<1x12288xf32>
    %get3A_587 = vector.shape_cast %get3A_586 : vector<1x12288xf32> to vector<12288xf32>
    %add3A_588 = arith.addf %add3A_583, %get3A_587 : vector<12288xf32>
    %reshape3A_589 = vector.shape_cast %add3A_588 : vector<12288xf32> to vector<96x128xf32>
    %get3A_590 = arith.constant 2 : index
    %get3A_591 = arith.constant 0 : index
    %get3A_592 = memref.load %arg2[%get3A_590, %get3A_591] : memref<8x1xf32, #tpu.memory_space<smem>>
    %broadcast_in_dim3A_593 = arith.constant 0.000000e+00 : f32
    %broadcast_in_dim3A_594 = vector.broadcast %broadcast_in_dim3A_593 : f32 to vector<96x1xf32>
    %slice3A_595 = vector.extract_strided_slice %reshape3A_569 {offsets = [0, 0], sizes = [96, 127], strides = [1, 1]} : vector<96x128xf32> to vector<96x127xf32>
    %concatenate3A_596 = tpu.concatenate %broadcast_in_dim3A_594, %slice3A_595 in 1 : vector<96x1xf32>, vector<96x127xf32> -> vector<96x128xf32>
    %add3A_597 = arith.addf %reshape3A_569, %concatenate3A_596 : vector<96x128xf32>
    %broadcast_in_dim3A_598 = arith.constant 0.000000e+00 : f32
    %broadcast_in_dim3A_599 = vector.broadcast %broadcast_in_dim3A_598 : f32 to vector<96x2xf32>
    %slice3A_600 = vector.extract_strided_slice %add3A_597 {offsets = [0, 0], sizes = [96, 126], strides = [1, 1]} : vector<96x128xf32> to vector<96x126xf32>
    %concatenate3A_601 = tpu.concatenate %broadcast_in_dim3A_599, %slice3A_600 in 1 : vector<96x2xf32>, vector<96x126xf32> -> vector<96x128xf32>
    %add3A_602 = arith.addf %add3A_597, %concatenate3A_601 : vector<96x128xf32>
    %broadcast_in_dim3A_603 = arith.constant 0.000000e+00 : f32
    %broadcast_in_dim3A_604 = vector.broadcast %broadcast_in_dim3A_603 : f32 to vector<96x4xf32>
    %slice3A_605 = vector.extract_strided_slice %add3A_602 {offsets = [0, 0], sizes = [96, 124], strides = [1, 1]} : vector<96x128xf32> to vector<96x124xf32>
    %concatenate3A_606 = tpu.concatenate %broadcast_in_dim3A_604, %slice3A_605 in 1 : vector<96x4xf32>, vector<96x124xf32> -> vector<96x128xf32>
    %add3A_607 = arith.addf %add3A_602, %concatenate3A_606 : vector<96x128xf32>
    %broadcast_in_dim3A_608 = arith.constant 0.000000e+00 : f32
    %broadcast_in_dim3A_609 = vector.broadcast %broadcast_in_dim3A_608 : f32 to vector<96x8xf32>
    %slice3A_610 = vector.extract_strided_slice %add3A_607 {offsets = [0, 0], sizes = [96, 120], strides = [1, 1]} : vector<96x128xf32> to vector<96x120xf32>
    %concatenate3A_611 = tpu.concatenate %broadcast_in_dim3A_609, %slice3A_610 in 1 : vector<96x8xf32>, vector<96x120xf32> -> vector<96x128xf32>
    %add3A_612 = arith.addf %add3A_607, %concatenate3A_611 : vector<96x128xf32>
    %broadcast_in_dim3A_613 = arith.constant 0.000000e+00 : f32
    %broadcast_in_dim3A_614 = vector.broadcast %broadcast_in_dim3A_613 : f32 to vector<96x16xf32>
    %slice3A_615 = vector.extract_strided_slice %add3A_612 {offsets = [0, 0], sizes = [96, 112], strides = [1, 1]} : vector<96x128xf32> to vector<96x112xf32>
    %concatenate3A_616 = tpu.concatenate %broadcast_in_dim3A_614, %slice3A_615 in 1 : vector<96x16xf32>, vector<96x112xf32> -> vector<96x128xf32>
    %add3A_617 = arith.addf %add3A_612, %concatenate3A_616 : vector<96x128xf32>
    %broadcast_in_dim3A_618 = arith.constant 0.000000e+00 : f32
    %broadcast_in_dim3A_619 = vector.broadcast %broadcast_in_dim3A_618 : f32 to vector<96x32xf32>
    %slice3A_620 = vector.extract_strided_slice %add3A_617 {offsets = [0, 0], sizes = [96, 96], strides = [1, 1]} : vector<96x128xf32> to vector<96x96xf32>
    %concatenate3A_621 = tpu.concatenate %broadcast_in_dim3A_619, %slice3A_620 in 1 : vector<96x32xf32>, vector<96x96xf32> -> vector<96x128xf32>
    %add3A_622 = arith.addf %add3A_617, %concatenate3A_621 : vector<96x128xf32>
    %broadcast_in_dim3A_623 = arith.constant 0.000000e+00 : f32
    %broadcast_in_dim3A_624 = vector.broadcast %broadcast_in_dim3A_623 : f32 to vector<96x64xf32>
    %slice3A_625 = vector.extract_strided_slice %add3A_622 {offsets = [0, 0], sizes = [96, 64], strides = [1, 1]} : vector<96x128xf32> to vector<96x64xf32>
    %concatenate3A_626 = tpu.concatenate %broadcast_in_dim3A_624, %slice3A_625 in 1 : vector<96x64xf32>, vector<96x64xf32> -> vector<96x128xf32>
    %add3A_627 = arith.addf %add3A_622, %concatenate3A_626 : vector<96x128xf32>
    %reduce_sum3A_628 = arith.constant dense<0.000000e+00> : vector<96xf32>
    %reduce_sum3A_629 = vector.multi_reduction <add>, %reshape3A_569, %reduce_sum3A_628 [1] : vector<96x128xf32> to vector<96xf32>
    %broadcast_in_dim3A_630 = vector.shape_cast %reduce_sum3A_629 : vector<96xf32> to vector<96x1xf32>
    %broadcast_in_dim3A_631 = arith.constant 0.000000e+00 : f32
    %broadcast_in_dim3A_632 = vector.broadcast %broadcast_in_dim3A_631 : f32 to vector<1x1xf32>
    %slice3A_633 = vector.extract_strided_slice %broadcast_in_dim3A_630 {offsets = [0, 0], sizes = [95, 1], strides = [1, 1]} : vector<96x1xf32> to vector<95x1xf32>
    %concatenate3A_634 = tpu.concatenate %broadcast_in_dim3A_632, %slice3A_633 in 0 : vector<1x1xf32>, vector<95x1xf32> -> vector<96x1xf32>
    %add3A_635 = arith.addf %broadcast_in_dim3A_630, %concatenate3A_634 : vector<96x1xf32>
    %broadcast_in_dim3A_636 = arith.constant 0.000000e+00 : f32
    %broadcast_in_dim3A_637 = vector.broadcast %broadcast_in_dim3A_636 : f32 to vector<2x1xf32>
    %slice3A_638 = vector.extract_strided_slice %add3A_635 {offsets = [0, 0], sizes = [94, 1], strides = [1, 1]} : vector<96x1xf32> to vector<94x1xf32>
    %concatenate3A_639 = tpu.concatenate %broadcast_in_dim3A_637, %slice3A_638 in 0 : vector<2x1xf32>, vector<94x1xf32> -> vector<96x1xf32>
    %add3A_640 = arith.addf %add3A_635, %concatenate3A_639 : vector<96x1xf32>
    %broadcast_in_dim3A_641 = arith.constant 0.000000e+00 : f32
    %broadcast_in_dim3A_642 = vector.broadcast %broadcast_in_dim3A_641 : f32 to vector<4x1xf32>
    %slice3A_643 = vector.extract_strided_slice %add3A_640 {offsets = [0, 0], sizes = [92, 1], strides = [1, 1]} : vector<96x1xf32> to vector<92x1xf32>
    %concatenate3A_644 = tpu.concatenate %broadcast_in_dim3A_642, %slice3A_643 in 0 : vector<4x1xf32>, vector<92x1xf32> -> vector<96x1xf32>
    %add3A_645 = arith.addf %add3A_640, %concatenate3A_644 : vector<96x1xf32>
    %broadcast_in_dim3A_646 = arith.constant 0.000000e+00 : f32
    %broadcast_in_dim3A_647 = vector.broadcast %broadcast_in_dim3A_646 : f32 to vector<8x1xf32>
    %slice3A_648 = vector.extract_strided_slice %add3A_645 {offsets = [0, 0], sizes = [88, 1], strides = [1, 1]} : vector<96x1xf32> to vector<88x1xf32>
    %concatenate3A_649 = tpu.concatenate %broadcast_in_dim3A_647, %slice3A_648 in 0 : vector<8x1xf32>, vector<88x1xf32> -> vector<96x1xf32>
    %add3A_650 = arith.addf %add3A_645, %concatenate3A_649 : vector<96x1xf32>
    %broadcast_in_dim3A_651 = arith.constant 0.000000e+00 : f32
    %broadcast_in_dim3A_652 = vector.broadcast %broadcast_in_dim3A_651 : f32 to vector<16x1xf32>
    %slice3A_653 = vector.extract_strided_slice %add3A_650 {offsets = [0, 0], sizes = [80, 1], strides = [1, 1]} : vector<96x1xf32> to vector<80x1xf32>
    %concatenate3A_654 = tpu.concatenate %broadcast_in_dim3A_652, %slice3A_653 in 0 : vector<16x1xf32>, vector<80x1xf32> -> vector<96x1xf32>
    %add3A_655 = arith.addf %add3A_650, %concatenate3A_654 : vector<96x1xf32>
    %broadcast_in_dim3A_656 = arith.constant 0.000000e+00 : f32
    %broadcast_in_dim3A_657 = vector.broadcast %broadcast_in_dim3A_656 : f32 to vector<32x1xf32>
    %slice3A_658 = vector.extract_strided_slice %add3A_655 {offsets = [0, 0], sizes = [64, 1], strides = [1, 1]} : vector<96x1xf32> to vector<64x1xf32>
    %concatenate3A_659 = tpu.concatenate %broadcast_in_dim3A_657, %slice3A_658 in 0 : vector<32x1xf32>, vector<64x1xf32> -> vector<96x1xf32>
    %add3A_660 = arith.addf %add3A_655, %concatenate3A_659 : vector<96x1xf32>
    %broadcast_in_dim3A_661 = arith.constant 0.000000e+00 : f32
    %broadcast_in_dim3A_662 = vector.broadcast %broadcast_in_dim3A_661 : f32 to vector<64x1xf32>
    %slice3A_663 = vector.extract_strided_slice %add3A_660 {offsets = [0, 0], sizes = [32, 1], strides = [1, 1]} : vector<96x1xf32> to vector<32x1xf32>
    %concatenate3A_664 = tpu.concatenate %broadcast_in_dim3A_662, %slice3A_663 in 0 : vector<64x1xf32>, vector<32x1xf32> -> vector<96x1xf32>
    %add3A_665 = arith.addf %add3A_660, %concatenate3A_664 : vector<96x1xf32>
    %reduce_sum3A_666 = vector.shape_cast %reshape3A_569 : vector<96x128xf32> to vector<1x96x128xf32>
    %reduce_sum3A_667 = arith.constant dense<0.000000e+00> : vector<1xf32>
    %reduce_sum3A_668 = vector.multi_reduction <add>, %reduce_sum3A_666, %reduce_sum3A_667 [1, 2] : vector<1x96x128xf32> to vector<1xf32>
    %reduce_sum3A_669 = vector.shape_cast %reduce_sum3A_668 : vector<1xf32> to vector<1x1x1xf32>
    %reduce_sum3A_670 = vector.extract %reduce_sum3A_669[0, 0, 0] : f32 from vector<1x1x1xf32>
    %sub3A_671 = vector.broadcast %reduce_sum3A_670 : f32 to vector<96x1xf32>
    %sub3A_672 = arith.subf %sub3A_671, %add3A_665 : vector<96x1xf32>
    %sub3A_673 = vector.broadcast %broadcast_in_dim3A_630 : vector<96x1xf32> to vector<96x128xf32>
    %sub3A_674 = arith.subf %sub3A_673, %add3A_627 : vector<96x128xf32>
    %add3A_675 = vector.broadcast %sub3A_672 : vector<96x1xf32> to vector<96x128xf32>
    %add3A_676 = arith.addf %add3A_675, %sub3A_674 : vector<96x128xf32>
    %broadcast_in_dim3A_677 = arith.constant 0.000000e+00 : f32
    %broadcast_in_dim3A_678 = vector.broadcast %broadcast_in_dim3A_677 : f32 to vector<96x1xf32>
    %slice3A_679 = vector.extract_strided_slice %reshape3A_589 {offsets = [0, 0], sizes = [96, 127], strides = [1, 1]} : vector<96x128xf32> to vector<96x127xf32>
    %concatenate3A_680 = tpu.concatenate %broadcast_in_dim3A_678, %slice3A_679 in 1 : vector<96x1xf32>, vector<96x127xf32> -> vector<96x128xf32>
    %add3A_681 = arith.addf %reshape3A_589, %concatenate3A_680 : vector<96x128xf32>
    %broadcast_in_dim3A_682 = arith.constant 0.000000e+00 : f32
    %broadcast_in_dim3A_683 = vector.broadcast %broadcast_in_dim3A_682 : f32 to vector<96x2xf32>
    %slice3A_684 = vector.extract_strided_slice %add3A_681 {offsets = [0, 0], sizes = [96, 126], strides = [1, 1]} : vector<96x128xf32> to vector<96x126xf32>
    %concatenate3A_685 = tpu.concatenate %broadcast_in_dim3A_683, %slice3A_684 in 1 : vector<96x2xf32>, vector<96x126xf32> -> vector<96x128xf32>
    %add3A_686 = arith.addf %add3A_681, %concatenate3A_685 : vector<96x128xf32>
    %broadcast_in_dim3A_687 = arith.constant 0.000000e+00 : f32
    %broadcast_in_dim3A_688 = vector.broadcast %broadcast_in_dim3A_687 : f32 to vector<96x4xf32>
    %slice3A_689 = vector.extract_strided_slice %add3A_686 {offsets = [0, 0], sizes = [96, 124], strides = [1, 1]} : vector<96x128xf32> to vector<96x124xf32>
    %concatenate3A_690 = tpu.concatenate %broadcast_in_dim3A_688, %slice3A_689 in 1 : vector<96x4xf32>, vector<96x124xf32> -> vector<96x128xf32>
    %add3A_691 = arith.addf %add3A_686, %concatenate3A_690 : vector<96x128xf32>
    %broadcast_in_dim3A_692 = arith.constant 0.000000e+00 : f32
    %broadcast_in_dim3A_693 = vector.broadcast %broadcast_in_dim3A_692 : f32 to vector<96x8xf32>
    %slice3A_694 = vector.extract_strided_slice %add3A_691 {offsets = [0, 0], sizes = [96, 120], strides = [1, 1]} : vector<96x128xf32> to vector<96x120xf32>
    %concatenate3A_695 = tpu.concatenate %broadcast_in_dim3A_693, %slice3A_694 in 1 : vector<96x8xf32>, vector<96x120xf32> -> vector<96x128xf32>
    %add3A_696 = arith.addf %add3A_691, %concatenate3A_695 : vector<96x128xf32>
    %broadcast_in_dim3A_697 = arith.constant 0.000000e+00 : f32
    %broadcast_in_dim3A_698 = vector.broadcast %broadcast_in_dim3A_697 : f32 to vector<96x16xf32>
    %slice3A_699 = vector.extract_strided_slice %add3A_696 {offsets = [0, 0], sizes = [96, 112], strides = [1, 1]} : vector<96x128xf32> to vector<96x112xf32>
    %concatenate3A_700 = tpu.concatenate %broadcast_in_dim3A_698, %slice3A_699 in 1 : vector<96x16xf32>, vector<96x112xf32> -> vector<96x128xf32>
    %add3A_701 = arith.addf %add3A_696, %concatenate3A_700 : vector<96x128xf32>
    %broadcast_in_dim3A_702 = arith.constant 0.000000e+00 : f32
    %broadcast_in_dim3A_703 = vector.broadcast %broadcast_in_dim3A_702 : f32 to vector<96x32xf32>
    %slice3A_704 = vector.extract_strided_slice %add3A_701 {offsets = [0, 0], sizes = [96, 96], strides = [1, 1]} : vector<96x128xf32> to vector<96x96xf32>
    %concatenate3A_705 = tpu.concatenate %broadcast_in_dim3A_703, %slice3A_704 in 1 : vector<96x32xf32>, vector<96x96xf32> -> vector<96x128xf32>
    %add3A_706 = arith.addf %add3A_701, %concatenate3A_705 : vector<96x128xf32>
    %broadcast_in_dim3A_707 = arith.constant 0.000000e+00 : f32
    %broadcast_in_dim3A_708 = vector.broadcast %broadcast_in_dim3A_707 : f32 to vector<96x64xf32>
    %slice3A_709 = vector.extract_strided_slice %add3A_706 {offsets = [0, 0], sizes = [96, 64], strides = [1, 1]} : vector<96x128xf32> to vector<96x64xf32>
    %concatenate3A_710 = tpu.concatenate %broadcast_in_dim3A_708, %slice3A_709 in 1 : vector<96x64xf32>, vector<96x64xf32> -> vector<96x128xf32>
    %add3A_711 = arith.addf %add3A_706, %concatenate3A_710 : vector<96x128xf32>
    %reduce_sum3A_712 = arith.constant dense<0.000000e+00> : vector<96xf32>
    %reduce_sum3A_713 = vector.multi_reduction <add>, %reshape3A_589, %reduce_sum3A_712 [1] : vector<96x128xf32> to vector<96xf32>
    %broadcast_in_dim3A_714 = vector.shape_cast %reduce_sum3A_713 : vector<96xf32> to vector<96x1xf32>
    %broadcast_in_dim3A_715 = arith.constant 0.000000e+00 : f32
    %broadcast_in_dim3A_716 = vector.broadcast %broadcast_in_dim3A_715 : f32 to vector<1x1xf32>
    %slice3A_717 = vector.extract_strided_slice %broadcast_in_dim3A_714 {offsets = [0, 0], sizes = [95, 1], strides = [1, 1]} : vector<96x1xf32> to vector<95x1xf32>
    %concatenate3A_718 = tpu.concatenate %broadcast_in_dim3A_716, %slice3A_717 in 0 : vector<1x1xf32>, vector<95x1xf32> -> vector<96x1xf32>
    %add3A_719 = arith.addf %broadcast_in_dim3A_714, %concatenate3A_718 : vector<96x1xf32>
    %broadcast_in_dim3A_720 = arith.constant 0.000000e+00 : f32
    %broadcast_in_dim3A_721 = vector.broadcast %broadcast_in_dim3A_720 : f32 to vector<2x1xf32>
    %slice3A_722 = vector.extract_strided_slice %add3A_719 {offsets = [0, 0], sizes = [94, 1], strides = [1, 1]} : vector<96x1xf32> to vector<94x1xf32>
    %concatenate3A_723 = tpu.concatenate %broadcast_in_dim3A_721, %slice3A_722 in 0 : vector<2x1xf32>, vector<94x1xf32> -> vector<96x1xf32>
    %add3A_724 = arith.addf %add3A_719, %concatenate3A_723 : vector<96x1xf32>
    %broadcast_in_dim3A_725 = arith.constant 0.000000e+00 : f32
    %broadcast_in_dim3A_726 = vector.broadcast %broadcast_in_dim3A_725 : f32 to vector<4x1xf32>
    %slice3A_727 = vector.extract_strided_slice %add3A_724 {offsets = [0, 0], sizes = [92, 1], strides = [1, 1]} : vector<96x1xf32> to vector<92x1xf32>
    %concatenate3A_728 = tpu.concatenate %broadcast_in_dim3A_726, %slice3A_727 in 0 : vector<4x1xf32>, vector<92x1xf32> -> vector<96x1xf32>
    %add3A_729 = arith.addf %add3A_724, %concatenate3A_728 : vector<96x1xf32>
    %broadcast_in_dim3A_730 = arith.constant 0.000000e+00 : f32
    %broadcast_in_dim3A_731 = vector.broadcast %broadcast_in_dim3A_730 : f32 to vector<8x1xf32>
    %slice3A_732 = vector.extract_strided_slice %add3A_729 {offsets = [0, 0], sizes = [88, 1], strides = [1, 1]} : vector<96x1xf32> to vector<88x1xf32>
    %concatenate3A_733 = tpu.concatenate %broadcast_in_dim3A_731, %slice3A_732 in 0 : vector<8x1xf32>, vector<88x1xf32> -> vector<96x1xf32>
    %add3A_734 = arith.addf %add3A_729, %concatenate3A_733 : vector<96x1xf32>
    %broadcast_in_dim3A_735 = arith.constant 0.000000e+00 : f32
    %broadcast_in_dim3A_736 = vector.broadcast %broadcast_in_dim3A_735 : f32 to vector<16x1xf32>
    %slice3A_737 = vector.extract_strided_slice %add3A_734 {offsets = [0, 0], sizes = [80, 1], strides = [1, 1]} : vector<96x1xf32> to vector<80x1xf32>
    %concatenate3A_738 = tpu.concatenate %broadcast_in_dim3A_736, %slice3A_737 in 0 : vector<16x1xf32>, vector<80x1xf32> -> vector<96x1xf32>
    %add3A_739 = arith.addf %add3A_734, %concatenate3A_738 : vector<96x1xf32>
    %broadcast_in_dim3A_740 = arith.constant 0.000000e+00 : f32
    %broadcast_in_dim3A_741 = vector.broadcast %broadcast_in_dim3A_740 : f32 to vector<32x1xf32>
    %slice3A_742 = vector.extract_strided_slice %add3A_739 {offsets = [0, 0], sizes = [64, 1], strides = [1, 1]} : vector<96x1xf32> to vector<64x1xf32>
    %concatenate3A_743 = tpu.concatenate %broadcast_in_dim3A_741, %slice3A_742 in 0 : vector<32x1xf32>, vector<64x1xf32> -> vector<96x1xf32>
    %add3A_744 = arith.addf %add3A_739, %concatenate3A_743 : vector<96x1xf32>
    %broadcast_in_dim3A_745 = arith.constant 0.000000e+00 : f32
    %broadcast_in_dim3A_746 = vector.broadcast %broadcast_in_dim3A_745 : f32 to vector<64x1xf32>
    %slice3A_747 = vector.extract_strided_slice %add3A_744 {offsets = [0, 0], sizes = [32, 1], strides = [1, 1]} : vector<96x1xf32> to vector<32x1xf32>
    %concatenate3A_748 = tpu.concatenate %broadcast_in_dim3A_746, %slice3A_747 in 0 : vector<64x1xf32>, vector<32x1xf32> -> vector<96x1xf32>
    %add3A_749 = arith.addf %add3A_744, %concatenate3A_748 : vector<96x1xf32>
    %reduce_sum3A_750 = vector.shape_cast %reshape3A_589 : vector<96x128xf32> to vector<1x96x128xf32>
    %reduce_sum3A_751 = arith.constant dense<0.000000e+00> : vector<1xf32>
    %reduce_sum3A_752 = vector.multi_reduction <add>, %reduce_sum3A_750, %reduce_sum3A_751 [1, 2] : vector<1x96x128xf32> to vector<1xf32>
    %reduce_sum3A_753 = vector.shape_cast %reduce_sum3A_752 : vector<1xf32> to vector<1x1x1xf32>
    %reduce_sum3A_754 = vector.extract %reduce_sum3A_753[0, 0, 0] : f32 from vector<1x1x1xf32>
    %sub3A_755 = vector.broadcast %reduce_sum3A_754 : f32 to vector<96x1xf32>
    %sub3A_756 = arith.subf %sub3A_755, %add3A_749 : vector<96x1xf32>
    %sub3A_757 = vector.broadcast %broadcast_in_dim3A_714 : vector<96x1xf32> to vector<96x128xf32>
    %sub3A_758 = arith.subf %sub3A_757, %add3A_711 : vector<96x128xf32>
    %add3A_759 = vector.broadcast %sub3A_756 : vector<96x1xf32> to vector<96x128xf32>
    %add3A_760 = arith.addf %add3A_759, %sub3A_758 : vector<96x128xf32>
    %get3A_761 = arith.constant 2 : index
    %get3A_762 = memref.load %arg4[%get3A_761] : memref<8xf32, #tpu.memory_space<smem>>
    %add3A_763 = vector.broadcast %get3A_762 : f32 to vector<96x128xf32>
    %add3A_764 = arith.addf %add3A_763, %add3A_676 : vector<96x128xf32>
    %get3A_765 = arith.constant 2 : index
    %get3A_766 = memref.load %arg5[%get3A_765] : memref<8xf32, #tpu.memory_space<smem>>
    %add3A_767 = vector.broadcast %get3A_766 : f32 to vector<96x128xf32>
    %add3A_768 = arith.addf %add3A_767, %add3A_760 : vector<96x128xf32>
    %add3A_769 = vector.broadcast %get3A_592 : f32 to vector<96x128xf32>
    %add3A_770 = arith.addf %add3A_769, %add3A_764 : vector<96x128xf32>
    %add3A_771 = arith.addf %add3A_770, %reshape3A_569 : vector<96x128xf32>
    %mul3A_772 = arith.mulf %reshape3A_589, %add3A_771 : vector<96x128xf32>
    %sub3A_773 = vector.broadcast %get3A_592 : f32 to vector<96x128xf32>
    %sub3A_774 = arith.subf %sub3A_773, %add3A_768 : vector<96x128xf32>
    %sub3A_775 = arith.subf %sub3A_774, %reshape3A_589 : vector<96x128xf32>
    %mul3A_776 = arith.mulf %reshape3A_569, %sub3A_775 : vector<96x128xf32>
    %add3A_777 = arith.addf %mul3A_772, %mul3A_776 : vector<96x128xf32>
    %mul3A_778 = arith.mulf %bitcast_convert_type3A, %add3A_777 : vector<96x128xf32>
    %add3A_779 = arith.addf %add3A_770, %reshape3A_569 : vector<96x128xf32>
    %mul3A_780 = arith.mulf %add3A_770, %add3A_779 : vector<96x128xf32>
    %div3A_781 = arith.divf %mul3A_778, %mul3A_780 : vector<96x128xf32>
    %get3A_782 = arith.constant 2 : index
    %get3A_783 = memref.load %arg6[%get3A_782] : memref<8xf32, #tpu.memory_space<smem>>
    %reduce_sum3A_784 = vector.shape_cast %div3A_781 : vector<96x128xf32> to vector<1x96x128xf32>
    %reduce_sum3A_785 = arith.constant dense<0.000000e+00> : vector<1xf32>
    %reduce_sum3A_786 = vector.multi_reduction <add>, %reduce_sum3A_784, %reduce_sum3A_785 [1, 2] : vector<1x96x128xf32> to vector<1xf32>
    %reduce_sum3A_787 = vector.shape_cast %reduce_sum3A_786 : vector<1xf32> to vector<1x1x1xf32>
    %reduce_sum3A_788 = vector.extract %reduce_sum3A_787[0, 0, 0] : f32 from vector<1x1x1xf32>
    %add3A_789 = arith.addf %get3A_783, %reduce_sum3A_788 : f32
    %swap3A_790 = arith.constant 2 : index
    %swap3A_791 = memref.load %arg6[%swap3A_790] : memref<8xf32, #tpu.memory_space<smem>>
    memref.store %add3A_789, %arg6[%swap3A_790] : memref<8xf32, #tpu.memory_space<smem>>
    %add3A_792 = arith.addf %reshape3A_569, %reshape3A_589 : vector<96x128xf32>
    %gt3A_793 = arith.constant 0.000000e+00 : f32
    %gt3A_794 = vector.broadcast %gt3A_793 : f32 to vector<96x128xf32>
    %gt3A_795 = arith.cmpf ogt, %add3A_792, %gt3A_794 : vector<96x128xf32>
    %get3A_796 = arith.constant 2 : index
    %get3A_797 = memref.load %arg7[%get3A_796] : memref<8xf32, #tpu.memory_space<smem>>
    %jit3A_798 = arith.constant 0.000000e+00 : f32
    %broadcast_in_dim3A_799 = vector.broadcast %jit3A_798 : f32 to vector<96x128xf32>
    %select_n3A_800 = arith.select %gt3A_795, %bitcast_convert_type3A, %broadcast_in_dim3A_799 : vector<96x128xi1>, vector<96x128xf32>
    %reduce_max3A_801 = vector.shape_cast %select_n3A_800 : vector<96x128xf32> to vector<1x96x128xf32>
    %reduce_max3A_802 = arith.constant dense<0xFF800000> : vector<1xf32>
    %reduce_max3A_803 = vector.multi_reduction <maximumf>, %reduce_max3A_801, %reduce_max3A_802 [1, 2] : vector<1x96x128xf32> to vector<1xf32>
    %reduce_max3A_804 = vector.shape_cast %reduce_max3A_803 : vector<1xf32> to vector<1x1x1xf32>
    %reduce_max3A_805 = vector.extract %reduce_max3A_804[0, 0, 0] : f32 from vector<1x1x1xf32>
    %max3A_806 = arith.maximumf %get3A_797, %reduce_max3A_805 : f32
    %swap3A_807 = arith.constant 2 : index
    %swap3A_808 = memref.load %arg7[%swap3A_807] : memref<8xf32, #tpu.memory_space<smem>>
    memref.store %max3A_806, %arg7[%swap3A_807] : memref<8xf32, #tpu.memory_space<smem>>
    %get3A_809 = arith.constant 2 : index
    %get3A_810 = memref.load %arg4[%get3A_809] : memref<8xf32, #tpu.memory_space<smem>>
    %add3A_811 = arith.addf %get3A_810, %reduce_sum3A_670 : f32
    %swap3A_812 = arith.constant 2 : index
    %swap3A_813 = memref.load %arg4[%swap3A_812] : memref<8xf32, #tpu.memory_space<smem>>
    memref.store %add3A_811, %arg4[%swap3A_812] : memref<8xf32, #tpu.memory_space<smem>>
    %get3A_814 = arith.constant 2 : index
    %get3A_815 = memref.load %arg5[%get3A_814] : memref<8xf32, #tpu.memory_space<smem>>
    %add3A_816 = arith.addf %get3A_815, %reduce_sum3A_754 : f32
    %swap3A_817 = arith.constant 2 : index
    %swap3A_818 = memref.load %arg5[%swap3A_817] : memref<8xf32, #tpu.memory_space<smem>>
    memref.store %add3A_816, %arg5[%swap3A_817] : memref<8xf32, #tpu.memory_space<smem>>
    %get3A_819 = arith.constant 12 : index
    %get3A_820 = arith.constant 0 : index
    %get3A_821 = vector.load %arg8[%get3A_819, %get3A_820] : memref<32x12288xf32, #tpu.memory_space<vmem>>, vector<1x12288xf32>
    %get3A_822 = vector.shape_cast %get3A_821 : vector<1x12288xf32> to vector<12288xf32>
    %get3A_823 = arith.constant 13 : index
    %get3A_824 = arith.constant 0 : index
    %get3A_825 = vector.load %arg8[%get3A_823, %get3A_824] : memref<32x12288xf32, #tpu.memory_space<vmem>>, vector<1x12288xf32>
    %get3A_826 = vector.shape_cast %get3A_825 : vector<1x12288xf32> to vector<12288xf32>
    %add3A_827 = arith.addf %get3A_822, %get3A_826 : vector<12288xf32>
    %get3A_828 = arith.constant 14 : index
    %get3A_829 = arith.constant 0 : index
    %get3A_830 = vector.load %arg8[%get3A_828, %get3A_829] : memref<32x12288xf32, #tpu.memory_space<vmem>>, vector<1x12288xf32>
    %get3A_831 = vector.shape_cast %get3A_830 : vector<1x12288xf32> to vector<12288xf32>
    %add3A_832 = arith.addf %add3A_827, %get3A_831 : vector<12288xf32>
    %get3A_833 = arith.constant 15 : index
    %get3A_834 = arith.constant 0 : index
    %get3A_835 = vector.load %arg8[%get3A_833, %get3A_834] : memref<32x12288xf32, #tpu.memory_space<vmem>>, vector<1x12288xf32>
    %get3A_836 = vector.shape_cast %get3A_835 : vector<1x12288xf32> to vector<12288xf32>
    %add3A_837 = arith.addf %add3A_832, %get3A_836 : vector<12288xf32>
    %reshape3A_838 = vector.shape_cast %add3A_837 : vector<12288xf32> to vector<96x128xf32>
    %get3A_839 = arith.constant 12 : index
    %get3A_840 = arith.constant 0 : index
    %get3A_841 = vector.load %arg9[%get3A_839, %get3A_840] : memref<32x12288xf32, #tpu.memory_space<vmem>>, vector<1x12288xf32>
    %get3A_842 = vector.shape_cast %get3A_841 : vector<1x12288xf32> to vector<12288xf32>
    %get3A_843 = arith.constant 13 : index
    %get3A_844 = arith.constant 0 : index
    %get3A_845 = vector.load %arg9[%get3A_843, %get3A_844] : memref<32x12288xf32, #tpu.memory_space<vmem>>, vector<1x12288xf32>
    %get3A_846 = vector.shape_cast %get3A_845 : vector<1x12288xf32> to vector<12288xf32>
    %add3A_847 = arith.addf %get3A_842, %get3A_846 : vector<12288xf32>
    %get3A_848 = arith.constant 14 : index
    %get3A_849 = arith.constant 0 : index
    %get3A_850 = vector.load %arg9[%get3A_848, %get3A_849] : memref<32x12288xf32, #tpu.memory_space<vmem>>, vector<1x12288xf32>
    %get3A_851 = vector.shape_cast %get3A_850 : vector<1x12288xf32> to vector<12288xf32>
    %add3A_852 = arith.addf %add3A_847, %get3A_851 : vector<12288xf32>
    %get3A_853 = arith.constant 15 : index
    %get3A_854 = arith.constant 0 : index
    %get3A_855 = vector.load %arg9[%get3A_853, %get3A_854] : memref<32x12288xf32, #tpu.memory_space<vmem>>, vector<1x12288xf32>
    %get3A_856 = vector.shape_cast %get3A_855 : vector<1x12288xf32> to vector<12288xf32>
    %add3A_857 = arith.addf %add3A_852, %get3A_856 : vector<12288xf32>
    %reshape3A_858 = vector.shape_cast %add3A_857 : vector<12288xf32> to vector<96x128xf32>
    %get3A_859 = arith.constant 3 : index
    %get3A_860 = arith.constant 0 : index
    %get3A_861 = memref.load %arg2[%get3A_859, %get3A_860] : memref<8x1xf32, #tpu.memory_space<smem>>
    %broadcast_in_dim3A_862 = arith.constant 0.000000e+00 : f32
    %broadcast_in_dim3A_863 = vector.broadcast %broadcast_in_dim3A_862 : f32 to vector<96x1xf32>
    %slice3A_864 = vector.extract_strided_slice %reshape3A_838 {offsets = [0, 0], sizes = [96, 127], strides = [1, 1]} : vector<96x128xf32> to vector<96x127xf32>
    %concatenate3A_865 = tpu.concatenate %broadcast_in_dim3A_863, %slice3A_864 in 1 : vector<96x1xf32>, vector<96x127xf32> -> vector<96x128xf32>
    %add3A_866 = arith.addf %reshape3A_838, %concatenate3A_865 : vector<96x128xf32>
    %broadcast_in_dim3A_867 = arith.constant 0.000000e+00 : f32
    %broadcast_in_dim3A_868 = vector.broadcast %broadcast_in_dim3A_867 : f32 to vector<96x2xf32>
    %slice3A_869 = vector.extract_strided_slice %add3A_866 {offsets = [0, 0], sizes = [96, 126], strides = [1, 1]} : vector<96x128xf32> to vector<96x126xf32>
    %concatenate3A_870 = tpu.concatenate %broadcast_in_dim3A_868, %slice3A_869 in 1 : vector<96x2xf32>, vector<96x126xf32> -> vector<96x128xf32>
    %add3A_871 = arith.addf %add3A_866, %concatenate3A_870 : vector<96x128xf32>
    %broadcast_in_dim3A_872 = arith.constant 0.000000e+00 : f32
    %broadcast_in_dim3A_873 = vector.broadcast %broadcast_in_dim3A_872 : f32 to vector<96x4xf32>
    %slice3A_874 = vector.extract_strided_slice %add3A_871 {offsets = [0, 0], sizes = [96, 124], strides = [1, 1]} : vector<96x128xf32> to vector<96x124xf32>
    %concatenate3A_875 = tpu.concatenate %broadcast_in_dim3A_873, %slice3A_874 in 1 : vector<96x4xf32>, vector<96x124xf32> -> vector<96x128xf32>
    %add3A_876 = arith.addf %add3A_871, %concatenate3A_875 : vector<96x128xf32>
    %broadcast_in_dim3A_877 = arith.constant 0.000000e+00 : f32
    %broadcast_in_dim3A_878 = vector.broadcast %broadcast_in_dim3A_877 : f32 to vector<96x8xf32>
    %slice3A_879 = vector.extract_strided_slice %add3A_876 {offsets = [0, 0], sizes = [96, 120], strides = [1, 1]} : vector<96x128xf32> to vector<96x120xf32>
    %concatenate3A_880 = tpu.concatenate %broadcast_in_dim3A_878, %slice3A_879 in 1 : vector<96x8xf32>, vector<96x120xf32> -> vector<96x128xf32>
    %add3A_881 = arith.addf %add3A_876, %concatenate3A_880 : vector<96x128xf32>
    %broadcast_in_dim3A_882 = arith.constant 0.000000e+00 : f32
    %broadcast_in_dim3A_883 = vector.broadcast %broadcast_in_dim3A_882 : f32 to vector<96x16xf32>
    %slice3A_884 = vector.extract_strided_slice %add3A_881 {offsets = [0, 0], sizes = [96, 112], strides = [1, 1]} : vector<96x128xf32> to vector<96x112xf32>
    %concatenate3A_885 = tpu.concatenate %broadcast_in_dim3A_883, %slice3A_884 in 1 : vector<96x16xf32>, vector<96x112xf32> -> vector<96x128xf32>
    %add3A_886 = arith.addf %add3A_881, %concatenate3A_885 : vector<96x128xf32>
    %broadcast_in_dim3A_887 = arith.constant 0.000000e+00 : f32
    %broadcast_in_dim3A_888 = vector.broadcast %broadcast_in_dim3A_887 : f32 to vector<96x32xf32>
    %slice3A_889 = vector.extract_strided_slice %add3A_886 {offsets = [0, 0], sizes = [96, 96], strides = [1, 1]} : vector<96x128xf32> to vector<96x96xf32>
    %concatenate3A_890 = tpu.concatenate %broadcast_in_dim3A_888, %slice3A_889 in 1 : vector<96x32xf32>, vector<96x96xf32> -> vector<96x128xf32>
    %add3A_891 = arith.addf %add3A_886, %concatenate3A_890 : vector<96x128xf32>
    %broadcast_in_dim3A_892 = arith.constant 0.000000e+00 : f32
    %broadcast_in_dim3A_893 = vector.broadcast %broadcast_in_dim3A_892 : f32 to vector<96x64xf32>
    %slice3A_894 = vector.extract_strided_slice %add3A_891 {offsets = [0, 0], sizes = [96, 64], strides = [1, 1]} : vector<96x128xf32> to vector<96x64xf32>
    %concatenate3A_895 = tpu.concatenate %broadcast_in_dim3A_893, %slice3A_894 in 1 : vector<96x64xf32>, vector<96x64xf32> -> vector<96x128xf32>
    %add3A_896 = arith.addf %add3A_891, %concatenate3A_895 : vector<96x128xf32>
    %reduce_sum3A_897 = arith.constant dense<0.000000e+00> : vector<96xf32>
    %reduce_sum3A_898 = vector.multi_reduction <add>, %reshape3A_838, %reduce_sum3A_897 [1] : vector<96x128xf32> to vector<96xf32>
    %broadcast_in_dim3A_899 = vector.shape_cast %reduce_sum3A_898 : vector<96xf32> to vector<96x1xf32>
    %broadcast_in_dim3A_900 = arith.constant 0.000000e+00 : f32
    %broadcast_in_dim3A_901 = vector.broadcast %broadcast_in_dim3A_900 : f32 to vector<1x1xf32>
    %slice3A_902 = vector.extract_strided_slice %broadcast_in_dim3A_899 {offsets = [0, 0], sizes = [95, 1], strides = [1, 1]} : vector<96x1xf32> to vector<95x1xf32>
    %concatenate3A_903 = tpu.concatenate %broadcast_in_dim3A_901, %slice3A_902 in 0 : vector<1x1xf32>, vector<95x1xf32> -> vector<96x1xf32>
    %add3A_904 = arith.addf %broadcast_in_dim3A_899, %concatenate3A_903 : vector<96x1xf32>
    %broadcast_in_dim3A_905 = arith.constant 0.000000e+00 : f32
    %broadcast_in_dim3A_906 = vector.broadcast %broadcast_in_dim3A_905 : f32 to vector<2x1xf32>
    %slice3A_907 = vector.extract_strided_slice %add3A_904 {offsets = [0, 0], sizes = [94, 1], strides = [1, 1]} : vector<96x1xf32> to vector<94x1xf32>
    %concatenate3A_908 = tpu.concatenate %broadcast_in_dim3A_906, %slice3A_907 in 0 : vector<2x1xf32>, vector<94x1xf32> -> vector<96x1xf32>
    %add3A_909 = arith.addf %add3A_904, %concatenate3A_908 : vector<96x1xf32>
    %broadcast_in_dim3A_910 = arith.constant 0.000000e+00 : f32
    %broadcast_in_dim3A_911 = vector.broadcast %broadcast_in_dim3A_910 : f32 to vector<4x1xf32>
    %slice3A_912 = vector.extract_strided_slice %add3A_909 {offsets = [0, 0], sizes = [92, 1], strides = [1, 1]} : vector<96x1xf32> to vector<92x1xf32>
    %concatenate3A_913 = tpu.concatenate %broadcast_in_dim3A_911, %slice3A_912 in 0 : vector<4x1xf32>, vector<92x1xf32> -> vector<96x1xf32>
    %add3A_914 = arith.addf %add3A_909, %concatenate3A_913 : vector<96x1xf32>
    %broadcast_in_dim3A_915 = arith.constant 0.000000e+00 : f32
    %broadcast_in_dim3A_916 = vector.broadcast %broadcast_in_dim3A_915 : f32 to vector<8x1xf32>
    %slice3A_917 = vector.extract_strided_slice %add3A_914 {offsets = [0, 0], sizes = [88, 1], strides = [1, 1]} : vector<96x1xf32> to vector<88x1xf32>
    %concatenate3A_918 = tpu.concatenate %broadcast_in_dim3A_916, %slice3A_917 in 0 : vector<8x1xf32>, vector<88x1xf32> -> vector<96x1xf32>
    %add3A_919 = arith.addf %add3A_914, %concatenate3A_918 : vector<96x1xf32>
    %broadcast_in_dim3A_920 = arith.constant 0.000000e+00 : f32
    %broadcast_in_dim3A_921 = vector.broadcast %broadcast_in_dim3A_920 : f32 to vector<16x1xf32>
    %slice3A_922 = vector.extract_strided_slice %add3A_919 {offsets = [0, 0], sizes = [80, 1], strides = [1, 1]} : vector<96x1xf32> to vector<80x1xf32>
    %concatenate3A_923 = tpu.concatenate %broadcast_in_dim3A_921, %slice3A_922 in 0 : vector<16x1xf32>, vector<80x1xf32> -> vector<96x1xf32>
    %add3A_924 = arith.addf %add3A_919, %concatenate3A_923 : vector<96x1xf32>
    %broadcast_in_dim3A_925 = arith.constant 0.000000e+00 : f32
    %broadcast_in_dim3A_926 = vector.broadcast %broadcast_in_dim3A_925 : f32 to vector<32x1xf32>
    %slice3A_927 = vector.extract_strided_slice %add3A_924 {offsets = [0, 0], sizes = [64, 1], strides = [1, 1]} : vector<96x1xf32> to vector<64x1xf32>
    %concatenate3A_928 = tpu.concatenate %broadcast_in_dim3A_926, %slice3A_927 in 0 : vector<32x1xf32>, vector<64x1xf32> -> vector<96x1xf32>
    %add3A_929 = arith.addf %add3A_924, %concatenate3A_928 : vector<96x1xf32>
    %broadcast_in_dim3A_930 = arith.constant 0.000000e+00 : f32
    %broadcast_in_dim3A_931 = vector.broadcast %broadcast_in_dim3A_930 : f32 to vector<64x1xf32>
    %slice3A_932 = vector.extract_strided_slice %add3A_929 {offsets = [0, 0], sizes = [32, 1], strides = [1, 1]} : vector<96x1xf32> to vector<32x1xf32>
    %concatenate3A_933 = tpu.concatenate %broadcast_in_dim3A_931, %slice3A_932 in 0 : vector<64x1xf32>, vector<32x1xf32> -> vector<96x1xf32>
    %add3A_934 = arith.addf %add3A_929, %concatenate3A_933 : vector<96x1xf32>
    %reduce_sum3A_935 = vector.shape_cast %reshape3A_838 : vector<96x128xf32> to vector<1x96x128xf32>
    %reduce_sum3A_936 = arith.constant dense<0.000000e+00> : vector<1xf32>
    %reduce_sum3A_937 = vector.multi_reduction <add>, %reduce_sum3A_935, %reduce_sum3A_936 [1, 2] : vector<1x96x128xf32> to vector<1xf32>
    %reduce_sum3A_938 = vector.shape_cast %reduce_sum3A_937 : vector<1xf32> to vector<1x1x1xf32>
    %reduce_sum3A_939 = vector.extract %reduce_sum3A_938[0, 0, 0] : f32 from vector<1x1x1xf32>
    %sub3A_940 = vector.broadcast %reduce_sum3A_939 : f32 to vector<96x1xf32>
    %sub3A_941 = arith.subf %sub3A_940, %add3A_934 : vector<96x1xf32>
    %sub3A_942 = vector.broadcast %broadcast_in_dim3A_899 : vector<96x1xf32> to vector<96x128xf32>
    %sub3A_943 = arith.subf %sub3A_942, %add3A_896 : vector<96x128xf32>
    %add3A_944 = vector.broadcast %sub3A_941 : vector<96x1xf32> to vector<96x128xf32>
    %add3A_945 = arith.addf %add3A_944, %sub3A_943 : vector<96x128xf32>
    %broadcast_in_dim3A_946 = arith.constant 0.000000e+00 : f32
    %broadcast_in_dim3A_947 = vector.broadcast %broadcast_in_dim3A_946 : f32 to vector<96x1xf32>
    %slice3A_948 = vector.extract_strided_slice %reshape3A_858 {offsets = [0, 0], sizes = [96, 127], strides = [1, 1]} : vector<96x128xf32> to vector<96x127xf32>
    %concatenate3A_949 = tpu.concatenate %broadcast_in_dim3A_947, %slice3A_948 in 1 : vector<96x1xf32>, vector<96x127xf32> -> vector<96x128xf32>
    %add3A_950 = arith.addf %reshape3A_858, %concatenate3A_949 : vector<96x128xf32>
    %broadcast_in_dim3A_951 = arith.constant 0.000000e+00 : f32
    %broadcast_in_dim3A_952 = vector.broadcast %broadcast_in_dim3A_951 : f32 to vector<96x2xf32>
    %slice3A_953 = vector.extract_strided_slice %add3A_950 {offsets = [0, 0], sizes = [96, 126], strides = [1, 1]} : vector<96x128xf32> to vector<96x126xf32>
    %concatenate3A_954 = tpu.concatenate %broadcast_in_dim3A_952, %slice3A_953 in 1 : vector<96x2xf32>, vector<96x126xf32> -> vector<96x128xf32>
    %add3A_955 = arith.addf %add3A_950, %concatenate3A_954 : vector<96x128xf32>
    %broadcast_in_dim3A_956 = arith.constant 0.000000e+00 : f32
    %broadcast_in_dim3A_957 = vector.broadcast %broadcast_in_dim3A_956 : f32 to vector<96x4xf32>
    %slice3A_958 = vector.extract_strided_slice %add3A_955 {offsets = [0, 0], sizes = [96, 124], strides = [1, 1]} : vector<96x128xf32> to vector<96x124xf32>
    %concatenate3A_959 = tpu.concatenate %broadcast_in_dim3A_957, %slice3A_958 in 1 : vector<96x4xf32>, vector<96x124xf32> -> vector<96x128xf32>
    %add3A_960 = arith.addf %add3A_955, %concatenate3A_959 : vector<96x128xf32>
    %broadcast_in_dim3A_961 = arith.constant 0.000000e+00 : f32
    %broadcast_in_dim3A_962 = vector.broadcast %broadcast_in_dim3A_961 : f32 to vector<96x8xf32>
    %slice3A_963 = vector.extract_strided_slice %add3A_960 {offsets = [0, 0], sizes = [96, 120], strides = [1, 1]} : vector<96x128xf32> to vector<96x120xf32>
    %concatenate3A_964 = tpu.concatenate %broadcast_in_dim3A_962, %slice3A_963 in 1 : vector<96x8xf32>, vector<96x120xf32> -> vector<96x128xf32>
    %add3A_965 = arith.addf %add3A_960, %concatenate3A_964 : vector<96x128xf32>
    %broadcast_in_dim3A_966 = arith.constant 0.000000e+00 : f32
    %broadcast_in_dim3A_967 = vector.broadcast %broadcast_in_dim3A_966 : f32 to vector<96x16xf32>
    %slice3A_968 = vector.extract_strided_slice %add3A_965 {offsets = [0, 0], sizes = [96, 112], strides = [1, 1]} : vector<96x128xf32> to vector<96x112xf32>
    %concatenate3A_969 = tpu.concatenate %broadcast_in_dim3A_967, %slice3A_968 in 1 : vector<96x16xf32>, vector<96x112xf32> -> vector<96x128xf32>
    %add3A_970 = arith.addf %add3A_965, %concatenate3A_969 : vector<96x128xf32>
    %broadcast_in_dim3A_971 = arith.constant 0.000000e+00 : f32
    %broadcast_in_dim3A_972 = vector.broadcast %broadcast_in_dim3A_971 : f32 to vector<96x32xf32>
    %slice3A_973 = vector.extract_strided_slice %add3A_970 {offsets = [0, 0], sizes = [96, 96], strides = [1, 1]} : vector<96x128xf32> to vector<96x96xf32>
    %concatenate3A_974 = tpu.concatenate %broadcast_in_dim3A_972, %slice3A_973 in 1 : vector<96x32xf32>, vector<96x96xf32> -> vector<96x128xf32>
    %add3A_975 = arith.addf %add3A_970, %concatenate3A_974 : vector<96x128xf32>
    %broadcast_in_dim3A_976 = arith.constant 0.000000e+00 : f32
    %broadcast_in_dim3A_977 = vector.broadcast %broadcast_in_dim3A_976 : f32 to vector<96x64xf32>
    %slice3A_978 = vector.extract_strided_slice %add3A_975 {offsets = [0, 0], sizes = [96, 64], strides = [1, 1]} : vector<96x128xf32> to vector<96x64xf32>
    %concatenate3A_979 = tpu.concatenate %broadcast_in_dim3A_977, %slice3A_978 in 1 : vector<96x64xf32>, vector<96x64xf32> -> vector<96x128xf32>
    %add3A_980 = arith.addf %add3A_975, %concatenate3A_979 : vector<96x128xf32>
    %reduce_sum3A_981 = arith.constant dense<0.000000e+00> : vector<96xf32>
    %reduce_sum3A_982 = vector.multi_reduction <add>, %reshape3A_858, %reduce_sum3A_981 [1] : vector<96x128xf32> to vector<96xf32>
    %broadcast_in_dim3A_983 = vector.shape_cast %reduce_sum3A_982 : vector<96xf32> to vector<96x1xf32>
    %broadcast_in_dim3A_984 = arith.constant 0.000000e+00 : f32
    %broadcast_in_dim3A_985 = vector.broadcast %broadcast_in_dim3A_984 : f32 to vector<1x1xf32>
    %slice3A_986 = vector.extract_strided_slice %broadcast_in_dim3A_983 {offsets = [0, 0], sizes = [95, 1], strides = [1, 1]} : vector<96x1xf32> to vector<95x1xf32>
    %concatenate3A_987 = tpu.concatenate %broadcast_in_dim3A_985, %slice3A_986 in 0 : vector<1x1xf32>, vector<95x1xf32> -> vector<96x1xf32>
    %add3A_988 = arith.addf %broadcast_in_dim3A_983, %concatenate3A_987 : vector<96x1xf32>
    %broadcast_in_dim3A_989 = arith.constant 0.000000e+00 : f32
    %broadcast_in_dim3A_990 = vector.broadcast %broadcast_in_dim3A_989 : f32 to vector<2x1xf32>
    %slice3A_991 = vector.extract_strided_slice %add3A_988 {offsets = [0, 0], sizes = [94, 1], strides = [1, 1]} : vector<96x1xf32> to vector<94x1xf32>
    %concatenate3A_992 = tpu.concatenate %broadcast_in_dim3A_990, %slice3A_991 in 0 : vector<2x1xf32>, vector<94x1xf32> -> vector<96x1xf32>
    %add3A_993 = arith.addf %add3A_988, %concatenate3A_992 : vector<96x1xf32>
    %broadcast_in_dim3A_994 = arith.constant 0.000000e+00 : f32
    %broadcast_in_dim3A_995 = vector.broadcast %broadcast_in_dim3A_994 : f32 to vector<4x1xf32>
    %slice3A_996 = vector.extract_strided_slice %add3A_993 {offsets = [0, 0], sizes = [92, 1], strides = [1, 1]} : vector<96x1xf32> to vector<92x1xf32>
    %concatenate3A_997 = tpu.concatenate %broadcast_in_dim3A_995, %slice3A_996 in 0 : vector<4x1xf32>, vector<92x1xf32> -> vector<96x1xf32>
    %add3A_998 = arith.addf %add3A_993, %concatenate3A_997 : vector<96x1xf32>
    %broadcast_in_dim3A_999 = arith.constant 0.000000e+00 : f32
    %broadcast_in_dim3A_1000 = vector.broadcast %broadcast_in_dim3A_999 : f32 to vector<8x1xf32>
    %slice3A_1001 = vector.extract_strided_slice %add3A_998 {offsets = [0, 0], sizes = [88, 1], strides = [1, 1]} : vector<96x1xf32> to vector<88x1xf32>
    %concatenate3A_1002 = tpu.concatenate %broadcast_in_dim3A_1000, %slice3A_1001 in 0 : vector<8x1xf32>, vector<88x1xf32> -> vector<96x1xf32>
    %add3A_1003 = arith.addf %add3A_998, %concatenate3A_1002 : vector<96x1xf32>
    %broadcast_in_dim3A_1004 = arith.constant 0.000000e+00 : f32
    %broadcast_in_dim3A_1005 = vector.broadcast %broadcast_in_dim3A_1004 : f32 to vector<16x1xf32>
    %slice3A_1006 = vector.extract_strided_slice %add3A_1003 {offsets = [0, 0], sizes = [80, 1], strides = [1, 1]} : vector<96x1xf32> to vector<80x1xf32>
    %concatenate3A_1007 = tpu.concatenate %broadcast_in_dim3A_1005, %slice3A_1006 in 0 : vector<16x1xf32>, vector<80x1xf32> -> vector<96x1xf32>
    %add3A_1008 = arith.addf %add3A_1003, %concatenate3A_1007 : vector<96x1xf32>
    %broadcast_in_dim3A_1009 = arith.constant 0.000000e+00 : f32
    %broadcast_in_dim3A_1010 = vector.broadcast %broadcast_in_dim3A_1009 : f32 to vector<32x1xf32>
    %slice3A_1011 = vector.extract_strided_slice %add3A_1008 {offsets = [0, 0], sizes = [64, 1], strides = [1, 1]} : vector<96x1xf32> to vector<64x1xf32>
    %concatenate3A_1012 = tpu.concatenate %broadcast_in_dim3A_1010, %slice3A_1011 in 0 : vector<32x1xf32>, vector<64x1xf32> -> vector<96x1xf32>
    %add3A_1013 = arith.addf %add3A_1008, %concatenate3A_1012 : vector<96x1xf32>
    %broadcast_in_dim3A_1014 = arith.constant 0.000000e+00 : f32
    %broadcast_in_dim3A_1015 = vector.broadcast %broadcast_in_dim3A_1014 : f32 to vector<64x1xf32>
    %slice3A_1016 = vector.extract_strided_slice %add3A_1013 {offsets = [0, 0], sizes = [32, 1], strides = [1, 1]} : vector<96x1xf32> to vector<32x1xf32>
    %concatenate3A_1017 = tpu.concatenate %broadcast_in_dim3A_1015, %slice3A_1016 in 0 : vector<64x1xf32>, vector<32x1xf32> -> vector<96x1xf32>
    %add3A_1018 = arith.addf %add3A_1013, %concatenate3A_1017 : vector<96x1xf32>
    %reduce_sum3A_1019 = vector.shape_cast %reshape3A_858 : vector<96x128xf32> to vector<1x96x128xf32>
    %reduce_sum3A_1020 = arith.constant dense<0.000000e+00> : vector<1xf32>
    %reduce_sum3A_1021 = vector.multi_reduction <add>, %reduce_sum3A_1019, %reduce_sum3A_1020 [1, 2] : vector<1x96x128xf32> to vector<1xf32>
    %reduce_sum3A_1022 = vector.shape_cast %reduce_sum3A_1021 : vector<1xf32> to vector<1x1x1xf32>
    %reduce_sum3A_1023 = vector.extract %reduce_sum3A_1022[0, 0, 0] : f32 from vector<1x1x1xf32>
    %sub3A_1024 = vector.broadcast %reduce_sum3A_1023 : f32 to vector<96x1xf32>
    %sub3A_1025 = arith.subf %sub3A_1024, %add3A_1018 : vector<96x1xf32>
    %sub3A_1026 = vector.broadcast %broadcast_in_dim3A_983 : vector<96x1xf32> to vector<96x128xf32>
    %sub3A_1027 = arith.subf %sub3A_1026, %add3A_980 : vector<96x128xf32>
    %add3A_1028 = vector.broadcast %sub3A_1025 : vector<96x1xf32> to vector<96x128xf32>
    %add3A_1029 = arith.addf %add3A_1028, %sub3A_1027 : vector<96x128xf32>
    %get3A_1030 = arith.constant 3 : index
    %get3A_1031 = memref.load %arg4[%get3A_1030] : memref<8xf32, #tpu.memory_space<smem>>
    %add3A_1032 = vector.broadcast %get3A_1031 : f32 to vector<96x128xf32>
    %add3A_1033 = arith.addf %add3A_1032, %add3A_945 : vector<96x128xf32>
    %get3A_1034 = arith.constant 3 : index
    %get3A_1035 = memref.load %arg5[%get3A_1034] : memref<8xf32, #tpu.memory_space<smem>>
    %add3A_1036 = vector.broadcast %get3A_1035 : f32 to vector<96x128xf32>
    %add3A_1037 = arith.addf %add3A_1036, %add3A_1029 : vector<96x128xf32>
    %add3A_1038 = vector.broadcast %get3A_861 : f32 to vector<96x128xf32>
    %add3A_1039 = arith.addf %add3A_1038, %add3A_1033 : vector<96x128xf32>
    %add3A_1040 = arith.addf %add3A_1039, %reshape3A_838 : vector<96x128xf32>
    %mul3A_1041 = arith.mulf %reshape3A_858, %add3A_1040 : vector<96x128xf32>
    %sub3A_1042 = vector.broadcast %get3A_861 : f32 to vector<96x128xf32>
    %sub3A_1043 = arith.subf %sub3A_1042, %add3A_1037 : vector<96x128xf32>
    %sub3A_1044 = arith.subf %sub3A_1043, %reshape3A_858 : vector<96x128xf32>
    %mul3A_1045 = arith.mulf %reshape3A_838, %sub3A_1044 : vector<96x128xf32>
    %add3A_1046 = arith.addf %mul3A_1041, %mul3A_1045 : vector<96x128xf32>
    %mul3A_1047 = arith.mulf %bitcast_convert_type3A, %add3A_1046 : vector<96x128xf32>
    %add3A_1048 = arith.addf %add3A_1039, %reshape3A_838 : vector<96x128xf32>
    %mul3A_1049 = arith.mulf %add3A_1039, %add3A_1048 : vector<96x128xf32>
    %div3A_1050 = arith.divf %mul3A_1047, %mul3A_1049 : vector<96x128xf32>
    %get3A_1051 = arith.constant 3 : index
    %get3A_1052 = memref.load %arg6[%get3A_1051] : memref<8xf32, #tpu.memory_space<smem>>
    %reduce_sum3A_1053 = vector.shape_cast %div3A_1050 : vector<96x128xf32> to vector<1x96x128xf32>
    %reduce_sum3A_1054 = arith.constant dense<0.000000e+00> : vector<1xf32>
    %reduce_sum3A_1055 = vector.multi_reduction <add>, %reduce_sum3A_1053, %reduce_sum3A_1054 [1, 2] : vector<1x96x128xf32> to vector<1xf32>
    %reduce_sum3A_1056 = vector.shape_cast %reduce_sum3A_1055 : vector<1xf32> to vector<1x1x1xf32>
    %reduce_sum3A_1057 = vector.extract %reduce_sum3A_1056[0, 0, 0] : f32 from vector<1x1x1xf32>
    %add3A_1058 = arith.addf %get3A_1052, %reduce_sum3A_1057 : f32
    %swap3A_1059 = arith.constant 3 : index
    %swap3A_1060 = memref.load %arg6[%swap3A_1059] : memref<8xf32, #tpu.memory_space<smem>>
    memref.store %add3A_1058, %arg6[%swap3A_1059] : memref<8xf32, #tpu.memory_space<smem>>
    %add3A_1061 = arith.addf %reshape3A_838, %reshape3A_858 : vector<96x128xf32>
    %gt3A_1062 = arith.constant 0.000000e+00 : f32
    %gt3A_1063 = vector.broadcast %gt3A_1062 : f32 to vector<96x128xf32>
    %gt3A_1064 = arith.cmpf ogt, %add3A_1061, %gt3A_1063 : vector<96x128xf32>
    %get3A_1065 = arith.constant 3 : index
    %get3A_1066 = memref.load %arg7[%get3A_1065] : memref<8xf32, #tpu.memory_space<smem>>
    %jit3A_1067 = arith.constant 0.000000e+00 : f32
    %broadcast_in_dim3A_1068 = vector.broadcast %jit3A_1067 : f32 to vector<96x128xf32>
    %select_n3A_1069 = arith.select %gt3A_1064, %bitcast_convert_type3A, %broadcast_in_dim3A_1068 : vector<96x128xi1>, vector<96x128xf32>
    %reduce_max3A_1070 = vector.shape_cast %select_n3A_1069 : vector<96x128xf32> to vector<1x96x128xf32>
    %reduce_max3A_1071 = arith.constant dense<0xFF800000> : vector<1xf32>
    %reduce_max3A_1072 = vector.multi_reduction <maximumf>, %reduce_max3A_1070, %reduce_max3A_1071 [1, 2] : vector<1x96x128xf32> to vector<1xf32>
    %reduce_max3A_1073 = vector.shape_cast %reduce_max3A_1072 : vector<1xf32> to vector<1x1x1xf32>
    %reduce_max3A_1074 = vector.extract %reduce_max3A_1073[0, 0, 0] : f32 from vector<1x1x1xf32>
    %max3A_1075 = arith.maximumf %get3A_1066, %reduce_max3A_1074 : f32
    %swap3A_1076 = arith.constant 3 : index
    %swap3A_1077 = memref.load %arg7[%swap3A_1076] : memref<8xf32, #tpu.memory_space<smem>>
    memref.store %max3A_1075, %arg7[%swap3A_1076] : memref<8xf32, #tpu.memory_space<smem>>
    %get3A_1078 = arith.constant 3 : index
    %get3A_1079 = memref.load %arg4[%get3A_1078] : memref<8xf32, #tpu.memory_space<smem>>
    %add3A_1080 = arith.addf %get3A_1079, %reduce_sum3A_939 : f32
    %swap3A_1081 = arith.constant 3 : index
    %swap3A_1082 = memref.load %arg4[%swap3A_1081] : memref<8xf32, #tpu.memory_space<smem>>
    memref.store %add3A_1080, %arg4[%swap3A_1081] : memref<8xf32, #tpu.memory_space<smem>>
    %get3A_1083 = arith.constant 3 : index
    %get3A_1084 = memref.load %arg5[%get3A_1083] : memref<8xf32, #tpu.memory_space<smem>>
    %add3A_1085 = arith.addf %get3A_1084, %reduce_sum3A_1023 : f32
    %swap3A_1086 = arith.constant 3 : index
    %swap3A_1087 = memref.load %arg5[%swap3A_1086] : memref<8xf32, #tpu.memory_space<smem>>
    memref.store %add3A_1085, %arg5[%swap3A_1086] : memref<8xf32, #tpu.memory_space<smem>>
    %get3A_1088 = arith.constant 16 : index
    %get3A_1089 = arith.constant 0 : index
    %get3A_1090 = vector.load %arg8[%get3A_1088, %get3A_1089] : memref<32x12288xf32, #tpu.memory_space<vmem>>, vector<1x12288xf32>
    %get3A_1091 = vector.shape_cast %get3A_1090 : vector<1x12288xf32> to vector<12288xf32>
    %get3A_1092 = arith.constant 17 : index
    %get3A_1093 = arith.constant 0 : index
    %get3A_1094 = vector.load %arg8[%get3A_1092, %get3A_1093] : memref<32x12288xf32, #tpu.memory_space<vmem>>, vector<1x12288xf32>
    %get3A_1095 = vector.shape_cast %get3A_1094 : vector<1x12288xf32> to vector<12288xf32>
    %add3A_1096 = arith.addf %get3A_1091, %get3A_1095 : vector<12288xf32>
    %get3A_1097 = arith.constant 18 : index
    %get3A_1098 = arith.constant 0 : index
    %get3A_1099 = vector.load %arg8[%get3A_1097, %get3A_1098] : memref<32x12288xf32, #tpu.memory_space<vmem>>, vector<1x12288xf32>
    %get3A_1100 = vector.shape_cast %get3A_1099 : vector<1x12288xf32> to vector<12288xf32>
    %add3A_1101 = arith.addf %add3A_1096, %get3A_1100 : vector<12288xf32>
    %get3A_1102 = arith.constant 19 : index
    %get3A_1103 = arith.constant 0 : index
    %get3A_1104 = vector.load %arg8[%get3A_1102, %get3A_1103] : memref<32x12288xf32, #tpu.memory_space<vmem>>, vector<1x12288xf32>
    %get3A_1105 = vector.shape_cast %get3A_1104 : vector<1x12288xf32> to vector<12288xf32>
    %add3A_1106 = arith.addf %add3A_1101, %get3A_1105 : vector<12288xf32>
    %reshape3A_1107 = vector.shape_cast %add3A_1106 : vector<12288xf32> to vector<96x128xf32>
    %get3A_1108 = arith.constant 16 : index
    %get3A_1109 = arith.constant 0 : index
    %get3A_1110 = vector.load %arg9[%get3A_1108, %get3A_1109] : memref<32x12288xf32, #tpu.memory_space<vmem>>, vector<1x12288xf32>
    %get3A_1111 = vector.shape_cast %get3A_1110 : vector<1x12288xf32> to vector<12288xf32>
    %get3A_1112 = arith.constant 17 : index
    %get3A_1113 = arith.constant 0 : index
    %get3A_1114 = vector.load %arg9[%get3A_1112, %get3A_1113] : memref<32x12288xf32, #tpu.memory_space<vmem>>, vector<1x12288xf32>
    %get3A_1115 = vector.shape_cast %get3A_1114 : vector<1x12288xf32> to vector<12288xf32>
    %add3A_1116 = arith.addf %get3A_1111, %get3A_1115 : vector<12288xf32>
    %get3A_1117 = arith.constant 18 : index
    %get3A_1118 = arith.constant 0 : index
    %get3A_1119 = vector.load %arg9[%get3A_1117, %get3A_1118] : memref<32x12288xf32, #tpu.memory_space<vmem>>, vector<1x12288xf32>
    %get3A_1120 = vector.shape_cast %get3A_1119 : vector<1x12288xf32> to vector<12288xf32>
    %add3A_1121 = arith.addf %add3A_1116, %get3A_1120 : vector<12288xf32>
    %get3A_1122 = arith.constant 19 : index
    %get3A_1123 = arith.constant 0 : index
    %get3A_1124 = vector.load %arg9[%get3A_1122, %get3A_1123] : memref<32x12288xf32, #tpu.memory_space<vmem>>, vector<1x12288xf32>
    %get3A_1125 = vector.shape_cast %get3A_1124 : vector<1x12288xf32> to vector<12288xf32>
    %add3A_1126 = arith.addf %add3A_1121, %get3A_1125 : vector<12288xf32>
    %reshape3A_1127 = vector.shape_cast %add3A_1126 : vector<12288xf32> to vector<96x128xf32>
    %get3A_1128 = arith.constant 4 : index
    %get3A_1129 = arith.constant 0 : index
    %get3A_1130 = memref.load %arg2[%get3A_1128, %get3A_1129] : memref<8x1xf32, #tpu.memory_space<smem>>
    %broadcast_in_dim3A_1131 = arith.constant 0.000000e+00 : f32
    %broadcast_in_dim3A_1132 = vector.broadcast %broadcast_in_dim3A_1131 : f32 to vector<96x1xf32>
    %slice3A_1133 = vector.extract_strided_slice %reshape3A_1107 {offsets = [0, 0], sizes = [96, 127], strides = [1, 1]} : vector<96x128xf32> to vector<96x127xf32>
    %concatenate3A_1134 = tpu.concatenate %broadcast_in_dim3A_1132, %slice3A_1133 in 1 : vector<96x1xf32>, vector<96x127xf32> -> vector<96x128xf32>
    %add3A_1135 = arith.addf %reshape3A_1107, %concatenate3A_1134 : vector<96x128xf32>
    %broadcast_in_dim3A_1136 = arith.constant 0.000000e+00 : f32
    %broadcast_in_dim3A_1137 = vector.broadcast %broadcast_in_dim3A_1136 : f32 to vector<96x2xf32>
    %slice3A_1138 = vector.extract_strided_slice %add3A_1135 {offsets = [0, 0], sizes = [96, 126], strides = [1, 1]} : vector<96x128xf32> to vector<96x126xf32>
    %concatenate3A_1139 = tpu.concatenate %broadcast_in_dim3A_1137, %slice3A_1138 in 1 : vector<96x2xf32>, vector<96x126xf32> -> vector<96x128xf32>
    %add3A_1140 = arith.addf %add3A_1135, %concatenate3A_1139 : vector<96x128xf32>
    %broadcast_in_dim3A_1141 = arith.constant 0.000000e+00 : f32
    %broadcast_in_dim3A_1142 = vector.broadcast %broadcast_in_dim3A_1141 : f32 to vector<96x4xf32>
    %slice3A_1143 = vector.extract_strided_slice %add3A_1140 {offsets = [0, 0], sizes = [96, 124], strides = [1, 1]} : vector<96x128xf32> to vector<96x124xf32>
    %concatenate3A_1144 = tpu.concatenate %broadcast_in_dim3A_1142, %slice3A_1143 in 1 : vector<96x4xf32>, vector<96x124xf32> -> vector<96x128xf32>
    %add3A_1145 = arith.addf %add3A_1140, %concatenate3A_1144 : vector<96x128xf32>
    %broadcast_in_dim3A_1146 = arith.constant 0.000000e+00 : f32
    %broadcast_in_dim3A_1147 = vector.broadcast %broadcast_in_dim3A_1146 : f32 to vector<96x8xf32>
    %slice3A_1148 = vector.extract_strided_slice %add3A_1145 {offsets = [0, 0], sizes = [96, 120], strides = [1, 1]} : vector<96x128xf32> to vector<96x120xf32>
    %concatenate3A_1149 = tpu.concatenate %broadcast_in_dim3A_1147, %slice3A_1148 in 1 : vector<96x8xf32>, vector<96x120xf32> -> vector<96x128xf32>
    %add3A_1150 = arith.addf %add3A_1145, %concatenate3A_1149 : vector<96x128xf32>
    %broadcast_in_dim3A_1151 = arith.constant 0.000000e+00 : f32
    %broadcast_in_dim3A_1152 = vector.broadcast %broadcast_in_dim3A_1151 : f32 to vector<96x16xf32>
    %slice3A_1153 = vector.extract_strided_slice %add3A_1150 {offsets = [0, 0], sizes = [96, 112], strides = [1, 1]} : vector<96x128xf32> to vector<96x112xf32>
    %concatenate3A_1154 = tpu.concatenate %broadcast_in_dim3A_1152, %slice3A_1153 in 1 : vector<96x16xf32>, vector<96x112xf32> -> vector<96x128xf32>
    %add3A_1155 = arith.addf %add3A_1150, %concatenate3A_1154 : vector<96x128xf32>
    %broadcast_in_dim3A_1156 = arith.constant 0.000000e+00 : f32
    %broadcast_in_dim3A_1157 = vector.broadcast %broadcast_in_dim3A_1156 : f32 to vector<96x32xf32>
    %slice3A_1158 = vector.extract_strided_slice %add3A_1155 {offsets = [0, 0], sizes = [96, 96], strides = [1, 1]} : vector<96x128xf32> to vector<96x96xf32>
    %concatenate3A_1159 = tpu.concatenate %broadcast_in_dim3A_1157, %slice3A_1158 in 1 : vector<96x32xf32>, vector<96x96xf32> -> vector<96x128xf32>
    %add3A_1160 = arith.addf %add3A_1155, %concatenate3A_1159 : vector<96x128xf32>
    %broadcast_in_dim3A_1161 = arith.constant 0.000000e+00 : f32
    %broadcast_in_dim3A_1162 = vector.broadcast %broadcast_in_dim3A_1161 : f32 to vector<96x64xf32>
    %slice3A_1163 = vector.extract_strided_slice %add3A_1160 {offsets = [0, 0], sizes = [96, 64], strides = [1, 1]} : vector<96x128xf32> to vector<96x64xf32>
    %concatenate3A_1164 = tpu.concatenate %broadcast_in_dim3A_1162, %slice3A_1163 in 1 : vector<96x64xf32>, vector<96x64xf32> -> vector<96x128xf32>
    %add3A_1165 = arith.addf %add3A_1160, %concatenate3A_1164 : vector<96x128xf32>
    %reduce_sum3A_1166 = arith.constant dense<0.000000e+00> : vector<96xf32>
    %reduce_sum3A_1167 = vector.multi_reduction <add>, %reshape3A_1107, %reduce_sum3A_1166 [1] : vector<96x128xf32> to vector<96xf32>
    %broadcast_in_dim3A_1168 = vector.shape_cast %reduce_sum3A_1167 : vector<96xf32> to vector<96x1xf32>
    %broadcast_in_dim3A_1169 = arith.constant 0.000000e+00 : f32
    %broadcast_in_dim3A_1170 = vector.broadcast %broadcast_in_dim3A_1169 : f32 to vector<1x1xf32>
    %slice3A_1171 = vector.extract_strided_slice %broadcast_in_dim3A_1168 {offsets = [0, 0], sizes = [95, 1], strides = [1, 1]} : vector<96x1xf32> to vector<95x1xf32>
    %concatenate3A_1172 = tpu.concatenate %broadcast_in_dim3A_1170, %slice3A_1171 in 0 : vector<1x1xf32>, vector<95x1xf32> -> vector<96x1xf32>
    %add3A_1173 = arith.addf %broadcast_in_dim3A_1168, %concatenate3A_1172 : vector<96x1xf32>
    %broadcast_in_dim3A_1174 = arith.constant 0.000000e+00 : f32
    %broadcast_in_dim3A_1175 = vector.broadcast %broadcast_in_dim3A_1174 : f32 to vector<2x1xf32>
    %slice3A_1176 = vector.extract_strided_slice %add3A_1173 {offsets = [0, 0], sizes = [94, 1], strides = [1, 1]} : vector<96x1xf32> to vector<94x1xf32>
    %concatenate3A_1177 = tpu.concatenate %broadcast_in_dim3A_1175, %slice3A_1176 in 0 : vector<2x1xf32>, vector<94x1xf32> -> vector<96x1xf32>
    %add3A_1178 = arith.addf %add3A_1173, %concatenate3A_1177 : vector<96x1xf32>
    %broadcast_in_dim3A_1179 = arith.constant 0.000000e+00 : f32
    %broadcast_in_dim3A_1180 = vector.broadcast %broadcast_in_dim3A_1179 : f32 to vector<4x1xf32>
    %slice3A_1181 = vector.extract_strided_slice %add3A_1178 {offsets = [0, 0], sizes = [92, 1], strides = [1, 1]} : vector<96x1xf32> to vector<92x1xf32>
    %concatenate3A_1182 = tpu.concatenate %broadcast_in_dim3A_1180, %slice3A_1181 in 0 : vector<4x1xf32>, vector<92x1xf32> -> vector<96x1xf32>
    %add3A_1183 = arith.addf %add3A_1178, %concatenate3A_1182 : vector<96x1xf32>
    %broadcast_in_dim3A_1184 = arith.constant 0.000000e+00 : f32
    %broadcast_in_dim3A_1185 = vector.broadcast %broadcast_in_dim3A_1184 : f32 to vector<8x1xf32>
    %slice3A_1186 = vector.extract_strided_slice %add3A_1183 {offsets = [0, 0], sizes = [88, 1], strides = [1, 1]} : vector<96x1xf32> to vector<88x1xf32>
    %concatenate3A_1187 = tpu.concatenate %broadcast_in_dim3A_1185, %slice3A_1186 in 0 : vector<8x1xf32>, vector<88x1xf32> -> vector<96x1xf32>
    %add3A_1188 = arith.addf %add3A_1183, %concatenate3A_1187 : vector<96x1xf32>
    %broadcast_in_dim3A_1189 = arith.constant 0.000000e+00 : f32
    %broadcast_in_dim3A_1190 = vector.broadcast %broadcast_in_dim3A_1189 : f32 to vector<16x1xf32>
    %slice3A_1191 = vector.extract_strided_slice %add3A_1188 {offsets = [0, 0], sizes = [80, 1], strides = [1, 1]} : vector<96x1xf32> to vector<80x1xf32>
    %concatenate3A_1192 = tpu.concatenate %broadcast_in_dim3A_1190, %slice3A_1191 in 0 : vector<16x1xf32>, vector<80x1xf32> -> vector<96x1xf32>
    %add3A_1193 = arith.addf %add3A_1188, %concatenate3A_1192 : vector<96x1xf32>
    %broadcast_in_dim3A_1194 = arith.constant 0.000000e+00 : f32
    %broadcast_in_dim3A_1195 = vector.broadcast %broadcast_in_dim3A_1194 : f32 to vector<32x1xf32>
    %slice3A_1196 = vector.extract_strided_slice %add3A_1193 {offsets = [0, 0], sizes = [64, 1], strides = [1, 1]} : vector<96x1xf32> to vector<64x1xf32>
    %concatenate3A_1197 = tpu.concatenate %broadcast_in_dim3A_1195, %slice3A_1196 in 0 : vector<32x1xf32>, vector<64x1xf32> -> vector<96x1xf32>
    %add3A_1198 = arith.addf %add3A_1193, %concatenate3A_1197 : vector<96x1xf32>
    %broadcast_in_dim3A_1199 = arith.constant 0.000000e+00 : f32
    %broadcast_in_dim3A_1200 = vector.broadcast %broadcast_in_dim3A_1199 : f32 to vector<64x1xf32>
    %slice3A_1201 = vector.extract_strided_slice %add3A_1198 {offsets = [0, 0], sizes = [32, 1], strides = [1, 1]} : vector<96x1xf32> to vector<32x1xf32>
    %concatenate3A_1202 = tpu.concatenate %broadcast_in_dim3A_1200, %slice3A_1201 in 0 : vector<64x1xf32>, vector<32x1xf32> -> vector<96x1xf32>
    %add3A_1203 = arith.addf %add3A_1198, %concatenate3A_1202 : vector<96x1xf32>
    %reduce_sum3A_1204 = vector.shape_cast %reshape3A_1107 : vector<96x128xf32> to vector<1x96x128xf32>
    %reduce_sum3A_1205 = arith.constant dense<0.000000e+00> : vector<1xf32>
    %reduce_sum3A_1206 = vector.multi_reduction <add>, %reduce_sum3A_1204, %reduce_sum3A_1205 [1, 2] : vector<1x96x128xf32> to vector<1xf32>
    %reduce_sum3A_1207 = vector.shape_cast %reduce_sum3A_1206 : vector<1xf32> to vector<1x1x1xf32>
    %reduce_sum3A_1208 = vector.extract %reduce_sum3A_1207[0, 0, 0] : f32 from vector<1x1x1xf32>
    %sub3A_1209 = vector.broadcast %reduce_sum3A_1208 : f32 to vector<96x1xf32>
    %sub3A_1210 = arith.subf %sub3A_1209, %add3A_1203 : vector<96x1xf32>
    %sub3A_1211 = vector.broadcast %broadcast_in_dim3A_1168 : vector<96x1xf32> to vector<96x128xf32>
    %sub3A_1212 = arith.subf %sub3A_1211, %add3A_1165 : vector<96x128xf32>
    %add3A_1213 = vector.broadcast %sub3A_1210 : vector<96x1xf32> to vector<96x128xf32>
    %add3A_1214 = arith.addf %add3A_1213, %sub3A_1212 : vector<96x128xf32>
    %broadcast_in_dim3A_1215 = arith.constant 0.000000e+00 : f32
    %broadcast_in_dim3A_1216 = vector.broadcast %broadcast_in_dim3A_1215 : f32 to vector<96x1xf32>
    %slice3A_1217 = vector.extract_strided_slice %reshape3A_1127 {offsets = [0, 0], sizes = [96, 127], strides = [1, 1]} : vector<96x128xf32> to vector<96x127xf32>
    %concatenate3A_1218 = tpu.concatenate %broadcast_in_dim3A_1216, %slice3A_1217 in 1 : vector<96x1xf32>, vector<96x127xf32> -> vector<96x128xf32>
    %add3A_1219 = arith.addf %reshape3A_1127, %concatenate3A_1218 : vector<96x128xf32>
    %broadcast_in_dim3A_1220 = arith.constant 0.000000e+00 : f32
    %broadcast_in_dim3A_1221 = vector.broadcast %broadcast_in_dim3A_1220 : f32 to vector<96x2xf32>
    %slice3A_1222 = vector.extract_strided_slice %add3A_1219 {offsets = [0, 0], sizes = [96, 126], strides = [1, 1]} : vector<96x128xf32> to vector<96x126xf32>
    %concatenate3A_1223 = tpu.concatenate %broadcast_in_dim3A_1221, %slice3A_1222 in 1 : vector<96x2xf32>, vector<96x126xf32> -> vector<96x128xf32>
    %add3A_1224 = arith.addf %add3A_1219, %concatenate3A_1223 : vector<96x128xf32>
    %broadcast_in_dim3A_1225 = arith.constant 0.000000e+00 : f32
    %broadcast_in_dim3A_1226 = vector.broadcast %broadcast_in_dim3A_1225 : f32 to vector<96x4xf32>
    %slice3A_1227 = vector.extract_strided_slice %add3A_1224 {offsets = [0, 0], sizes = [96, 124], strides = [1, 1]} : vector<96x128xf32> to vector<96x124xf32>
    %concatenate3A_1228 = tpu.concatenate %broadcast_in_dim3A_1226, %slice3A_1227 in 1 : vector<96x4xf32>, vector<96x124xf32> -> vector<96x128xf32>
    %add3A_1229 = arith.addf %add3A_1224, %concatenate3A_1228 : vector<96x128xf32>
    %broadcast_in_dim3A_1230 = arith.constant 0.000000e+00 : f32
    %broadcast_in_dim3A_1231 = vector.broadcast %broadcast_in_dim3A_1230 : f32 to vector<96x8xf32>
    %slice3A_1232 = vector.extract_strided_slice %add3A_1229 {offsets = [0, 0], sizes = [96, 120], strides = [1, 1]} : vector<96x128xf32> to vector<96x120xf32>
    %concatenate3A_1233 = tpu.concatenate %broadcast_in_dim3A_1231, %slice3A_1232 in 1 : vector<96x8xf32>, vector<96x120xf32> -> vector<96x128xf32>
    %add3A_1234 = arith.addf %add3A_1229, %concatenate3A_1233 : vector<96x128xf32>
    %broadcast_in_dim3A_1235 = arith.constant 0.000000e+00 : f32
    %broadcast_in_dim3A_1236 = vector.broadcast %broadcast_in_dim3A_1235 : f32 to vector<96x16xf32>
    %slice3A_1237 = vector.extract_strided_slice %add3A_1234 {offsets = [0, 0], sizes = [96, 112], strides = [1, 1]} : vector<96x128xf32> to vector<96x112xf32>
    %concatenate3A_1238 = tpu.concatenate %broadcast_in_dim3A_1236, %slice3A_1237 in 1 : vector<96x16xf32>, vector<96x112xf32> -> vector<96x128xf32>
    %add3A_1239 = arith.addf %add3A_1234, %concatenate3A_1238 : vector<96x128xf32>
    %broadcast_in_dim3A_1240 = arith.constant 0.000000e+00 : f32
    %broadcast_in_dim3A_1241 = vector.broadcast %broadcast_in_dim3A_1240 : f32 to vector<96x32xf32>
    %slice3A_1242 = vector.extract_strided_slice %add3A_1239 {offsets = [0, 0], sizes = [96, 96], strides = [1, 1]} : vector<96x128xf32> to vector<96x96xf32>
    %concatenate3A_1243 = tpu.concatenate %broadcast_in_dim3A_1241, %slice3A_1242 in 1 : vector<96x32xf32>, vector<96x96xf32> -> vector<96x128xf32>
    %add3A_1244 = arith.addf %add3A_1239, %concatenate3A_1243 : vector<96x128xf32>
    %broadcast_in_dim3A_1245 = arith.constant 0.000000e+00 : f32
    %broadcast_in_dim3A_1246 = vector.broadcast %broadcast_in_dim3A_1245 : f32 to vector<96x64xf32>
    %slice3A_1247 = vector.extract_strided_slice %add3A_1244 {offsets = [0, 0], sizes = [96, 64], strides = [1, 1]} : vector<96x128xf32> to vector<96x64xf32>
    %concatenate3A_1248 = tpu.concatenate %broadcast_in_dim3A_1246, %slice3A_1247 in 1 : vector<96x64xf32>, vector<96x64xf32> -> vector<96x128xf32>
    %add3A_1249 = arith.addf %add3A_1244, %concatenate3A_1248 : vector<96x128xf32>
    %reduce_sum3A_1250 = arith.constant dense<0.000000e+00> : vector<96xf32>
    %reduce_sum3A_1251 = vector.multi_reduction <add>, %reshape3A_1127, %reduce_sum3A_1250 [1] : vector<96x128xf32> to vector<96xf32>
    %broadcast_in_dim3A_1252 = vector.shape_cast %reduce_sum3A_1251 : vector<96xf32> to vector<96x1xf32>
    %broadcast_in_dim3A_1253 = arith.constant 0.000000e+00 : f32
    %broadcast_in_dim3A_1254 = vector.broadcast %broadcast_in_dim3A_1253 : f32 to vector<1x1xf32>
    %slice3A_1255 = vector.extract_strided_slice %broadcast_in_dim3A_1252 {offsets = [0, 0], sizes = [95, 1], strides = [1, 1]} : vector<96x1xf32> to vector<95x1xf32>
    %concatenate3A_1256 = tpu.concatenate %broadcast_in_dim3A_1254, %slice3A_1255 in 0 : vector<1x1xf32>, vector<95x1xf32> -> vector<96x1xf32>
    %add3A_1257 = arith.addf %broadcast_in_dim3A_1252, %concatenate3A_1256 : vector<96x1xf32>
    %broadcast_in_dim3A_1258 = arith.constant 0.000000e+00 : f32
    %broadcast_in_dim3A_1259 = vector.broadcast %broadcast_in_dim3A_1258 : f32 to vector<2x1xf32>
    %slice3A_1260 = vector.extract_strided_slice %add3A_1257 {offsets = [0, 0], sizes = [94, 1], strides = [1, 1]} : vector<96x1xf32> to vector<94x1xf32>
    %concatenate3A_1261 = tpu.concatenate %broadcast_in_dim3A_1259, %slice3A_1260 in 0 : vector<2x1xf32>, vector<94x1xf32> -> vector<96x1xf32>
    %add3A_1262 = arith.addf %add3A_1257, %concatenate3A_1261 : vector<96x1xf32>
    %broadcast_in_dim3A_1263 = arith.constant 0.000000e+00 : f32
    %broadcast_in_dim3A_1264 = vector.broadcast %broadcast_in_dim3A_1263 : f32 to vector<4x1xf32>
    %slice3A_1265 = vector.extract_strided_slice %add3A_1262 {offsets = [0, 0], sizes = [92, 1], strides = [1, 1]} : vector<96x1xf32> to vector<92x1xf32>
    %concatenate3A_1266 = tpu.concatenate %broadcast_in_dim3A_1264, %slice3A_1265 in 0 : vector<4x1xf32>, vector<92x1xf32> -> vector<96x1xf32>
    %add3A_1267 = arith.addf %add3A_1262, %concatenate3A_1266 : vector<96x1xf32>
    %broadcast_in_dim3A_1268 = arith.constant 0.000000e+00 : f32
    %broadcast_in_dim3A_1269 = vector.broadcast %broadcast_in_dim3A_1268 : f32 to vector<8x1xf32>
    %slice3A_1270 = vector.extract_strided_slice %add3A_1267 {offsets = [0, 0], sizes = [88, 1], strides = [1, 1]} : vector<96x1xf32> to vector<88x1xf32>
    %concatenate3A_1271 = tpu.concatenate %broadcast_in_dim3A_1269, %slice3A_1270 in 0 : vector<8x1xf32>, vector<88x1xf32> -> vector<96x1xf32>
    %add3A_1272 = arith.addf %add3A_1267, %concatenate3A_1271 : vector<96x1xf32>
    %broadcast_in_dim3A_1273 = arith.constant 0.000000e+00 : f32
    %broadcast_in_dim3A_1274 = vector.broadcast %broadcast_in_dim3A_1273 : f32 to vector<16x1xf32>
    %slice3A_1275 = vector.extract_strided_slice %add3A_1272 {offsets = [0, 0], sizes = [80, 1], strides = [1, 1]} : vector<96x1xf32> to vector<80x1xf32>
    %concatenate3A_1276 = tpu.concatenate %broadcast_in_dim3A_1274, %slice3A_1275 in 0 : vector<16x1xf32>, vector<80x1xf32> -> vector<96x1xf32>
    %add3A_1277 = arith.addf %add3A_1272, %concatenate3A_1276 : vector<96x1xf32>
    %broadcast_in_dim3A_1278 = arith.constant 0.000000e+00 : f32
    %broadcast_in_dim3A_1279 = vector.broadcast %broadcast_in_dim3A_1278 : f32 to vector<32x1xf32>
    %slice3A_1280 = vector.extract_strided_slice %add3A_1277 {offsets = [0, 0], sizes = [64, 1], strides = [1, 1]} : vector<96x1xf32> to vector<64x1xf32>
    %concatenate3A_1281 = tpu.concatenate %broadcast_in_dim3A_1279, %slice3A_1280 in 0 : vector<32x1xf32>, vector<64x1xf32> -> vector<96x1xf32>
    %add3A_1282 = arith.addf %add3A_1277, %concatenate3A_1281 : vector<96x1xf32>
    %broadcast_in_dim3A_1283 = arith.constant 0.000000e+00 : f32
    %broadcast_in_dim3A_1284 = vector.broadcast %broadcast_in_dim3A_1283 : f32 to vector<64x1xf32>
    %slice3A_1285 = vector.extract_strided_slice %add3A_1282 {offsets = [0, 0], sizes = [32, 1], strides = [1, 1]} : vector<96x1xf32> to vector<32x1xf32>
    %concatenate3A_1286 = tpu.concatenate %broadcast_in_dim3A_1284, %slice3A_1285 in 0 : vector<64x1xf32>, vector<32x1xf32> -> vector<96x1xf32>
    %add3A_1287 = arith.addf %add3A_1282, %concatenate3A_1286 : vector<96x1xf32>
    %reduce_sum3A_1288 = vector.shape_cast %reshape3A_1127 : vector<96x128xf32> to vector<1x96x128xf32>
    %reduce_sum3A_1289 = arith.constant dense<0.000000e+00> : vector<1xf32>
    %reduce_sum3A_1290 = vector.multi_reduction <add>, %reduce_sum3A_1288, %reduce_sum3A_1289 [1, 2] : vector<1x96x128xf32> to vector<1xf32>
    %reduce_sum3A_1291 = vector.shape_cast %reduce_sum3A_1290 : vector<1xf32> to vector<1x1x1xf32>
    %reduce_sum3A_1292 = vector.extract %reduce_sum3A_1291[0, 0, 0] : f32 from vector<1x1x1xf32>
    %sub3A_1293 = vector.broadcast %reduce_sum3A_1292 : f32 to vector<96x1xf32>
    %sub3A_1294 = arith.subf %sub3A_1293, %add3A_1287 : vector<96x1xf32>
    %sub3A_1295 = vector.broadcast %broadcast_in_dim3A_1252 : vector<96x1xf32> to vector<96x128xf32>
    %sub3A_1296 = arith.subf %sub3A_1295, %add3A_1249 : vector<96x128xf32>
    %add3A_1297 = vector.broadcast %sub3A_1294 : vector<96x1xf32> to vector<96x128xf32>
    %add3A_1298 = arith.addf %add3A_1297, %sub3A_1296 : vector<96x128xf32>
    %get3A_1299 = arith.constant 4 : index
    %get3A_1300 = memref.load %arg4[%get3A_1299] : memref<8xf32, #tpu.memory_space<smem>>
    %add3A_1301 = vector.broadcast %get3A_1300 : f32 to vector<96x128xf32>
    %add3A_1302 = arith.addf %add3A_1301, %add3A_1214 : vector<96x128xf32>
    %get3A_1303 = arith.constant 4 : index
    %get3A_1304 = memref.load %arg5[%get3A_1303] : memref<8xf32, #tpu.memory_space<smem>>
    %add3A_1305 = vector.broadcast %get3A_1304 : f32 to vector<96x128xf32>
    %add3A_1306 = arith.addf %add3A_1305, %add3A_1298 : vector<96x128xf32>
    %add3A_1307 = vector.broadcast %get3A_1130 : f32 to vector<96x128xf32>
    %add3A_1308 = arith.addf %add3A_1307, %add3A_1302 : vector<96x128xf32>
    %add3A_1309 = arith.addf %add3A_1308, %reshape3A_1107 : vector<96x128xf32>
    %mul3A_1310 = arith.mulf %reshape3A_1127, %add3A_1309 : vector<96x128xf32>
    %sub3A_1311 = vector.broadcast %get3A_1130 : f32 to vector<96x128xf32>
    %sub3A_1312 = arith.subf %sub3A_1311, %add3A_1306 : vector<96x128xf32>
    %sub3A_1313 = arith.subf %sub3A_1312, %reshape3A_1127 : vector<96x128xf32>
    %mul3A_1314 = arith.mulf %reshape3A_1107, %sub3A_1313 : vector<96x128xf32>
    %add3A_1315 = arith.addf %mul3A_1310, %mul3A_1314 : vector<96x128xf32>
    %mul3A_1316 = arith.mulf %bitcast_convert_type3A, %add3A_1315 : vector<96x128xf32>
    %add3A_1317 = arith.addf %add3A_1308, %reshape3A_1107 : vector<96x128xf32>
    %mul3A_1318 = arith.mulf %add3A_1308, %add3A_1317 : vector<96x128xf32>
    %div3A_1319 = arith.divf %mul3A_1316, %mul3A_1318 : vector<96x128xf32>
    %get3A_1320 = arith.constant 4 : index
    %get3A_1321 = memref.load %arg6[%get3A_1320] : memref<8xf32, #tpu.memory_space<smem>>
    %reduce_sum3A_1322 = vector.shape_cast %div3A_1319 : vector<96x128xf32> to vector<1x96x128xf32>
    %reduce_sum3A_1323 = arith.constant dense<0.000000e+00> : vector<1xf32>
    %reduce_sum3A_1324 = vector.multi_reduction <add>, %reduce_sum3A_1322, %reduce_sum3A_1323 [1, 2] : vector<1x96x128xf32> to vector<1xf32>
    %reduce_sum3A_1325 = vector.shape_cast %reduce_sum3A_1324 : vector<1xf32> to vector<1x1x1xf32>
    %reduce_sum3A_1326 = vector.extract %reduce_sum3A_1325[0, 0, 0] : f32 from vector<1x1x1xf32>
    %add3A_1327 = arith.addf %get3A_1321, %reduce_sum3A_1326 : f32
    %swap3A_1328 = arith.constant 4 : index
    %swap3A_1329 = memref.load %arg6[%swap3A_1328] : memref<8xf32, #tpu.memory_space<smem>>
    memref.store %add3A_1327, %arg6[%swap3A_1328] : memref<8xf32, #tpu.memory_space<smem>>
    %add3A_1330 = arith.addf %reshape3A_1107, %reshape3A_1127 : vector<96x128xf32>
    %gt3A_1331 = arith.constant 0.000000e+00 : f32
    %gt3A_1332 = vector.broadcast %gt3A_1331 : f32 to vector<96x128xf32>
    %gt3A_1333 = arith.cmpf ogt, %add3A_1330, %gt3A_1332 : vector<96x128xf32>
    %get3A_1334 = arith.constant 4 : index
    %get3A_1335 = memref.load %arg7[%get3A_1334] : memref<8xf32, #tpu.memory_space<smem>>
    %jit3A_1336 = arith.constant 0.000000e+00 : f32
    %broadcast_in_dim3A_1337 = vector.broadcast %jit3A_1336 : f32 to vector<96x128xf32>
    %select_n3A_1338 = arith.select %gt3A_1333, %bitcast_convert_type3A, %broadcast_in_dim3A_1337 : vector<96x128xi1>, vector<96x128xf32>
    %reduce_max3A_1339 = vector.shape_cast %select_n3A_1338 : vector<96x128xf32> to vector<1x96x128xf32>
    %reduce_max3A_1340 = arith.constant dense<0xFF800000> : vector<1xf32>
    %reduce_max3A_1341 = vector.multi_reduction <maximumf>, %reduce_max3A_1339, %reduce_max3A_1340 [1, 2] : vector<1x96x128xf32> to vector<1xf32>
    %reduce_max3A_1342 = vector.shape_cast %reduce_max3A_1341 : vector<1xf32> to vector<1x1x1xf32>
    %reduce_max3A_1343 = vector.extract %reduce_max3A_1342[0, 0, 0] : f32 from vector<1x1x1xf32>
    %max3A_1344 = arith.maximumf %get3A_1335, %reduce_max3A_1343 : f32
    %swap3A_1345 = arith.constant 4 : index
    %swap3A_1346 = memref.load %arg7[%swap3A_1345] : memref<8xf32, #tpu.memory_space<smem>>
    memref.store %max3A_1344, %arg7[%swap3A_1345] : memref<8xf32, #tpu.memory_space<smem>>
    %get3A_1347 = arith.constant 4 : index
    %get3A_1348 = memref.load %arg4[%get3A_1347] : memref<8xf32, #tpu.memory_space<smem>>
    %add3A_1349 = arith.addf %get3A_1348, %reduce_sum3A_1208 : f32
    %swap3A_1350 = arith.constant 4 : index
    %swap3A_1351 = memref.load %arg4[%swap3A_1350] : memref<8xf32, #tpu.memory_space<smem>>
    memref.store %add3A_1349, %arg4[%swap3A_1350] : memref<8xf32, #tpu.memory_space<smem>>
    %get3A_1352 = arith.constant 4 : index
    %get3A_1353 = memref.load %arg5[%get3A_1352] : memref<8xf32, #tpu.memory_space<smem>>
    %add3A_1354 = arith.addf %get3A_1353, %reduce_sum3A_1292 : f32
    %swap3A_1355 = arith.constant 4 : index
    %swap3A_1356 = memref.load %arg5[%swap3A_1355] : memref<8xf32, #tpu.memory_space<smem>>
    memref.store %add3A_1354, %arg5[%swap3A_1355] : memref<8xf32, #tpu.memory_space<smem>>
    %get3A_1357 = arith.constant 20 : index
    %get3A_1358 = arith.constant 0 : index
    %get3A_1359 = vector.load %arg8[%get3A_1357, %get3A_1358] : memref<32x12288xf32, #tpu.memory_space<vmem>>, vector<1x12288xf32>
    %get3A_1360 = vector.shape_cast %get3A_1359 : vector<1x12288xf32> to vector<12288xf32>
    %get3A_1361 = arith.constant 21 : index
    %get3A_1362 = arith.constant 0 : index
    %get3A_1363 = vector.load %arg8[%get3A_1361, %get3A_1362] : memref<32x12288xf32, #tpu.memory_space<vmem>>, vector<1x12288xf32>
    %get3A_1364 = vector.shape_cast %get3A_1363 : vector<1x12288xf32> to vector<12288xf32>
    %add3A_1365 = arith.addf %get3A_1360, %get3A_1364 : vector<12288xf32>
    %get3A_1366 = arith.constant 22 : index
    %get3A_1367 = arith.constant 0 : index
    %get3A_1368 = vector.load %arg8[%get3A_1366, %get3A_1367] : memref<32x12288xf32, #tpu.memory_space<vmem>>, vector<1x12288xf32>
    %get3A_1369 = vector.shape_cast %get3A_1368 : vector<1x12288xf32> to vector<12288xf32>
    %add3A_1370 = arith.addf %add3A_1365, %get3A_1369 : vector<12288xf32>
    %get3A_1371 = arith.constant 23 : index
    %get3A_1372 = arith.constant 0 : index
    %get3A_1373 = vector.load %arg8[%get3A_1371, %get3A_1372] : memref<32x12288xf32, #tpu.memory_space<vmem>>, vector<1x12288xf32>
    %get3A_1374 = vector.shape_cast %get3A_1373 : vector<1x12288xf32> to vector<12288xf32>
    %add3A_1375 = arith.addf %add3A_1370, %get3A_1374 : vector<12288xf32>
    %reshape3A_1376 = vector.shape_cast %add3A_1375 : vector<12288xf32> to vector<96x128xf32>
    %get3A_1377 = arith.constant 20 : index
    %get3A_1378 = arith.constant 0 : index
    %get3A_1379 = vector.load %arg9[%get3A_1377, %get3A_1378] : memref<32x12288xf32, #tpu.memory_space<vmem>>, vector<1x12288xf32>
    %get3A_1380 = vector.shape_cast %get3A_1379 : vector<1x12288xf32> to vector<12288xf32>
    %get3A_1381 = arith.constant 21 : index
    %get3A_1382 = arith.constant 0 : index
    %get3A_1383 = vector.load %arg9[%get3A_1381, %get3A_1382] : memref<32x12288xf32, #tpu.memory_space<vmem>>, vector<1x12288xf32>
    %get3A_1384 = vector.shape_cast %get3A_1383 : vector<1x12288xf32> to vector<12288xf32>
    %add3A_1385 = arith.addf %get3A_1380, %get3A_1384 : vector<12288xf32>
    %get3A_1386 = arith.constant 22 : index
    %get3A_1387 = arith.constant 0 : index
    %get3A_1388 = vector.load %arg9[%get3A_1386, %get3A_1387] : memref<32x12288xf32, #tpu.memory_space<vmem>>, vector<1x12288xf32>
    %get3A_1389 = vector.shape_cast %get3A_1388 : vector<1x12288xf32> to vector<12288xf32>
    %add3A_1390 = arith.addf %add3A_1385, %get3A_1389 : vector<12288xf32>
    %get3A_1391 = arith.constant 23 : index
    %get3A_1392 = arith.constant 0 : index
    %get3A_1393 = vector.load %arg9[%get3A_1391, %get3A_1392] : memref<32x12288xf32, #tpu.memory_space<vmem>>, vector<1x12288xf32>
    %get3A_1394 = vector.shape_cast %get3A_1393 : vector<1x12288xf32> to vector<12288xf32>
    %add3A_1395 = arith.addf %add3A_1390, %get3A_1394 : vector<12288xf32>
    %reshape3A_1396 = vector.shape_cast %add3A_1395 : vector<12288xf32> to vector<96x128xf32>
    %get3A_1397 = arith.constant 5 : index
    %get3A_1398 = arith.constant 0 : index
    %get3A_1399 = memref.load %arg2[%get3A_1397, %get3A_1398] : memref<8x1xf32, #tpu.memory_space<smem>>
    %broadcast_in_dim3A_1400 = arith.constant 0.000000e+00 : f32
    %broadcast_in_dim3A_1401 = vector.broadcast %broadcast_in_dim3A_1400 : f32 to vector<96x1xf32>
    %slice3A_1402 = vector.extract_strided_slice %reshape3A_1376 {offsets = [0, 0], sizes = [96, 127], strides = [1, 1]} : vector<96x128xf32> to vector<96x127xf32>
    %concatenate3A_1403 = tpu.concatenate %broadcast_in_dim3A_1401, %slice3A_1402 in 1 : vector<96x1xf32>, vector<96x127xf32> -> vector<96x128xf32>
    %add3A_1404 = arith.addf %reshape3A_1376, %concatenate3A_1403 : vector<96x128xf32>
    %broadcast_in_dim3A_1405 = arith.constant 0.000000e+00 : f32
    %broadcast_in_dim3A_1406 = vector.broadcast %broadcast_in_dim3A_1405 : f32 to vector<96x2xf32>
    %slice3A_1407 = vector.extract_strided_slice %add3A_1404 {offsets = [0, 0], sizes = [96, 126], strides = [1, 1]} : vector<96x128xf32> to vector<96x126xf32>
    %concatenate3A_1408 = tpu.concatenate %broadcast_in_dim3A_1406, %slice3A_1407 in 1 : vector<96x2xf32>, vector<96x126xf32> -> vector<96x128xf32>
    %add3A_1409 = arith.addf %add3A_1404, %concatenate3A_1408 : vector<96x128xf32>
    %broadcast_in_dim3A_1410 = arith.constant 0.000000e+00 : f32
    %broadcast_in_dim3A_1411 = vector.broadcast %broadcast_in_dim3A_1410 : f32 to vector<96x4xf32>
    %slice3A_1412 = vector.extract_strided_slice %add3A_1409 {offsets = [0, 0], sizes = [96, 124], strides = [1, 1]} : vector<96x128xf32> to vector<96x124xf32>
    %concatenate3A_1413 = tpu.concatenate %broadcast_in_dim3A_1411, %slice3A_1412 in 1 : vector<96x4xf32>, vector<96x124xf32> -> vector<96x128xf32>
    %add3A_1414 = arith.addf %add3A_1409, %concatenate3A_1413 : vector<96x128xf32>
    %broadcast_in_dim3A_1415 = arith.constant 0.000000e+00 : f32
    %broadcast_in_dim3A_1416 = vector.broadcast %broadcast_in_dim3A_1415 : f32 to vector<96x8xf32>
    %slice3A_1417 = vector.extract_strided_slice %add3A_1414 {offsets = [0, 0], sizes = [96, 120], strides = [1, 1]} : vector<96x128xf32> to vector<96x120xf32>
    %concatenate3A_1418 = tpu.concatenate %broadcast_in_dim3A_1416, %slice3A_1417 in 1 : vector<96x8xf32>, vector<96x120xf32> -> vector<96x128xf32>
    %add3A_1419 = arith.addf %add3A_1414, %concatenate3A_1418 : vector<96x128xf32>
    %broadcast_in_dim3A_1420 = arith.constant 0.000000e+00 : f32
    %broadcast_in_dim3A_1421 = vector.broadcast %broadcast_in_dim3A_1420 : f32 to vector<96x16xf32>
    %slice3A_1422 = vector.extract_strided_slice %add3A_1419 {offsets = [0, 0], sizes = [96, 112], strides = [1, 1]} : vector<96x128xf32> to vector<96x112xf32>
    %concatenate3A_1423 = tpu.concatenate %broadcast_in_dim3A_1421, %slice3A_1422 in 1 : vector<96x16xf32>, vector<96x112xf32> -> vector<96x128xf32>
    %add3A_1424 = arith.addf %add3A_1419, %concatenate3A_1423 : vector<96x128xf32>
    %broadcast_in_dim3A_1425 = arith.constant 0.000000e+00 : f32
    %broadcast_in_dim3A_1426 = vector.broadcast %broadcast_in_dim3A_1425 : f32 to vector<96x32xf32>
    %slice3A_1427 = vector.extract_strided_slice %add3A_1424 {offsets = [0, 0], sizes = [96, 96], strides = [1, 1]} : vector<96x128xf32> to vector<96x96xf32>
    %concatenate3A_1428 = tpu.concatenate %broadcast_in_dim3A_1426, %slice3A_1427 in 1 : vector<96x32xf32>, vector<96x96xf32> -> vector<96x128xf32>
    %add3A_1429 = arith.addf %add3A_1424, %concatenate3A_1428 : vector<96x128xf32>
    %broadcast_in_dim3A_1430 = arith.constant 0.000000e+00 : f32
    %broadcast_in_dim3A_1431 = vector.broadcast %broadcast_in_dim3A_1430 : f32 to vector<96x64xf32>
    %slice3A_1432 = vector.extract_strided_slice %add3A_1429 {offsets = [0, 0], sizes = [96, 64], strides = [1, 1]} : vector<96x128xf32> to vector<96x64xf32>
    %concatenate3A_1433 = tpu.concatenate %broadcast_in_dim3A_1431, %slice3A_1432 in 1 : vector<96x64xf32>, vector<96x64xf32> -> vector<96x128xf32>
    %add3A_1434 = arith.addf %add3A_1429, %concatenate3A_1433 : vector<96x128xf32>
    %reduce_sum3A_1435 = arith.constant dense<0.000000e+00> : vector<96xf32>
    %reduce_sum3A_1436 = vector.multi_reduction <add>, %reshape3A_1376, %reduce_sum3A_1435 [1] : vector<96x128xf32> to vector<96xf32>
    %broadcast_in_dim3A_1437 = vector.shape_cast %reduce_sum3A_1436 : vector<96xf32> to vector<96x1xf32>
    %broadcast_in_dim3A_1438 = arith.constant 0.000000e+00 : f32
    %broadcast_in_dim3A_1439 = vector.broadcast %broadcast_in_dim3A_1438 : f32 to vector<1x1xf32>
    %slice3A_1440 = vector.extract_strided_slice %broadcast_in_dim3A_1437 {offsets = [0, 0], sizes = [95, 1], strides = [1, 1]} : vector<96x1xf32> to vector<95x1xf32>
    %concatenate3A_1441 = tpu.concatenate %broadcast_in_dim3A_1439, %slice3A_1440 in 0 : vector<1x1xf32>, vector<95x1xf32> -> vector<96x1xf32>
    %add3A_1442 = arith.addf %broadcast_in_dim3A_1437, %concatenate3A_1441 : vector<96x1xf32>
    %broadcast_in_dim3A_1443 = arith.constant 0.000000e+00 : f32
    %broadcast_in_dim3A_1444 = vector.broadcast %broadcast_in_dim3A_1443 : f32 to vector<2x1xf32>
    %slice3A_1445 = vector.extract_strided_slice %add3A_1442 {offsets = [0, 0], sizes = [94, 1], strides = [1, 1]} : vector<96x1xf32> to vector<94x1xf32>
    %concatenate3A_1446 = tpu.concatenate %broadcast_in_dim3A_1444, %slice3A_1445 in 0 : vector<2x1xf32>, vector<94x1xf32> -> vector<96x1xf32>
    %add3A_1447 = arith.addf %add3A_1442, %concatenate3A_1446 : vector<96x1xf32>
    %broadcast_in_dim3A_1448 = arith.constant 0.000000e+00 : f32
    %broadcast_in_dim3A_1449 = vector.broadcast %broadcast_in_dim3A_1448 : f32 to vector<4x1xf32>
    %slice3A_1450 = vector.extract_strided_slice %add3A_1447 {offsets = [0, 0], sizes = [92, 1], strides = [1, 1]} : vector<96x1xf32> to vector<92x1xf32>
    %concatenate3A_1451 = tpu.concatenate %broadcast_in_dim3A_1449, %slice3A_1450 in 0 : vector<4x1xf32>, vector<92x1xf32> -> vector<96x1xf32>
    %add3A_1452 = arith.addf %add3A_1447, %concatenate3A_1451 : vector<96x1xf32>
    %broadcast_in_dim3A_1453 = arith.constant 0.000000e+00 : f32
    %broadcast_in_dim3A_1454 = vector.broadcast %broadcast_in_dim3A_1453 : f32 to vector<8x1xf32>
    %slice3A_1455 = vector.extract_strided_slice %add3A_1452 {offsets = [0, 0], sizes = [88, 1], strides = [1, 1]} : vector<96x1xf32> to vector<88x1xf32>
    %concatenate3A_1456 = tpu.concatenate %broadcast_in_dim3A_1454, %slice3A_1455 in 0 : vector<8x1xf32>, vector<88x1xf32> -> vector<96x1xf32>
    %add3A_1457 = arith.addf %add3A_1452, %concatenate3A_1456 : vector<96x1xf32>
    %broadcast_in_dim3A_1458 = arith.constant 0.000000e+00 : f32
    %broadcast_in_dim3A_1459 = vector.broadcast %broadcast_in_dim3A_1458 : f32 to vector<16x1xf32>
    %slice3A_1460 = vector.extract_strided_slice %add3A_1457 {offsets = [0, 0], sizes = [80, 1], strides = [1, 1]} : vector<96x1xf32> to vector<80x1xf32>
    %concatenate3A_1461 = tpu.concatenate %broadcast_in_dim3A_1459, %slice3A_1460 in 0 : vector<16x1xf32>, vector<80x1xf32> -> vector<96x1xf32>
    %add3A_1462 = arith.addf %add3A_1457, %concatenate3A_1461 : vector<96x1xf32>
    %broadcast_in_dim3A_1463 = arith.constant 0.000000e+00 : f32
    %broadcast_in_dim3A_1464 = vector.broadcast %broadcast_in_dim3A_1463 : f32 to vector<32x1xf32>
    %slice3A_1465 = vector.extract_strided_slice %add3A_1462 {offsets = [0, 0], sizes = [64, 1], strides = [1, 1]} : vector<96x1xf32> to vector<64x1xf32>
    %concatenate3A_1466 = tpu.concatenate %broadcast_in_dim3A_1464, %slice3A_1465 in 0 : vector<32x1xf32>, vector<64x1xf32> -> vector<96x1xf32>
    %add3A_1467 = arith.addf %add3A_1462, %concatenate3A_1466 : vector<96x1xf32>
    %broadcast_in_dim3A_1468 = arith.constant 0.000000e+00 : f32
    %broadcast_in_dim3A_1469 = vector.broadcast %broadcast_in_dim3A_1468 : f32 to vector<64x1xf32>
    %slice3A_1470 = vector.extract_strided_slice %add3A_1467 {offsets = [0, 0], sizes = [32, 1], strides = [1, 1]} : vector<96x1xf32> to vector<32x1xf32>
    %concatenate3A_1471 = tpu.concatenate %broadcast_in_dim3A_1469, %slice3A_1470 in 0 : vector<64x1xf32>, vector<32x1xf32> -> vector<96x1xf32>
    %add3A_1472 = arith.addf %add3A_1467, %concatenate3A_1471 : vector<96x1xf32>
    %reduce_sum3A_1473 = vector.shape_cast %reshape3A_1376 : vector<96x128xf32> to vector<1x96x128xf32>
    %reduce_sum3A_1474 = arith.constant dense<0.000000e+00> : vector<1xf32>
    %reduce_sum3A_1475 = vector.multi_reduction <add>, %reduce_sum3A_1473, %reduce_sum3A_1474 [1, 2] : vector<1x96x128xf32> to vector<1xf32>
    %reduce_sum3A_1476 = vector.shape_cast %reduce_sum3A_1475 : vector<1xf32> to vector<1x1x1xf32>
    %reduce_sum3A_1477 = vector.extract %reduce_sum3A_1476[0, 0, 0] : f32 from vector<1x1x1xf32>
    %sub3A_1478 = vector.broadcast %reduce_sum3A_1477 : f32 to vector<96x1xf32>
    %sub3A_1479 = arith.subf %sub3A_1478, %add3A_1472 : vector<96x1xf32>
    %sub3A_1480 = vector.broadcast %broadcast_in_dim3A_1437 : vector<96x1xf32> to vector<96x128xf32>
    %sub3A_1481 = arith.subf %sub3A_1480, %add3A_1434 : vector<96x128xf32>
    %add3A_1482 = vector.broadcast %sub3A_1479 : vector<96x1xf32> to vector<96x128xf32>
    %add3A_1483 = arith.addf %add3A_1482, %sub3A_1481 : vector<96x128xf32>
    %broadcast_in_dim3A_1484 = arith.constant 0.000000e+00 : f32
    %broadcast_in_dim3A_1485 = vector.broadcast %broadcast_in_dim3A_1484 : f32 to vector<96x1xf32>
    %slice3A_1486 = vector.extract_strided_slice %reshape3A_1396 {offsets = [0, 0], sizes = [96, 127], strides = [1, 1]} : vector<96x128xf32> to vector<96x127xf32>
    %concatenate3A_1487 = tpu.concatenate %broadcast_in_dim3A_1485, %slice3A_1486 in 1 : vector<96x1xf32>, vector<96x127xf32> -> vector<96x128xf32>
    %add3A_1488 = arith.addf %reshape3A_1396, %concatenate3A_1487 : vector<96x128xf32>
    %broadcast_in_dim3A_1489 = arith.constant 0.000000e+00 : f32
    %broadcast_in_dim3A_1490 = vector.broadcast %broadcast_in_dim3A_1489 : f32 to vector<96x2xf32>
    %slice3A_1491 = vector.extract_strided_slice %add3A_1488 {offsets = [0, 0], sizes = [96, 126], strides = [1, 1]} : vector<96x128xf32> to vector<96x126xf32>
    %concatenate3A_1492 = tpu.concatenate %broadcast_in_dim3A_1490, %slice3A_1491 in 1 : vector<96x2xf32>, vector<96x126xf32> -> vector<96x128xf32>
    %add3A_1493 = arith.addf %add3A_1488, %concatenate3A_1492 : vector<96x128xf32>
    %broadcast_in_dim3A_1494 = arith.constant 0.000000e+00 : f32
    %broadcast_in_dim3A_1495 = vector.broadcast %broadcast_in_dim3A_1494 : f32 to vector<96x4xf32>
    %slice3A_1496 = vector.extract_strided_slice %add3A_1493 {offsets = [0, 0], sizes = [96, 124], strides = [1, 1]} : vector<96x128xf32> to vector<96x124xf32>
    %concatenate3A_1497 = tpu.concatenate %broadcast_in_dim3A_1495, %slice3A_1496 in 1 : vector<96x4xf32>, vector<96x124xf32> -> vector<96x128xf32>
    %add3A_1498 = arith.addf %add3A_1493, %concatenate3A_1497 : vector<96x128xf32>
    %broadcast_in_dim3A_1499 = arith.constant 0.000000e+00 : f32
    %broadcast_in_dim3A_1500 = vector.broadcast %broadcast_in_dim3A_1499 : f32 to vector<96x8xf32>
    %slice3A_1501 = vector.extract_strided_slice %add3A_1498 {offsets = [0, 0], sizes = [96, 120], strides = [1, 1]} : vector<96x128xf32> to vector<96x120xf32>
    %concatenate3A_1502 = tpu.concatenate %broadcast_in_dim3A_1500, %slice3A_1501 in 1 : vector<96x8xf32>, vector<96x120xf32> -> vector<96x128xf32>
    %add3A_1503 = arith.addf %add3A_1498, %concatenate3A_1502 : vector<96x128xf32>
    %broadcast_in_dim3A_1504 = arith.constant 0.000000e+00 : f32
    %broadcast_in_dim3A_1505 = vector.broadcast %broadcast_in_dim3A_1504 : f32 to vector<96x16xf32>
    %slice3A_1506 = vector.extract_strided_slice %add3A_1503 {offsets = [0, 0], sizes = [96, 112], strides = [1, 1]} : vector<96x128xf32> to vector<96x112xf32>
    %concatenate3A_1507 = tpu.concatenate %broadcast_in_dim3A_1505, %slice3A_1506 in 1 : vector<96x16xf32>, vector<96x112xf32> -> vector<96x128xf32>
    %add3A_1508 = arith.addf %add3A_1503, %concatenate3A_1507 : vector<96x128xf32>
    %broadcast_in_dim3A_1509 = arith.constant 0.000000e+00 : f32
    %broadcast_in_dim3A_1510 = vector.broadcast %broadcast_in_dim3A_1509 : f32 to vector<96x32xf32>
    %slice3A_1511 = vector.extract_strided_slice %add3A_1508 {offsets = [0, 0], sizes = [96, 96], strides = [1, 1]} : vector<96x128xf32> to vector<96x96xf32>
    %concatenate3A_1512 = tpu.concatenate %broadcast_in_dim3A_1510, %slice3A_1511 in 1 : vector<96x32xf32>, vector<96x96xf32> -> vector<96x128xf32>
    %add3A_1513 = arith.addf %add3A_1508, %concatenate3A_1512 : vector<96x128xf32>
    %broadcast_in_dim3A_1514 = arith.constant 0.000000e+00 : f32
    %broadcast_in_dim3A_1515 = vector.broadcast %broadcast_in_dim3A_1514 : f32 to vector<96x64xf32>
    %slice3A_1516 = vector.extract_strided_slice %add3A_1513 {offsets = [0, 0], sizes = [96, 64], strides = [1, 1]} : vector<96x128xf32> to vector<96x64xf32>
    %concatenate3A_1517 = tpu.concatenate %broadcast_in_dim3A_1515, %slice3A_1516 in 1 : vector<96x64xf32>, vector<96x64xf32> -> vector<96x128xf32>
    %add3A_1518 = arith.addf %add3A_1513, %concatenate3A_1517 : vector<96x128xf32>
    %reduce_sum3A_1519 = arith.constant dense<0.000000e+00> : vector<96xf32>
    %reduce_sum3A_1520 = vector.multi_reduction <add>, %reshape3A_1396, %reduce_sum3A_1519 [1] : vector<96x128xf32> to vector<96xf32>
    %broadcast_in_dim3A_1521 = vector.shape_cast %reduce_sum3A_1520 : vector<96xf32> to vector<96x1xf32>
    %broadcast_in_dim3A_1522 = arith.constant 0.000000e+00 : f32
    %broadcast_in_dim3A_1523 = vector.broadcast %broadcast_in_dim3A_1522 : f32 to vector<1x1xf32>
    %slice3A_1524 = vector.extract_strided_slice %broadcast_in_dim3A_1521 {offsets = [0, 0], sizes = [95, 1], strides = [1, 1]} : vector<96x1xf32> to vector<95x1xf32>
    %concatenate3A_1525 = tpu.concatenate %broadcast_in_dim3A_1523, %slice3A_1524 in 0 : vector<1x1xf32>, vector<95x1xf32> -> vector<96x1xf32>
    %add3A_1526 = arith.addf %broadcast_in_dim3A_1521, %concatenate3A_1525 : vector<96x1xf32>
    %broadcast_in_dim3A_1527 = arith.constant 0.000000e+00 : f32
    %broadcast_in_dim3A_1528 = vector.broadcast %broadcast_in_dim3A_1527 : f32 to vector<2x1xf32>
    %slice3A_1529 = vector.extract_strided_slice %add3A_1526 {offsets = [0, 0], sizes = [94, 1], strides = [1, 1]} : vector<96x1xf32> to vector<94x1xf32>
    %concatenate3A_1530 = tpu.concatenate %broadcast_in_dim3A_1528, %slice3A_1529 in 0 : vector<2x1xf32>, vector<94x1xf32> -> vector<96x1xf32>
    %add3A_1531 = arith.addf %add3A_1526, %concatenate3A_1530 : vector<96x1xf32>
    %broadcast_in_dim3A_1532 = arith.constant 0.000000e+00 : f32
    %broadcast_in_dim3A_1533 = vector.broadcast %broadcast_in_dim3A_1532 : f32 to vector<4x1xf32>
    %slice3A_1534 = vector.extract_strided_slice %add3A_1531 {offsets = [0, 0], sizes = [92, 1], strides = [1, 1]} : vector<96x1xf32> to vector<92x1xf32>
    %concatenate3A_1535 = tpu.concatenate %broadcast_in_dim3A_1533, %slice3A_1534 in 0 : vector<4x1xf32>, vector<92x1xf32> -> vector<96x1xf32>
    %add3A_1536 = arith.addf %add3A_1531, %concatenate3A_1535 : vector<96x1xf32>
    %broadcast_in_dim3A_1537 = arith.constant 0.000000e+00 : f32
    %broadcast_in_dim3A_1538 = vector.broadcast %broadcast_in_dim3A_1537 : f32 to vector<8x1xf32>
    %slice3A_1539 = vector.extract_strided_slice %add3A_1536 {offsets = [0, 0], sizes = [88, 1], strides = [1, 1]} : vector<96x1xf32> to vector<88x1xf32>
    %concatenate3A_1540 = tpu.concatenate %broadcast_in_dim3A_1538, %slice3A_1539 in 0 : vector<8x1xf32>, vector<88x1xf32> -> vector<96x1xf32>
    %add3A_1541 = arith.addf %add3A_1536, %concatenate3A_1540 : vector<96x1xf32>
    %broadcast_in_dim3A_1542 = arith.constant 0.000000e+00 : f32
    %broadcast_in_dim3A_1543 = vector.broadcast %broadcast_in_dim3A_1542 : f32 to vector<16x1xf32>
    %slice3A_1544 = vector.extract_strided_slice %add3A_1541 {offsets = [0, 0], sizes = [80, 1], strides = [1, 1]} : vector<96x1xf32> to vector<80x1xf32>
    %concatenate3A_1545 = tpu.concatenate %broadcast_in_dim3A_1543, %slice3A_1544 in 0 : vector<16x1xf32>, vector<80x1xf32> -> vector<96x1xf32>
    %add3A_1546 = arith.addf %add3A_1541, %concatenate3A_1545 : vector<96x1xf32>
    %broadcast_in_dim3A_1547 = arith.constant 0.000000e+00 : f32
    %broadcast_in_dim3A_1548 = vector.broadcast %broadcast_in_dim3A_1547 : f32 to vector<32x1xf32>
    %slice3A_1549 = vector.extract_strided_slice %add3A_1546 {offsets = [0, 0], sizes = [64, 1], strides = [1, 1]} : vector<96x1xf32> to vector<64x1xf32>
    %concatenate3A_1550 = tpu.concatenate %broadcast_in_dim3A_1548, %slice3A_1549 in 0 : vector<32x1xf32>, vector<64x1xf32> -> vector<96x1xf32>
    %add3A_1551 = arith.addf %add3A_1546, %concatenate3A_1550 : vector<96x1xf32>
    %broadcast_in_dim3A_1552 = arith.constant 0.000000e+00 : f32
    %broadcast_in_dim3A_1553 = vector.broadcast %broadcast_in_dim3A_1552 : f32 to vector<64x1xf32>
    %slice3A_1554 = vector.extract_strided_slice %add3A_1551 {offsets = [0, 0], sizes = [32, 1], strides = [1, 1]} : vector<96x1xf32> to vector<32x1xf32>
    %concatenate3A_1555 = tpu.concatenate %broadcast_in_dim3A_1553, %slice3A_1554 in 0 : vector<64x1xf32>, vector<32x1xf32> -> vector<96x1xf32>
    %add3A_1556 = arith.addf %add3A_1551, %concatenate3A_1555 : vector<96x1xf32>
    %reduce_sum3A_1557 = vector.shape_cast %reshape3A_1396 : vector<96x128xf32> to vector<1x96x128xf32>
    %reduce_sum3A_1558 = arith.constant dense<0.000000e+00> : vector<1xf32>
    %reduce_sum3A_1559 = vector.multi_reduction <add>, %reduce_sum3A_1557, %reduce_sum3A_1558 [1, 2] : vector<1x96x128xf32> to vector<1xf32>
    %reduce_sum3A_1560 = vector.shape_cast %reduce_sum3A_1559 : vector<1xf32> to vector<1x1x1xf32>
    %reduce_sum3A_1561 = vector.extract %reduce_sum3A_1560[0, 0, 0] : f32 from vector<1x1x1xf32>
    %sub3A_1562 = vector.broadcast %reduce_sum3A_1561 : f32 to vector<96x1xf32>
    %sub3A_1563 = arith.subf %sub3A_1562, %add3A_1556 : vector<96x1xf32>
    %sub3A_1564 = vector.broadcast %broadcast_in_dim3A_1521 : vector<96x1xf32> to vector<96x128xf32>
    %sub3A_1565 = arith.subf %sub3A_1564, %add3A_1518 : vector<96x128xf32>
    %add3A_1566 = vector.broadcast %sub3A_1563 : vector<96x1xf32> to vector<96x128xf32>
    %add3A_1567 = arith.addf %add3A_1566, %sub3A_1565 : vector<96x128xf32>
    %get3A_1568 = arith.constant 5 : index
    %get3A_1569 = memref.load %arg4[%get3A_1568] : memref<8xf32, #tpu.memory_space<smem>>
    %add3A_1570 = vector.broadcast %get3A_1569 : f32 to vector<96x128xf32>
    %add3A_1571 = arith.addf %add3A_1570, %add3A_1483 : vector<96x128xf32>
    %get3A_1572 = arith.constant 5 : index
    %get3A_1573 = memref.load %arg5[%get3A_1572] : memref<8xf32, #tpu.memory_space<smem>>
    %add3A_1574 = vector.broadcast %get3A_1573 : f32 to vector<96x128xf32>
    %add3A_1575 = arith.addf %add3A_1574, %add3A_1567 : vector<96x128xf32>
    %add3A_1576 = vector.broadcast %get3A_1399 : f32 to vector<96x128xf32>
    %add3A_1577 = arith.addf %add3A_1576, %add3A_1571 : vector<96x128xf32>
    %add3A_1578 = arith.addf %add3A_1577, %reshape3A_1376 : vector<96x128xf32>
    %mul3A_1579 = arith.mulf %reshape3A_1396, %add3A_1578 : vector<96x128xf32>
    %sub3A_1580 = vector.broadcast %get3A_1399 : f32 to vector<96x128xf32>
    %sub3A_1581 = arith.subf %sub3A_1580, %add3A_1575 : vector<96x128xf32>
    %sub3A_1582 = arith.subf %sub3A_1581, %reshape3A_1396 : vector<96x128xf32>
    %mul3A_1583 = arith.mulf %reshape3A_1376, %sub3A_1582 : vector<96x128xf32>
    %add3A_1584 = arith.addf %mul3A_1579, %mul3A_1583 : vector<96x128xf32>
    %mul3A_1585 = arith.mulf %bitcast_convert_type3A, %add3A_1584 : vector<96x128xf32>
    %add3A_1586 = arith.addf %add3A_1577, %reshape3A_1376 : vector<96x128xf32>
    %mul3A_1587 = arith.mulf %add3A_1577, %add3A_1586 : vector<96x128xf32>
    %div3A_1588 = arith.divf %mul3A_1585, %mul3A_1587 : vector<96x128xf32>
    %get3A_1589 = arith.constant 5 : index
    %get3A_1590 = memref.load %arg6[%get3A_1589] : memref<8xf32, #tpu.memory_space<smem>>
    %reduce_sum3A_1591 = vector.shape_cast %div3A_1588 : vector<96x128xf32> to vector<1x96x128xf32>
    %reduce_sum3A_1592 = arith.constant dense<0.000000e+00> : vector<1xf32>
    %reduce_sum3A_1593 = vector.multi_reduction <add>, %reduce_sum3A_1591, %reduce_sum3A_1592 [1, 2] : vector<1x96x128xf32> to vector<1xf32>
    %reduce_sum3A_1594 = vector.shape_cast %reduce_sum3A_1593 : vector<1xf32> to vector<1x1x1xf32>
    %reduce_sum3A_1595 = vector.extract %reduce_sum3A_1594[0, 0, 0] : f32 from vector<1x1x1xf32>
    %add3A_1596 = arith.addf %get3A_1590, %reduce_sum3A_1595 : f32
    %swap3A_1597 = arith.constant 5 : index
    %swap3A_1598 = memref.load %arg6[%swap3A_1597] : memref<8xf32, #tpu.memory_space<smem>>
    memref.store %add3A_1596, %arg6[%swap3A_1597] : memref<8xf32, #tpu.memory_space<smem>>
    %add3A_1599 = arith.addf %reshape3A_1376, %reshape3A_1396 : vector<96x128xf32>
    %gt3A_1600 = arith.constant 0.000000e+00 : f32
    %gt3A_1601 = vector.broadcast %gt3A_1600 : f32 to vector<96x128xf32>
    %gt3A_1602 = arith.cmpf ogt, %add3A_1599, %gt3A_1601 : vector<96x128xf32>
    %get3A_1603 = arith.constant 5 : index
    %get3A_1604 = memref.load %arg7[%get3A_1603] : memref<8xf32, #tpu.memory_space<smem>>
    %jit3A_1605 = arith.constant 0.000000e+00 : f32
    %broadcast_in_dim3A_1606 = vector.broadcast %jit3A_1605 : f32 to vector<96x128xf32>
    %select_n3A_1607 = arith.select %gt3A_1602, %bitcast_convert_type3A, %broadcast_in_dim3A_1606 : vector<96x128xi1>, vector<96x128xf32>
    %reduce_max3A_1608 = vector.shape_cast %select_n3A_1607 : vector<96x128xf32> to vector<1x96x128xf32>
    %reduce_max3A_1609 = arith.constant dense<0xFF800000> : vector<1xf32>
    %reduce_max3A_1610 = vector.multi_reduction <maximumf>, %reduce_max3A_1608, %reduce_max3A_1609 [1, 2] : vector<1x96x128xf32> to vector<1xf32>
    %reduce_max3A_1611 = vector.shape_cast %reduce_max3A_1610 : vector<1xf32> to vector<1x1x1xf32>
    %reduce_max3A_1612 = vector.extract %reduce_max3A_1611[0, 0, 0] : f32 from vector<1x1x1xf32>
    %max3A_1613 = arith.maximumf %get3A_1604, %reduce_max3A_1612 : f32
    %swap3A_1614 = arith.constant 5 : index
    %swap3A_1615 = memref.load %arg7[%swap3A_1614] : memref<8xf32, #tpu.memory_space<smem>>
    memref.store %max3A_1613, %arg7[%swap3A_1614] : memref<8xf32, #tpu.memory_space<smem>>
    %get3A_1616 = arith.constant 5 : index
    %get3A_1617 = memref.load %arg4[%get3A_1616] : memref<8xf32, #tpu.memory_space<smem>>
    %add3A_1618 = arith.addf %get3A_1617, %reduce_sum3A_1477 : f32
    %swap3A_1619 = arith.constant 5 : index
    %swap3A_1620 = memref.load %arg4[%swap3A_1619] : memref<8xf32, #tpu.memory_space<smem>>
    memref.store %add3A_1618, %arg4[%swap3A_1619] : memref<8xf32, #tpu.memory_space<smem>>
    %get3A_1621 = arith.constant 5 : index
    %get3A_1622 = memref.load %arg5[%get3A_1621] : memref<8xf32, #tpu.memory_space<smem>>
    %add3A_1623 = arith.addf %get3A_1622, %reduce_sum3A_1561 : f32
    %swap3A_1624 = arith.constant 5 : index
    %swap3A_1625 = memref.load %arg5[%swap3A_1624] : memref<8xf32, #tpu.memory_space<smem>>
    memref.store %add3A_1623, %arg5[%swap3A_1624] : memref<8xf32, #tpu.memory_space<smem>>
    %get3A_1626 = arith.constant 24 : index
    %get3A_1627 = arith.constant 0 : index
    %get3A_1628 = vector.load %arg8[%get3A_1626, %get3A_1627] : memref<32x12288xf32, #tpu.memory_space<vmem>>, vector<1x12288xf32>
    %get3A_1629 = vector.shape_cast %get3A_1628 : vector<1x12288xf32> to vector<12288xf32>
    %get3A_1630 = arith.constant 25 : index
    %get3A_1631 = arith.constant 0 : index
    %get3A_1632 = vector.load %arg8[%get3A_1630, %get3A_1631] : memref<32x12288xf32, #tpu.memory_space<vmem>>, vector<1x12288xf32>
    %get3A_1633 = vector.shape_cast %get3A_1632 : vector<1x12288xf32> to vector<12288xf32>
    %add3A_1634 = arith.addf %get3A_1629, %get3A_1633 : vector<12288xf32>
    %get3A_1635 = arith.constant 26 : index
    %get3A_1636 = arith.constant 0 : index
    %get3A_1637 = vector.load %arg8[%get3A_1635, %get3A_1636] : memref<32x12288xf32, #tpu.memory_space<vmem>>, vector<1x12288xf32>
    %get3A_1638 = vector.shape_cast %get3A_1637 : vector<1x12288xf32> to vector<12288xf32>
    %add3A_1639 = arith.addf %add3A_1634, %get3A_1638 : vector<12288xf32>
    %get3A_1640 = arith.constant 27 : index
    %get3A_1641 = arith.constant 0 : index
    %get3A_1642 = vector.load %arg8[%get3A_1640, %get3A_1641] : memref<32x12288xf32, #tpu.memory_space<vmem>>, vector<1x12288xf32>
    %get3A_1643 = vector.shape_cast %get3A_1642 : vector<1x12288xf32> to vector<12288xf32>
    %add3A_1644 = arith.addf %add3A_1639, %get3A_1643 : vector<12288xf32>
    %reshape3A_1645 = vector.shape_cast %add3A_1644 : vector<12288xf32> to vector<96x128xf32>
    %get3A_1646 = arith.constant 24 : index
    %get3A_1647 = arith.constant 0 : index
    %get3A_1648 = vector.load %arg9[%get3A_1646, %get3A_1647] : memref<32x12288xf32, #tpu.memory_space<vmem>>, vector<1x12288xf32>
    %get3A_1649 = vector.shape_cast %get3A_1648 : vector<1x12288xf32> to vector<12288xf32>
    %get3A_1650 = arith.constant 25 : index
    %get3A_1651 = arith.constant 0 : index
    %get3A_1652 = vector.load %arg9[%get3A_1650, %get3A_1651] : memref<32x12288xf32, #tpu.memory_space<vmem>>, vector<1x12288xf32>
    %get3A_1653 = vector.shape_cast %get3A_1652 : vector<1x12288xf32> to vector<12288xf32>
    %add3A_1654 = arith.addf %get3A_1649, %get3A_1653 : vector<12288xf32>
    %get3A_1655 = arith.constant 26 : index
    %get3A_1656 = arith.constant 0 : index
    %get3A_1657 = vector.load %arg9[%get3A_1655, %get3A_1656] : memref<32x12288xf32, #tpu.memory_space<vmem>>, vector<1x12288xf32>
    %get3A_1658 = vector.shape_cast %get3A_1657 : vector<1x12288xf32> to vector<12288xf32>
    %add3A_1659 = arith.addf %add3A_1654, %get3A_1658 : vector<12288xf32>
    %get3A_1660 = arith.constant 27 : index
    %get3A_1661 = arith.constant 0 : index
    %get3A_1662 = vector.load %arg9[%get3A_1660, %get3A_1661] : memref<32x12288xf32, #tpu.memory_space<vmem>>, vector<1x12288xf32>
    %get3A_1663 = vector.shape_cast %get3A_1662 : vector<1x12288xf32> to vector<12288xf32>
    %add3A_1664 = arith.addf %add3A_1659, %get3A_1663 : vector<12288xf32>
    %reshape3A_1665 = vector.shape_cast %add3A_1664 : vector<12288xf32> to vector<96x128xf32>
    %get3A_1666 = arith.constant 6 : index
    %get3A_1667 = arith.constant 0 : index
    %get3A_1668 = memref.load %arg2[%get3A_1666, %get3A_1667] : memref<8x1xf32, #tpu.memory_space<smem>>
    %broadcast_in_dim3A_1669 = arith.constant 0.000000e+00 : f32
    %broadcast_in_dim3A_1670 = vector.broadcast %broadcast_in_dim3A_1669 : f32 to vector<96x1xf32>
    %slice3A_1671 = vector.extract_strided_slice %reshape3A_1645 {offsets = [0, 0], sizes = [96, 127], strides = [1, 1]} : vector<96x128xf32> to vector<96x127xf32>
    %concatenate3A_1672 = tpu.concatenate %broadcast_in_dim3A_1670, %slice3A_1671 in 1 : vector<96x1xf32>, vector<96x127xf32> -> vector<96x128xf32>
    %add3A_1673 = arith.addf %reshape3A_1645, %concatenate3A_1672 : vector<96x128xf32>
    %broadcast_in_dim3A_1674 = arith.constant 0.000000e+00 : f32
    %broadcast_in_dim3A_1675 = vector.broadcast %broadcast_in_dim3A_1674 : f32 to vector<96x2xf32>
    %slice3A_1676 = vector.extract_strided_slice %add3A_1673 {offsets = [0, 0], sizes = [96, 126], strides = [1, 1]} : vector<96x128xf32> to vector<96x126xf32>
    %concatenate3A_1677 = tpu.concatenate %broadcast_in_dim3A_1675, %slice3A_1676 in 1 : vector<96x2xf32>, vector<96x126xf32> -> vector<96x128xf32>
    %add3A_1678 = arith.addf %add3A_1673, %concatenate3A_1677 : vector<96x128xf32>
    %broadcast_in_dim3A_1679 = arith.constant 0.000000e+00 : f32
    %broadcast_in_dim3A_1680 = vector.broadcast %broadcast_in_dim3A_1679 : f32 to vector<96x4xf32>
    %slice3A_1681 = vector.extract_strided_slice %add3A_1678 {offsets = [0, 0], sizes = [96, 124], strides = [1, 1]} : vector<96x128xf32> to vector<96x124xf32>
    %concatenate3A_1682 = tpu.concatenate %broadcast_in_dim3A_1680, %slice3A_1681 in 1 : vector<96x4xf32>, vector<96x124xf32> -> vector<96x128xf32>
    %add3A_1683 = arith.addf %add3A_1678, %concatenate3A_1682 : vector<96x128xf32>
    %broadcast_in_dim3A_1684 = arith.constant 0.000000e+00 : f32
    %broadcast_in_dim3A_1685 = vector.broadcast %broadcast_in_dim3A_1684 : f32 to vector<96x8xf32>
    %slice3A_1686 = vector.extract_strided_slice %add3A_1683 {offsets = [0, 0], sizes = [96, 120], strides = [1, 1]} : vector<96x128xf32> to vector<96x120xf32>
    %concatenate3A_1687 = tpu.concatenate %broadcast_in_dim3A_1685, %slice3A_1686 in 1 : vector<96x8xf32>, vector<96x120xf32> -> vector<96x128xf32>
    %add3A_1688 = arith.addf %add3A_1683, %concatenate3A_1687 : vector<96x128xf32>
    %broadcast_in_dim3A_1689 = arith.constant 0.000000e+00 : f32
    %broadcast_in_dim3A_1690 = vector.broadcast %broadcast_in_dim3A_1689 : f32 to vector<96x16xf32>
    %slice3A_1691 = vector.extract_strided_slice %add3A_1688 {offsets = [0, 0], sizes = [96, 112], strides = [1, 1]} : vector<96x128xf32> to vector<96x112xf32>
    %concatenate3A_1692 = tpu.concatenate %broadcast_in_dim3A_1690, %slice3A_1691 in 1 : vector<96x16xf32>, vector<96x112xf32> -> vector<96x128xf32>
    %add3A_1693 = arith.addf %add3A_1688, %concatenate3A_1692 : vector<96x128xf32>
    %broadcast_in_dim3A_1694 = arith.constant 0.000000e+00 : f32
    %broadcast_in_dim3A_1695 = vector.broadcast %broadcast_in_dim3A_1694 : f32 to vector<96x32xf32>
    %slice3A_1696 = vector.extract_strided_slice %add3A_1693 {offsets = [0, 0], sizes = [96, 96], strides = [1, 1]} : vector<96x128xf32> to vector<96x96xf32>
    %concatenate3A_1697 = tpu.concatenate %broadcast_in_dim3A_1695, %slice3A_1696 in 1 : vector<96x32xf32>, vector<96x96xf32> -> vector<96x128xf32>
    %add3A_1698 = arith.addf %add3A_1693, %concatenate3A_1697 : vector<96x128xf32>
    %broadcast_in_dim3A_1699 = arith.constant 0.000000e+00 : f32
    %broadcast_in_dim3A_1700 = vector.broadcast %broadcast_in_dim3A_1699 : f32 to vector<96x64xf32>
    %slice3A_1701 = vector.extract_strided_slice %add3A_1698 {offsets = [0, 0], sizes = [96, 64], strides = [1, 1]} : vector<96x128xf32> to vector<96x64xf32>
    %concatenate3A_1702 = tpu.concatenate %broadcast_in_dim3A_1700, %slice3A_1701 in 1 : vector<96x64xf32>, vector<96x64xf32> -> vector<96x128xf32>
    %add3A_1703 = arith.addf %add3A_1698, %concatenate3A_1702 : vector<96x128xf32>
    %reduce_sum3A_1704 = arith.constant dense<0.000000e+00> : vector<96xf32>
    %reduce_sum3A_1705 = vector.multi_reduction <add>, %reshape3A_1645, %reduce_sum3A_1704 [1] : vector<96x128xf32> to vector<96xf32>
    %broadcast_in_dim3A_1706 = vector.shape_cast %reduce_sum3A_1705 : vector<96xf32> to vector<96x1xf32>
    %broadcast_in_dim3A_1707 = arith.constant 0.000000e+00 : f32
    %broadcast_in_dim3A_1708 = vector.broadcast %broadcast_in_dim3A_1707 : f32 to vector<1x1xf32>
    %slice3A_1709 = vector.extract_strided_slice %broadcast_in_dim3A_1706 {offsets = [0, 0], sizes = [95, 1], strides = [1, 1]} : vector<96x1xf32> to vector<95x1xf32>
    %concatenate3A_1710 = tpu.concatenate %broadcast_in_dim3A_1708, %slice3A_1709 in 0 : vector<1x1xf32>, vector<95x1xf32> -> vector<96x1xf32>
    %add3A_1711 = arith.addf %broadcast_in_dim3A_1706, %concatenate3A_1710 : vector<96x1xf32>
    %broadcast_in_dim3A_1712 = arith.constant 0.000000e+00 : f32
    %broadcast_in_dim3A_1713 = vector.broadcast %broadcast_in_dim3A_1712 : f32 to vector<2x1xf32>
    %slice3A_1714 = vector.extract_strided_slice %add3A_1711 {offsets = [0, 0], sizes = [94, 1], strides = [1, 1]} : vector<96x1xf32> to vector<94x1xf32>
    %concatenate3A_1715 = tpu.concatenate %broadcast_in_dim3A_1713, %slice3A_1714 in 0 : vector<2x1xf32>, vector<94x1xf32> -> vector<96x1xf32>
    %add3A_1716 = arith.addf %add3A_1711, %concatenate3A_1715 : vector<96x1xf32>
    %broadcast_in_dim3A_1717 = arith.constant 0.000000e+00 : f32
    %broadcast_in_dim3A_1718 = vector.broadcast %broadcast_in_dim3A_1717 : f32 to vector<4x1xf32>
    %slice3A_1719 = vector.extract_strided_slice %add3A_1716 {offsets = [0, 0], sizes = [92, 1], strides = [1, 1]} : vector<96x1xf32> to vector<92x1xf32>
    %concatenate3A_1720 = tpu.concatenate %broadcast_in_dim3A_1718, %slice3A_1719 in 0 : vector<4x1xf32>, vector<92x1xf32> -> vector<96x1xf32>
    %add3A_1721 = arith.addf %add3A_1716, %concatenate3A_1720 : vector<96x1xf32>
    %broadcast_in_dim3A_1722 = arith.constant 0.000000e+00 : f32
    %broadcast_in_dim3A_1723 = vector.broadcast %broadcast_in_dim3A_1722 : f32 to vector<8x1xf32>
    %slice3A_1724 = vector.extract_strided_slice %add3A_1721 {offsets = [0, 0], sizes = [88, 1], strides = [1, 1]} : vector<96x1xf32> to vector<88x1xf32>
    %concatenate3A_1725 = tpu.concatenate %broadcast_in_dim3A_1723, %slice3A_1724 in 0 : vector<8x1xf32>, vector<88x1xf32> -> vector<96x1xf32>
    %add3A_1726 = arith.addf %add3A_1721, %concatenate3A_1725 : vector<96x1xf32>
    %broadcast_in_dim3A_1727 = arith.constant 0.000000e+00 : f32
    %broadcast_in_dim3A_1728 = vector.broadcast %broadcast_in_dim3A_1727 : f32 to vector<16x1xf32>
    %slice3A_1729 = vector.extract_strided_slice %add3A_1726 {offsets = [0, 0], sizes = [80, 1], strides = [1, 1]} : vector<96x1xf32> to vector<80x1xf32>
    %concatenate3A_1730 = tpu.concatenate %broadcast_in_dim3A_1728, %slice3A_1729 in 0 : vector<16x1xf32>, vector<80x1xf32> -> vector<96x1xf32>
    %add3A_1731 = arith.addf %add3A_1726, %concatenate3A_1730 : vector<96x1xf32>
    %broadcast_in_dim3A_1732 = arith.constant 0.000000e+00 : f32
    %broadcast_in_dim3A_1733 = vector.broadcast %broadcast_in_dim3A_1732 : f32 to vector<32x1xf32>
    %slice3A_1734 = vector.extract_strided_slice %add3A_1731 {offsets = [0, 0], sizes = [64, 1], strides = [1, 1]} : vector<96x1xf32> to vector<64x1xf32>
    %concatenate3A_1735 = tpu.concatenate %broadcast_in_dim3A_1733, %slice3A_1734 in 0 : vector<32x1xf32>, vector<64x1xf32> -> vector<96x1xf32>
    %add3A_1736 = arith.addf %add3A_1731, %concatenate3A_1735 : vector<96x1xf32>
    %broadcast_in_dim3A_1737 = arith.constant 0.000000e+00 : f32
    %broadcast_in_dim3A_1738 = vector.broadcast %broadcast_in_dim3A_1737 : f32 to vector<64x1xf32>
    %slice3A_1739 = vector.extract_strided_slice %add3A_1736 {offsets = [0, 0], sizes = [32, 1], strides = [1, 1]} : vector<96x1xf32> to vector<32x1xf32>
    %concatenate3A_1740 = tpu.concatenate %broadcast_in_dim3A_1738, %slice3A_1739 in 0 : vector<64x1xf32>, vector<32x1xf32> -> vector<96x1xf32>
    %add3A_1741 = arith.addf %add3A_1736, %concatenate3A_1740 : vector<96x1xf32>
    %reduce_sum3A_1742 = vector.shape_cast %reshape3A_1645 : vector<96x128xf32> to vector<1x96x128xf32>
    %reduce_sum3A_1743 = arith.constant dense<0.000000e+00> : vector<1xf32>
    %reduce_sum3A_1744 = vector.multi_reduction <add>, %reduce_sum3A_1742, %reduce_sum3A_1743 [1, 2] : vector<1x96x128xf32> to vector<1xf32>
    %reduce_sum3A_1745 = vector.shape_cast %reduce_sum3A_1744 : vector<1xf32> to vector<1x1x1xf32>
    %reduce_sum3A_1746 = vector.extract %reduce_sum3A_1745[0, 0, 0] : f32 from vector<1x1x1xf32>
    %sub3A_1747 = vector.broadcast %reduce_sum3A_1746 : f32 to vector<96x1xf32>
    %sub3A_1748 = arith.subf %sub3A_1747, %add3A_1741 : vector<96x1xf32>
    %sub3A_1749 = vector.broadcast %broadcast_in_dim3A_1706 : vector<96x1xf32> to vector<96x128xf32>
    %sub3A_1750 = arith.subf %sub3A_1749, %add3A_1703 : vector<96x128xf32>
    %add3A_1751 = vector.broadcast %sub3A_1748 : vector<96x1xf32> to vector<96x128xf32>
    %add3A_1752 = arith.addf %add3A_1751, %sub3A_1750 : vector<96x128xf32>
    %broadcast_in_dim3A_1753 = arith.constant 0.000000e+00 : f32
    %broadcast_in_dim3A_1754 = vector.broadcast %broadcast_in_dim3A_1753 : f32 to vector<96x1xf32>
    %slice3A_1755 = vector.extract_strided_slice %reshape3A_1665 {offsets = [0, 0], sizes = [96, 127], strides = [1, 1]} : vector<96x128xf32> to vector<96x127xf32>
    %concatenate3A_1756 = tpu.concatenate %broadcast_in_dim3A_1754, %slice3A_1755 in 1 : vector<96x1xf32>, vector<96x127xf32> -> vector<96x128xf32>
    %add3A_1757 = arith.addf %reshape3A_1665, %concatenate3A_1756 : vector<96x128xf32>
    %broadcast_in_dim3A_1758 = arith.constant 0.000000e+00 : f32
    %broadcast_in_dim3A_1759 = vector.broadcast %broadcast_in_dim3A_1758 : f32 to vector<96x2xf32>
    %slice3A_1760 = vector.extract_strided_slice %add3A_1757 {offsets = [0, 0], sizes = [96, 126], strides = [1, 1]} : vector<96x128xf32> to vector<96x126xf32>
    %concatenate3A_1761 = tpu.concatenate %broadcast_in_dim3A_1759, %slice3A_1760 in 1 : vector<96x2xf32>, vector<96x126xf32> -> vector<96x128xf32>
    %add3A_1762 = arith.addf %add3A_1757, %concatenate3A_1761 : vector<96x128xf32>
    %broadcast_in_dim3A_1763 = arith.constant 0.000000e+00 : f32
    %broadcast_in_dim3A_1764 = vector.broadcast %broadcast_in_dim3A_1763 : f32 to vector<96x4xf32>
    %slice3A_1765 = vector.extract_strided_slice %add3A_1762 {offsets = [0, 0], sizes = [96, 124], strides = [1, 1]} : vector<96x128xf32> to vector<96x124xf32>
    %concatenate3A_1766 = tpu.concatenate %broadcast_in_dim3A_1764, %slice3A_1765 in 1 : vector<96x4xf32>, vector<96x124xf32> -> vector<96x128xf32>
    %add3A_1767 = arith.addf %add3A_1762, %concatenate3A_1766 : vector<96x128xf32>
    %broadcast_in_dim3A_1768 = arith.constant 0.000000e+00 : f32
    %broadcast_in_dim3A_1769 = vector.broadcast %broadcast_in_dim3A_1768 : f32 to vector<96x8xf32>
    %slice3A_1770 = vector.extract_strided_slice %add3A_1767 {offsets = [0, 0], sizes = [96, 120], strides = [1, 1]} : vector<96x128xf32> to vector<96x120xf32>
    %concatenate3A_1771 = tpu.concatenate %broadcast_in_dim3A_1769, %slice3A_1770 in 1 : vector<96x8xf32>, vector<96x120xf32> -> vector<96x128xf32>
    %add3A_1772 = arith.addf %add3A_1767, %concatenate3A_1771 : vector<96x128xf32>
    %broadcast_in_dim3A_1773 = arith.constant 0.000000e+00 : f32
    %broadcast_in_dim3A_1774 = vector.broadcast %broadcast_in_dim3A_1773 : f32 to vector<96x16xf32>
    %slice3A_1775 = vector.extract_strided_slice %add3A_1772 {offsets = [0, 0], sizes = [96, 112], strides = [1, 1]} : vector<96x128xf32> to vector<96x112xf32>
    %concatenate3A_1776 = tpu.concatenate %broadcast_in_dim3A_1774, %slice3A_1775 in 1 : vector<96x16xf32>, vector<96x112xf32> -> vector<96x128xf32>
    %add3A_1777 = arith.addf %add3A_1772, %concatenate3A_1776 : vector<96x128xf32>
    %broadcast_in_dim3A_1778 = arith.constant 0.000000e+00 : f32
    %broadcast_in_dim3A_1779 = vector.broadcast %broadcast_in_dim3A_1778 : f32 to vector<96x32xf32>
    %slice3A_1780 = vector.extract_strided_slice %add3A_1777 {offsets = [0, 0], sizes = [96, 96], strides = [1, 1]} : vector<96x128xf32> to vector<96x96xf32>
    %concatenate3A_1781 = tpu.concatenate %broadcast_in_dim3A_1779, %slice3A_1780 in 1 : vector<96x32xf32>, vector<96x96xf32> -> vector<96x128xf32>
    %add3A_1782 = arith.addf %add3A_1777, %concatenate3A_1781 : vector<96x128xf32>
    %broadcast_in_dim3A_1783 = arith.constant 0.000000e+00 : f32
    %broadcast_in_dim3A_1784 = vector.broadcast %broadcast_in_dim3A_1783 : f32 to vector<96x64xf32>
    %slice3A_1785 = vector.extract_strided_slice %add3A_1782 {offsets = [0, 0], sizes = [96, 64], strides = [1, 1]} : vector<96x128xf32> to vector<96x64xf32>
    %concatenate3A_1786 = tpu.concatenate %broadcast_in_dim3A_1784, %slice3A_1785 in 1 : vector<96x64xf32>, vector<96x64xf32> -> vector<96x128xf32>
    %add3A_1787 = arith.addf %add3A_1782, %concatenate3A_1786 : vector<96x128xf32>
    %reduce_sum3A_1788 = arith.constant dense<0.000000e+00> : vector<96xf32>
    %reduce_sum3A_1789 = vector.multi_reduction <add>, %reshape3A_1665, %reduce_sum3A_1788 [1] : vector<96x128xf32> to vector<96xf32>
    %broadcast_in_dim3A_1790 = vector.shape_cast %reduce_sum3A_1789 : vector<96xf32> to vector<96x1xf32>
    %broadcast_in_dim3A_1791 = arith.constant 0.000000e+00 : f32
    %broadcast_in_dim3A_1792 = vector.broadcast %broadcast_in_dim3A_1791 : f32 to vector<1x1xf32>
    %slice3A_1793 = vector.extract_strided_slice %broadcast_in_dim3A_1790 {offsets = [0, 0], sizes = [95, 1], strides = [1, 1]} : vector<96x1xf32> to vector<95x1xf32>
    %concatenate3A_1794 = tpu.concatenate %broadcast_in_dim3A_1792, %slice3A_1793 in 0 : vector<1x1xf32>, vector<95x1xf32> -> vector<96x1xf32>
    %add3A_1795 = arith.addf %broadcast_in_dim3A_1790, %concatenate3A_1794 : vector<96x1xf32>
    %broadcast_in_dim3A_1796 = arith.constant 0.000000e+00 : f32
    %broadcast_in_dim3A_1797 = vector.broadcast %broadcast_in_dim3A_1796 : f32 to vector<2x1xf32>
    %slice3A_1798 = vector.extract_strided_slice %add3A_1795 {offsets = [0, 0], sizes = [94, 1], strides = [1, 1]} : vector<96x1xf32> to vector<94x1xf32>
    %concatenate3A_1799 = tpu.concatenate %broadcast_in_dim3A_1797, %slice3A_1798 in 0 : vector<2x1xf32>, vector<94x1xf32> -> vector<96x1xf32>
    %add3A_1800 = arith.addf %add3A_1795, %concatenate3A_1799 : vector<96x1xf32>
    %broadcast_in_dim3A_1801 = arith.constant 0.000000e+00 : f32
    %broadcast_in_dim3A_1802 = vector.broadcast %broadcast_in_dim3A_1801 : f32 to vector<4x1xf32>
    %slice3A_1803 = vector.extract_strided_slice %add3A_1800 {offsets = [0, 0], sizes = [92, 1], strides = [1, 1]} : vector<96x1xf32> to vector<92x1xf32>
    %concatenate3A_1804 = tpu.concatenate %broadcast_in_dim3A_1802, %slice3A_1803 in 0 : vector<4x1xf32>, vector<92x1xf32> -> vector<96x1xf32>
    %add3A_1805 = arith.addf %add3A_1800, %concatenate3A_1804 : vector<96x1xf32>
    %broadcast_in_dim3A_1806 = arith.constant 0.000000e+00 : f32
    %broadcast_in_dim3A_1807 = vector.broadcast %broadcast_in_dim3A_1806 : f32 to vector<8x1xf32>
    %slice3A_1808 = vector.extract_strided_slice %add3A_1805 {offsets = [0, 0], sizes = [88, 1], strides = [1, 1]} : vector<96x1xf32> to vector<88x1xf32>
    %concatenate3A_1809 = tpu.concatenate %broadcast_in_dim3A_1807, %slice3A_1808 in 0 : vector<8x1xf32>, vector<88x1xf32> -> vector<96x1xf32>
    %add3A_1810 = arith.addf %add3A_1805, %concatenate3A_1809 : vector<96x1xf32>
    %broadcast_in_dim3A_1811 = arith.constant 0.000000e+00 : f32
    %broadcast_in_dim3A_1812 = vector.broadcast %broadcast_in_dim3A_1811 : f32 to vector<16x1xf32>
    %slice3A_1813 = vector.extract_strided_slice %add3A_1810 {offsets = [0, 0], sizes = [80, 1], strides = [1, 1]} : vector<96x1xf32> to vector<80x1xf32>
    %concatenate3A_1814 = tpu.concatenate %broadcast_in_dim3A_1812, %slice3A_1813 in 0 : vector<16x1xf32>, vector<80x1xf32> -> vector<96x1xf32>
    %add3A_1815 = arith.addf %add3A_1810, %concatenate3A_1814 : vector<96x1xf32>
    %broadcast_in_dim3A_1816 = arith.constant 0.000000e+00 : f32
    %broadcast_in_dim3A_1817 = vector.broadcast %broadcast_in_dim3A_1816 : f32 to vector<32x1xf32>
    %slice3A_1818 = vector.extract_strided_slice %add3A_1815 {offsets = [0, 0], sizes = [64, 1], strides = [1, 1]} : vector<96x1xf32> to vector<64x1xf32>
    %concatenate3A_1819 = tpu.concatenate %broadcast_in_dim3A_1817, %slice3A_1818 in 0 : vector<32x1xf32>, vector<64x1xf32> -> vector<96x1xf32>
    %add3A_1820 = arith.addf %add3A_1815, %concatenate3A_1819 : vector<96x1xf32>
    %broadcast_in_dim3A_1821 = arith.constant 0.000000e+00 : f32
    %broadcast_in_dim3A_1822 = vector.broadcast %broadcast_in_dim3A_1821 : f32 to vector<64x1xf32>
    %slice3A_1823 = vector.extract_strided_slice %add3A_1820 {offsets = [0, 0], sizes = [32, 1], strides = [1, 1]} : vector<96x1xf32> to vector<32x1xf32>
    %concatenate3A_1824 = tpu.concatenate %broadcast_in_dim3A_1822, %slice3A_1823 in 0 : vector<64x1xf32>, vector<32x1xf32> -> vector<96x1xf32>
    %add3A_1825 = arith.addf %add3A_1820, %concatenate3A_1824 : vector<96x1xf32>
    %reduce_sum3A_1826 = vector.shape_cast %reshape3A_1665 : vector<96x128xf32> to vector<1x96x128xf32>
    %reduce_sum3A_1827 = arith.constant dense<0.000000e+00> : vector<1xf32>
    %reduce_sum3A_1828 = vector.multi_reduction <add>, %reduce_sum3A_1826, %reduce_sum3A_1827 [1, 2] : vector<1x96x128xf32> to vector<1xf32>
    %reduce_sum3A_1829 = vector.shape_cast %reduce_sum3A_1828 : vector<1xf32> to vector<1x1x1xf32>
    %reduce_sum3A_1830 = vector.extract %reduce_sum3A_1829[0, 0, 0] : f32 from vector<1x1x1xf32>
    %sub3A_1831 = vector.broadcast %reduce_sum3A_1830 : f32 to vector<96x1xf32>
    %sub3A_1832 = arith.subf %sub3A_1831, %add3A_1825 : vector<96x1xf32>
    %sub3A_1833 = vector.broadcast %broadcast_in_dim3A_1790 : vector<96x1xf32> to vector<96x128xf32>
    %sub3A_1834 = arith.subf %sub3A_1833, %add3A_1787 : vector<96x128xf32>
    %add3A_1835 = vector.broadcast %sub3A_1832 : vector<96x1xf32> to vector<96x128xf32>
    %add3A_1836 = arith.addf %add3A_1835, %sub3A_1834 : vector<96x128xf32>
    %get3A_1837 = arith.constant 6 : index
    %get3A_1838 = memref.load %arg4[%get3A_1837] : memref<8xf32, #tpu.memory_space<smem>>
    %add3A_1839 = vector.broadcast %get3A_1838 : f32 to vector<96x128xf32>
    %add3A_1840 = arith.addf %add3A_1839, %add3A_1752 : vector<96x128xf32>
    %get3A_1841 = arith.constant 6 : index
    %get3A_1842 = memref.load %arg5[%get3A_1841] : memref<8xf32, #tpu.memory_space<smem>>
    %add3A_1843 = vector.broadcast %get3A_1842 : f32 to vector<96x128xf32>
    %add3A_1844 = arith.addf %add3A_1843, %add3A_1836 : vector<96x128xf32>
    %add3A_1845 = vector.broadcast %get3A_1668 : f32 to vector<96x128xf32>
    %add3A_1846 = arith.addf %add3A_1845, %add3A_1840 : vector<96x128xf32>
    %add3A_1847 = arith.addf %add3A_1846, %reshape3A_1645 : vector<96x128xf32>
    %mul3A_1848 = arith.mulf %reshape3A_1665, %add3A_1847 : vector<96x128xf32>
    %sub3A_1849 = vector.broadcast %get3A_1668 : f32 to vector<96x128xf32>
    %sub3A_1850 = arith.subf %sub3A_1849, %add3A_1844 : vector<96x128xf32>
    %sub3A_1851 = arith.subf %sub3A_1850, %reshape3A_1665 : vector<96x128xf32>
    %mul3A_1852 = arith.mulf %reshape3A_1645, %sub3A_1851 : vector<96x128xf32>
    %add3A_1853 = arith.addf %mul3A_1848, %mul3A_1852 : vector<96x128xf32>
    %mul3A_1854 = arith.mulf %bitcast_convert_type3A, %add3A_1853 : vector<96x128xf32>
    %add3A_1855 = arith.addf %add3A_1846, %reshape3A_1645 : vector<96x128xf32>
    %mul3A_1856 = arith.mulf %add3A_1846, %add3A_1855 : vector<96x128xf32>
    %div3A_1857 = arith.divf %mul3A_1854, %mul3A_1856 : vector<96x128xf32>
    %get3A_1858 = arith.constant 6 : index
    %get3A_1859 = memref.load %arg6[%get3A_1858] : memref<8xf32, #tpu.memory_space<smem>>
    %reduce_sum3A_1860 = vector.shape_cast %div3A_1857 : vector<96x128xf32> to vector<1x96x128xf32>
    %reduce_sum3A_1861 = arith.constant dense<0.000000e+00> : vector<1xf32>
    %reduce_sum3A_1862 = vector.multi_reduction <add>, %reduce_sum3A_1860, %reduce_sum3A_1861 [1, 2] : vector<1x96x128xf32> to vector<1xf32>
    %reduce_sum3A_1863 = vector.shape_cast %reduce_sum3A_1862 : vector<1xf32> to vector<1x1x1xf32>
    %reduce_sum3A_1864 = vector.extract %reduce_sum3A_1863[0, 0, 0] : f32 from vector<1x1x1xf32>
    %add3A_1865 = arith.addf %get3A_1859, %reduce_sum3A_1864 : f32
    %swap3A_1866 = arith.constant 6 : index
    %swap3A_1867 = memref.load %arg6[%swap3A_1866] : memref<8xf32, #tpu.memory_space<smem>>
    memref.store %add3A_1865, %arg6[%swap3A_1866] : memref<8xf32, #tpu.memory_space<smem>>
    %add3A_1868 = arith.addf %reshape3A_1645, %reshape3A_1665 : vector<96x128xf32>
    %gt3A_1869 = arith.constant 0.000000e+00 : f32
    %gt3A_1870 = vector.broadcast %gt3A_1869 : f32 to vector<96x128xf32>
    %gt3A_1871 = arith.cmpf ogt, %add3A_1868, %gt3A_1870 : vector<96x128xf32>
    %get3A_1872 = arith.constant 6 : index
    %get3A_1873 = memref.load %arg7[%get3A_1872] : memref<8xf32, #tpu.memory_space<smem>>
    %jit3A_1874 = arith.constant 0.000000e+00 : f32
    %broadcast_in_dim3A_1875 = vector.broadcast %jit3A_1874 : f32 to vector<96x128xf32>
    %select_n3A_1876 = arith.select %gt3A_1871, %bitcast_convert_type3A, %broadcast_in_dim3A_1875 : vector<96x128xi1>, vector<96x128xf32>
    %reduce_max3A_1877 = vector.shape_cast %select_n3A_1876 : vector<96x128xf32> to vector<1x96x128xf32>
    %reduce_max3A_1878 = arith.constant dense<0xFF800000> : vector<1xf32>
    %reduce_max3A_1879 = vector.multi_reduction <maximumf>, %reduce_max3A_1877, %reduce_max3A_1878 [1, 2] : vector<1x96x128xf32> to vector<1xf32>
    %reduce_max3A_1880 = vector.shape_cast %reduce_max3A_1879 : vector<1xf32> to vector<1x1x1xf32>
    %reduce_max3A_1881 = vector.extract %reduce_max3A_1880[0, 0, 0] : f32 from vector<1x1x1xf32>
    %max3A_1882 = arith.maximumf %get3A_1873, %reduce_max3A_1881 : f32
    %swap3A_1883 = arith.constant 6 : index
    %swap3A_1884 = memref.load %arg7[%swap3A_1883] : memref<8xf32, #tpu.memory_space<smem>>
    memref.store %max3A_1882, %arg7[%swap3A_1883] : memref<8xf32, #tpu.memory_space<smem>>
    %get3A_1885 = arith.constant 6 : index
    %get3A_1886 = memref.load %arg4[%get3A_1885] : memref<8xf32, #tpu.memory_space<smem>>
    %add3A_1887 = arith.addf %get3A_1886, %reduce_sum3A_1746 : f32
    %swap3A_1888 = arith.constant 6 : index
    %swap3A_1889 = memref.load %arg4[%swap3A_1888] : memref<8xf32, #tpu.memory_space<smem>>
    memref.store %add3A_1887, %arg4[%swap3A_1888] : memref<8xf32, #tpu.memory_space<smem>>
    %get3A_1890 = arith.constant 6 : index
    %get3A_1891 = memref.load %arg5[%get3A_1890] : memref<8xf32, #tpu.memory_space<smem>>
    %add3A_1892 = arith.addf %get3A_1891, %reduce_sum3A_1830 : f32
    %swap3A_1893 = arith.constant 6 : index
    %swap3A_1894 = memref.load %arg5[%swap3A_1893] : memref<8xf32, #tpu.memory_space<smem>>
    memref.store %add3A_1892, %arg5[%swap3A_1893] : memref<8xf32, #tpu.memory_space<smem>>
    %get3A_1895 = arith.constant 28 : index
    %get3A_1896 = arith.constant 0 : index
    %get3A_1897 = vector.load %arg8[%get3A_1895, %get3A_1896] : memref<32x12288xf32, #tpu.memory_space<vmem>>, vector<1x12288xf32>
    %get3A_1898 = vector.shape_cast %get3A_1897 : vector<1x12288xf32> to vector<12288xf32>
    %get3A_1899 = arith.constant 29 : index
    %get3A_1900 = arith.constant 0 : index
    %get3A_1901 = vector.load %arg8[%get3A_1899, %get3A_1900] : memref<32x12288xf32, #tpu.memory_space<vmem>>, vector<1x12288xf32>
    %get3A_1902 = vector.shape_cast %get3A_1901 : vector<1x12288xf32> to vector<12288xf32>
    %add3A_1903 = arith.addf %get3A_1898, %get3A_1902 : vector<12288xf32>
    %get3A_1904 = arith.constant 30 : index
    %get3A_1905 = arith.constant 0 : index
    %get3A_1906 = vector.load %arg8[%get3A_1904, %get3A_1905] : memref<32x12288xf32, #tpu.memory_space<vmem>>, vector<1x12288xf32>
    %get3A_1907 = vector.shape_cast %get3A_1906 : vector<1x12288xf32> to vector<12288xf32>
    %add3A_1908 = arith.addf %add3A_1903, %get3A_1907 : vector<12288xf32>
    %get3A_1909 = arith.constant 31 : index
    %get3A_1910 = arith.constant 0 : index
    %get3A_1911 = vector.load %arg8[%get3A_1909, %get3A_1910] : memref<32x12288xf32, #tpu.memory_space<vmem>>, vector<1x12288xf32>
    %get3A_1912 = vector.shape_cast %get3A_1911 : vector<1x12288xf32> to vector<12288xf32>
    %add3A_1913 = arith.addf %add3A_1908, %get3A_1912 : vector<12288xf32>
    %reshape3A_1914 = vector.shape_cast %add3A_1913 : vector<12288xf32> to vector<96x128xf32>
    %get3A_1915 = arith.constant 28 : index
    %get3A_1916 = arith.constant 0 : index
    %get3A_1917 = vector.load %arg9[%get3A_1915, %get3A_1916] : memref<32x12288xf32, #tpu.memory_space<vmem>>, vector<1x12288xf32>
    %get3A_1918 = vector.shape_cast %get3A_1917 : vector<1x12288xf32> to vector<12288xf32>
    %get3A_1919 = arith.constant 29 : index
    %get3A_1920 = arith.constant 0 : index
    %get3A_1921 = vector.load %arg9[%get3A_1919, %get3A_1920] : memref<32x12288xf32, #tpu.memory_space<vmem>>, vector<1x12288xf32>
    %get3A_1922 = vector.shape_cast %get3A_1921 : vector<1x12288xf32> to vector<12288xf32>
    %add3A_1923 = arith.addf %get3A_1918, %get3A_1922 : vector<12288xf32>
    %get3A_1924 = arith.constant 30 : index
    %get3A_1925 = arith.constant 0 : index
    %get3A_1926 = vector.load %arg9[%get3A_1924, %get3A_1925] : memref<32x12288xf32, #tpu.memory_space<vmem>>, vector<1x12288xf32>
    %get3A_1927 = vector.shape_cast %get3A_1926 : vector<1x12288xf32> to vector<12288xf32>
    %add3A_1928 = arith.addf %add3A_1923, %get3A_1927 : vector<12288xf32>
    %get3A_1929 = arith.constant 31 : index
    %get3A_1930 = arith.constant 0 : index
    %get3A_1931 = vector.load %arg9[%get3A_1929, %get3A_1930] : memref<32x12288xf32, #tpu.memory_space<vmem>>, vector<1x12288xf32>
    %get3A_1932 = vector.shape_cast %get3A_1931 : vector<1x12288xf32> to vector<12288xf32>
    %add3A_1933 = arith.addf %add3A_1928, %get3A_1932 : vector<12288xf32>
    %reshape3A_1934 = vector.shape_cast %add3A_1933 : vector<12288xf32> to vector<96x128xf32>
    %get3A_1935 = arith.constant 7 : index
    %get3A_1936 = arith.constant 0 : index
    %get3A_1937 = memref.load %arg2[%get3A_1935, %get3A_1936] : memref<8x1xf32, #tpu.memory_space<smem>>
    %broadcast_in_dim3A_1938 = arith.constant 0.000000e+00 : f32
    %broadcast_in_dim3A_1939 = vector.broadcast %broadcast_in_dim3A_1938 : f32 to vector<96x1xf32>
    %slice3A_1940 = vector.extract_strided_slice %reshape3A_1914 {offsets = [0, 0], sizes = [96, 127], strides = [1, 1]} : vector<96x128xf32> to vector<96x127xf32>
    %concatenate3A_1941 = tpu.concatenate %broadcast_in_dim3A_1939, %slice3A_1940 in 1 : vector<96x1xf32>, vector<96x127xf32> -> vector<96x128xf32>
    %add3A_1942 = arith.addf %reshape3A_1914, %concatenate3A_1941 : vector<96x128xf32>
    %broadcast_in_dim3A_1943 = arith.constant 0.000000e+00 : f32
    %broadcast_in_dim3A_1944 = vector.broadcast %broadcast_in_dim3A_1943 : f32 to vector<96x2xf32>
    %slice3A_1945 = vector.extract_strided_slice %add3A_1942 {offsets = [0, 0], sizes = [96, 126], strides = [1, 1]} : vector<96x128xf32> to vector<96x126xf32>
    %concatenate3A_1946 = tpu.concatenate %broadcast_in_dim3A_1944, %slice3A_1945 in 1 : vector<96x2xf32>, vector<96x126xf32> -> vector<96x128xf32>
    %add3A_1947 = arith.addf %add3A_1942, %concatenate3A_1946 : vector<96x128xf32>
    %broadcast_in_dim3A_1948 = arith.constant 0.000000e+00 : f32
    %broadcast_in_dim3A_1949 = vector.broadcast %broadcast_in_dim3A_1948 : f32 to vector<96x4xf32>
    %slice3A_1950 = vector.extract_strided_slice %add3A_1947 {offsets = [0, 0], sizes = [96, 124], strides = [1, 1]} : vector<96x128xf32> to vector<96x124xf32>
    %concatenate3A_1951 = tpu.concatenate %broadcast_in_dim3A_1949, %slice3A_1950 in 1 : vector<96x4xf32>, vector<96x124xf32> -> vector<96x128xf32>
    %add3A_1952 = arith.addf %add3A_1947, %concatenate3A_1951 : vector<96x128xf32>
    %broadcast_in_dim3A_1953 = arith.constant 0.000000e+00 : f32
    %broadcast_in_dim3A_1954 = vector.broadcast %broadcast_in_dim3A_1953 : f32 to vector<96x8xf32>
    %slice3A_1955 = vector.extract_strided_slice %add3A_1952 {offsets = [0, 0], sizes = [96, 120], strides = [1, 1]} : vector<96x128xf32> to vector<96x120xf32>
    %concatenate3A_1956 = tpu.concatenate %broadcast_in_dim3A_1954, %slice3A_1955 in 1 : vector<96x8xf32>, vector<96x120xf32> -> vector<96x128xf32>
    %add3A_1957 = arith.addf %add3A_1952, %concatenate3A_1956 : vector<96x128xf32>
    %broadcast_in_dim3A_1958 = arith.constant 0.000000e+00 : f32
    %broadcast_in_dim3A_1959 = vector.broadcast %broadcast_in_dim3A_1958 : f32 to vector<96x16xf32>
    %slice3A_1960 = vector.extract_strided_slice %add3A_1957 {offsets = [0, 0], sizes = [96, 112], strides = [1, 1]} : vector<96x128xf32> to vector<96x112xf32>
    %concatenate3A_1961 = tpu.concatenate %broadcast_in_dim3A_1959, %slice3A_1960 in 1 : vector<96x16xf32>, vector<96x112xf32> -> vector<96x128xf32>
    %add3A_1962 = arith.addf %add3A_1957, %concatenate3A_1961 : vector<96x128xf32>
    %broadcast_in_dim3A_1963 = arith.constant 0.000000e+00 : f32
    %broadcast_in_dim3A_1964 = vector.broadcast %broadcast_in_dim3A_1963 : f32 to vector<96x32xf32>
    %slice3A_1965 = vector.extract_strided_slice %add3A_1962 {offsets = [0, 0], sizes = [96, 96], strides = [1, 1]} : vector<96x128xf32> to vector<96x96xf32>
    %concatenate3A_1966 = tpu.concatenate %broadcast_in_dim3A_1964, %slice3A_1965 in 1 : vector<96x32xf32>, vector<96x96xf32> -> vector<96x128xf32>
    %add3A_1967 = arith.addf %add3A_1962, %concatenate3A_1966 : vector<96x128xf32>
    %broadcast_in_dim3A_1968 = arith.constant 0.000000e+00 : f32
    %broadcast_in_dim3A_1969 = vector.broadcast %broadcast_in_dim3A_1968 : f32 to vector<96x64xf32>
    %slice3A_1970 = vector.extract_strided_slice %add3A_1967 {offsets = [0, 0], sizes = [96, 64], strides = [1, 1]} : vector<96x128xf32> to vector<96x64xf32>
    %concatenate3A_1971 = tpu.concatenate %broadcast_in_dim3A_1969, %slice3A_1970 in 1 : vector<96x64xf32>, vector<96x64xf32> -> vector<96x128xf32>
    %add3A_1972 = arith.addf %add3A_1967, %concatenate3A_1971 : vector<96x128xf32>
    %reduce_sum3A_1973 = arith.constant dense<0.000000e+00> : vector<96xf32>
    %reduce_sum3A_1974 = vector.multi_reduction <add>, %reshape3A_1914, %reduce_sum3A_1973 [1] : vector<96x128xf32> to vector<96xf32>
    %broadcast_in_dim3A_1975 = vector.shape_cast %reduce_sum3A_1974 : vector<96xf32> to vector<96x1xf32>
    %broadcast_in_dim3A_1976 = arith.constant 0.000000e+00 : f32
    %broadcast_in_dim3A_1977 = vector.broadcast %broadcast_in_dim3A_1976 : f32 to vector<1x1xf32>
    %slice3A_1978 = vector.extract_strided_slice %broadcast_in_dim3A_1975 {offsets = [0, 0], sizes = [95, 1], strides = [1, 1]} : vector<96x1xf32> to vector<95x1xf32>
    %concatenate3A_1979 = tpu.concatenate %broadcast_in_dim3A_1977, %slice3A_1978 in 0 : vector<1x1xf32>, vector<95x1xf32> -> vector<96x1xf32>
    %add3A_1980 = arith.addf %broadcast_in_dim3A_1975, %concatenate3A_1979 : vector<96x1xf32>
    %broadcast_in_dim3A_1981 = arith.constant 0.000000e+00 : f32
    %broadcast_in_dim3A_1982 = vector.broadcast %broadcast_in_dim3A_1981 : f32 to vector<2x1xf32>
    %slice3A_1983 = vector.extract_strided_slice %add3A_1980 {offsets = [0, 0], sizes = [94, 1], strides = [1, 1]} : vector<96x1xf32> to vector<94x1xf32>
    %concatenate3A_1984 = tpu.concatenate %broadcast_in_dim3A_1982, %slice3A_1983 in 0 : vector<2x1xf32>, vector<94x1xf32> -> vector<96x1xf32>
    %add3A_1985 = arith.addf %add3A_1980, %concatenate3A_1984 : vector<96x1xf32>
    %broadcast_in_dim3A_1986 = arith.constant 0.000000e+00 : f32
    %broadcast_in_dim3A_1987 = vector.broadcast %broadcast_in_dim3A_1986 : f32 to vector<4x1xf32>
    %slice3A_1988 = vector.extract_strided_slice %add3A_1985 {offsets = [0, 0], sizes = [92, 1], strides = [1, 1]} : vector<96x1xf32> to vector<92x1xf32>
    %concatenate3A_1989 = tpu.concatenate %broadcast_in_dim3A_1987, %slice3A_1988 in 0 : vector<4x1xf32>, vector<92x1xf32> -> vector<96x1xf32>
    %add3A_1990 = arith.addf %add3A_1985, %concatenate3A_1989 : vector<96x1xf32>
    %broadcast_in_dim3A_1991 = arith.constant 0.000000e+00 : f32
    %broadcast_in_dim3A_1992 = vector.broadcast %broadcast_in_dim3A_1991 : f32 to vector<8x1xf32>
    %slice3A_1993 = vector.extract_strided_slice %add3A_1990 {offsets = [0, 0], sizes = [88, 1], strides = [1, 1]} : vector<96x1xf32> to vector<88x1xf32>
    %concatenate3A_1994 = tpu.concatenate %broadcast_in_dim3A_1992, %slice3A_1993 in 0 : vector<8x1xf32>, vector<88x1xf32> -> vector<96x1xf32>
    %add3A_1995 = arith.addf %add3A_1990, %concatenate3A_1994 : vector<96x1xf32>
    %broadcast_in_dim3A_1996 = arith.constant 0.000000e+00 : f32
    %broadcast_in_dim3A_1997 = vector.broadcast %broadcast_in_dim3A_1996 : f32 to vector<16x1xf32>
    %slice3A_1998 = vector.extract_strided_slice %add3A_1995 {offsets = [0, 0], sizes = [80, 1], strides = [1, 1]} : vector<96x1xf32> to vector<80x1xf32>
    %concatenate3A_1999 = tpu.concatenate %broadcast_in_dim3A_1997, %slice3A_1998 in 0 : vector<16x1xf32>, vector<80x1xf32> -> vector<96x1xf32>
    %add3A_2000 = arith.addf %add3A_1995, %concatenate3A_1999 : vector<96x1xf32>
    %broadcast_in_dim3A_2001 = arith.constant 0.000000e+00 : f32
    %broadcast_in_dim3A_2002 = vector.broadcast %broadcast_in_dim3A_2001 : f32 to vector<32x1xf32>
    %slice3A_2003 = vector.extract_strided_slice %add3A_2000 {offsets = [0, 0], sizes = [64, 1], strides = [1, 1]} : vector<96x1xf32> to vector<64x1xf32>
    %concatenate3A_2004 = tpu.concatenate %broadcast_in_dim3A_2002, %slice3A_2003 in 0 : vector<32x1xf32>, vector<64x1xf32> -> vector<96x1xf32>
    %add3A_2005 = arith.addf %add3A_2000, %concatenate3A_2004 : vector<96x1xf32>
    %broadcast_in_dim3A_2006 = arith.constant 0.000000e+00 : f32
    %broadcast_in_dim3A_2007 = vector.broadcast %broadcast_in_dim3A_2006 : f32 to vector<64x1xf32>
    %slice3A_2008 = vector.extract_strided_slice %add3A_2005 {offsets = [0, 0], sizes = [32, 1], strides = [1, 1]} : vector<96x1xf32> to vector<32x1xf32>
    %concatenate3A_2009 = tpu.concatenate %broadcast_in_dim3A_2007, %slice3A_2008 in 0 : vector<64x1xf32>, vector<32x1xf32> -> vector<96x1xf32>
    %add3A_2010 = arith.addf %add3A_2005, %concatenate3A_2009 : vector<96x1xf32>
    %reduce_sum3A_2011 = vector.shape_cast %reshape3A_1914 : vector<96x128xf32> to vector<1x96x128xf32>
    %reduce_sum3A_2012 = arith.constant dense<0.000000e+00> : vector<1xf32>
    %reduce_sum3A_2013 = vector.multi_reduction <add>, %reduce_sum3A_2011, %reduce_sum3A_2012 [1, 2] : vector<1x96x128xf32> to vector<1xf32>
    %reduce_sum3A_2014 = vector.shape_cast %reduce_sum3A_2013 : vector<1xf32> to vector<1x1x1xf32>
    %reduce_sum3A_2015 = vector.extract %reduce_sum3A_2014[0, 0, 0] : f32 from vector<1x1x1xf32>
    %sub3A_2016 = vector.broadcast %reduce_sum3A_2015 : f32 to vector<96x1xf32>
    %sub3A_2017 = arith.subf %sub3A_2016, %add3A_2010 : vector<96x1xf32>
    %sub3A_2018 = vector.broadcast %broadcast_in_dim3A_1975 : vector<96x1xf32> to vector<96x128xf32>
    %sub3A_2019 = arith.subf %sub3A_2018, %add3A_1972 : vector<96x128xf32>
    %add3A_2020 = vector.broadcast %sub3A_2017 : vector<96x1xf32> to vector<96x128xf32>
    %add3A_2021 = arith.addf %add3A_2020, %sub3A_2019 : vector<96x128xf32>
    %broadcast_in_dim3A_2022 = arith.constant 0.000000e+00 : f32
    %broadcast_in_dim3A_2023 = vector.broadcast %broadcast_in_dim3A_2022 : f32 to vector<96x1xf32>
    %slice3A_2024 = vector.extract_strided_slice %reshape3A_1934 {offsets = [0, 0], sizes = [96, 127], strides = [1, 1]} : vector<96x128xf32> to vector<96x127xf32>
    %concatenate3A_2025 = tpu.concatenate %broadcast_in_dim3A_2023, %slice3A_2024 in 1 : vector<96x1xf32>, vector<96x127xf32> -> vector<96x128xf32>
    %add3A_2026 = arith.addf %reshape3A_1934, %concatenate3A_2025 : vector<96x128xf32>
    %broadcast_in_dim3A_2027 = arith.constant 0.000000e+00 : f32
    %broadcast_in_dim3A_2028 = vector.broadcast %broadcast_in_dim3A_2027 : f32 to vector<96x2xf32>
    %slice3A_2029 = vector.extract_strided_slice %add3A_2026 {offsets = [0, 0], sizes = [96, 126], strides = [1, 1]} : vector<96x128xf32> to vector<96x126xf32>
    %concatenate3A_2030 = tpu.concatenate %broadcast_in_dim3A_2028, %slice3A_2029 in 1 : vector<96x2xf32>, vector<96x126xf32> -> vector<96x128xf32>
    %add3A_2031 = arith.addf %add3A_2026, %concatenate3A_2030 : vector<96x128xf32>
    %broadcast_in_dim3A_2032 = arith.constant 0.000000e+00 : f32
    %broadcast_in_dim3A_2033 = vector.broadcast %broadcast_in_dim3A_2032 : f32 to vector<96x4xf32>
    %slice3A_2034 = vector.extract_strided_slice %add3A_2031 {offsets = [0, 0], sizes = [96, 124], strides = [1, 1]} : vector<96x128xf32> to vector<96x124xf32>
    %concatenate3A_2035 = tpu.concatenate %broadcast_in_dim3A_2033, %slice3A_2034 in 1 : vector<96x4xf32>, vector<96x124xf32> -> vector<96x128xf32>
    %add3A_2036 = arith.addf %add3A_2031, %concatenate3A_2035 : vector<96x128xf32>
    %broadcast_in_dim3A_2037 = arith.constant 0.000000e+00 : f32
    %broadcast_in_dim3A_2038 = vector.broadcast %broadcast_in_dim3A_2037 : f32 to vector<96x8xf32>
    %slice3A_2039 = vector.extract_strided_slice %add3A_2036 {offsets = [0, 0], sizes = [96, 120], strides = [1, 1]} : vector<96x128xf32> to vector<96x120xf32>
    %concatenate3A_2040 = tpu.concatenate %broadcast_in_dim3A_2038, %slice3A_2039 in 1 : vector<96x8xf32>, vector<96x120xf32> -> vector<96x128xf32>
    %add3A_2041 = arith.addf %add3A_2036, %concatenate3A_2040 : vector<96x128xf32>
    %broadcast_in_dim3A_2042 = arith.constant 0.000000e+00 : f32
    %broadcast_in_dim3A_2043 = vector.broadcast %broadcast_in_dim3A_2042 : f32 to vector<96x16xf32>
    %slice3A_2044 = vector.extract_strided_slice %add3A_2041 {offsets = [0, 0], sizes = [96, 112], strides = [1, 1]} : vector<96x128xf32> to vector<96x112xf32>
    %concatenate3A_2045 = tpu.concatenate %broadcast_in_dim3A_2043, %slice3A_2044 in 1 : vector<96x16xf32>, vector<96x112xf32> -> vector<96x128xf32>
    %add3A_2046 = arith.addf %add3A_2041, %concatenate3A_2045 : vector<96x128xf32>
    %broadcast_in_dim3A_2047 = arith.constant 0.000000e+00 : f32
    %broadcast_in_dim3A_2048 = vector.broadcast %broadcast_in_dim3A_2047 : f32 to vector<96x32xf32>
    %slice3A_2049 = vector.extract_strided_slice %add3A_2046 {offsets = [0, 0], sizes = [96, 96], strides = [1, 1]} : vector<96x128xf32> to vector<96x96xf32>
    %concatenate3A_2050 = tpu.concatenate %broadcast_in_dim3A_2048, %slice3A_2049 in 1 : vector<96x32xf32>, vector<96x96xf32> -> vector<96x128xf32>
    %add3A_2051 = arith.addf %add3A_2046, %concatenate3A_2050 : vector<96x128xf32>
    %broadcast_in_dim3A_2052 = arith.constant 0.000000e+00 : f32
    %broadcast_in_dim3A_2053 = vector.broadcast %broadcast_in_dim3A_2052 : f32 to vector<96x64xf32>
    %slice3A_2054 = vector.extract_strided_slice %add3A_2051 {offsets = [0, 0], sizes = [96, 64], strides = [1, 1]} : vector<96x128xf32> to vector<96x64xf32>
    %concatenate3A_2055 = tpu.concatenate %broadcast_in_dim3A_2053, %slice3A_2054 in 1 : vector<96x64xf32>, vector<96x64xf32> -> vector<96x128xf32>
    %add3A_2056 = arith.addf %add3A_2051, %concatenate3A_2055 : vector<96x128xf32>
    %reduce_sum3A_2057 = arith.constant dense<0.000000e+00> : vector<96xf32>
    %reduce_sum3A_2058 = vector.multi_reduction <add>, %reshape3A_1934, %reduce_sum3A_2057 [1] : vector<96x128xf32> to vector<96xf32>
    %broadcast_in_dim3A_2059 = vector.shape_cast %reduce_sum3A_2058 : vector<96xf32> to vector<96x1xf32>
    %broadcast_in_dim3A_2060 = arith.constant 0.000000e+00 : f32
    %broadcast_in_dim3A_2061 = vector.broadcast %broadcast_in_dim3A_2060 : f32 to vector<1x1xf32>
    %slice3A_2062 = vector.extract_strided_slice %broadcast_in_dim3A_2059 {offsets = [0, 0], sizes = [95, 1], strides = [1, 1]} : vector<96x1xf32> to vector<95x1xf32>
    %concatenate3A_2063 = tpu.concatenate %broadcast_in_dim3A_2061, %slice3A_2062 in 0 : vector<1x1xf32>, vector<95x1xf32> -> vector<96x1xf32>
    %add3A_2064 = arith.addf %broadcast_in_dim3A_2059, %concatenate3A_2063 : vector<96x1xf32>
    %broadcast_in_dim3A_2065 = arith.constant 0.000000e+00 : f32
    %broadcast_in_dim3A_2066 = vector.broadcast %broadcast_in_dim3A_2065 : f32 to vector<2x1xf32>
    %slice3A_2067 = vector.extract_strided_slice %add3A_2064 {offsets = [0, 0], sizes = [94, 1], strides = [1, 1]} : vector<96x1xf32> to vector<94x1xf32>
    %concatenate3A_2068 = tpu.concatenate %broadcast_in_dim3A_2066, %slice3A_2067 in 0 : vector<2x1xf32>, vector<94x1xf32> -> vector<96x1xf32>
    %add3A_2069 = arith.addf %add3A_2064, %concatenate3A_2068 : vector<96x1xf32>
    %broadcast_in_dim3A_2070 = arith.constant 0.000000e+00 : f32
    %broadcast_in_dim3A_2071 = vector.broadcast %broadcast_in_dim3A_2070 : f32 to vector<4x1xf32>
    %slice3A_2072 = vector.extract_strided_slice %add3A_2069 {offsets = [0, 0], sizes = [92, 1], strides = [1, 1]} : vector<96x1xf32> to vector<92x1xf32>
    %concatenate3A_2073 = tpu.concatenate %broadcast_in_dim3A_2071, %slice3A_2072 in 0 : vector<4x1xf32>, vector<92x1xf32> -> vector<96x1xf32>
    %add3A_2074 = arith.addf %add3A_2069, %concatenate3A_2073 : vector<96x1xf32>
    %broadcast_in_dim3A_2075 = arith.constant 0.000000e+00 : f32
    %broadcast_in_dim3A_2076 = vector.broadcast %broadcast_in_dim3A_2075 : f32 to vector<8x1xf32>
    %slice3A_2077 = vector.extract_strided_slice %add3A_2074 {offsets = [0, 0], sizes = [88, 1], strides = [1, 1]} : vector<96x1xf32> to vector<88x1xf32>
    %concatenate3A_2078 = tpu.concatenate %broadcast_in_dim3A_2076, %slice3A_2077 in 0 : vector<8x1xf32>, vector<88x1xf32> -> vector<96x1xf32>
    %add3A_2079 = arith.addf %add3A_2074, %concatenate3A_2078 : vector<96x1xf32>
    %broadcast_in_dim3A_2080 = arith.constant 0.000000e+00 : f32
    %broadcast_in_dim3A_2081 = vector.broadcast %broadcast_in_dim3A_2080 : f32 to vector<16x1xf32>
    %slice3A_2082 = vector.extract_strided_slice %add3A_2079 {offsets = [0, 0], sizes = [80, 1], strides = [1, 1]} : vector<96x1xf32> to vector<80x1xf32>
    %concatenate3A_2083 = tpu.concatenate %broadcast_in_dim3A_2081, %slice3A_2082 in 0 : vector<16x1xf32>, vector<80x1xf32> -> vector<96x1xf32>
    %add3A_2084 = arith.addf %add3A_2079, %concatenate3A_2083 : vector<96x1xf32>
    %broadcast_in_dim3A_2085 = arith.constant 0.000000e+00 : f32
    %broadcast_in_dim3A_2086 = vector.broadcast %broadcast_in_dim3A_2085 : f32 to vector<32x1xf32>
    %slice3A_2087 = vector.extract_strided_slice %add3A_2084 {offsets = [0, 0], sizes = [64, 1], strides = [1, 1]} : vector<96x1xf32> to vector<64x1xf32>
    %concatenate3A_2088 = tpu.concatenate %broadcast_in_dim3A_2086, %slice3A_2087 in 0 : vector<32x1xf32>, vector<64x1xf32> -> vector<96x1xf32>
    %add3A_2089 = arith.addf %add3A_2084, %concatenate3A_2088 : vector<96x1xf32>
    %broadcast_in_dim3A_2090 = arith.constant 0.000000e+00 : f32
    %broadcast_in_dim3A_2091 = vector.broadcast %broadcast_in_dim3A_2090 : f32 to vector<64x1xf32>
    %slice3A_2092 = vector.extract_strided_slice %add3A_2089 {offsets = [0, 0], sizes = [32, 1], strides = [1, 1]} : vector<96x1xf32> to vector<32x1xf32>
    %concatenate3A_2093 = tpu.concatenate %broadcast_in_dim3A_2091, %slice3A_2092 in 0 : vector<64x1xf32>, vector<32x1xf32> -> vector<96x1xf32>
    %add3A_2094 = arith.addf %add3A_2089, %concatenate3A_2093 : vector<96x1xf32>
    %reduce_sum3A_2095 = vector.shape_cast %reshape3A_1934 : vector<96x128xf32> to vector<1x96x128xf32>
    %reduce_sum3A_2096 = arith.constant dense<0.000000e+00> : vector<1xf32>
    %reduce_sum3A_2097 = vector.multi_reduction <add>, %reduce_sum3A_2095, %reduce_sum3A_2096 [1, 2] : vector<1x96x128xf32> to vector<1xf32>
    %reduce_sum3A_2098 = vector.shape_cast %reduce_sum3A_2097 : vector<1xf32> to vector<1x1x1xf32>
    %reduce_sum3A_2099 = vector.extract %reduce_sum3A_2098[0, 0, 0] : f32 from vector<1x1x1xf32>
    %sub3A_2100 = vector.broadcast %reduce_sum3A_2099 : f32 to vector<96x1xf32>
    %sub3A_2101 = arith.subf %sub3A_2100, %add3A_2094 : vector<96x1xf32>
    %sub3A_2102 = vector.broadcast %broadcast_in_dim3A_2059 : vector<96x1xf32> to vector<96x128xf32>
    %sub3A_2103 = arith.subf %sub3A_2102, %add3A_2056 : vector<96x128xf32>
    %add3A_2104 = vector.broadcast %sub3A_2101 : vector<96x1xf32> to vector<96x128xf32>
    %add3A_2105 = arith.addf %add3A_2104, %sub3A_2103 : vector<96x128xf32>
    %get3A_2106 = arith.constant 7 : index
    %get3A_2107 = memref.load %arg4[%get3A_2106] : memref<8xf32, #tpu.memory_space<smem>>
    %add3A_2108 = vector.broadcast %get3A_2107 : f32 to vector<96x128xf32>
    %add3A_2109 = arith.addf %add3A_2108, %add3A_2021 : vector<96x128xf32>
    %get3A_2110 = arith.constant 7 : index
    %get3A_2111 = memref.load %arg5[%get3A_2110] : memref<8xf32, #tpu.memory_space<smem>>
    %add3A_2112 = vector.broadcast %get3A_2111 : f32 to vector<96x128xf32>
    %add3A_2113 = arith.addf %add3A_2112, %add3A_2105 : vector<96x128xf32>
    %add3A_2114 = vector.broadcast %get3A_1937 : f32 to vector<96x128xf32>
    %add3A_2115 = arith.addf %add3A_2114, %add3A_2109 : vector<96x128xf32>
    %add3A_2116 = arith.addf %add3A_2115, %reshape3A_1914 : vector<96x128xf32>
    %mul3A_2117 = arith.mulf %reshape3A_1934, %add3A_2116 : vector<96x128xf32>
    %sub3A_2118 = vector.broadcast %get3A_1937 : f32 to vector<96x128xf32>
    %sub3A_2119 = arith.subf %sub3A_2118, %add3A_2113 : vector<96x128xf32>
    %sub3A_2120 = arith.subf %sub3A_2119, %reshape3A_1934 : vector<96x128xf32>
    %mul3A_2121 = arith.mulf %reshape3A_1914, %sub3A_2120 : vector<96x128xf32>
    %add3A_2122 = arith.addf %mul3A_2117, %mul3A_2121 : vector<96x128xf32>
    %mul3A_2123 = arith.mulf %bitcast_convert_type3A, %add3A_2122 : vector<96x128xf32>
    %add3A_2124 = arith.addf %add3A_2115, %reshape3A_1914 : vector<96x128xf32>
    %mul3A_2125 = arith.mulf %add3A_2115, %add3A_2124 : vector<96x128xf32>
    %div3A_2126 = arith.divf %mul3A_2123, %mul3A_2125 : vector<96x128xf32>
    %get3A_2127 = arith.constant 7 : index
    %get3A_2128 = memref.load %arg6[%get3A_2127] : memref<8xf32, #tpu.memory_space<smem>>
    %reduce_sum3A_2129 = vector.shape_cast %div3A_2126 : vector<96x128xf32> to vector<1x96x128xf32>
    %reduce_sum3A_2130 = arith.constant dense<0.000000e+00> : vector<1xf32>
    %reduce_sum3A_2131 = vector.multi_reduction <add>, %reduce_sum3A_2129, %reduce_sum3A_2130 [1, 2] : vector<1x96x128xf32> to vector<1xf32>
    %reduce_sum3A_2132 = vector.shape_cast %reduce_sum3A_2131 : vector<1xf32> to vector<1x1x1xf32>
    %reduce_sum3A_2133 = vector.extract %reduce_sum3A_2132[0, 0, 0] : f32 from vector<1x1x1xf32>
    %add3A_2134 = arith.addf %get3A_2128, %reduce_sum3A_2133 : f32
    %swap3A_2135 = arith.constant 7 : index
    %swap3A_2136 = memref.load %arg6[%swap3A_2135] : memref<8xf32, #tpu.memory_space<smem>>
    memref.store %add3A_2134, %arg6[%swap3A_2135] : memref<8xf32, #tpu.memory_space<smem>>
    %add3A_2137 = arith.addf %reshape3A_1914, %reshape3A_1934 : vector<96x128xf32>
    %gt3A_2138 = arith.constant 0.000000e+00 : f32
    %gt3A_2139 = vector.broadcast %gt3A_2138 : f32 to vector<96x128xf32>
    %gt3A_2140 = arith.cmpf ogt, %add3A_2137, %gt3A_2139 : vector<96x128xf32>
    %get3A_2141 = arith.constant 7 : index
    %get3A_2142 = memref.load %arg7[%get3A_2141] : memref<8xf32, #tpu.memory_space<smem>>
    %jit3A_2143 = arith.constant 0.000000e+00 : f32
    %broadcast_in_dim3A_2144 = vector.broadcast %jit3A_2143 : f32 to vector<96x128xf32>
    %select_n3A_2145 = arith.select %gt3A_2140, %bitcast_convert_type3A, %broadcast_in_dim3A_2144 : vector<96x128xi1>, vector<96x128xf32>
    %reduce_max3A_2146 = vector.shape_cast %select_n3A_2145 : vector<96x128xf32> to vector<1x96x128xf32>
    %reduce_max3A_2147 = arith.constant dense<0xFF800000> : vector<1xf32>
    %reduce_max3A_2148 = vector.multi_reduction <maximumf>, %reduce_max3A_2146, %reduce_max3A_2147 [1, 2] : vector<1x96x128xf32> to vector<1xf32>
    %reduce_max3A_2149 = vector.shape_cast %reduce_max3A_2148 : vector<1xf32> to vector<1x1x1xf32>
    %reduce_max3A_2150 = vector.extract %reduce_max3A_2149[0, 0, 0] : f32 from vector<1x1x1xf32>
    %max3A_2151 = arith.maximumf %get3A_2142, %reduce_max3A_2150 : f32
    %swap3A_2152 = arith.constant 7 : index
    %swap3A_2153 = memref.load %arg7[%swap3A_2152] : memref<8xf32, #tpu.memory_space<smem>>
    memref.store %max3A_2151, %arg7[%swap3A_2152] : memref<8xf32, #tpu.memory_space<smem>>
    %get3A_2154 = arith.constant 7 : index
    %get3A_2155 = memref.load %arg4[%get3A_2154] : memref<8xf32, #tpu.memory_space<smem>>
    %add3A_2156 = arith.addf %get3A_2155, %reduce_sum3A_2015 : f32
    %swap3A_2157 = arith.constant 7 : index
    %swap3A_2158 = memref.load %arg4[%swap3A_2157] : memref<8xf32, #tpu.memory_space<smem>>
    memref.store %add3A_2156, %arg4[%swap3A_2157] : memref<8xf32, #tpu.memory_space<smem>>
    %get3A_2159 = arith.constant 7 : index
    %get3A_2160 = memref.load %arg5[%get3A_2159] : memref<8xf32, #tpu.memory_space<smem>>
    %add3A_2161 = arith.addf %get3A_2160, %reduce_sum3A_2099 : f32
    %swap3A_2162 = arith.constant 7 : index
    %swap3A_2163 = memref.load %arg5[%swap3A_2162] : memref<8xf32, #tpu.memory_space<smem>>
    memref.store %add3A_2161, %arg5[%swap3A_2162] : memref<8xf32, #tpu.memory_space<smem>>
    %eq3A_2164 = arith.constant 3 : i32
    %eq3A_2165 = arith.cmpi eq, %arg0, %eq3A_2164 : i32
    %convert_element_type3A_2166 = arith.extui %eq3A_2165 : i1 to i32
    %cond3A_2167 = arith.constant 0 : i32
    %cond3A_2168 = arith.cmpi ne, %convert_element_type3A_2166, %cond3A_2167 : i32
    scf.if %cond3A_2168 {
      %get3A_2169 = arith.constant 0 : index
      %get3A_2170 = arith.constant 0 : index
      %get3A_2171 = memref.load %arg2[%get3A_2169, %get3A_2170] : memref<8x1xf32, #tpu.memory_space<smem>>
      %gt3A_2172 = arith.constant 0.000000e+00 : f32
      %gt3A_2173 = arith.cmpf ogt, %get3A_2171, %gt3A_2172 : f32
      %get3A_2174 = arith.constant 0 : index
      %get3A_2175 = memref.load %arg6[%get3A_2174] : memref<8xf32, #tpu.memory_space<smem>>
      %get3A_2176 = arith.constant 0 : index
      %get3A_2177 = memref.load %arg7[%get3A_2176] : memref<8xf32, #tpu.memory_space<smem>>
      %select_n3A_2178 = arith.select %gt3A_2173, %get3A_2175, %get3A_2177 : f32
      %add3A_2179 = arith.constant 0.000000e+00 : f32
      %add3A_2180 = arith.addf %add3A_2179, %select_n3A_2178 : f32
      %get3A_2181 = arith.constant 1 : index
      %get3A_2182 = arith.constant 0 : index
      %get3A_2183 = memref.load %arg2[%get3A_2181, %get3A_2182] : memref<8x1xf32, #tpu.memory_space<smem>>
      %gt3A_2184 = arith.constant 0.000000e+00 : f32
      %gt3A_2185 = arith.cmpf ogt, %get3A_2183, %gt3A_2184 : f32
      %get3A_2186 = arith.constant 1 : index
      %get3A_2187 = memref.load %arg6[%get3A_2186] : memref<8xf32, #tpu.memory_space<smem>>
      %get3A_2188 = arith.constant 1 : index
      %get3A_2189 = memref.load %arg7[%get3A_2188] : memref<8xf32, #tpu.memory_space<smem>>
      %select_n3A_2190 = arith.select %gt3A_2185, %get3A_2187, %get3A_2189 : f32
      %add3A_2191 = arith.addf %add3A_2180, %select_n3A_2190 : f32
      %get3A_2192 = arith.constant 2 : index
      %get3A_2193 = arith.constant 0 : index
      %get3A_2194 = memref.load %arg2[%get3A_2192, %get3A_2193] : memref<8x1xf32, #tpu.memory_space<smem>>
      %gt3A_2195 = arith.constant 0.000000e+00 : f32
      %gt3A_2196 = arith.cmpf ogt, %get3A_2194, %gt3A_2195 : f32
      %get3A_2197 = arith.constant 2 : index
      %get3A_2198 = memref.load %arg6[%get3A_2197] : memref<8xf32, #tpu.memory_space<smem>>
      %get3A_2199 = arith.constant 2 : index
      %get3A_2200 = memref.load %arg7[%get3A_2199] : memref<8xf32, #tpu.memory_space<smem>>
      %select_n3A_2201 = arith.select %gt3A_2196, %get3A_2198, %get3A_2200 : f32
      %add3A_2202 = arith.addf %add3A_2191, %select_n3A_2201 : f32
      %get3A_2203 = arith.constant 3 : index
      %get3A_2204 = arith.constant 0 : index
      %get3A_2205 = memref.load %arg2[%get3A_2203, %get3A_2204] : memref<8x1xf32, #tpu.memory_space<smem>>
      %gt3A_2206 = arith.constant 0.000000e+00 : f32
      %gt3A_2207 = arith.cmpf ogt, %get3A_2205, %gt3A_2206 : f32
      %get3A_2208 = arith.constant 3 : index
      %get3A_2209 = memref.load %arg6[%get3A_2208] : memref<8xf32, #tpu.memory_space<smem>>
      %get3A_2210 = arith.constant 3 : index
      %get3A_2211 = memref.load %arg7[%get3A_2210] : memref<8xf32, #tpu.memory_space<smem>>
      %select_n3A_2212 = arith.select %gt3A_2207, %get3A_2209, %get3A_2211 : f32
      %add3A_2213 = arith.addf %add3A_2202, %select_n3A_2212 : f32
      %get3A_2214 = arith.constant 4 : index
      %get3A_2215 = arith.constant 0 : index
      %get3A_2216 = memref.load %arg2[%get3A_2214, %get3A_2215] : memref<8x1xf32, #tpu.memory_space<smem>>
      %gt3A_2217 = arith.constant 0.000000e+00 : f32
      %gt3A_2218 = arith.cmpf ogt, %get3A_2216, %gt3A_2217 : f32
      %get3A_2219 = arith.constant 4 : index
      %get3A_2220 = memref.load %arg6[%get3A_2219] : memref<8xf32, #tpu.memory_space<smem>>
      %get3A_2221 = arith.constant 4 : index
      %get3A_2222 = memref.load %arg7[%get3A_2221] : memref<8xf32, #tpu.memory_space<smem>>
      %select_n3A_2223 = arith.select %gt3A_2218, %get3A_2220, %get3A_2222 : f32
      %add3A_2224 = arith.addf %add3A_2213, %select_n3A_2223 : f32
      %get3A_2225 = arith.constant 5 : index
      %get3A_2226 = arith.constant 0 : index
      %get3A_2227 = memref.load %arg2[%get3A_2225, %get3A_2226] : memref<8x1xf32, #tpu.memory_space<smem>>
      %gt3A_2228 = arith.constant 0.000000e+00 : f32
      %gt3A_2229 = arith.cmpf ogt, %get3A_2227, %gt3A_2228 : f32
      %get3A_2230 = arith.constant 5 : index
      %get3A_2231 = memref.load %arg6[%get3A_2230] : memref<8xf32, #tpu.memory_space<smem>>
      %get3A_2232 = arith.constant 5 : index
      %get3A_2233 = memref.load %arg7[%get3A_2232] : memref<8xf32, #tpu.memory_space<smem>>
      %select_n3A_2234 = arith.select %gt3A_2229, %get3A_2231, %get3A_2233 : f32
      %add3A_2235 = arith.addf %add3A_2224, %select_n3A_2234 : f32
      %get3A_2236 = arith.constant 6 : index
      %get3A_2237 = arith.constant 0 : index
      %get3A_2238 = memref.load %arg2[%get3A_2236, %get3A_2237] : memref<8x1xf32, #tpu.memory_space<smem>>
      %gt3A_2239 = arith.constant 0.000000e+00 : f32
      %gt3A_2240 = arith.cmpf ogt, %get3A_2238, %gt3A_2239 : f32
      %get3A_2241 = arith.constant 6 : index
      %get3A_2242 = memref.load %arg6[%get3A_2241] : memref<8xf32, #tpu.memory_space<smem>>
      %get3A_2243 = arith.constant 6 : index
      %get3A_2244 = memref.load %arg7[%get3A_2243] : memref<8xf32, #tpu.memory_space<smem>>
      %select_n3A_2245 = arith.select %gt3A_2240, %get3A_2242, %get3A_2244 : f32
      %add3A_2246 = arith.addf %add3A_2235, %select_n3A_2245 : f32
      %get3A_2247 = arith.constant 7 : index
      %get3A_2248 = arith.constant 0 : index
      %get3A_2249 = memref.load %arg2[%get3A_2247, %get3A_2248] : memref<8x1xf32, #tpu.memory_space<smem>>
      %gt3A_2250 = arith.constant 0.000000e+00 : f32
      %gt3A_2251 = arith.cmpf ogt, %get3A_2249, %gt3A_2250 : f32
      %get3A_2252 = arith.constant 7 : index
      %get3A_2253 = memref.load %arg6[%get3A_2252] : memref<8xf32, #tpu.memory_space<smem>>
      %get3A_2254 = arith.constant 7 : index
      %get3A_2255 = memref.load %arg7[%get3A_2254] : memref<8xf32, #tpu.memory_space<smem>>
      %select_n3A_2256 = arith.select %gt3A_2251, %get3A_2253, %get3A_2255 : f32
      %add3A_2257 = arith.addf %add3A_2246, %select_n3A_2256 : f32
      %div3A_2258 = arith.constant 8.000000e+00 : f32
      %div3A_2259 = arith.divf %add3A_2257, %div3A_2258 : f32
      %swap3A_2260 = arith.constant 0 : index
      %swap3A_2261 = arith.constant 0 : index
      %swap3A_2262 = memref.load %arg3[%swap3A_2260, %swap3A_2261] : memref<1x1xf32, #tpu.memory_space<smem>>
      memref.store %div3A_2259, %arg3[%swap3A_2260, %swap3A_2261] : memref<1x1xf32, #tpu.memory_space<smem>>
    } else {
    }
    return
  }
  func.func @transform_1(%arg0: i32) -> (i32, i32) {
    %c0_i32 = arith.constant 0 : i32
    %c0_i32_0 = arith.constant 0 : i32
    %c0_i32_1 = arith.constant 0 : i32
    return %c0_i32, %c0_i32_0 : i32, i32
  }
  func.func @transform_2(%arg0: i32) -> (i32, i32) {
    %c0_i32 = arith.constant 0 : i32
    %c0_i32_0 = arith.constant 0 : i32
    %c0_i32_1 = arith.constant 0 : i32
    return %c0_i32, %c0_i32_0 : i32, i32
  }
}

</mosaic_0001>

<sc_bundles>
// kernel: kernel.5.cloned.1.call-start
scs
__scs_entry_jumppad:
0x0: {  	(pc) =	sbr.rel $0x88, $3  }
0x1: {  	(tag) =	ssettag $0x0;
	lr =	simm.s32 $0x1  }
0x2: {  	[smem:$0x3F9F] =	sst lr;
	_ =	strace $0xD0000000  }
0x3: {  	_ = 	snop  }
0x4: {  	_ = 	snop  }
0x5: {  	_ = 	snop  }
0x6: {  	_ = 	snop  }
0x7: {  	_ = 	snop  }
__scs_overlays_trampoline_lowered:
0x8: {  	[smem:$0x3FAE] =	sst s0  }
0x9: {  	[smem:$0x3FAF] =	sst s1  }
0xa: {  	[smem:$0x3FB0] =	sst s2  }
0xb: {  	[smem:$0x3FB1] =	sst s3  }
0xc: {  	[smem:$0x3FB2] =	sst s4  }
0xd: {  	[smem:$0x3FB3] =	sst s5  }
0xe: {  	[smem:$0x3FB4] =	sst s6  }
0xf: {  	[smem:$0x3FB5] =	sst s7  }
0x10: {  	[smem:$0x3FB6] =	sst s8  }
0x11: {  	[smem:$0x3FB7] =	sst s9;
	s0 =	simm.s32 @!p0 $0x0  }
0x12: {  	s1 =	sld [smem:$0x3F9D];
	s0 =	simm.s32 @p0 $0x1  }
0x13: {  	[smem:$0x3FB8] =	sst s0;
	s0 =	simm.s32 @!p1 $0x0  }
0x14: {  	s2 =	sld [smem:$0x3F9C];
	s0 =	simm.s32 @p1 $0x1  }
0x15: {  	[smem:$0x3FB9] =	sst s0;
	s0 =	simm.s32 @!p2 $0x0  }
0x16: {  	s3 =	sld [smem:$0x3FDB];
	s0 =	simm.s32 @p2 $0x1  }
0x17: {  	s4 =	simm.s32 $0x1BF5;
	[smem:$0x3FBB] =	sst s0  }
0x18: {  	s0 =	sld [smem:$0x3F9E];
	_ =	swait.ge [sflag:s4], $0x0  }
0x19: {  	s7 =	sld [smem:$0x3F9F]  }
0x1a: {  	s8 =	sadd.s32 $0xFFFFE003, lr  }
0x1b: {  	s9 =	sadd.s32 $0xFFFFFEF7, lr;
	s5 =	simm.s32 $0xFFFFFFFF;
	p2 =	slt.u32 s8, $0xFFFFF086  }
0x1c: {  	p1 =	slt.u32 s9, $0xF7A;
	s5 =	simm.s32 @!p2 $0x0  }
0x1d: {  	s5 =	simm.s32 @p1 $0x1;
	p0 =	seq.s32 s7, s2  }
0x1e: {  	s7 =	smul.u32 @!p0 $0xF7A, s2;
	p2 =	seq.s32 @!p0 s5, $0x0  }
0x1f: {  	s9 =	smul.u32 $0xF7A, s1;
	s8 =	simm.s32 @!p0 $0x1BF5;
	p2 =	por !p2, p0  }
0x20: {  	[sflag:s8] =	ssyncset.s32 @!p0 $0xFFFFF086;
	s6 =	sadd.s32 @!p0 s3, s7;
	s7 =	simm.s32 @!p0 $0x108  }
0x21: {  	s3 =	sadd.s32 s3, s9;
	s6 =	sadd.s32 @!p0 $0x88, s6;
	s7 =	simm.s32 @p2 $0x1082  }
0x22: {  	[simem:s7], [sflag:s8] =	dma.local @!p0 [hbm:s6], $0xF7A  }
0x23: {  	s9 =	sor.u32 $0xD0000000, s2;
	s6 =	simm.s32 $0x108;
	_ =	swait.ge @!p0 [sflag:s8], $0x0  }
0x24: {  	s3 =	sadd.s32 $0x88, s3;
	s6 =	simm.s32 @!p1 $0x1082;
	[sflag:s4] =	ssyncset.s32 $0xFFFFF086  }
0x25: {  	[simem:s6], [sflag:s4] =	dma.local [hbm:s3], $0xF7A  }
0x26: {  	[smem:$0x3F9F] =	sst s1;
	(tag) =	ssettag s2;
	_ =	strace s9  }
0x27: {  	s1 =	sld [smem:$0x3FAF]  }
0x28: {  	s2 =	sld [smem:$0x3FB0]  }
0x29: {  	s4 =	sld [smem:$0x3FB2]  }
0x2a: {  	p0 =	seq.s32 s5, $0x0;
	s5 =	sld [smem:$0x3FB3]  }
0x2b: {  	s6 =	sld [smem:$0x3FB4]  }
0x2c: {  	s7 =	sld [smem:$0x3FB5]  }
0x2d: {  	s3 =	simm.s32 $0x108;
	s8 =	sld [smem:$0x3FB6]  }
0x2e: {  	s3 =	simm.s32 @!p0 $0x1082;
	s9 =	sld [smem:$0x3FB7]  }
0x2f: {  	lr =	sadd.s32 s0, s3;
	s0 =	sld [smem:$0x3FAE]  }
0x30: {  	s3 =	sld [smem:$0x3FB1]  }
0x31: {  	[smem:$0x3FBA] =	sst s10  }
0x32: {  	s10 =	sld [smem:$0x3FB8];
	_ =	sdelay $0x3  }
0x33: {  	p0 =	seq.s32 s10, $0x1;
	s10 =	sld [smem:$0x3FBA];
	_ =	sdelay $0x3  }
0x34: {  	[smem:$0x3FBA] =	sst s10  }
0x35: {  	s10 =	sld [smem:$0x3FB9];
	_ =	sdelay $0x3  }
0x36: {  	p1 =	seq.s32 s10, $0x1;
	s10 =	sld [smem:$0x3FBA];
	_ =	sdelay $0x3  }
0x37: {  	[smem:$0x3FBA] =	sst s10  }
0x38: {  	s10 =	sld [smem:$0x3FBB]  }
0x39: {  	_ = 	snop;
	(pc) =	sbr.ind lr, $3  }
0x3a: {  	_ = 	snop  }
0x3b: {  	_ = 	snop  }
0x3c: {  	p2 =	seq.s32 s10, $0x1;
	s10 =	sld [smem:$0x3FBA]  }
0x3d: {  	_ =	shalt  }
0x3e: {  	_ =	shalt  }
0x3f: {  	_ =	shalt  }
0x40: {  	_ =	shalt  }
0x41: {  	_ =	shalt  }
0x42: {  	_ =	shalt  }
0x43: {  	_ =	shalt  }
0x44: {  	_ =	shalt  }
0x45: {  	_ =	shalt  }
0x46: {  	_ =	shalt  }
0x47: {  	_ =	shalt  }
0x48: {  	_ =	shalt  }
0x49: {  	_ =	shalt  }
0x4a: {  	_ =	shalt  }
0x4b: {  	_ =	shalt  }
0x4c: {  	_ =	shalt  }
0x4d: {  	_ =	shalt  }
0x4e: {  	_ =	shalt  }
0x4f: {  	_ =	shalt  }
0x50: {  	_ =	shalt  }
0x51: {  	_ =	shalt  }
0x52: {  	_ =	shalt  }
0x53: {  	_ =	shalt  }
0x54: {  	_ =	shalt  }
0x55: {  	_ =	shalt  }
0x56: {  	_ =	shalt  }
0x57: {  	_ =	shalt  }
0x58: {  	_ =	shalt  }
0x59: {  	_ =	shalt  }
0x5a: {  	_ =	shalt  }
0x5b: {  	_ =	shalt  }
0x5c: {  	_ =	shalt  }
0x5d: {  	_ =	shalt  }
0x5e: {  	_ =	shalt  }
0x5f: {  	_ =	shalt  }
0x60: {  	_ =	shalt  }
0x61: {  	_ =	shalt  }
0x62: {  	_ =	shalt  }
0x63: {  	_ =	shalt  }
0x64: {  	_ =	shalt  }
0x65: {  	_ =	shalt  }
0x66: {  	_ =	shalt  }
0x67: {  	_ =	shalt  }
0x68: {  	_ =	shalt  }
0x69: {  	_ =	shalt  }
0x6a: {  	_ =	shalt  }
0x6b: {  	_ =	shalt  }
0x6c: {  	_ =	shalt  }
0x6d: {  	_ =	shalt  }
0x6e: {  	_ =	shalt  }
0x6f: {  	_ =	shalt  }
0x70: {  	_ =	shalt  }
0x71: {  	_ =	shalt  }
0x72: {  	_ =	shalt  }
0x73: {  	_ =	shalt  }
0x74: {  	_ =	shalt  }
0x75: {  	_ =	shalt  }
0x76: {  	_ =	shalt  }
0x77: {  	_ =	shalt  }
0x78: {  	_ =	shalt  }
0x79: {  	_ =	shalt  }
0x7a: {  	_ =	shalt  }
0x7b: {  	_ =	shalt  }
0x7c: {  	_ =	shalt  }
0x7d: {  	_ =	shalt  }
0x7e: {  	_ =	shalt  }
0x7f: {  	_ =	shalt  }
0x80: {  	_ =	shalt  }
0x81: {  	_ =	shalt  }
0x82: {  	_ =	shalt  }
0x83: {  	_ =	shalt  }
0x84: {  	_ =	shalt  }
0x85: {  	_ =	shalt  }
0x86: {  	_ =	shalt  }
0x87: {  	_ =	shalt  }
.Lfunc_end0:
.L_simem_size_0:
called_computation_lowered:
.L_overlay_start_0:
0x88: {  	s2 =	sld [smem:$0x3FD9]  }
0x89: {  	s3 =	sld [smem:$0x3FFE];
	_ =	sdelay $0x1  }
0x8a: {  	s1 =	srdreg.scid  }
0x8b: {  	s0 =	sand.u32 $0x1, s1  }
0x8c: {  	s16 =	sshll.u32 s0, $0xA;
	s2 =	sadd.s32 s3, s2  }
0x8d: {  	s2 =	sadd.s32 s2, s16  }
0x8e: {  	[smem:$0x3FC6] =	sst s2  }
0x8f: {  	_ = 	snop  }
0x90: {  	(tm) =	ssettm $0x1  }
0x91: {  	s17 =	sld [smem:$0x3FFB];
	_ =	sdelay $0x3  }
0x92: {  	_ =	strace s17  }
0x93: {  	s2 =	sld [smem:$0x3FFC];
	_ =	sdelay $0x3  }
0x94: {  	_ =	strace s2  }
0x95: {  	s2 =	sld [smem:$0x3FFD];
	_ =	sdelay $0x3  }
0x96: {  	_ =	strace s2  }
0x97: {  	_ =	strace $0x8FFFFFFF  }
0x98: {  	s18 =	sld [smem:$0x3FDB];
	_ =	sdelay $0x1  }
0x99: {  	s19 =	simm.s32 $_scs_section_size  }
0x9a: {  	s4 =	simm.s32 $_size__tile_overlayer_lowered;
	s5 =	simm.s32 $_tile_overlayer_lowered  }
0x9b: {  	s22 =	simm.s32 $0x1BFF;
	s21 =	sshll.u32 s5, $0x1;
	s2 =	sadd.s32 s19, s18  }
0x9c: {  	s6 =	simm.s32 $0x0;
	s20 =	sshll.u32 s4, $0x1;
	s4 =	sadd.s32 s21, s2  }
0x9d: {  	[timem:s6], [sflag:s22] =	dma.local [hbm:s4], s20  }
0x9e: {  	_ =	swait.ge [sflag:s22], s20  }
0x9f: {  	s3 =	ssub.s32 $0x0, s20;
	[sflag:s22] =	ssyncset.done $0x0  }
0xa0: {  	[sflag:s22] =	ssyncadd.s32 s3;
	_ =	sdelay $0x1  }
0xa1: {  	s23 =	simm.s32 $0x1B8B  }
0xa2: {  	_ =	swait.ge [sflag:s23], $0x1  }
0xa3: {  	[sflag:s23] =	ssyncset.done $0x0  }
0xa4: {  	s25 =	simm.s32 $0x1B8E;
	s24 =	sld [smem:$0x3FFE];
	[sflag:s23] =	ssyncadd.s32 $0xFFFFFFFF  }
0xa5: {  	s26 =	simm.s32 $execute0_lowered;
	[smem:$0x3FD2] =	sst s25  }
0xa6: {  	s4 =	sshll.u32 s26, $0x1;
	_ =	strace $0x80000046;
	[dreg:$0x1] =	wrdreg $0xFFFFFFFF  }
0xa7: {  	s28 =	simm.s32 $_size_execute0_lowered;
	s2 =	sadd.s32 s2, s4;
	[dreg:$0x0] =	wrdreg $0x0  }
0xa8: {  	s4 =	sshll.u32 s28, $0x1;
	[dreg:$0x2] =	wrdreg s2  }
0xa9: {  	[dreg:$0x3] =	wrdreg s4  }
0xaa: {  	[dreg:$0x4] =	wrdreg $0xC0  }
0xab: {  	_ =	task [dreg:s6], $0x5FFFF  }
0xac: {  	[dreg:$0x1] =	wrdreg $0xFFFFFFFF  }
0xad: {  	[dreg:$0x0] =	wrdreg $0x60  }
0xae: {  	[dreg:$0x2] =	wrdreg s24  }
0xaf: {  	[dreg:$0x3] =	wrdreg $0x9  }
0xb0: {  	_ =	task.clear_ibuf [dreg:s6], $0x4FFFF;
	_ =	strace $0x90000046  }
0xb1: {  	s29 =	simm.s32 $0x9;
	_ =	strace $0x80000048  }
0xb2: {  	_ =	swait.ge [sflag:s29], $0x1  }
0xb3: {  	[sflag:s29] =	ssyncadd.s32 $0xFFFFFFFF  }
0xb4: {  	_ =	strace $0x90000048  }
0xb5: {  	_ =	sfence  }
0xb6: {  	s30 =	sld [smem:$0x0];
	_ =	sdelay $0x2  }
0xb7: {  	s31 =	sshll.u32 s1, $0xD;
	s1 =	sshrl.u32 s1, $0x2  }
0xb8: {  	s3 =	sand.u32 $0x4000, s31;
	s1 =	sadd.s32 s1, s30  }
0xb9: {  	s0 =	sor.u32 s3, s0;
	s1 =	sshll.u32 s1, $0x11  }
0xba: {  	s0 =	sor.u32 s1, s0  }
0xbb: {  	s0 =	sadd.s32 $0x8F2B, s0  }
0xbc: {  	[sflag:s0] =	ssyncadd.remote.s32 $0x1  }
0xbd: {  	_ =	sfence.sel $0xFFFF  }
0xbe: {  	[dreg:$0x0] =	wrdreg $0xFFFFFFFF;
	(pc) =	sbr.abs _section_cstart, $3  }
0xbf: {  	[dreg:$0x1] =	wrdreg $0xFFFFFFFF  }
0xc0: {  	_ =	task.clear_ibuf [dreg:s6], $0x2FFFF;
	_ =	strace $0x9FFFFFFF  }
0xc1: {  	(tm) =	ssettm $0x7FFFFFFF  }
tec
execute0_lowered:
.L_overlay_start_1:
0x0: {  	(tag) =	ssettag $0x1  }
0x1: {  	s0 =	srdreg.scid  }
0x2: {  	s4 =	rddreg [dreg:$0x0];
	s1 =	stileid.u32;
	s2 =	simm.s32 $0x0  }
0x3: {  	s13 =	simm.s32 $0x1;
	s14 =	simm.s32 $0x4000;
	s15 =	simm.s32 $0x80  }
0x4: {  	s16 =	simm.s32 $0x400;
	s3 =	sand.u32 $0x1, s0;
	s0 =	rddreg [dreg:$0x1]  }
0x5: {  	s17 =	simm.s32 $0x2;
	s18 =	simm.s32 $0x0;
	[smem:$0x7FF] =	sst s2  }
0x6: {  	s6 =	sshll.u32 s1, $0x7;
	s8 =	sshll.u32 s1, $0xD;
	s5 =	sshll.u32 s3, $0x4  }
0x7: {  	_ =	strace $0x80000047;
	s7 =	sshll.u32 s3, $0x11;
	s5 =	sor.u32 s1, s5  }
0x8: {  	s3 =	ssub.s32 $0x2, s3;
	s7 =	sor.u32 s7, s8;
	s5 =	sshrl.u32 s5, $0x3  }
0x9: {  	s31 =	sshrl.u32 s3, $0x1;
	s10 =	sadd.s32 s7, s4;
	s5 =	smul.u32 $0xC0000, s5  }
0xa: {  	s6 =	sand.u32 $0x380, s6;
	s12 =	ssub.s32 s3, s31;
	s3 =	sadd.s32 $0xA00, s10  }
0xb: {  	s7 =	sadd.s32 $0xA40, s10;
	s8 =	sadd.s32 $0xA50, s10;
	s5 =	sor.u32 s6, s5  }
0xc: {  	s9 =	sadd.s32 $0xA60, s10;
	s12 =	smax.u32 s12, $0x1;
	s5 =	sshrl.u32 s5, $0x3  }
0xd: {  	s6 =	sadd.s32 $0xA30, s10;
	s11 =	sadd.s32 s5, s4;
	s4 =	sadd.s32 $0xA10, s10  }
0xe: {  	v0 =	vimm.f32 $0.0e+00;
	v1 =	vimm.f32 $1.000000000e+00;
	s5 =	sadd.s32 $0xA20, s10;
	s10 =	sadd.s32 $0xA70, s10;
	s11 =	sadd.s32 $0x40A00, s11  }
.LBB2_1:
0xf: {  	s19 =	simm.s32 $0x80  }
0x10: {  	s22 =	sadd.s32 $0x0, s3;
	s20 =	simm.s32 $0x100;
	s21 =	simm.s32 $0x0  }
.LBB2_2:
0x11: {  	[tilespmem:s21], [sflag:$0x1] =	stream.linear.gather [hbm4b:s22+s2], $0x80, $0x38;
	[tilespmem:$0x1C000] =	vst v63  }
0x12: {  	s22 =	smov.u32 s19;
	s21 =	smov.u32 s20;
	p0 =	sne.s32 s19, $0x1F80  }
.Ltmp0:
0x13: {  	s19 =	sadd.s32 $0x80, s19;
	(pc) =	sbr.rel @p0 .LBB2_2-.Ltmp0, $2  }
0x14: {  	_ =	sdelay $0x2  }
0x15: {  	s20 =	sadd.s32 $0x100, s20;
	s22 =	sadd.s32 s22, s3  }
0x16: {  	[tilespmem:s21], [sflag:$0x1] =	stream.linear.gather [hbm4b:s22+s2], $0x80, $0x38;
	[tilespmem:$0x1C000] =	vst v63  }
0x17: {  	s19 =	simm.s32 $0x0;
	s20 =	simm.s32 $0x80  }
0x18: {  	s21 =	simm.s32 $0x80;
	s23 =	sadd.s32 $0x0, s4;
	s22 =	simm.s32 $0x180  }
.LBB2_4:
0x19: {  	[tilespmem:s20], [sflag:$0x1] =	stream.linear.gather [hbm4b:s23+s19], $0x80, $0x38;
	[tilespmem:$0x1C000] =	vst v63  }
0x1a: {  	s23 =	smov.u32 s21;
	s20 =	smov.u32 s22;
	p0 =	sne.s32 s21, $0x1F80  }
.Ltmp1:
0x1b: {  	s21 =	sadd.s32 $0x80, s21;
	(pc) =	sbr.rel @p0 .LBB2_4-.Ltmp1, $2  }
0x1c: {  	_ =	sdelay $0x2  }
0x1d: {  	s22 =	sadd.s32 $0x100, s22;
	s23 =	sadd.s32 s23, s4  }
0x1e: {  	[tilespmem:s20], [sflag:$0x1] =	stream.linear.gather [hbm4b:s23+s19], $0x80, $0x38;
	[tilespmem:$0x1C000] =	vst v63  }
0x1f: {  	s20 =	simm.s32 $0x100;
	s19 =	simm.s32 $0x0  }
.LBB2_6:
0x20: {  	p0 =	sne.s32 s20, $0x5FF00;
	[tilespmem:s19+$0x4030] =	vst v0;
	s21 =	smov.u32 s20;
	s20 =	sadd.s32 $0x100, s20  }
.Ltmp2:
0x21: {  	[tilespmem:s19+$0x4020] =	vst v0;
	(pc) =	sbr.rel @p0 .LBB2_6-.Ltmp2, $3  }
0x22: {  	[tilespmem:s19+$0x4000] =	vst v0  }
0x23: {  	[tilespmem:s19+$0x4010] =	vst v0;
	_ =	sdelay $0x1  }
0x24: {  	s19 =	sshra.s32 s21, $0x2  }
0x25: {  	[tilespmem:s19+$0x4030] =	vst v0  }
0x26: {  	[tilespmem:s19+$0x4020] =	vst v0  }
0x27: {  	[tilespmem:s19+$0x4000] =	vst v0  }
0x28: {  	[tilespmem:s19+$0x4010] =	vst v0  }
0x29: {  	_ =	swait.ge [sflag:s13], $0x2000  }
0x2a: {  	[sflag:s13] =	ssyncset.done $0x0  }
0x2b: {  	s19 =	simm.s32 $0x0;
	s20 =	simm.s32 $0x0;
	[sflag:s13] =	ssyncadd.s32 $0xFFFFE000  }
.LBB2_8:
0x2c: {  	s21 =	sand.u32 $0x40, s20;
	s22 =	sand.u32 $0x3F00, s19  }
0x2d: {  	s21 =	sor.u32 s21, s22  }
0x2e: {  	v2 =	vld [tilespmem:s21+$0x0];
	_ =	sdelay $0x7  }
0x2f: {  	[tilespmem:v2+s14+$0x0] =	vst.idx.add.f32.msk $0xffff, v1  }
0x30: {  	v2 =	vld [tilespmem:s21+$0x10];
	_ =	sdelay $0x7  }
0x31: {  	[tilespmem:v2+s14+$0x0] =	vst.idx.add.f32.msk $0xffff, v1  }
0x32: {  	v2 =	vld [tilespmem:s21+$0x20];
	_ =	sdelay $0x7  }
0x33: {  	[tilespmem:v2+s14+$0x0] =	vst.idx.add.f32.msk $0xffff, v1  }
0x34: {  	v2 =	vld [tilespmem:s21+$0x30];
	_ =	sdelay $0x2  }
0x35: {  	p0 =	sne.s32 s20, $0x1FC0  }
.Ltmp3:
0x36: {  	_ = 	snop;
	(pc) =	sbr.rel @p0 .LBB2_8-.Ltmp3, $2  }
0x37: {  	_ =	sdelay $0x2  }
0x38: {  	s19 =	sadd.s32 $0x80, s19;
	s20 =	sadd.s32 $0x40, s20;
	[tilespmem:v2+s14+$0x0] =	vst.idx.add.f32.msk $0xffff, v1  }
0x39: {  	s19 =	simm.s32 $0x0  }
0x3a: {  	s20 =	simm.s32 $0x80;
	s22 =	sadd.s32 $0x0, s5;
	s21 =	simm.s32 $0x100  }
.LBB2_10:
0x3b: {  	[tilespmem:s19], [sflag:$0x1] =	stream.linear.gather [hbm4b:s22+s2], $0x80, $0x38;
	[tilespmem:$0x1C000] =	vst v63  }
0x3c: {  	s22 =	smov.u32 s20;
	s19 =	smov.u32 s21;
	p0 =	sne.s32 s20, $0x1F80  }
.Ltmp4:
0x3d: {  	s20 =	sadd.s32 $0x80, s20;
	(pc) =	sbr.rel @p0 .LBB2_10-.Ltmp4, $2  }
0x3e: {  	_ =	sdelay $0x2  }
0x3f: {  	s21 =	sadd.s32 $0x100, s21;
	s22 =	sadd.s32 s22, s5  }
0x40: {  	[tilespmem:s19], [sflag:$0x1] =	stream.linear.gather [hbm4b:s22+s2], $0x80, $0x38;
	[tilespmem:$0x1C000] =	vst v63  }
0x41: {  	_ =	swait.ge [sflag:s13], $0x2000  }
0x42: {  	s19 =	simm.s32 $0x0;
	[sflag:s13] =	ssyncset.done $0x0  }
0x43: {  	p0 =	por $0x0, $0x0;
	s20 =	simm.s32 $0x0;
	[sflag:s13] =	ssyncadd.s32 $0xFFFFE000  }
.LBB2_12:
0x44: {  	s21 =	simm.s32 $0x1  }
0x45: {  	s21 =	simm.s32 @!p0 $0x0  }
0x46: {  	s21 =	sshll.u32 s21, $0x6  }
0x47: {  	s21 =	sadd.s32 s21, s19  }
0x48: {  	s22 =	sor.u32 $0x80, s21  }
0x49: {  	v2 =	vld [tilespmem:s22+$0x0];
	_ =	sdelay $0x7  }
0x4a: {  	s30 =	sor.u32 $0x90, s21;
	[tilespmem:v2+s14+$0x0] =	vst.idx.add.f32.msk $0xffff, v1  }
0x4b: {  	v2 =	vld [tilespmem:s30+$0x0];
	_ =	sdelay $0x7  }
0x4c: {  	s31 =	sor.u32 $0xA0, s21;
	[tilespmem:v2+s14+$0x0] =	vst.idx.add.f32.msk $0xffff, v1  }
0x4d: {  	v2 =	vld [tilespmem:s31+$0x0];
	_ =	sdelay $0x7  }
0x4e: {  	s21 =	sor.u32 $0xB0, s21;
	[tilespmem:v2+s14+$0x0] =	vst.idx.add.f32.msk $0xffff, v1  }
0x4f: {  	v2 =	vld [tilespmem:s21+$0x0];
	_ =	sdelay $0x2  }
0x50: {  	p1 =	sne.s32 s20, $0x1FC0  }
.Ltmp5:
0x51: {  	_ = 	snop;
	(pc) =	sbr.rel @p1 .LBB2_12-.Ltmp5, $2  }
0x52: {  	_ =	sdelay $0x2  }
0x53: {  	s20 =	sadd.s32 $0x40, s20;
	p0 =	por !p0, !p0;
	s19 =	sadd.s32 $0x80, s19;
	[tilespmem:v2+s14+$0x0] =	vst.idx.add.f32.msk $0xffff, v1  }
0x54: {  	s19 =	simm.s32 $0x80  }
0x55: {  	s20 =	simm.s32 $0x80;
	s22 =	sadd.s32 $0x0, s6;
	s21 =	simm.s32 $0x180  }
.LBB2_14:
0x56: {  	[tilespmem:s19], [sflag:$0x1] =	stream.linear.gather [hbm4b:s22+s2], $0x80, $0x38;
	[tilespmem:$0x1C000] =	vst v63  }
0x57: {  	s22 =	smov.u32 s20;
	s19 =	smov.u32 s21;
	p0 =	sne.s32 s20, $0x1F80  }
.Ltmp6:
0x58: {  	s20 =	sadd.s32 $0x80, s20;
	(pc) =	sbr.rel @p0 .LBB2_14-.Ltmp6, $2  }
0x59: {  	_ =	sdelay $0x2  }
0x5a: {  	s21 =	sadd.s32 $0x100, s21;
	s22 =	sadd.s32 s22, s6  }
0x5b: {  	[tilespmem:s19], [sflag:$0x1] =	stream.linear.gather [hbm4b:s22+s2], $0x80, $0x38;
	[tilespmem:$0x1C000] =	vst v63  }
0x5c: {  	_ =	swait.ge [sflag:s13], $0x2000  }
0x5d: {  	[sflag:s13] =	ssyncset.done $0x0  }
0x5e: {  	s19 =	simm.s32 $0x0;
	s20 =	simm.s32 $0x0;
	[sflag:s13] =	ssyncadd.s32 $0xFFFFE000  }
.LBB2_16:
0x5f: {  	s21 =	sand.u32 $0x40, s20;
	s22 =	sand.u32 $0x3F00, s19  }
0x60: {  	s21 =	sor.u32 s21, s22  }
0x61: {  	v2 =	vld [tilespmem:s21+$0x0];
	_ =	sdelay $0x7  }
0x62: {  	[tilespmem:v2+s14+$0x0] =	vst.idx.add.f32.msk $0xffff, v1  }
0x63: {  	v2 =	vld [tilespmem:s21+$0x10];
	_ =	sdelay $0x7  }
0x64: {  	[tilespmem:v2+s14+$0x0] =	vst.idx.add.f32.msk $0xffff, v1  }
0x65: {  	v2 =	vld [tilespmem:s21+$0x20];
	_ =	sdelay $0x7  }
0x66: {  	[tilespmem:v2+s14+$0x0] =	vst.idx.add.f32.msk $0xffff, v1  }
0x67: {  	v2 =	vld [tilespmem:s21+$0x30];
	_ =	sdelay $0x2  }
0x68: {  	p0 =	sne.s32 s20, $0x1FC0  }
.Ltmp7:
0x69: {  	_ = 	snop;
	(pc) =	sbr.rel @p0 .LBB2_16-.Ltmp7, $2  }
0x6a: {  	_ =	sdelay $0x2  }
0x6b: {  	s19 =	sadd.s32 $0x80, s19;
	s20 =	sadd.s32 $0x40, s20;
	[tilespmem:v2+s14+$0x0] =	vst.idx.add.f32.msk $0xffff, v1  }
0x6c: {  	s19 =	simm.s32 $0x0  }
0x6d: {  	s20 =	simm.s32 $0x80;
	s22 =	sadd.s32 $0x0, s7;
	s21 =	simm.s32 $0x100  }
.LBB2_18:
0x6e: {  	[tilespmem:s19], [sflag:$0x1] =	stream.linear.gather [hbm4b:s22+s2], $0x80, $0x38;
	[tilespmem:$0x1C000] =	vst v63  }
0x6f: {  	s22 =	smov.u32 s20;
	s19 =	smov.u32 s21;
	p0 =	sne.s32 s20, $0x1F80  }
.Ltmp8:
0x70: {  	s20 =	sadd.s32 $0x80, s20;
	(pc) =	sbr.rel @p0 .LBB2_18-.Ltmp8, $2  }
0x71: {  	_ =	sdelay $0x2  }
0x72: {  	s21 =	sadd.s32 $0x100, s21;
	s22 =	sadd.s32 s22, s7  }
0x73: {  	[tilespmem:s19], [sflag:$0x1] =	stream.linear.gather [hbm4b:s22+s2], $0x80, $0x38;
	[tilespmem:$0x1C000] =	vst v63  }
0x74: {  	_ =	swait.ge [sflag:s13], $0x2000  }
0x75: {  	s19 =	simm.s32 $0x0;
	[sflag:s13] =	ssyncset.done $0x0  }
0x76: {  	p0 =	por $0x0, $0x0;
	s20 =	simm.s32 $0x0;
	[sflag:s13] =	ssyncadd.s32 $0xFFFFE000  }
.LBB2_20:
0x77: {  	s21 =	simm.s32 $0x1  }
0x78: {  	s21 =	simm.s32 @!p0 $0x0  }
0x79: {  	s21 =	sshll.u32 s21, $0x6  }
0x7a: {  	s21 =	sadd.s32 s21, s19  }
0x7b: {  	s22 =	sor.u32 $0x80, s21  }
0x7c: {  	v2 =	vld [tilespmem:s22+$0x0];
	_ =	sdelay $0x7  }
0x7d: {  	s30 =	sor.u32 $0x90, s21;
	[tilespmem:v2+s14+$0x0] =	vst.idx.add.f32.msk $0xffff, v1  }
0x7e: {  	v2 =	vld [tilespmem:s30+$0x0];
	_ =	sdelay $0x7  }
0x7f: {  	s31 =	sor.u32 $0xA0, s21;
	[tilespmem:v2+s14+$0x0] =	vst.idx.add.f32.msk $0xffff, v1  }
0x80: {  	v2 =	vld [tilespmem:s31+$0x0];
	_ =	sdelay $0x7  }
0x81: {  	s21 =	sor.u32 $0xB0, s21;
	[tilespmem:v2+s14+$0x0] =	vst.idx.add.f32.msk $0xffff, v1  }
0x82: {  	v2 =	vld [tilespmem:s21+$0x0];
	_ =	sdelay $0x2  }
0x83: {  	p1 =	sne.s32 s20, $0x1FC0  }
.Ltmp9:
0x84: {  	_ = 	snop;
	(pc) =	sbr.rel @p1 .LBB2_20-.Ltmp9, $2  }
0x85: {  	_ =	sdelay $0x2  }
0x86: {  	s20 =	sadd.s32 $0x40, s20;
	p0 =	por !p0, !p0;
	s19 =	sadd.s32 $0x80, s19;
	[tilespmem:v2+s14+$0x0] =	vst.idx.add.f32.msk $0xffff, v1  }
0x87: {  	s19 =	simm.s32 $0x80  }
0x88: {  	s20 =	simm.s32 $0x80;
	s22 =	sadd.s32 $0x0, s8;
	s21 =	simm.s32 $0x180  }
.LBB2_22:
0x89: {  	[tilespmem:s19], [sflag:$0x1] =	stream.linear.gather [hbm4b:s22+s2], $0x80, $0x38;
	[tilespmem:$0x1C000] =	vst v63  }
0x8a: {  	s22 =	smov.u32 s20;
	s19 =	smov.u32 s21;
	p0 =	sne.s32 s20, $0x1F80  }
.Ltmp10:
0x8b: {  	s20 =	sadd.s32 $0x80, s20;
	(pc) =	sbr.rel @p0 .LBB2_22-.Ltmp10, $2  }
0x8c: {  	_ =	sdelay $0x2  }
0x8d: {  	s21 =	sadd.s32 $0x100, s21;
	s22 =	sadd.s32 s22, s8  }
0x8e: {  	[tilespmem:s19], [sflag:$0x1] =	stream.linear.gather [hbm4b:s22+s2], $0x80, $0x38;
	[tilespmem:$0x1C000] =	vst v63  }
0x8f: {  	_ =	swait.ge [sflag:s13], $0x2000  }
0x90: {  	[sflag:s13] =	ssyncset.done $0x0  }
0x91: {  	s19 =	simm.s32 $0x0;
	s20 =	simm.s32 $0x0;
	[sflag:s13] =	ssyncadd.s32 $0xFFFFE000  }
.LBB2_24:
0x92: {  	s21 =	sand.u32 $0x40, s20;
	s22 =	sand.u32 $0x3F00, s19  }
0x93: {  	s21 =	sor.u32 s21, s22  }
0x94: {  	v2 =	vld [tilespmem:s21+$0x0];
	_ =	sdelay $0x7  }
0x95: {  	[tilespmem:v2+s14+$0x0] =	vst.idx.add.f32.msk $0xffff, v1  }
0x96: {  	v2 =	vld [tilespmem:s21+$0x10];
	_ =	sdelay $0x7  }
0x97: {  	[tilespmem:v2+s14+$0x0] =	vst.idx.add.f32.msk $0xffff, v1  }
0x98: {  	v2 =	vld [tilespmem:s21+$0x20];
	_ =	sdelay $0x7  }
0x99: {  	[tilespmem:v2+s14+$0x0] =	vst.idx.add.f32.msk $0xffff, v1  }
0x9a: {  	v2 =	vld [tilespmem:s21+$0x30];
	_ =	sdelay $0x2  }
0x9b: {  	p0 =	sne.s32 s20, $0x1FC0  }
.Ltmp11:
0x9c: {  	_ = 	snop;
	(pc) =	sbr.rel @p0 .LBB2_24-.Ltmp11, $2  }
0x9d: {  	_ =	sdelay $0x2  }
0x9e: {  	s19 =	sadd.s32 $0x80, s19;
	s20 =	sadd.s32 $0x40, s20;
	[tilespmem:v2+s14+$0x0] =	vst.idx.add.f32.msk $0xffff, v1  }
0x9f: {  	s19 =	simm.s32 $0x0  }
0xa0: {  	s20 =	simm.s32 $0x80;
	s22 =	sadd.s32 $0x0, s9;
	s21 =	simm.s32 $0x100  }
.LBB2_26:
0xa1: {  	[tilespmem:s19], [sflag:$0x1] =	stream.linear.gather [hbm4b:s22+s2], $0x80, $0x38;
	[tilespmem:$0x1C000] =	vst v63  }
0xa2: {  	s22 =	smov.u32 s20;
	s19 =	smov.u32 s21;
	p0 =	sne.s32 s20, $0x1F80  }
.Ltmp12:
0xa3: {  	s20 =	sadd.s32 $0x80, s20;
	(pc) =	sbr.rel @p0 .LBB2_26-.Ltmp12, $2  }
0xa4: {  	_ =	sdelay $0x2  }
0xa5: {  	s21 =	sadd.s32 $0x100, s21;
	s22 =	sadd.s32 s22, s9  }
0xa6: {  	[tilespmem:s19], [sflag:$0x1] =	stream.linear.gather [hbm4b:s22+s2], $0x80, $0x38;
	[tilespmem:$0x1C000] =	vst v63  }
0xa7: {  	_ =	swait.ge [sflag:s13], $0x2000  }
0xa8: {  	s19 =	simm.s32 $0x0;
	[sflag:s13] =	ssyncset.done $0x0  }
0xa9: {  	p0 =	por $0x0, $0x0;
	s20 =	simm.s32 $0x0;
	[sflag:s13] =	ssyncadd.s32 $0xFFFFE000  }
.LBB2_28:
0xaa: {  	s21 =	simm.s32 $0x1  }
0xab: {  	s21 =	simm.s32 @!p0 $0x0  }
0xac: {  	s21 =	sshll.u32 s21, $0x6  }
0xad: {  	s21 =	sadd.s32 s21, s19  }
0xae: {  	s22 =	sor.u32 $0x80, s21  }
0xaf: {  	v2 =	vld [tilespmem:s22+$0x0];
	_ =	sdelay $0x7  }
0xb0: {  	s30 =	sor.u32 $0x90, s21;
	[tilespmem:v2+s14+$0x0] =	vst.idx.add.f32.msk $0xffff, v1  }
0xb1: {  	v2 =	vld [tilespmem:s30+$0x0];
	_ =	sdelay $0x7  }
0xb2: {  	s31 =	sor.u32 $0xA0, s21;
	[tilespmem:v2+s14+$0x0] =	vst.idx.add.f32.msk $0xffff, v1  }
0xb3: {  	v2 =	vld [tilespmem:s31+$0x0];
	_ =	sdelay $0x7  }
0xb4: {  	s21 =	sor.u32 $0xB0, s21;
	[tilespmem:v2+s14+$0x0] =	vst.idx.add.f32.msk $0xffff, v1  }
0xb5: {  	v2 =	vld [tilespmem:s21+$0x0];
	_ =	sdelay $0x2  }
0xb6: {  	p1 =	sne.s32 s20, $0x1FC0  }
.Ltmp13:
0xb7: {  	_ = 	snop;
	(pc) =	sbr.rel @p1 .LBB2_28-.Ltmp13, $2  }
0xb8: {  	_ =	sdelay $0x2  }
0xb9: {  	s20 =	sadd.s32 $0x40, s20;
	p0 =	por !p0, !p0;
	s19 =	sadd.s32 $0x80, s19;
	[tilespmem:v2+s14+$0x0] =	vst.idx.add.f32.msk $0xffff, v1  }
0xba: {  	s19 =	simm.s32 $0x80  }
0xbb: {  	s20 =	simm.s32 $0x80;
	s22 =	sadd.s32 $0x0, s10;
	s21 =	simm.s32 $0x180  }
.LBB2_30:
0xbc: {  	[tilespmem:s19], [sflag:$0x1] =	stream.linear.gather [hbm4b:s22+s2], $0x80, $0x38;
	[tilespmem:$0x1C000] =	vst v63  }
0xbd: {  	s22 =	smov.u32 s20;
	s19 =	smov.u32 s21;
	p0 =	sne.s32 s20, $0x1F80  }
.Ltmp14:
0xbe: {  	s20 =	sadd.s32 $0x80, s20;
	(pc) =	sbr.rel @p0 .LBB2_30-.Ltmp14, $2  }
0xbf: {  	_ =	sdelay $0x2  }
0xc0: {  	s21 =	sadd.s32 $0x100, s21;
	s22 =	sadd.s32 s22, s10  }
0xc1: {  	[tilespmem:s19], [sflag:$0x1] =	stream.linear.gather [hbm4b:s22+s2], $0x80, $0x38;
	[tilespmem:$0x1C000] =	vst v63  }
0xc2: {  	_ =	swait.ge [sflag:s13], $0x2000  }
0xc3: {  	[sflag:s13] =	ssyncset.done $0x0  }
0xc4: {  	s19 =	simm.s32 $0x0;
	s20 =	simm.s32 $0x0;
	[sflag:s13] =	ssyncadd.s32 $0xFFFFE000  }
.LBB2_32:
0xc5: {  	s21 =	sand.u32 $0x40, s20;
	s22 =	sand.u32 $0x3F00, s19  }
0xc6: {  	s21 =	sor.u32 s21, s22  }
0xc7: {  	v2 =	vld [tilespmem:s21+$0x0];
	_ =	sdelay $0x7  }
0xc8: {  	[tilespmem:v2+s14+$0x0] =	vst.idx.add.f32.msk $0xffff, v1  }
0xc9: {  	v2 =	vld [tilespmem:s21+$0x10];
	_ =	sdelay $0x7  }
0xca: {  	[tilespmem:v2+s14+$0x0] =	vst.idx.add.f32.msk $0xffff, v1  }
0xcb: {  	v2 =	vld [tilespmem:s21+$0x20];
	_ =	sdelay $0x7  }
0xcc: {  	[tilespmem:v2+s14+$0x0] =	vst.idx.add.f32.msk $0xffff, v1  }
0xcd: {  	v2 =	vld [tilespmem:s21+$0x30];
	_ =	sdelay $0x2  }
0xce: {  	p0 =	sne.s32 s20, $0x1FC0  }
.Ltmp15:
0xcf: {  	_ = 	snop;
	(pc) =	sbr.rel @p0 .LBB2_32-.Ltmp15, $2  }
0xd0: {  	_ =	sdelay $0x2  }
0xd1: {  	s19 =	sadd.s32 $0x80, s19;
	s20 =	sadd.s32 $0x40, s20;
	[tilespmem:v2+s14+$0x0] =	vst.idx.add.f32.msk $0xffff, v1  }
0xd2: {  	_ =	swait.ge [sflag:s13], $0x2000  }
0xd3: {  	s19 =	simm.s32 $0x0;
	[sflag:s13] =	ssyncset.done $0x0  }
0xd4: {  	p0 =	por $0x0, $0x0;
	s20 =	simm.s32 $0x0;
	[sflag:s13] =	ssyncadd.s32 $0xFFFFE000  }
.LBB2_34:
0xd5: {  	s21 =	simm.s32 $0x1  }
0xd6: {  	s21 =	simm.s32 @!p0 $0x0  }
0xd7: {  	s21 =	sshll.u32 s21, $0x6  }
0xd8: {  	s21 =	sadd.s32 s21, s19  }
0xd9: {  	s22 =	sor.u32 $0x80, s21  }
0xda: {  	v2 =	vld [tilespmem:s22+$0x0];
	_ =	sdelay $0x7  }
0xdb: {  	s30 =	sor.u32 $0x90, s21;
	[tilespmem:v2+s14+$0x0] =	vst.idx.add.f32.msk $0xffff, v1  }
0xdc: {  	v2 =	vld [tilespmem:s30+$0x0];
	_ =	sdelay $0x7  }
0xdd: {  	s31 =	sor.u32 $0xA0, s21;
	[tilespmem:v2+s14+$0x0] =	vst.idx.add.f32.msk $0xffff, v1  }
0xde: {  	v2 =	vld [tilespmem:s31+$0x0];
	_ =	sdelay $0x7  }
0xdf: {  	s21 =	sor.u32 $0xB0, s21;
	[tilespmem:v2+s14+$0x0] =	vst.idx.add.f32.msk $0xffff, v1  }
0xe0: {  	v2 =	vld [tilespmem:s21+$0x0];
	_ =	sdelay $0x2  }
0xe1: {  	p1 =	sne.s32 s20, $0x1FC0  }
.Ltmp16:
0xe2: {  	_ = 	snop;
	(pc) =	sbr.rel @p1 .LBB2_34-.Ltmp16, $2  }
0xe3: {  	_ =	sdelay $0x2  }
0xe4: {  	s20 =	sadd.s32 $0x40, s20;
	p0 =	por !p0, !p0;
	s19 =	sadd.s32 $0x80, s19;
	[tilespmem:v2+s14+$0x0] =	vst.idx.add.f32.msk $0xffff, v1  }
0xe5: {  	s18 =	sadd.s32 $0x1, s18  }
0xe6: {  	p0 =	sne.s32 s18, s12  }
.Ltmp17:
0xe7: {  	_ = 	snop;
	(pc) =	sbr.rel @p0 .LBB2_1-.Ltmp17, $4  }
0xe8: {  	[hbm4b:s11+s15] =	stream.strided.scatter [tilespmem:s14], [sflag:$0x2], $0x18000, s16, s15, $0x38;
	[tilespmem:$0x1C000] =	vst v63  }
0xe9: {  	_ =	swait.ge [sflag:s17], $0x18000  }
0xea: {  	[sflag:s17] =	ssyncset.done $0x0  }
0xeb: {  	[sflag:s17] =	ssyncadd.s32 $0xFFFE8000  }
0xec: {  	_ =	sfence.sel $0x180000  }
0xed: {  	[bflag:$0x0] =	sbarrier.arrive $0xFFFF  }
0xee: {  	p0 =	sne.s32 s1, $0x0;
	_ =	strace $0x90000047  }
0xef: {  	s0 =	sadd.s32 @!p0 $0x100000, s0;
	[bflag:$0x2] =	sbarrier.arrive $0xFFFF  }
0xf0: {  	[sflag:s0] =	ssyncadd.tile.s32 @!p0 $0x1;
	_ =	shalt  }
.Lfunc_end2:
_tile_overlayer_lowered:
.L_overlay_start_2:
0xf1: {  	(tag) =	ssettag $0x2  }
0xf2: {  	s0 =	rddreg [dreg:$0x0];
	s2 =	stileid.u32  }
0xf3: {  	s1 =	rddreg [dreg:$0x1];
	p0 =	sne.s32 s2, $0x0  }
0xf4: {  	s3 =	rddreg [dreg:$0x2];
	[bflag:$0x3] =	sbarrier.arrive $0xFFFF;
	s2 =	simm.s32 @!p0 $0x1C02  }
0xf5: {  	[timem:s3], [sflag:s2] =	dma.local @!p0 [hbm:s0], s1  }
0xf6: {  	s0 =	simm.s32 @!p0 $0x2  }
0xf7: {  	_ =	swait.ge @!p0 [sflag:s0], s1  }
0xf8: {  	s1 =	ssub.s32 @!p0 $0x0, s1;
	[sflag:s0] =	ssyncset.done @!p0 $0x0  }
0xf9: {  	[sflag:s0] =	ssyncadd.s32 @!p0 s1  }
0xfa: {  	[bflag:$0x3] =	sbarrier.arrive $0xFFFF  }
0xfb: {  	_ =	shalt  }

</sc_bundles>
